<compile_context>
chip_gen: v7x
topology: tpu7x:2x2x1
jax: 0.10.2.dev20260603
libtpu: 0.0.44.dev20260713+nightly
codegen_flags: <defaults>
</compile_context>

<pallas_src>
import functools

import jax
import jax.numpy as jnp
from jax import lax
from jax.experimental import pallas as pl
from jax.experimental.pallas import tpu as pltpu
from jax.experimental.pallas import tpu_sc as plsc

T, N, D, H, E, G, C = 4, 10000, 128, 128, 320000, 16, 16
NC, NS = 2, 16
NW = NC * NS
N_PAD = 10240
RPT = N_PAD // NS
CH = 128
NCH = 80
EPT = CH * NCH
E_PAD = NW * EPT
BN = 2048
NB = N_PAD // BN

def _mesh():
    return plsc.VectorSubcoreMesh(core_axis_name="c", subcore_axis_name="s",
                                  num_cores=NC, num_subcores=NS)


def _sc_deg_body(dst_hbm, out_hbm, idx_v, zbuf, ones_v, acc):
    cid = lax.axis_index("c")
    sid = lax.axis_index("s")
    w = cid * NS + sid

    def _fill(val, ref, n):
        def body(i, _):
            ref[pl.ds(i * 16, 16)] = jnp.full((16,), val, jnp.float32)
            return 0
        lax.fori_loop(0, n // 16, body, 0)

    _fill(0.0, zbuf, RPT)
    _fill(1.0, ones_v, CH)

    for t in range(T):
        pltpu.sync_copy(zbuf, acc.at[pl.ds(sid * RPT, RPT)])
        pltpu.sync_copy(dst_hbm.at[pl.ds((t * NW + w) * NCH, NCH)], idx_v)
        plsc.subcore_barrier()

        def body(c, _):
            pltpu.sync_copy(ones_v, acc.at[idx_v.at[c]], add=True)
            return 0
        lax.fori_loop(0, NCH, body, 0)
        plsc.subcore_barrier()
        pltpu.sync_copy(
            acc.at[pl.ds(sid * RPT, RPT)],
            out_hbm.at[pl.ds((t * 2 + cid) * N_PAD + sid * RPT, RPT)],
        )
        plsc.subcore_barrier()


@functools.cache
def _sc_deg():
    return pl.kernel(
        _sc_deg_body,
        out_type=jax.ShapeDtypeStruct((T * 2 * N_PAD,), jnp.float32),
        mesh=_mesh(),
        scratch_types=[
            pltpu.VMEM((NCH, CH), jnp.int32),
            pltpu.VMEM((RPT,), jnp.float32),
            pltpu.VMEM((CH,), jnp.float32),
            pltpu.VMEM_SHARED((N_PAD,), jnp.float32),
        ],
    )


CR = 1
NCH2 = NCH // 2
NCK = NCH2 // CR


def _sc_scatter_body(y_hbm, src_hbm, dst_hbm, out_hbm, sidx, didx, bufa, bufb,
                     acc, sga, sgb):
    cid = lax.axis_index("c")
    sid = lax.axis_index("s")
    w = cid * NS + sid
    def _idx(ref, c):
        return ref.at[c] if CR == 1 else ref.at[pl.ds(c * CR, CR)]

    def gat(c, buf, sem):
        pltpu.async_copy(y_hbm.at[_idx(sidx, c)], buf, sem)

    def scat(c, buf):
        pltpu.sync_copy(buf, acc.at[_idx(didx, c)], add=True)

    def wait(buf, sem):
        pltpu.make_async_copy(y_hbm.at[pl.ds(0, CR * CH)], buf, sem).wait()

    def pipeline():
        gat(0, bufa, sga)

        def body(i, _):
            ca = 2 * i
            gat(ca + 1, bufb, sgb)
            wait(bufa, sga)
            scat(ca, bufa)

            @pl.when(ca + 2 < NCK)
            def _():
                gat(ca + 2, bufa, sga)
            wait(bufb, sgb)
            scat(ca + 1, bufb)
            return 0
        lax.fori_loop(0, NCK // 2, body, 0)

    for t in range(T):
        pltpu.sync_copy(
            y_hbm.at[pl.ds(t * N_PAD + sid * RPT, RPT)],
            acc.at[pl.ds(sid * RPT, RPT)],
        )
        pltpu.sync_copy(src_hbm.at[pl.ds((t * NW + w) * NCH, NCH2)], sidx)
        pltpu.sync_copy(dst_hbm.at[pl.ds((t * NW + w) * NCH, NCH2)], didx)
        plsc.subcore_barrier()
        pipeline()
        pltpu.sync_copy(src_hbm.at[pl.ds((t * NW + w) * NCH + NCH2, NCH2)],
                        sidx)
        pltpu.sync_copy(dst_hbm.at[pl.ds((t * NW + w) * NCH + NCH2, NCH2)],
                        didx)
        pipeline()
        plsc.subcore_barrier()
        pltpu.sync_copy(
            acc.at[pl.ds(sid * RPT, RPT)],
            out_hbm.at[pl.ds((t * 2 + cid) * N_PAD + sid * RPT, RPT)],
        )
        plsc.subcore_barrier()


@functools.cache
def _sc_scatter():
    return pl.kernel(
        _sc_scatter_body,
        out_type=jax.ShapeDtypeStruct((T * 2 * N_PAD, H), jnp.float32),
        mesh=_mesh(),
        scratch_types=[
            pltpu.VMEM((NCH2, CH), jnp.int32),
            pltpu.VMEM((NCH2, CH), jnp.int32),
            pltpu.VMEM((CR * CH, H), jnp.float32),
            pltpu.VMEM((CR * CH, H), jnp.float32),
            pltpu.VMEM_SHARED((N_PAD, H), jnp.float32),
            pltpu.SemaphoreType.DMA,
            pltpu.SemaphoreType.DMA,
        ],
    )


def _k1_body(x_ref, d0_ref, d1_ref, w1_ref, y_ref, dis_ref):
    deg = d0_ref[...] + d1_ref[...] + 1.0
    dis = lax.rsqrt(jnp.maximum(deg, 1.0))
    xw = jnp.dot(x_ref[...], w1_ref[...], preferred_element_type=jnp.float32)
    y_ref[...] = xw * dis
    dis_ref[...] = dis


def _tc_k1(x_flat, deg_flat, W1):
    return pl.pallas_call(
        _k1_body,
        grid=(T, NB),
        in_specs=[
            pl.BlockSpec((BN, D), lambda t, nb: (t * NB + nb, 0)),
            pl.BlockSpec((BN, 1), lambda t, nb: ((t * 2 + 0) * NB + nb, 0)),
            pl.BlockSpec((BN, 1), lambda t, nb: ((t * 2 + 1) * NB + nb, 0)),
            pl.BlockSpec((D, H), lambda t, nb: (0, 0)),
        ],
        out_specs=[
            pl.BlockSpec((BN, H), lambda t, nb: (t * NB + nb, 0)),
            pl.BlockSpec((BN, 1), lambda t, nb: (t * NB + nb, 0)),
        ],
        out_shape=[
            jax.ShapeDtypeStruct((T * N_PAD, H), jnp.float32),
            jax.ShapeDtypeStruct((T * N_PAD, 1), jnp.float32),
        ],
    )(x_flat, deg_flat, deg_flat, W1)


def _k2_body(y_ref, p0_ref, p1_ref, dis_ref, b1_ref, w2_ref, y2_ref):
    dis = dis_ref[...]
    h = (p0_ref[...] + p1_ref[...] - y_ref[...]) * dis + b1_ref[...]
    h = jnp.maximum(h, 0.0)
    y2_ref[...] = jnp.dot(h, w2_ref[...],
                          preferred_element_type=jnp.float32) * dis


def _tc_k2(y1, p_flat, dis, b1, W2):
    return pl.pallas_call(
        _k2_body,
        grid=(T, NB),
        in_specs=[
            pl.BlockSpec((BN, H), lambda t, nb: (t * NB + nb, 0)),
            pl.BlockSpec((BN, H), lambda t, nb: ((t * 2 + 0) * NB + nb, 0)),
            pl.BlockSpec((BN, H), lambda t, nb: ((t * 2 + 1) * NB + nb, 0)),
            pl.BlockSpec((BN, 1), lambda t, nb: (t * NB + nb, 0)),
            pl.BlockSpec((1, H), lambda t, nb: (0, 0)),
            pl.BlockSpec((H, H), lambda t, nb: (0, 0)),
        ],
        out_specs=pl.BlockSpec((BN, H), lambda t, nb: (t * NB + nb, 0)),
        out_shape=jax.ShapeDtypeStruct((T * N_PAD, H), jnp.float32),
    )(y1, p_flat, p_flat, dis, b1, W2)


def _gru_cell(xt, h, Wih, Whh, bih, bhh):
    gi = lax.dot_general(xt, Wih, (((1,), (1,)), ((), ())),
                         preferred_element_type=jnp.float32) + bih
    gh = lax.dot_general(h, Whh, (((1,), (1,)), ((), ())),
                         preferred_element_type=jnp.float32) + bhh
    r = jax.nn.sigmoid(gi[:, :H] + gh[:, :H])
    z = jax.nn.sigmoid(gi[:, H:2 * H] + gh[:, H:2 * H])
    n = jnp.tanh(gi[:, 2 * H:] + r * gh[:, 2 * H:])
    return (1.0 - z) * n + z * h


def _k3_body(y_ref, q0_ref, q1_ref, dis_ref, b2_ref, batch_ref,
             wih0_ref, whh0_ref, bih0_ref, bhh0_ref,
             wih1_ref, whh1_ref, bih1_ref, bhh1_ref,
             wc_ref, bc_ref, out_ref, acc_ref, cnt_ref):
    t = pl.program_id(0)
    nb = pl.program_id(1)

    @pl.when(jnp.logical_and(t == 0, nb == 0))
    def _init():
        acc_ref[...] = jnp.zeros_like(acc_ref)
        cnt_ref[...] = jnp.zeros_like(cnt_ref)

    dis = dis_ref[...]
    h2 = (q0_ref[...] + q1_ref[...] - y_ref[...]) * dis + b2_ref[...]
    h2 = jnp.maximum(h2, 0.0)
    bvals = batch_ref[0, 0, :]
    onehot = (bvals[:, None] == lax.broadcasted_iota(jnp.int32, (1, G), 1)
              ).astype(jnp.float32)
    pool = lax.dot_general(onehot, h2, (((0,), (0,)), ((), ())),
                           preferred_element_type=jnp.float32)
    acc_ref[pl.ds(t, 1)] = acc_ref[pl.ds(t, 1)] + pool[None]

    @pl.when(t == 0)
    def _cnt():
        ones = jnp.ones((BN, 1), jnp.float32)
        cnt_ref[...] += lax.dot_general(
            onehot, ones, (((0,), (0,)), ((), ())),
            preferred_element_type=jnp.float32)

    @pl.when(jnp.logical_and(t == T - 1, nb == NB - 1))
    def _final():
        cnt = jnp.maximum(cnt_ref[...], 1.0)
        seq = acc_ref[...] / cnt[None]
        h = jnp.zeros((G, H), jnp.float32)
        seq1 = []
        for tt in range(T):
            h = _gru_cell(seq[tt], h, wih0_ref[...], whh0_ref[...],
                          bih0_ref[...], bhh0_ref[...])
            seq1.append(h)
        h = jnp.zeros((G, H), jnp.float32)
        for tt in range(T):
            h = _gru_cell(seq1[tt], h, wih1_ref[...], whh1_ref[...],
                          bih1_ref[...], bhh1_ref[...])
        out_ref[...] = jnp.dot(h, wc_ref[...],
                               preferred_element_type=jnp.float32) + bc_ref[...]


def _tc_k3(y2, q_flat, dis, b2, batch_r, Wih0, Whh0, bih0, bhh0,
           Wih1, Whh1, bih1, bhh1, Wc, bc):
    full = lambda t, nb: (0, 0)
    return pl.pallas_call(
        _k3_body,
        grid=(T, NB),
        in_specs=[
            pl.BlockSpec((BN, H), lambda t, nb: (t * NB + nb, 0)),
            pl.BlockSpec((BN, H), lambda t, nb: ((t * 2 + 0) * NB + nb, 0)),
            pl.BlockSpec((BN, H), lambda t, nb: ((t * 2 + 1) * NB + nb, 0)),
            pl.BlockSpec((BN, 1), lambda t, nb: (t * NB + nb, 0)),
            pl.BlockSpec((1, H), full),
            pl.BlockSpec((1, 1, BN), lambda t, nb: (nb, 0, 0)),
            pl.BlockSpec((3 * H, H), full),
            pl.BlockSpec((3 * H, H), full),
            pl.BlockSpec((1, 3 * H), full),
            pl.BlockSpec((1, 3 * H), full),
            pl.BlockSpec((3 * H, H), full),
            pl.BlockSpec((3 * H, H), full),
            pl.BlockSpec((1, 3 * H), full),
            pl.BlockSpec((1, 3 * H), full),
            pl.BlockSpec((H, C), full),
            pl.BlockSpec((1, C), full),
        ],
        out_specs=pl.BlockSpec((G, C), full),
        out_shape=jax.ShapeDtypeStruct((G, C), jnp.float32),
        scratch_shapes=[
            pltpu.VMEM((T, G, H), jnp.float32),
            pltpu.VMEM((G, 1), jnp.float32),
        ],
    )(y2, q_flat, q_flat, dis, b2, batch_r, Wih0, Whh0, bih0, bhh0,
      Wih1, Whh1, bih1, bhh1, Wc, bc)


def kernel(x, edge_index, batch, W1, b1, W2, b2, Wih0, Whh0, bih0, bhh0,
           Wih1, Whh1, bih1, bhh1, Wc, bc):
    i32 = jnp.int32
    x_flat = jnp.pad(x, ((0, 0), (0, N_PAD - N), (0, 0))).reshape(T * N_PAD, D)

    src = edge_index[:, 0, :]
    dst = edge_index[:, 1, :]
    fill = (N + jnp.arange(E_PAD - E, dtype=i32) % (N_PAD - N))[None, :]
    fill = jnp.broadcast_to(fill, (T, E_PAD - E))
    srcp = jnp.concatenate([src, fill], axis=1)
    dstp = jnp.concatenate([dst, fill], axis=1)
    toff = (jnp.arange(T, dtype=i32) * N_PAD)[:, None]
    srcf = (srcp + toff).reshape(T * NW * NCH, CH)
    dstf = dstp.reshape(T * NW * NCH, CH)
    batch_r = jnp.pad(batch, (0, N_PAD - N),
                      constant_values=G).reshape(NB, 1, BN)

    deg_flat = _sc_deg()(dstf).reshape(T * 2 * N_PAD, 1)
    y1, dis = _tc_k1(x_flat, deg_flat, W1)
    p_flat = _sc_scatter()(y1, srcf, dstf)
    y2 = _tc_k2(y1, p_flat, dis, b1.reshape(1, H), W2)
    q_flat = _sc_scatter()(y2, srcf, dstf)
    return _tc_k3(y2, q_flat, dis, b2.reshape(1, H), batch_r,
                  Wih0, Whh0, bih0.reshape(1, -1), bhh0.reshape(1, -1),
                  Wih1, Whh1, bih1.reshape(1, -1), bhh1.reshape(1, -1),
                  Wc, bc.reshape(1, -1))

# --- scband reference (transcript-rebuilt; emitter-appended) ---
"""Pipeline reference for scband-trace-model-77996606095607 (READ-ONLY COPY).

The authoritative reference and input builder live on the scoring server;
editing this copy changes nothing except your own understanding.
"""

import jax, jax.numpy as jnp
import numpy as np

T, N, D, H, E, G, C = 4, 10000, 128, 128, 320000, 16, 16

def setup_inputs(seed: int = 0) -> dict:
    key = jax.random.key(seed)
    ks = jax.random.split(key, 24)
    inp = {}
    inp['x'] = jax.random.normal(ks[0], (T, N, D), dtype=jnp.float32)
    inp['edge_index'] = jax.random.randint(ks[1], (T, 2, E), 0, N).astype(jnp.int32)
    inp['batch'] = jnp.sort(jax.random.randint(ks[2], (N,), 0, G).astype(jnp.int32))
    s = 0.05
    inp['W1'] = jax.random.normal(ks[3], (D, H), dtype=jnp.float32) * s
    inp['b1'] = jnp.zeros((H,), dtype=jnp.float32)
    inp['W2'] = jax.random.normal(ks[4], (H, H), dtype=jnp.float32) * s
    inp['b2'] = jnp.zeros((H,), dtype=jnp.float32)
    inp['Wih0'] = jax.random.normal(ks[5], (3 * H, H), dtype=jnp.float32) * s
    inp['Whh0'] = jax.random.normal(ks[6], (3 * H, H), dtype=jnp.float32) * s
    inp['bih0'] = jnp.zeros((3 * H,), dtype=jnp.float32)
    inp['bhh0'] = jnp.zeros((3 * H,), dtype=jnp.float32)
    inp['Wih1'] = jax.random.normal(ks[7], (3 * H, H), dtype=jnp.float32) * s
    inp['Whh1'] = jax.random.normal(ks[8], (3 * H, H), dtype=jnp.float32) * s
    inp['bih1'] = jnp.zeros((3 * H,), dtype=jnp.float32)
    inp['bhh1'] = jnp.zeros((3 * H,), dtype=jnp.float32)
    inp['Wc'] = jax.random.normal(ks[9], (H, C), dtype=jnp.float32) * s
    inp['bc'] = jnp.zeros((C,), dtype=jnp.float32)
    return inp

def _gcn_conv(xs, src, dst, W, b):
    n = xs.shape[0]
    loop = jnp.arange(n, dtype=src.dtype)
    s = jnp.concatenate([src, loop])
    d = jnp.concatenate([dst, loop])
    deg = jnp.zeros((n,), xs.dtype).at[d].add(1.0)
    dis = jax.lax.rsqrt(jnp.maximum(deg, 1.0))
    norm = dis[s] * dis[d]
    xw = xs @ W
    msg = xw[s] * norm[:, None]
    out = jax.ops.segment_sum(msg, d, num_segments=n)
    return out + b

def _global_mean_pool(h, batch, num_graphs):
    sums = jax.ops.segment_sum(h, batch, num_segments=num_graphs)
    cnt = jax.ops.segment_sum(jnp.ones((h.shape[0],), h.dtype), batch, num_segments=num_graphs)
    return sums / jnp.maximum(cnt, 1.0)[:, None]

def _gru_layer(seq, Wih, Whh, bih, bhh):
    B, Tn, _ = seq.shape
    h = jnp.zeros((B, H), seq.dtype)
    outs = []
    for t in range(Tn):
        xt = seq[:, t]
        gi = xt @ Wih.T + bih
        gh = h @ Whh.T + bhh
        ir, iz, inn = jnp.split(gi, 3, axis=-1)
        hr, hz, hn = jnp.split(gh, 3, axis=-1)
        r = jax.nn.sigmoid(ir + hr)
        z = jax.nn.sigmoid(iz + hz)
        nn_ = jnp.tanh(inn + r * hn)
        h = (1.0 - z) * nn_ + z * h
        outs.append(h)
    return jnp.stack(outs, axis=1), h

def reference(x, edge_index, batch, W1, b1, W2, b2, Wih0, Whh0, bih0, bhh0, Wih1, Whh1, bih1, bhh1, Wc, bc):
    embs = []
    for t in range(T):
        src = edge_index[t, 0]
        dst = edge_index[t, 1]
        h = jax.nn.relu(_gcn_conv(x[t], src, dst, W1, b1))
        h = jax.nn.relu(_gcn_conv(h, src, dst, W2, b2))
        embs.append(_global_mean_pool(h, batch, G))
    seq = jnp.stack(embs, axis=1)  # [G, T, H]
    seq1, _ = _gru_layer(seq, Wih0, Whh0, bih0, bhh0)
    _, h_last = _gru_layer(seq1, Wih1, Whh1, bih1, bhh1)
    return h_last @ Wc + bc

if __name__ == "__main__":
    import jax
    _d = setup_inputs()
    print(jax.jit(kernel)(*tuple(_d.values())))

</pallas_src>

<mosaic_0001>
#map = affine_map<(d0, d1) -> (0, 0)>
module attributes {stable_mosaic.version = 14 : i64} {
  func.func @_sc_scatter_body(%arg0: i32, %arg1: i32, %arg2: memref<40960x128xf32, #tpu.memory_space<hbm>>, %arg3: memref<10240x128xi32, #tpu.memory_space<hbm>>, %arg4: memref<10240x128xi32, #tpu.memory_space<hbm>>, %arg5: memref<81920x128xf32, #tpu.memory_space<hbm>>, %arg6: memref<40x128xi32, #tpu.memory_space<vmem>>, %arg7: memref<40x128xi32, #tpu.memory_space<vmem>>, %arg8: memref<128x128xf32, #tpu.memory_space<vmem>>, %arg9: memref<128x128xf32, #tpu.memory_space<vmem>>, %arg10: memref<10240x128xf32, #tpu.memory_space<vmem_shared>>, %arg11: memref<!tpu.dma_semaphore, #tpu.memory_space<semaphore_mem>>, %arg12: memref<!tpu.dma_semaphore, #tpu.memory_space<semaphore_mem>>) attributes {dimension_semantics = [#tpu.dimension_semantics<core_parallel>, #tpu.dimension_semantics<subcore_parallel>], iteration_bounds = array<i64: 2, 16>, scalar_prefetch = 0 : i64, scratch_operands = 7 : i64, tpu.core_type = #tpu.core_type<sc_vector_subcore>, window_params = [{transform_indices = #map}, {transform_indices = #map}, {transform_indices = #map}, {transform_indices = #map}]} {
    %mul3A = arith.constant 16 : i32
    %mul3A_0 = arith.muli %arg0, %mul3A : i32
    %add3A = arith.addi %mul3A_0, %arg1 : i32
    %mul3A_1 = arith.constant 640 : i32
    %mul3A_2 = arith.muli %arg1, %mul3A_1 : i32
    %add3A_3 = arith.constant 0 : i32
    %add3A_4 = arith.addi %add3A_3, %mul3A_2 : i32
    %mul3A_5 = arith.constant 640 : i32
    %mul3A_6 = arith.muli %arg1, %mul3A_5 : i32
    "tpu.region"() ({
      %run_scoped3A = tpu.sem_alloc : memref<!tpu.dma_semaphore, #tpu.memory_space<semaphore_mem>>
      %dma_start3A_262 = arith.constant 0 : i32
      %dma_start3A_263 = tpu.memref_slice %arg10[%mul3A_6, %dma_start3A_262] : memref<10240x128xf32, #tpu.memory_space<vmem_shared>> -> memref<640x128xf32, #tpu.memory_space<vmem_shared>>
      %dma_start3A_264 = arith.constant 0 : i32
      %dma_start3A_265 = tpu.memref_slice %arg2[%add3A_4, %dma_start3A_264] : memref<40960x128xf32, #tpu.memory_space<hbm>> -> memref<640x128xf32, #tpu.memory_space<hbm>>
      tpu.enqueue_dma source(%dma_start3A_265 : memref<640x128xf32, #tpu.memory_space<hbm>>) target(%dma_start3A_263 : memref<640x128xf32, #tpu.memory_space<vmem_shared>>) target_semaphore(%run_scoped3A : memref<!tpu.dma_semaphore, #tpu.memory_space<semaphore_mem>>)
      %dma_wait3A = arith.constant 0 : i32
      %dma_wait3A_266 = tpu.memref_slice %arg10[%mul3A_6, %dma_wait3A] : memref<10240x128xf32, #tpu.memory_space<vmem_shared>> -> memref<640x128xf32, #tpu.memory_space<vmem_shared>>
      %dma_wait3A_267 = arith.constant 0 : i32
      %dma_wait3A_268 = tpu.memref_slice %arg2[%add3A_4, %dma_wait3A_267] : memref<40960x128xf32, #tpu.memory_space<hbm>> -> memref<640x128xf32, #tpu.memory_space<hbm>>
      tpu.wait_dma2 semaphore(%run_scoped3A : memref<!tpu.dma_semaphore, #tpu.memory_space<semaphore_mem>>) src(%dma_wait3A_268 : memref<640x128xf32, #tpu.memory_space<hbm>>) dst(%dma_wait3A_266 : memref<640x128xf32, #tpu.memory_space<vmem_shared>>)
      tpu.yield
    }) : () -> ()
    %add3A_7 = arith.constant 0 : i32
    %add3A_8 = arith.addi %add3A_7, %add3A : i32
    %mul3A_9 = arith.constant 80 : i32
    %mul3A_10 = arith.muli %add3A_8, %mul3A_9 : i32
    "tpu.region"() ({
      %run_scoped3A = tpu.sem_alloc : memref<!tpu.dma_semaphore, #tpu.memory_space<semaphore_mem>>
      %dma_start3A_262 = arith.constant 0 : i32
      %dma_start3A_263 = tpu.memref_slice %arg3[%mul3A_10, %dma_start3A_262] : memref<10240x128xi32, #tpu.memory_space<hbm>> -> memref<40x128xi32, #tpu.memory_space<hbm>>
      %dma_start3A_264 = arith.constant 0 : i32
      %dma_start3A_265 = tpu.memref_slice %arg3[%mul3A_10, %dma_start3A_264] : memref<10240x128xi32, #tpu.memory_space<hbm>> -> memref<40x128xi32, #tpu.memory_space<hbm>>
      tpu.enqueue_dma source(%dma_start3A_265 : memref<40x128xi32, #tpu.memory_space<hbm>>) target(%arg6 : memref<40x128xi32, #tpu.memory_space<vmem>>) target_semaphore(%run_scoped3A : memref<!tpu.dma_semaphore, #tpu.memory_space<semaphore_mem>>)
      %dma_wait3A = arith.constant 0 : i32
      %dma_wait3A_266 = tpu.memref_slice %arg3[%mul3A_10, %dma_wait3A] : memref<10240x128xi32, #tpu.memory_space<hbm>> -> memref<40x128xi32, #tpu.memory_space<hbm>>
      %dma_wait3A_267 = arith.constant 0 : i32
      %dma_wait3A_268 = tpu.memref_slice %arg3[%mul3A_10, %dma_wait3A_267] : memref<10240x128xi32, #tpu.memory_space<hbm>> -> memref<40x128xi32, #tpu.memory_space<hbm>>
      tpu.wait_dma2 semaphore(%run_scoped3A : memref<!tpu.dma_semaphore, #tpu.memory_space<semaphore_mem>>) src(%dma_wait3A_268 : memref<40x128xi32, #tpu.memory_space<hbm>>) dst(%arg6 : memref<40x128xi32, #tpu.memory_space<vmem>>)
      tpu.yield
    }) : () -> ()
    %add3A_11 = arith.constant 0 : i32
    %add3A_12 = arith.addi %add3A_11, %add3A : i32
    %mul3A_13 = arith.constant 80 : i32
    %mul3A_14 = arith.muli %add3A_12, %mul3A_13 : i32
    "tpu.region"() ({
      %run_scoped3A = tpu.sem_alloc : memref<!tpu.dma_semaphore, #tpu.memory_space<semaphore_mem>>
      %dma_start3A_262 = arith.constant 0 : i32
      %dma_start3A_263 = tpu.memref_slice %arg4[%mul3A_14, %dma_start3A_262] : memref<10240x128xi32, #tpu.memory_space<hbm>> -> memref<40x128xi32, #tpu.memory_space<hbm>>
      %dma_start3A_264 = arith.constant 0 : i32
      %dma_start3A_265 = tpu.memref_slice %arg4[%mul3A_14, %dma_start3A_264] : memref<10240x128xi32, #tpu.memory_space<hbm>> -> memref<40x128xi32, #tpu.memory_space<hbm>>
      tpu.enqueue_dma source(%dma_start3A_265 : memref<40x128xi32, #tpu.memory_space<hbm>>) target(%arg7 : memref<40x128xi32, #tpu.memory_space<vmem>>) target_semaphore(%run_scoped3A : memref<!tpu.dma_semaphore, #tpu.memory_space<semaphore_mem>>)
      %dma_wait3A = arith.constant 0 : i32
      %dma_wait3A_266 = tpu.memref_slice %arg4[%mul3A_14, %dma_wait3A] : memref<10240x128xi32, #tpu.memory_space<hbm>> -> memref<40x128xi32, #tpu.memory_space<hbm>>
      %dma_wait3A_267 = arith.constant 0 : i32
      %dma_wait3A_268 = tpu.memref_slice %arg4[%mul3A_14, %dma_wait3A_267] : memref<10240x128xi32, #tpu.memory_space<hbm>> -> memref<40x128xi32, #tpu.memory_space<hbm>>
      tpu.wait_dma2 semaphore(%run_scoped3A : memref<!tpu.dma_semaphore, #tpu.memory_space<semaphore_mem>>) src(%dma_wait3A_268 : memref<40x128xi32, #tpu.memory_space<hbm>>) dst(%arg7 : memref<40x128xi32, #tpu.memory_space<vmem>>)
      tpu.yield
    }) : () -> ()
    %barrier3A = arith.constant 0 : index
    tpu.barrier barrier_id(%barrier3A)
    %dma_start3A = arith.constant 0 : i32
    %dma_start3A_15 = arith.constant 0 : i32
    %dma_start3A_16 = tpu.memref_slice %arg6[%dma_start3A, %dma_start3A_15] : memref<40x128xi32, #tpu.memory_space<vmem>> -> memref<1x128xi32, #tpu.memory_space<vmem>>
    %dma_start3A_17 = tpu.memref_squeeze %dma_start3A_16 : memref<1x128xi32, #tpu.memory_space<vmem>> -> memref<128xi32, #tpu.memory_space<vmem>>
    %dma_start3A_18 = arith.constant 0 : i32
    %dma_start3A_19 = arith.constant 0 : i32
    %dma_start3A_20 = tpu.memref_slice %arg2[%dma_start3A_18, %dma_start3A_19] : memref<40960x128xf32, #tpu.memory_space<hbm>> -> memref<40960x128xf32, #tpu.memory_space<hbm>>
    tpu.enqueue_indirect_dma source(%dma_start3A_20 : memref<40960x128xf32, #tpu.memory_space<hbm>>) target(%arg8 : memref<128x128xf32, #tpu.memory_space<vmem>>) offsets(%dma_start3A_17 : memref<128xi32, #tpu.memory_space<vmem>>) semaphore(%arg11 : memref<!tpu.dma_semaphore, #tpu.memory_space<semaphore_mem>>)
    %scan3A = arith.constant 0 : i32
    %scan3A_21 = arith.constant 0 : i32
    %scan3A_22 = arith.constant 20 : i32
    %scan3A_23 = arith.addi %scan3A_21, %scan3A_22 : i32
    %scan3A_24 = arith.constant 1 : i32
    %scan3A_25 = scf.for %scan3A_262 = %scan3A_21 to %scan3A_23 step %scan3A_24 iter_args(%scan3A_263 = %scan3A) -> (i32)  : i32 {
      %mul3A_264 = arith.constant 2 : i32
      %mul3A_265 = arith.muli %mul3A_264, %scan3A_262 : i32
      %add3A_266 = arith.constant 1 : i32
      %add3A_267 = arith.addi %mul3A_265, %add3A_266 : i32
      %dma_start3A_268 = arith.constant 0 : i32
      %dma_start3A_269 = tpu.memref_slice %arg6[%add3A_267, %dma_start3A_268] : memref<40x128xi32, #tpu.memory_space<vmem>> -> memref<1x128xi32, #tpu.memory_space<vmem>>
      %dma_start3A_270 = tpu.memref_squeeze %dma_start3A_269 : memref<1x128xi32, #tpu.memory_space<vmem>> -> memref<128xi32, #tpu.memory_space<vmem>>
      %dma_start3A_271 = arith.constant 0 : i32
      %dma_start3A_272 = arith.constant 0 : i32
      %dma_start3A_273 = tpu.memref_slice %arg2[%dma_start3A_271, %dma_start3A_272] : memref<40960x128xf32, #tpu.memory_space<hbm>> -> memref<40960x128xf32, #tpu.memory_space<hbm>>
      tpu.enqueue_indirect_dma source(%dma_start3A_273 : memref<40960x128xf32, #tpu.memory_space<hbm>>) target(%arg9 : memref<128x128xf32, #tpu.memory_space<vmem>>) offsets(%dma_start3A_270 : memref<128xi32, #tpu.memory_space<vmem>>) semaphore(%arg12 : memref<!tpu.dma_semaphore, #tpu.memory_space<semaphore_mem>>)
      %dma_wait3A = arith.constant 0 : i32
      %dma_wait3A_274 = arith.constant 0 : i32
      %dma_wait3A_275 = tpu.memref_slice %arg2[%dma_wait3A, %dma_wait3A_274] : memref<40960x128xf32, #tpu.memory_space<hbm>> -> memref<128x128xf32, #tpu.memory_space<hbm>>
      %dma_wait3A_276 = arith.constant 0 : i32
      %dma_wait3A_277 = arith.constant 0 : i32
      %dma_wait3A_278 = tpu.memref_slice %arg2[%dma_wait3A_276, %dma_wait3A_277] : memref<40960x128xf32, #tpu.memory_space<hbm>> -> memref<128x128xf32, #tpu.memory_space<hbm>>
      tpu.wait_dma2 semaphore(%arg11 : memref<!tpu.dma_semaphore, #tpu.memory_space<semaphore_mem>>) src(%dma_wait3A_278 : memref<128x128xf32, #tpu.memory_space<hbm>>) dst(%arg8 : memref<128x128xf32, #tpu.memory_space<vmem>>)
      "tpu.region"() ({
        %run_scoped3A = tpu.sem_alloc : memref<!tpu.dma_semaphore, #tpu.memory_space<semaphore_mem>>
        %dma_start3A_292 = arith.constant 0 : i32
        %dma_start3A_293 = tpu.memref_slice %arg7[%mul3A_265, %dma_start3A_292] : memref<40x128xi32, #tpu.memory_space<vmem>> -> memref<1x128xi32, #tpu.memory_space<vmem>>
        %dma_start3A_294 = tpu.memref_squeeze %dma_start3A_293 : memref<1x128xi32, #tpu.memory_space<vmem>> -> memref<128xi32, #tpu.memory_space<vmem>>
        %dma_start3A_295 = arith.constant 0 : i32
        %dma_start3A_296 = arith.constant 0 : i32
        %dma_start3A_297 = tpu.memref_slice %arg10[%dma_start3A_295, %dma_start3A_296] : memref<10240x128xf32, #tpu.memory_space<vmem_shared>> -> memref<10240x128xf32, #tpu.memory_space<vmem_shared>>
        tpu.enqueue_indirect_dma source(%arg8 : memref<128x128xf32, #tpu.memory_space<vmem>>) target(%dma_start3A_297 : memref<10240x128xf32, #tpu.memory_space<vmem_shared>>) offsets(%dma_start3A_294 : memref<128xi32, #tpu.memory_space<vmem>>) semaphore(%run_scoped3A : memref<!tpu.dma_semaphore, #tpu.memory_space<semaphore_mem>>) {add = true}
        %dma_wait3A_298 = arith.constant 0 : i32
        %dma_wait3A_299 = tpu.memref_slice %arg7[%mul3A_265, %dma_wait3A_298] : memref<40x128xi32, #tpu.memory_space<vmem>> -> memref<1x128xi32, #tpu.memory_space<vmem>>
        %dma_wait3A_300 = tpu.memref_squeeze %dma_wait3A_299 : memref<1x128xi32, #tpu.memory_space<vmem>> -> memref<128xi32, #tpu.memory_space<vmem>>
        %dma_wait3A_301 = arith.constant 0 : i32
        %dma_wait3A_302 = arith.constant 0 : i32
        %dma_wait3A_303 = tpu.memref_slice %arg10[%dma_wait3A_301, %dma_wait3A_302] : memref<10240x128xf32, #tpu.memory_space<vmem_shared>> -> memref<10240x128xf32, #tpu.memory_space<vmem_shared>>
        tpu.wait_indirect_dma semaphore(%run_scoped3A : memref<!tpu.dma_semaphore, #tpu.memory_space<semaphore_mem>>) src(%arg8 : memref<128x128xf32, #tpu.memory_space<vmem>>) dst(%dma_wait3A_303 : memref<10240x128xf32, #tpu.memory_space<vmem_shared>>)
        tpu.yield
      }) : () -> ()
      %add3A_279 = arith.constant 2 : i32
      %add3A_280 = arith.addi %mul3A_265, %add3A_279 : i32
      %lt3A = arith.constant 40 : i32
      %lt3A_281 = arith.cmpi slt, %add3A_280, %lt3A : i32
      %convert_element_type3A = arith.extui %lt3A_281 : i1 to i32
      %cond3A = arith.constant 0 : i32
      %cond3A_282 = arith.cmpi ne, %convert_element_type3A, %cond3A : i32
      scf.if %cond3A_282 {
        %add3A_292 = arith.constant 2 : i32
        %add3A_293 = arith.addi %mul3A_265, %add3A_292 : i32
        %dma_start3A_294 = arith.constant 0 : i32
        %dma_start3A_295 = tpu.memref_slice %arg6[%add3A_293, %dma_start3A_294] : memref<40x128xi32, #tpu.memory_space<vmem>> -> memref<1x128xi32, #tpu.memory_space<vmem>>
        %dma_start3A_296 = tpu.memref_squeeze %dma_start3A_295 : memref<1x128xi32, #tpu.memory_space<vmem>> -> memref<128xi32, #tpu.memory_space<vmem>>
        %dma_start3A_297 = arith.constant 0 : i32
        %dma_start3A_298 = arith.constant 0 : i32
        %dma_start3A_299 = tpu.memref_slice %arg2[%dma_start3A_297, %dma_start3A_298] : memref<40960x128xf32, #tpu.memory_space<hbm>> -> memref<40960x128xf32, #tpu.memory_space<hbm>>
        tpu.enqueue_indirect_dma source(%dma_start3A_299 : memref<40960x128xf32, #tpu.memory_space<hbm>>) target(%arg8 : memref<128x128xf32, #tpu.memory_space<vmem>>) offsets(%dma_start3A_296 : memref<128xi32, #tpu.memory_space<vmem>>) semaphore(%arg11 : memref<!tpu.dma_semaphore, #tpu.memory_space<semaphore_mem>>)
      } else {
      }
      %dma_wait3A_283 = arith.constant 0 : i32
      %dma_wait3A_284 = arith.constant 0 : i32
      %dma_wait3A_285 = tpu.memref_slice %arg2[%dma_wait3A_283, %dma_wait3A_284] : memref<40960x128xf32, #tpu.memory_space<hbm>> -> memref<128x128xf32, #tpu.memory_space<hbm>>
      %dma_wait3A_286 = arith.constant 0 : i32
      %dma_wait3A_287 = arith.constant 0 : i32
      %dma_wait3A_288 = tpu.memref_slice %arg2[%dma_wait3A_286, %dma_wait3A_287] : memref<40960x128xf32, #tpu.memory_space<hbm>> -> memref<128x128xf32, #tpu.memory_space<hbm>>
      tpu.wait_dma2 semaphore(%arg12 : memref<!tpu.dma_semaphore, #tpu.memory_space<semaphore_mem>>) src(%dma_wait3A_288 : memref<128x128xf32, #tpu.memory_space<hbm>>) dst(%arg9 : memref<128x128xf32, #tpu.memory_space<vmem>>)
      %add3A_289 = arith.constant 1 : i32
      %add3A_290 = arith.addi %mul3A_265, %add3A_289 : i32
      "tpu.region"() ({
        %run_scoped3A = tpu.sem_alloc : memref<!tpu.dma_semaphore, #tpu.memory_space<semaphore_mem>>
        %dma_start3A_292 = arith.constant 0 : i32
        %dma_start3A_293 = tpu.memref_slice %arg7[%add3A_290, %dma_start3A_292] : memref<40x128xi32, #tpu.memory_space<vmem>> -> memref<1x128xi32, #tpu.memory_space<vmem>>
        %dma_start3A_294 = tpu.memref_squeeze %dma_start3A_293 : memref<1x128xi32, #tpu.memory_space<vmem>> -> memref<128xi32, #tpu.memory_space<vmem>>
        %dma_start3A_295 = arith.constant 0 : i32
        %dma_start3A_296 = arith.constant 0 : i32
        %dma_start3A_297 = tpu.memref_slice %arg10[%dma_start3A_295, %dma_start3A_296] : memref<10240x128xf32, #tpu.memory_space<vmem_shared>> -> memref<10240x128xf32, #tpu.memory_space<vmem_shared>>
        tpu.enqueue_indirect_dma source(%arg9 : memref<128x128xf32, #tpu.memory_space<vmem>>) target(%dma_start3A_297 : memref<10240x128xf32, #tpu.memory_space<vmem_shared>>) offsets(%dma_start3A_294 : memref<128xi32, #tpu.memory_space<vmem>>) semaphore(%run_scoped3A : memref<!tpu.dma_semaphore, #tpu.memory_space<semaphore_mem>>) {add = true}
        %dma_wait3A_298 = arith.constant 0 : i32
        %dma_wait3A_299 = tpu.memref_slice %arg7[%add3A_290, %dma_wait3A_298] : memref<40x128xi32, #tpu.memory_space<vmem>> -> memref<1x128xi32, #tpu.memory_space<vmem>>
        %dma_wait3A_300 = tpu.memref_squeeze %dma_wait3A_299 : memref<1x128xi32, #tpu.memory_space<vmem>> -> memref<128xi32, #tpu.memory_space<vmem>>
        %dma_wait3A_301 = arith.constant 0 : i32
        %dma_wait3A_302 = arith.constant 0 : i32
        %dma_wait3A_303 = tpu.memref_slice %arg10[%dma_wait3A_301, %dma_wait3A_302] : memref<10240x128xf32, #tpu.memory_space<vmem_shared>> -> memref<10240x128xf32, #tpu.memory_space<vmem_shared>>
        tpu.wait_indirect_dma semaphore(%run_scoped3A : memref<!tpu.dma_semaphore, #tpu.memory_space<semaphore_mem>>) src(%arg9 : memref<128x128xf32, #tpu.memory_space<vmem>>) dst(%dma_wait3A_303 : memref<10240x128xf32, #tpu.memory_space<vmem_shared>>)
        tpu.yield
      }) : () -> ()
      %scan3A_291 = arith.constant 0 : i32
      scf.yield %scan3A_291 : i32
    }
    %scan3A_26 = arith.constant 20 : i32
    %add3A_27 = arith.constant 0 : i32
    %add3A_28 = arith.addi %add3A_27, %add3A : i32
    %mul3A_29 = arith.constant 80 : i32
    %mul3A_30 = arith.muli %add3A_28, %mul3A_29 : i32
    %add3A_31 = arith.constant 40 : i32
    %add3A_32 = arith.addi %mul3A_30, %add3A_31 : i32
    "tpu.region"() ({
      %run_scoped3A = tpu.sem_alloc : memref<!tpu.dma_semaphore, #tpu.memory_space<semaphore_mem>>
      %dma_start3A_262 = arith.constant 0 : i32
      %dma_start3A_263 = tpu.memref_slice %arg3[%add3A_32, %dma_start3A_262] : memref<10240x128xi32, #tpu.memory_space<hbm>> -> memref<40x128xi32, #tpu.memory_space<hbm>>
      %dma_start3A_264 = arith.constant 0 : i32
      %dma_start3A_265 = tpu.memref_slice %arg3[%add3A_32, %dma_start3A_264] : memref<10240x128xi32, #tpu.memory_space<hbm>> -> memref<40x128xi32, #tpu.memory_space<hbm>>
      tpu.enqueue_dma source(%dma_start3A_265 : memref<40x128xi32, #tpu.memory_space<hbm>>) target(%arg6 : memref<40x128xi32, #tpu.memory_space<vmem>>) target_semaphore(%run_scoped3A : memref<!tpu.dma_semaphore, #tpu.memory_space<semaphore_mem>>)
      %dma_wait3A = arith.constant 0 : i32
      %dma_wait3A_266 = tpu.memref_slice %arg3[%add3A_32, %dma_wait3A] : memref<10240x128xi32, #tpu.memory_space<hbm>> -> memref<40x128xi32, #tpu.memory_space<hbm>>
      %dma_wait3A_267 = arith.constant 0 : i32
      %dma_wait3A_268 = tpu.memref_slice %arg3[%add3A_32, %dma_wait3A_267] : memref<10240x128xi32, #tpu.memory_space<hbm>> -> memref<40x128xi32, #tpu.memory_space<hbm>>
      tpu.wait_dma2 semaphore(%run_scoped3A : memref<!tpu.dma_semaphore, #tpu.memory_space<semaphore_mem>>) src(%dma_wait3A_268 : memref<40x128xi32, #tpu.memory_space<hbm>>) dst(%arg6 : memref<40x128xi32, #tpu.memory_space<vmem>>)
      tpu.yield
    }) : () -> ()
    %add3A_33 = arith.constant 0 : i32
    %add3A_34 = arith.addi %add3A_33, %add3A : i32
    %mul3A_35 = arith.constant 80 : i32
    %mul3A_36 = arith.muli %add3A_34, %mul3A_35 : i32
    %add3A_37 = arith.constant 40 : i32
    %add3A_38 = arith.addi %mul3A_36, %add3A_37 : i32
    "tpu.region"() ({
      %run_scoped3A = tpu.sem_alloc : memref<!tpu.dma_semaphore, #tpu.memory_space<semaphore_mem>>
      %dma_start3A_262 = arith.constant 0 : i32
      %dma_start3A_263 = tpu.memref_slice %arg4[%add3A_38, %dma_start3A_262] : memref<10240x128xi32, #tpu.memory_space<hbm>> -> memref<40x128xi32, #tpu.memory_space<hbm>>
      %dma_start3A_264 = arith.constant 0 : i32
      %dma_start3A_265 = tpu.memref_slice %arg4[%add3A_38, %dma_start3A_264] : memref<10240x128xi32, #tpu.memory_space<hbm>> -> memref<40x128xi32, #tpu.memory_space<hbm>>
      tpu.enqueue_dma source(%dma_start3A_265 : memref<40x128xi32, #tpu.memory_space<hbm>>) target(%arg7 : memref<40x128xi32, #tpu.memory_space<vmem>>) target_semaphore(%run_scoped3A : memref<!tpu.dma_semaphore, #tpu.memory_space<semaphore_mem>>)
      %dma_wait3A = arith.constant 0 : i32
      %dma_wait3A_266 = tpu.memref_slice %arg4[%add3A_38, %dma_wait3A] : memref<10240x128xi32, #tpu.memory_space<hbm>> -> memref<40x128xi32, #tpu.memory_space<hbm>>
      %dma_wait3A_267 = arith.constant 0 : i32
      %dma_wait3A_268 = tpu.memref_slice %arg4[%add3A_38, %dma_wait3A_267] : memref<10240x128xi32, #tpu.memory_space<hbm>> -> memref<40x128xi32, #tpu.memory_space<hbm>>
      tpu.wait_dma2 semaphore(%run_scoped3A : memref<!tpu.dma_semaphore, #tpu.memory_space<semaphore_mem>>) src(%dma_wait3A_268 : memref<40x128xi32, #tpu.memory_space<hbm>>) dst(%arg7 : memref<40x128xi32, #tpu.memory_space<vmem>>)
      tpu.yield
    }) : () -> ()
    %dma_start3A_39 = arith.constant 0 : i32
    %dma_start3A_40 = arith.constant 0 : i32
    %dma_start3A_41 = tpu.memref_slice %arg6[%dma_start3A_39, %dma_start3A_40] : memref<40x128xi32, #tpu.memory_space<vmem>> -> memref<1x128xi32, #tpu.memory_space<vmem>>
    %dma_start3A_42 = tpu.memref_squeeze %dma_start3A_41 : memref<1x128xi32, #tpu.memory_space<vmem>> -> memref<128xi32, #tpu.memory_space<vmem>>
    %dma_start3A_43 = arith.constant 0 : i32
    %dma_start3A_44 = arith.constant 0 : i32
    %dma_start3A_45 = tpu.memref_slice %arg2[%dma_start3A_43, %dma_start3A_44] : memref<40960x128xf32, #tpu.memory_space<hbm>> -> memref<40960x128xf32, #tpu.memory_space<hbm>>
    tpu.enqueue_indirect_dma source(%dma_start3A_45 : memref<40960x128xf32, #tpu.memory_space<hbm>>) target(%arg8 : memref<128x128xf32, #tpu.memory_space<vmem>>) offsets(%dma_start3A_42 : memref<128xi32, #tpu.memory_space<vmem>>) semaphore(%arg11 : memref<!tpu.dma_semaphore, #tpu.memory_space<semaphore_mem>>)
    %scan3A_46 = arith.constant 0 : i32
    %scan3A_47 = arith.constant 0 : i32
    %scan3A_48 = arith.constant 20 : i32
    %scan3A_49 = arith.addi %scan3A_47, %scan3A_48 : i32
    %scan3A_50 = arith.constant 1 : i32
    %scan3A_51 = scf.for %scan3A_262 = %scan3A_47 to %scan3A_49 step %scan3A_50 iter_args(%scan3A_263 = %scan3A_46) -> (i32)  : i32 {
      %mul3A_264 = arith.constant 2 : i32
      %mul3A_265 = arith.muli %mul3A_264, %scan3A_262 : i32
      %add3A_266 = arith.constant 1 : i32
      %add3A_267 = arith.addi %mul3A_265, %add3A_266 : i32
      %dma_start3A_268 = arith.constant 0 : i32
      %dma_start3A_269 = tpu.memref_slice %arg6[%add3A_267, %dma_start3A_268] : memref<40x128xi32, #tpu.memory_space<vmem>> -> memref<1x128xi32, #tpu.memory_space<vmem>>
      %dma_start3A_270 = tpu.memref_squeeze %dma_start3A_269 : memref<1x128xi32, #tpu.memory_space<vmem>> -> memref<128xi32, #tpu.memory_space<vmem>>
      %dma_start3A_271 = arith.constant 0 : i32
      %dma_start3A_272 = arith.constant 0 : i32
      %dma_start3A_273 = tpu.memref_slice %arg2[%dma_start3A_271, %dma_start3A_272] : memref<40960x128xf32, #tpu.memory_space<hbm>> -> memref<40960x128xf32, #tpu.memory_space<hbm>>
      tpu.enqueue_indirect_dma source(%dma_start3A_273 : memref<40960x128xf32, #tpu.memory_space<hbm>>) target(%arg9 : memref<128x128xf32, #tpu.memory_space<vmem>>) offsets(%dma_start3A_270 : memref<128xi32, #tpu.memory_space<vmem>>) semaphore(%arg12 : memref<!tpu.dma_semaphore, #tpu.memory_space<semaphore_mem>>)
      %dma_wait3A = arith.constant 0 : i32
      %dma_wait3A_274 = arith.constant 0 : i32
      %dma_wait3A_275 = tpu.memref_slice %arg2[%dma_wait3A, %dma_wait3A_274] : memref<40960x128xf32, #tpu.memory_space<hbm>> -> memref<128x128xf32, #tpu.memory_space<hbm>>
      %dma_wait3A_276 = arith.constant 0 : i32
      %dma_wait3A_277 = arith.constant 0 : i32
      %dma_wait3A_278 = tpu.memref_slice %arg2[%dma_wait3A_276, %dma_wait3A_277] : memref<40960x128xf32, #tpu.memory_space<hbm>> -> memref<128x128xf32, #tpu.memory_space<hbm>>
      tpu.wait_dma2 semaphore(%arg11 : memref<!tpu.dma_semaphore, #tpu.memory_space<semaphore_mem>>) src(%dma_wait3A_278 : memref<128x128xf32, #tpu.memory_space<hbm>>) dst(%arg8 : memref<128x128xf32, #tpu.memory_space<vmem>>)
      "tpu.region"() ({
        %run_scoped3A = tpu.sem_alloc : memref<!tpu.dma_semaphore, #tpu.memory_space<semaphore_mem>>
        %dma_start3A_292 = arith.constant 0 : i32
        %dma_start3A_293 = tpu.memref_slice %arg7[%mul3A_265, %dma_start3A_292] : memref<40x128xi32, #tpu.memory_space<vmem>> -> memref<1x128xi32, #tpu.memory_space<vmem>>
        %dma_start3A_294 = tpu.memref_squeeze %dma_start3A_293 : memref<1x128xi32, #tpu.memory_space<vmem>> -> memref<128xi32, #tpu.memory_space<vmem>>
        %dma_start3A_295 = arith.constant 0 : i32
        %dma_start3A_296 = arith.constant 0 : i32
        %dma_start3A_297 = tpu.memref_slice %arg10[%dma_start3A_295, %dma_start3A_296] : memref<10240x128xf32, #tpu.memory_space<vmem_shared>> -> memref<10240x128xf32, #tpu.memory_space<vmem_shared>>
        tpu.enqueue_indirect_dma source(%arg8 : memref<128x128xf32, #tpu.memory_space<vmem>>) target(%dma_start3A_297 : memref<10240x128xf32, #tpu.memory_space<vmem_shared>>) offsets(%dma_start3A_294 : memref<128xi32, #tpu.memory_space<vmem>>) semaphore(%run_scoped3A : memref<!tpu.dma_semaphore, #tpu.memory_space<semaphore_mem>>) {add = true}
        %dma_wait3A_298 = arith.constant 0 : i32
        %dma_wait3A_299 = tpu.memref_slice %arg7[%mul3A_265, %dma_wait3A_298] : memref<40x128xi32, #tpu.memory_space<vmem>> -> memref<1x128xi32, #tpu.memory_space<vmem>>
        %dma_wait3A_300 = tpu.memref_squeeze %dma_wait3A_299 : memref<1x128xi32, #tpu.memory_space<vmem>> -> memref<128xi32, #tpu.memory_space<vmem>>
        %dma_wait3A_301 = arith.constant 0 : i32
        %dma_wait3A_302 = arith.constant 0 : i32
        %dma_wait3A_303 = tpu.memref_slice %arg10[%dma_wait3A_301, %dma_wait3A_302] : memref<10240x128xf32, #tpu.memory_space<vmem_shared>> -> memref<10240x128xf32, #tpu.memory_space<vmem_shared>>
        tpu.wait_indirect_dma semaphore(%run_scoped3A : memref<!tpu.dma_semaphore, #tpu.memory_space<semaphore_mem>>) src(%arg8 : memref<128x128xf32, #tpu.memory_space<vmem>>) dst(%dma_wait3A_303 : memref<10240x128xf32, #tpu.memory_space<vmem_shared>>)
        tpu.yield
      }) : () -> ()
      %add3A_279 = arith.constant 2 : i32
      %add3A_280 = arith.addi %mul3A_265, %add3A_279 : i32
      %lt3A = arith.constant 40 : i32
      %lt3A_281 = arith.cmpi slt, %add3A_280, %lt3A : i32
      %convert_element_type3A = arith.extui %lt3A_281 : i1 to i32
      %cond3A = arith.constant 0 : i32
      %cond3A_282 = arith.cmpi ne, %convert_element_type3A, %cond3A : i32
      scf.if %cond3A_282 {
        %add3A_292 = arith.constant 2 : i32
        %add3A_293 = arith.addi %mul3A_265, %add3A_292 : i32
        %dma_start3A_294 = arith.constant 0 : i32
        %dma_start3A_295 = tpu.memref_slice %arg6[%add3A_293, %dma_start3A_294] : memref<40x128xi32, #tpu.memory_space<vmem>> -> memref<1x128xi32, #tpu.memory_space<vmem>>
        %dma_start3A_296 = tpu.memref_squeeze %dma_start3A_295 : memref<1x128xi32, #tpu.memory_space<vmem>> -> memref<128xi32, #tpu.memory_space<vmem>>
        %dma_start3A_297 = arith.constant 0 : i32
        %dma_start3A_298 = arith.constant 0 : i32
        %dma_start3A_299 = tpu.memref_slice %arg2[%dma_start3A_297, %dma_start3A_298] : memref<40960x128xf32, #tpu.memory_space<hbm>> -> memref<40960x128xf32, #tpu.memory_space<hbm>>
        tpu.enqueue_indirect_dma source(%dma_start3A_299 : memref<40960x128xf32, #tpu.memory_space<hbm>>) target(%arg8 : memref<128x128xf32, #tpu.memory_space<vmem>>) offsets(%dma_start3A_296 : memref<128xi32, #tpu.memory_space<vmem>>) semaphore(%arg11 : memref<!tpu.dma_semaphore, #tpu.memory_space<semaphore_mem>>)
      } else {
      }
      %dma_wait3A_283 = arith.constant 0 : i32
      %dma_wait3A_284 = arith.constant 0 : i32
      %dma_wait3A_285 = tpu.memref_slice %arg2[%dma_wait3A_283, %dma_wait3A_284] : memref<40960x128xf32, #tpu.memory_space<hbm>> -> memref<128x128xf32, #tpu.memory_space<hbm>>
      %dma_wait3A_286 = arith.constant 0 : i32
      %dma_wait3A_287 = arith.constant 0 : i32
      %dma_wait3A_288 = tpu.memref_slice %arg2[%dma_wait3A_286, %dma_wait3A_287] : memref<40960x128xf32, #tpu.memory_space<hbm>> -> memref<128x128xf32, #tpu.memory_space<hbm>>
      tpu.wait_dma2 semaphore(%arg12 : memref<!tpu.dma_semaphore, #tpu.memory_space<semaphore_mem>>) src(%dma_wait3A_288 : memref<128x128xf32, #tpu.memory_space<hbm>>) dst(%arg9 : memref<128x128xf32, #tpu.memory_space<vmem>>)
      %add3A_289 = arith.constant 1 : i32
      %add3A_290 = arith.addi %mul3A_265, %add3A_289 : i32
      "tpu.region"() ({
        %run_scoped3A = tpu.sem_alloc : memref<!tpu.dma_semaphore, #tpu.memory_space<semaphore_mem>>
        %dma_start3A_292 = arith.constant 0 : i32
        %dma_start3A_293 = tpu.memref_slice %arg7[%add3A_290, %dma_start3A_292] : memref<40x128xi32, #tpu.memory_space<vmem>> -> memref<1x128xi32, #tpu.memory_space<vmem>>
        %dma_start3A_294 = tpu.memref_squeeze %dma_start3A_293 : memref<1x128xi32, #tpu.memory_space<vmem>> -> memref<128xi32, #tpu.memory_space<vmem>>
        %dma_start3A_295 = arith.constant 0 : i32
        %dma_start3A_296 = arith.constant 0 : i32
        %dma_start3A_297 = tpu.memref_slice %arg10[%dma_start3A_295, %dma_start3A_296] : memref<10240x128xf32, #tpu.memory_space<vmem_shared>> -> memref<10240x128xf32, #tpu.memory_space<vmem_shared>>
        tpu.enqueue_indirect_dma source(%arg9 : memref<128x128xf32, #tpu.memory_space<vmem>>) target(%dma_start3A_297 : memref<10240x128xf32, #tpu.memory_space<vmem_shared>>) offsets(%dma_start3A_294 : memref<128xi32, #tpu.memory_space<vmem>>) semaphore(%run_scoped3A : memref<!tpu.dma_semaphore, #tpu.memory_space<semaphore_mem>>) {add = true}
        %dma_wait3A_298 = arith.constant 0 : i32
        %dma_wait3A_299 = tpu.memref_slice %arg7[%add3A_290, %dma_wait3A_298] : memref<40x128xi32, #tpu.memory_space<vmem>> -> memref<1x128xi32, #tpu.memory_space<vmem>>
        %dma_wait3A_300 = tpu.memref_squeeze %dma_wait3A_299 : memref<1x128xi32, #tpu.memory_space<vmem>> -> memref<128xi32, #tpu.memory_space<vmem>>
        %dma_wait3A_301 = arith.constant 0 : i32
        %dma_wait3A_302 = arith.constant 0 : i32
        %dma_wait3A_303 = tpu.memref_slice %arg10[%dma_wait3A_301, %dma_wait3A_302] : memref<10240x128xf32, #tpu.memory_space<vmem_shared>> -> memref<10240x128xf32, #tpu.memory_space<vmem_shared>>
        tpu.wait_indirect_dma semaphore(%run_scoped3A : memref<!tpu.dma_semaphore, #tpu.memory_space<semaphore_mem>>) src(%arg9 : memref<128x128xf32, #tpu.memory_space<vmem>>) dst(%dma_wait3A_303 : memref<10240x128xf32, #tpu.memory_space<vmem_shared>>)
        tpu.yield
      }) : () -> ()
      %scan3A_291 = arith.constant 0 : i32
      scf.yield %scan3A_291 : i32
    }
    %scan3A_52 = arith.constant 20 : i32
    %barrier3A_53 = arith.constant 0 : index
    tpu.barrier barrier_id(%barrier3A_53)
    %mul3A_54 = arith.constant 640 : i32
    %mul3A_55 = arith.muli %arg1, %mul3A_54 : i32
    %add3A_56 = arith.constant 0 : i32
    %add3A_57 = arith.addi %add3A_56, %arg0 : i32
    %mul3A_58 = arith.constant 10240 : i32
    %mul3A_59 = arith.muli %add3A_57, %mul3A_58 : i32
    %mul3A_60 = arith.constant 640 : i32
    %mul3A_61 = arith.muli %arg1, %mul3A_60 : i32
    %add3A_62 = arith.addi %mul3A_59, %mul3A_61 : i32
    "tpu.region"() ({
      %run_scoped3A = tpu.sem_alloc : memref<!tpu.dma_semaphore, #tpu.memory_space<semaphore_mem>>
      %dma_start3A_262 = arith.constant 0 : i32
      %dma_start3A_263 = tpu.memref_slice %arg5[%add3A_62, %dma_start3A_262] : memref<81920x128xf32, #tpu.memory_space<hbm>> -> memref<640x128xf32, #tpu.memory_space<hbm>>
      %dma_start3A_264 = arith.constant 0 : i32
      %dma_start3A_265 = tpu.memref_slice %arg10[%mul3A_55, %dma_start3A_264] : memref<10240x128xf32, #tpu.memory_space<vmem_shared>> -> memref<640x128xf32, #tpu.memory_space<vmem_shared>>
      tpu.enqueue_dma source(%dma_start3A_265 : memref<640x128xf32, #tpu.memory_space<vmem_shared>>) target(%dma_start3A_263 : memref<640x128xf32, #tpu.memory_space<hbm>>) target_semaphore(%run_scoped3A : memref<!tpu.dma_semaphore, #tpu.memory_space<semaphore_mem>>)
      %dma_wait3A = arith.constant 0 : i32
      %dma_wait3A_266 = tpu.memref_slice %arg5[%add3A_62, %dma_wait3A] : memref<81920x128xf32, #tpu.memory_space<hbm>> -> memref<640x128xf32, #tpu.memory_space<hbm>>
      %dma_wait3A_267 = arith.constant 0 : i32
      %dma_wait3A_268 = tpu.memref_slice %arg10[%mul3A_55, %dma_wait3A_267] : memref<10240x128xf32, #tpu.memory_space<vmem_shared>> -> memref<640x128xf32, #tpu.memory_space<vmem_shared>>
      tpu.wait_dma2 semaphore(%run_scoped3A : memref<!tpu.dma_semaphore, #tpu.memory_space<semaphore_mem>>) src(%dma_wait3A_268 : memref<640x128xf32, #tpu.memory_space<vmem_shared>>) dst(%dma_wait3A_266 : memref<640x128xf32, #tpu.memory_space<hbm>>)
      tpu.yield
    }) : () -> ()
    %barrier3A_63 = arith.constant 0 : index
    tpu.barrier barrier_id(%barrier3A_63)
    %mul3A_64 = arith.constant 640 : i32
    %mul3A_65 = arith.muli %arg1, %mul3A_64 : i32
    %add3A_66 = arith.constant 10240 : i32
    %add3A_67 = arith.addi %add3A_66, %mul3A_65 : i32
    %mul3A_68 = arith.constant 640 : i32
    %mul3A_69 = arith.muli %arg1, %mul3A_68 : i32
    "tpu.region"() ({
      %run_scoped3A = tpu.sem_alloc : memref<!tpu.dma_semaphore, #tpu.memory_space<semaphore_mem>>
      %dma_start3A_262 = arith.constant 0 : i32
      %dma_start3A_263 = tpu.memref_slice %arg10[%mul3A_69, %dma_start3A_262] : memref<10240x128xf32, #tpu.memory_space<vmem_shared>> -> memref<640x128xf32, #tpu.memory_space<vmem_shared>>
      %dma_start3A_264 = arith.constant 0 : i32
      %dma_start3A_265 = tpu.memref_slice %arg2[%add3A_67, %dma_start3A_264] : memref<40960x128xf32, #tpu.memory_space<hbm>> -> memref<640x128xf32, #tpu.memory_space<hbm>>
      tpu.enqueue_dma source(%dma_start3A_265 : memref<640x128xf32, #tpu.memory_space<hbm>>) target(%dma_start3A_263 : memref<640x128xf32, #tpu.memory_space<vmem_shared>>) target_semaphore(%run_scoped3A : memref<!tpu.dma_semaphore, #tpu.memory_space<semaphore_mem>>)
      %dma_wait3A = arith.constant 0 : i32
      %dma_wait3A_266 = tpu.memref_slice %arg10[%mul3A_69, %dma_wait3A] : memref<10240x128xf32, #tpu.memory_space<vmem_shared>> -> memref<640x128xf32, #tpu.memory_space<vmem_shared>>
      %dma_wait3A_267 = arith.constant 0 : i32
      %dma_wait3A_268 = tpu.memref_slice %arg2[%add3A_67, %dma_wait3A_267] : memref<40960x128xf32, #tpu.memory_space<hbm>> -> memref<640x128xf32, #tpu.memory_space<hbm>>
      tpu.wait_dma2 semaphore(%run_scoped3A : memref<!tpu.dma_semaphore, #tpu.memory_space<semaphore_mem>>) src(%dma_wait3A_268 : memref<640x128xf32, #tpu.memory_space<hbm>>) dst(%dma_wait3A_266 : memref<640x128xf32, #tpu.memory_space<vmem_shared>>)
      tpu.yield
    }) : () -> ()
    %add3A_70 = arith.constant 32 : i32
    %add3A_71 = arith.addi %add3A_70, %add3A : i32
    %mul3A_72 = arith.constant 80 : i32
    %mul3A_73 = arith.muli %add3A_71, %mul3A_72 : i32
    "tpu.region"() ({
      %run_scoped3A = tpu.sem_alloc : memref<!tpu.dma_semaphore, #tpu.memory_space<semaphore_mem>>
      %dma_start3A_262 = arith.constant 0 : i32
      %dma_start3A_263 = tpu.memref_slice %arg3[%mul3A_73, %dma_start3A_262] : memref<10240x128xi32, #tpu.memory_space<hbm>> -> memref<40x128xi32, #tpu.memory_space<hbm>>
      %dma_start3A_264 = arith.constant 0 : i32
      %dma_start3A_265 = tpu.memref_slice %arg3[%mul3A_73, %dma_start3A_264] : memref<10240x128xi32, #tpu.memory_space<hbm>> -> memref<40x128xi32, #tpu.memory_space<hbm>>
      tpu.enqueue_dma source(%dma_start3A_265 : memref<40x128xi32, #tpu.memory_space<hbm>>) target(%arg6 : memref<40x128xi32, #tpu.memory_space<vmem>>) target_semaphore(%run_scoped3A : memref<!tpu.dma_semaphore, #tpu.memory_space<semaphore_mem>>)
      %dma_wait3A = arith.constant 0 : i32
      %dma_wait3A_266 = tpu.memref_slice %arg3[%mul3A_73, %dma_wait3A] : memref<10240x128xi32, #tpu.memory_space<hbm>> -> memref<40x128xi32, #tpu.memory_space<hbm>>
      %dma_wait3A_267 = arith.constant 0 : i32
      %dma_wait3A_268 = tpu.memref_slice %arg3[%mul3A_73, %dma_wait3A_267] : memref<10240x128xi32, #tpu.memory_space<hbm>> -> memref<40x128xi32, #tpu.memory_space<hbm>>
      tpu.wait_dma2 semaphore(%run_scoped3A : memref<!tpu.dma_semaphore, #tpu.memory_space<semaphore_mem>>) src(%dma_wait3A_268 : memref<40x128xi32, #tpu.memory_space<hbm>>) dst(%arg6 : memref<40x128xi32, #tpu.memory_space<vmem>>)
      tpu.yield
    }) : () -> ()
    %add3A_74 = arith.constant 32 : i32
    %add3A_75 = arith.addi %add3A_74, %add3A : i32
    %mul3A_76 = arith.constant 80 : i32
    %mul3A_77 = arith.muli %add3A_75, %mul3A_76 : i32
    "tpu.region"() ({
      %run_scoped3A = tpu.sem_alloc : memref<!tpu.dma_semaphore, #tpu.memory_space<semaphore_mem>>
      %dma_start3A_262 = arith.constant 0 : i32
      %dma_start3A_263 = tpu.memref_slice %arg4[%mul3A_77, %dma_start3A_262] : memref<10240x128xi32, #tpu.memory_space<hbm>> -> memref<40x128xi32, #tpu.memory_space<hbm>>
      %dma_start3A_264 = arith.constant 0 : i32
      %dma_start3A_265 = tpu.memref_slice %arg4[%mul3A_77, %dma_start3A_264] : memref<10240x128xi32, #tpu.memory_space<hbm>> -> memref<40x128xi32, #tpu.memory_space<hbm>>
      tpu.enqueue_dma source(%dma_start3A_265 : memref<40x128xi32, #tpu.memory_space<hbm>>) target(%arg7 : memref<40x128xi32, #tpu.memory_space<vmem>>) target_semaphore(%run_scoped3A : memref<!tpu.dma_semaphore, #tpu.memory_space<semaphore_mem>>)
      %dma_wait3A = arith.constant 0 : i32
      %dma_wait3A_266 = tpu.memref_slice %arg4[%mul3A_77, %dma_wait3A] : memref<10240x128xi32, #tpu.memory_space<hbm>> -> memref<40x128xi32, #tpu.memory_space<hbm>>
      %dma_wait3A_267 = arith.constant 0 : i32
      %dma_wait3A_268 = tpu.memref_slice %arg4[%mul3A_77, %dma_wait3A_267] : memref<10240x128xi32, #tpu.memory_space<hbm>> -> memref<40x128xi32, #tpu.memory_space<hbm>>
      tpu.wait_dma2 semaphore(%run_scoped3A : memref<!tpu.dma_semaphore, #tpu.memory_space<semaphore_mem>>) src(%dma_wait3A_268 : memref<40x128xi32, #tpu.memory_space<hbm>>) dst(%arg7 : memref<40x128xi32, #tpu.memory_space<vmem>>)
      tpu.yield
    }) : () -> ()
    %barrier3A_78 = arith.constant 0 : index
    tpu.barrier barrier_id(%barrier3A_78)
    %dma_start3A_79 = arith.constant 0 : i32
    %dma_start3A_80 = arith.constant 0 : i32
    %dma_start3A_81 = tpu.memref_slice %arg6[%dma_start3A_79, %dma_start3A_80] : memref<40x128xi32, #tpu.memory_space<vmem>> -> memref<1x128xi32, #tpu.memory_space<vmem>>
    %dma_start3A_82 = tpu.memref_squeeze %dma_start3A_81 : memref<1x128xi32, #tpu.memory_space<vmem>> -> memref<128xi32, #tpu.memory_space<vmem>>
    %dma_start3A_83 = arith.constant 0 : i32
    %dma_start3A_84 = arith.constant 0 : i32
    %dma_start3A_85 = tpu.memref_slice %arg2[%dma_start3A_83, %dma_start3A_84] : memref<40960x128xf32, #tpu.memory_space<hbm>> -> memref<40960x128xf32, #tpu.memory_space<hbm>>
    tpu.enqueue_indirect_dma source(%dma_start3A_85 : memref<40960x128xf32, #tpu.memory_space<hbm>>) target(%arg8 : memref<128x128xf32, #tpu.memory_space<vmem>>) offsets(%dma_start3A_82 : memref<128xi32, #tpu.memory_space<vmem>>) semaphore(%arg11 : memref<!tpu.dma_semaphore, #tpu.memory_space<semaphore_mem>>)
    %scan3A_86 = arith.constant 0 : i32
    %scan3A_87 = arith.constant 0 : i32
    %scan3A_88 = arith.constant 20 : i32
    %scan3A_89 = arith.addi %scan3A_87, %scan3A_88 : i32
    %scan3A_90 = arith.constant 1 : i32
    %scan3A_91 = scf.for %scan3A_262 = %scan3A_87 to %scan3A_89 step %scan3A_90 iter_args(%scan3A_263 = %scan3A_86) -> (i32)  : i32 {
      %mul3A_264 = arith.constant 2 : i32
      %mul3A_265 = arith.muli %mul3A_264, %scan3A_262 : i32
      %add3A_266 = arith.constant 1 : i32
      %add3A_267 = arith.addi %mul3A_265, %add3A_266 : i32
      %dma_start3A_268 = arith.constant 0 : i32
      %dma_start3A_269 = tpu.memref_slice %arg6[%add3A_267, %dma_start3A_268] : memref<40x128xi32, #tpu.memory_space<vmem>> -> memref<1x128xi32, #tpu.memory_space<vmem>>
      %dma_start3A_270 = tpu.memref_squeeze %dma_start3A_269 : memref<1x128xi32, #tpu.memory_space<vmem>> -> memref<128xi32, #tpu.memory_space<vmem>>
      %dma_start3A_271 = arith.constant 0 : i32
      %dma_start3A_272 = arith.constant 0 : i32
      %dma_start3A_273 = tpu.memref_slice %arg2[%dma_start3A_271, %dma_start3A_272] : memref<40960x128xf32, #tpu.memory_space<hbm>> -> memref<40960x128xf32, #tpu.memory_space<hbm>>
      tpu.enqueue_indirect_dma source(%dma_start3A_273 : memref<40960x128xf32, #tpu.memory_space<hbm>>) target(%arg9 : memref<128x128xf32, #tpu.memory_space<vmem>>) offsets(%dma_start3A_270 : memref<128xi32, #tpu.memory_space<vmem>>) semaphore(%arg12 : memref<!tpu.dma_semaphore, #tpu.memory_space<semaphore_mem>>)
      %dma_wait3A = arith.constant 0 : i32
      %dma_wait3A_274 = arith.constant 0 : i32
      %dma_wait3A_275 = tpu.memref_slice %arg2[%dma_wait3A, %dma_wait3A_274] : memref<40960x128xf32, #tpu.memory_space<hbm>> -> memref<128x128xf32, #tpu.memory_space<hbm>>
      %dma_wait3A_276 = arith.constant 0 : i32
      %dma_wait3A_277 = arith.constant 0 : i32
      %dma_wait3A_278 = tpu.memref_slice %arg2[%dma_wait3A_276, %dma_wait3A_277] : memref<40960x128xf32, #tpu.memory_space<hbm>> -> memref<128x128xf32, #tpu.memory_space<hbm>>
      tpu.wait_dma2 semaphore(%arg11 : memref<!tpu.dma_semaphore, #tpu.memory_space<semaphore_mem>>) src(%dma_wait3A_278 : memref<128x128xf32, #tpu.memory_space<hbm>>) dst(%arg8 : memref<128x128xf32, #tpu.memory_space<vmem>>)
      "tpu.region"() ({
        %run_scoped3A = tpu.sem_alloc : memref<!tpu.dma_semaphore, #tpu.memory_space<semaphore_mem>>
        %dma_start3A_292 = arith.constant 0 : i32
        %dma_start3A_293 = tpu.memref_slice %arg7[%mul3A_265, %dma_start3A_292] : memref<40x128xi32, #tpu.memory_space<vmem>> -> memref<1x128xi32, #tpu.memory_space<vmem>>
        %dma_start3A_294 = tpu.memref_squeeze %dma_start3A_293 : memref<1x128xi32, #tpu.memory_space<vmem>> -> memref<128xi32, #tpu.memory_space<vmem>>
        %dma_start3A_295 = arith.constant 0 : i32
        %dma_start3A_296 = arith.constant 0 : i32
        %dma_start3A_297 = tpu.memref_slice %arg10[%dma_start3A_295, %dma_start3A_296] : memref<10240x128xf32, #tpu.memory_space<vmem_shared>> -> memref<10240x128xf32, #tpu.memory_space<vmem_shared>>
        tpu.enqueue_indirect_dma source(%arg8 : memref<128x128xf32, #tpu.memory_space<vmem>>) target(%dma_start3A_297 : memref<10240x128xf32, #tpu.memory_space<vmem_shared>>) offsets(%dma_start3A_294 : memref<128xi32, #tpu.memory_space<vmem>>) semaphore(%run_scoped3A : memref<!tpu.dma_semaphore, #tpu.memory_space<semaphore_mem>>) {add = true}
        %dma_wait3A_298 = arith.constant 0 : i32
        %dma_wait3A_299 = tpu.memref_slice %arg7[%mul3A_265, %dma_wait3A_298] : memref<40x128xi32, #tpu.memory_space<vmem>> -> memref<1x128xi32, #tpu.memory_space<vmem>>
        %dma_wait3A_300 = tpu.memref_squeeze %dma_wait3A_299 : memref<1x128xi32, #tpu.memory_space<vmem>> -> memref<128xi32, #tpu.memory_space<vmem>>
        %dma_wait3A_301 = arith.constant 0 : i32
        %dma_wait3A_302 = arith.constant 0 : i32
        %dma_wait3A_303 = tpu.memref_slice %arg10[%dma_wait3A_301, %dma_wait3A_302] : memref<10240x128xf32, #tpu.memory_space<vmem_shared>> -> memref<10240x128xf32, #tpu.memory_space<vmem_shared>>
        tpu.wait_indirect_dma semaphore(%run_scoped3A : memref<!tpu.dma_semaphore, #tpu.memory_space<semaphore_mem>>) src(%arg8 : memref<128x128xf32, #tpu.memory_space<vmem>>) dst(%dma_wait3A_303 : memref<10240x128xf32, #tpu.memory_space<vmem_shared>>)
        tpu.yield
      }) : () -> ()
      %add3A_279 = arith.constant 2 : i32
      %add3A_280 = arith.addi %mul3A_265, %add3A_279 : i32
      %lt3A = arith.constant 40 : i32
      %lt3A_281 = arith.cmpi slt, %add3A_280, %lt3A : i32
      %convert_element_type3A = arith.extui %lt3A_281 : i1 to i32
      %cond3A = arith.constant 0 : i32
      %cond3A_282 = arith.cmpi ne, %convert_element_type3A, %cond3A : i32
      scf.if %cond3A_282 {
        %add3A_292 = arith.constant 2 : i32
        %add3A_293 = arith.addi %mul3A_265, %add3A_292 : i32
        %dma_start3A_294 = arith.constant 0 : i32
        %dma_start3A_295 = tpu.memref_slice %arg6[%add3A_293, %dma_start3A_294] : memref<40x128xi32, #tpu.memory_space<vmem>> -> memref<1x128xi32, #tpu.memory_space<vmem>>
        %dma_start3A_296 = tpu.memref_squeeze %dma_start3A_295 : memref<1x128xi32, #tpu.memory_space<vmem>> -> memref<128xi32, #tpu.memory_space<vmem>>
        %dma_start3A_297 = arith.constant 0 : i32
        %dma_start3A_298 = arith.constant 0 : i32
        %dma_start3A_299 = tpu.memref_slice %arg2[%dma_start3A_297, %dma_start3A_298] : memref<40960x128xf32, #tpu.memory_space<hbm>> -> memref<40960x128xf32, #tpu.memory_space<hbm>>
        tpu.enqueue_indirect_dma source(%dma_start3A_299 : memref<40960x128xf32, #tpu.memory_space<hbm>>) target(%arg8 : memref<128x128xf32, #tpu.memory_space<vmem>>) offsets(%dma_start3A_296 : memref<128xi32, #tpu.memory_space<vmem>>) semaphore(%arg11 : memref<!tpu.dma_semaphore, #tpu.memory_space<semaphore_mem>>)
      } else {
      }
      %dma_wait3A_283 = arith.constant 0 : i32
      %dma_wait3A_284 = arith.constant 0 : i32
      %dma_wait3A_285 = tpu.memref_slice %arg2[%dma_wait3A_283, %dma_wait3A_284] : memref<40960x128xf32, #tpu.memory_space<hbm>> -> memref<128x128xf32, #tpu.memory_space<hbm>>
      %dma_wait3A_286 = arith.constant 0 : i32
      %dma_wait3A_287 = arith.constant 0 : i32
      %dma_wait3A_288 = tpu.memref_slice %arg2[%dma_wait3A_286, %dma_wait3A_287] : memref<40960x128xf32, #tpu.memory_space<hbm>> -> memref<128x128xf32, #tpu.memory_space<hbm>>
      tpu.wait_dma2 semaphore(%arg12 : memref<!tpu.dma_semaphore, #tpu.memory_space<semaphore_mem>>) src(%dma_wait3A_288 : memref<128x128xf32, #tpu.memory_space<hbm>>) dst(%arg9 : memref<128x128xf32, #tpu.memory_space<vmem>>)
      %add3A_289 = arith.constant 1 : i32
      %add3A_290 = arith.addi %mul3A_265, %add3A_289 : i32
      "tpu.region"() ({
        %run_scoped3A = tpu.sem_alloc : memref<!tpu.dma_semaphore, #tpu.memory_space<semaphore_mem>>
        %dma_start3A_292 = arith.constant 0 : i32
        %dma_start3A_293 = tpu.memref_slice %arg7[%add3A_290, %dma_start3A_292] : memref<40x128xi32, #tpu.memory_space<vmem>> -> memref<1x128xi32, #tpu.memory_space<vmem>>
        %dma_start3A_294 = tpu.memref_squeeze %dma_start3A_293 : memref<1x128xi32, #tpu.memory_space<vmem>> -> memref<128xi32, #tpu.memory_space<vmem>>
        %dma_start3A_295 = arith.constant 0 : i32
        %dma_start3A_296 = arith.constant 0 : i32
        %dma_start3A_297 = tpu.memref_slice %arg10[%dma_start3A_295, %dma_start3A_296] : memref<10240x128xf32, #tpu.memory_space<vmem_shared>> -> memref<10240x128xf32, #tpu.memory_space<vmem_shared>>
        tpu.enqueue_indirect_dma source(%arg9 : memref<128x128xf32, #tpu.memory_space<vmem>>) target(%dma_start3A_297 : memref<10240x128xf32, #tpu.memory_space<vmem_shared>>) offsets(%dma_start3A_294 : memref<128xi32, #tpu.memory_space<vmem>>) semaphore(%run_scoped3A : memref<!tpu.dma_semaphore, #tpu.memory_space<semaphore_mem>>) {add = true}
        %dma_wait3A_298 = arith.constant 0 : i32
        %dma_wait3A_299 = tpu.memref_slice %arg7[%add3A_290, %dma_wait3A_298] : memref<40x128xi32, #tpu.memory_space<vmem>> -> memref<1x128xi32, #tpu.memory_space<vmem>>
        %dma_wait3A_300 = tpu.memref_squeeze %dma_wait3A_299 : memref<1x128xi32, #tpu.memory_space<vmem>> -> memref<128xi32, #tpu.memory_space<vmem>>
        %dma_wait3A_301 = arith.constant 0 : i32
        %dma_wait3A_302 = arith.constant 0 : i32
        %dma_wait3A_303 = tpu.memref_slice %arg10[%dma_wait3A_301, %dma_wait3A_302] : memref<10240x128xf32, #tpu.memory_space<vmem_shared>> -> memref<10240x128xf32, #tpu.memory_space<vmem_shared>>
        tpu.wait_indirect_dma semaphore(%run_scoped3A : memref<!tpu.dma_semaphore, #tpu.memory_space<semaphore_mem>>) src(%arg9 : memref<128x128xf32, #tpu.memory_space<vmem>>) dst(%dma_wait3A_303 : memref<10240x128xf32, #tpu.memory_space<vmem_shared>>)
        tpu.yield
      }) : () -> ()
      %scan3A_291 = arith.constant 0 : i32
      scf.yield %scan3A_291 : i32
    }
    %scan3A_92 = arith.constant 20 : i32
    %add3A_93 = arith.constant 32 : i32
    %add3A_94 = arith.addi %add3A_93, %add3A : i32
    %mul3A_95 = arith.constant 80 : i32
    %mul3A_96 = arith.muli %add3A_94, %mul3A_95 : i32
    %add3A_97 = arith.constant 40 : i32
    %add3A_98 = arith.addi %mul3A_96, %add3A_97 : i32
    "tpu.region"() ({
      %run_scoped3A = tpu.sem_alloc : memref<!tpu.dma_semaphore, #tpu.memory_space<semaphore_mem>>
      %dma_start3A_262 = arith.constant 0 : i32
      %dma_start3A_263 = tpu.memref_slice %arg3[%add3A_98, %dma_start3A_262] : memref<10240x128xi32, #tpu.memory_space<hbm>> -> memref<40x128xi32, #tpu.memory_space<hbm>>
      %dma_start3A_264 = arith.constant 0 : i32
      %dma_start3A_265 = tpu.memref_slice %arg3[%add3A_98, %dma_start3A_264] : memref<10240x128xi32, #tpu.memory_space<hbm>> -> memref<40x128xi32, #tpu.memory_space<hbm>>
      tpu.enqueue_dma source(%dma_start3A_265 : memref<40x128xi32, #tpu.memory_space<hbm>>) target(%arg6 : memref<40x128xi32, #tpu.memory_space<vmem>>) target_semaphore(%run_scoped3A : memref<!tpu.dma_semaphore, #tpu.memory_space<semaphore_mem>>)
      %dma_wait3A = arith.constant 0 : i32
      %dma_wait3A_266 = tpu.memref_slice %arg3[%add3A_98, %dma_wait3A] : memref<10240x128xi32, #tpu.memory_space<hbm>> -> memref<40x128xi32, #tpu.memory_space<hbm>>
      %dma_wait3A_267 = arith.constant 0 : i32
      %dma_wait3A_268 = tpu.memref_slice %arg3[%add3A_98, %dma_wait3A_267] : memref<10240x128xi32, #tpu.memory_space<hbm>> -> memref<40x128xi32, #tpu.memory_space<hbm>>
      tpu.wait_dma2 semaphore(%run_scoped3A : memref<!tpu.dma_semaphore, #tpu.memory_space<semaphore_mem>>) src(%dma_wait3A_268 : memref<40x128xi32, #tpu.memory_space<hbm>>) dst(%arg6 : memref<40x128xi32, #tpu.memory_space<vmem>>)
      tpu.yield
    }) : () -> ()
    %add3A_99 = arith.constant 32 : i32
    %add3A_100 = arith.addi %add3A_99, %add3A : i32
    %mul3A_101 = arith.constant 80 : i32
    %mul3A_102 = arith.muli %add3A_100, %mul3A_101 : i32
    %add3A_103 = arith.constant 40 : i32
    %add3A_104 = arith.addi %mul3A_102, %add3A_103 : i32
    "tpu.region"() ({
      %run_scoped3A = tpu.sem_alloc : memref<!tpu.dma_semaphore, #tpu.memory_space<semaphore_mem>>
      %dma_start3A_262 = arith.constant 0 : i32
      %dma_start3A_263 = tpu.memref_slice %arg4[%add3A_104, %dma_start3A_262] : memref<10240x128xi32, #tpu.memory_space<hbm>> -> memref<40x128xi32, #tpu.memory_space<hbm>>
      %dma_start3A_264 = arith.constant 0 : i32
      %dma_start3A_265 = tpu.memref_slice %arg4[%add3A_104, %dma_start3A_264] : memref<10240x128xi32, #tpu.memory_space<hbm>> -> memref<40x128xi32, #tpu.memory_space<hbm>>
      tpu.enqueue_dma source(%dma_start3A_265 : memref<40x128xi32, #tpu.memory_space<hbm>>) target(%arg7 : memref<40x128xi32, #tpu.memory_space<vmem>>) target_semaphore(%run_scoped3A : memref<!tpu.dma_semaphore, #tpu.memory_space<semaphore_mem>>)
      %dma_wait3A = arith.constant 0 : i32
      %dma_wait3A_266 = tpu.memref_slice %arg4[%add3A_104, %dma_wait3A] : memref<10240x128xi32, #tpu.memory_space<hbm>> -> memref<40x128xi32, #tpu.memory_space<hbm>>
      %dma_wait3A_267 = arith.constant 0 : i32
      %dma_wait3A_268 = tpu.memref_slice %arg4[%add3A_104, %dma_wait3A_267] : memref<10240x128xi32, #tpu.memory_space<hbm>> -> memref<40x128xi32, #tpu.memory_space<hbm>>
      tpu.wait_dma2 semaphore(%run_scoped3A : memref<!tpu.dma_semaphore, #tpu.memory_space<semaphore_mem>>) src(%dma_wait3A_268 : memref<40x128xi32, #tpu.memory_space<hbm>>) dst(%arg7 : memref<40x128xi32, #tpu.memory_space<vmem>>)
      tpu.yield
    }) : () -> ()
    %dma_start3A_105 = arith.constant 0 : i32
    %dma_start3A_106 = arith.constant 0 : i32
    %dma_start3A_107 = tpu.memref_slice %arg6[%dma_start3A_105, %dma_start3A_106] : memref<40x128xi32, #tpu.memory_space<vmem>> -> memref<1x128xi32, #tpu.memory_space<vmem>>
    %dma_start3A_108 = tpu.memref_squeeze %dma_start3A_107 : memref<1x128xi32, #tpu.memory_space<vmem>> -> memref<128xi32, #tpu.memory_space<vmem>>
    %dma_start3A_109 = arith.constant 0 : i32
    %dma_start3A_110 = arith.constant 0 : i32
    %dma_start3A_111 = tpu.memref_slice %arg2[%dma_start3A_109, %dma_start3A_110] : memref<40960x128xf32, #tpu.memory_space<hbm>> -> memref<40960x128xf32, #tpu.memory_space<hbm>>
    tpu.enqueue_indirect_dma source(%dma_start3A_111 : memref<40960x128xf32, #tpu.memory_space<hbm>>) target(%arg8 : memref<128x128xf32, #tpu.memory_space<vmem>>) offsets(%dma_start3A_108 : memref<128xi32, #tpu.memory_space<vmem>>) semaphore(%arg11 : memref<!tpu.dma_semaphore, #tpu.memory_space<semaphore_mem>>)
    %scan3A_112 = arith.constant 0 : i32
    %scan3A_113 = arith.constant 0 : i32
    %scan3A_114 = arith.constant 20 : i32
    %scan3A_115 = arith.addi %scan3A_113, %scan3A_114 : i32
    %scan3A_116 = arith.constant 1 : i32
    %scan3A_117 = scf.for %scan3A_262 = %scan3A_113 to %scan3A_115 step %scan3A_116 iter_args(%scan3A_263 = %scan3A_112) -> (i32)  : i32 {
      %mul3A_264 = arith.constant 2 : i32
      %mul3A_265 = arith.muli %mul3A_264, %scan3A_262 : i32
      %add3A_266 = arith.constant 1 : i32
      %add3A_267 = arith.addi %mul3A_265, %add3A_266 : i32
      %dma_start3A_268 = arith.constant 0 : i32
      %dma_start3A_269 = tpu.memref_slice %arg6[%add3A_267, %dma_start3A_268] : memref<40x128xi32, #tpu.memory_space<vmem>> -> memref<1x128xi32, #tpu.memory_space<vmem>>
      %dma_start3A_270 = tpu.memref_squeeze %dma_start3A_269 : memref<1x128xi32, #tpu.memory_space<vmem>> -> memref<128xi32, #tpu.memory_space<vmem>>
      %dma_start3A_271 = arith.constant 0 : i32
      %dma_start3A_272 = arith.constant 0 : i32
      %dma_start3A_273 = tpu.memref_slice %arg2[%dma_start3A_271, %dma_start3A_272] : memref<40960x128xf32, #tpu.memory_space<hbm>> -> memref<40960x128xf32, #tpu.memory_space<hbm>>
      tpu.enqueue_indirect_dma source(%dma_start3A_273 : memref<40960x128xf32, #tpu.memory_space<hbm>>) target(%arg9 : memref<128x128xf32, #tpu.memory_space<vmem>>) offsets(%dma_start3A_270 : memref<128xi32, #tpu.memory_space<vmem>>) semaphore(%arg12 : memref<!tpu.dma_semaphore, #tpu.memory_space<semaphore_mem>>)
      %dma_wait3A = arith.constant 0 : i32
      %dma_wait3A_274 = arith.constant 0 : i32
      %dma_wait3A_275 = tpu.memref_slice %arg2[%dma_wait3A, %dma_wait3A_274] : memref<40960x128xf32, #tpu.memory_space<hbm>> -> memref<128x128xf32, #tpu.memory_space<hbm>>
      %dma_wait3A_276 = arith.constant 0 : i32
      %dma_wait3A_277 = arith.constant 0 : i32
      %dma_wait3A_278 = tpu.memref_slice %arg2[%dma_wait3A_276, %dma_wait3A_277] : memref<40960x128xf32, #tpu.memory_space<hbm>> -> memref<128x128xf32, #tpu.memory_space<hbm>>
      tpu.wait_dma2 semaphore(%arg11 : memref<!tpu.dma_semaphore, #tpu.memory_space<semaphore_mem>>) src(%dma_wait3A_278 : memref<128x128xf32, #tpu.memory_space<hbm>>) dst(%arg8 : memref<128x128xf32, #tpu.memory_space<vmem>>)
      "tpu.region"() ({
        %run_scoped3A = tpu.sem_alloc : memref<!tpu.dma_semaphore, #tpu.memory_space<semaphore_mem>>
        %dma_start3A_292 = arith.constant 0 : i32
        %dma_start3A_293 = tpu.memref_slice %arg7[%mul3A_265, %dma_start3A_292] : memref<40x128xi32, #tpu.memory_space<vmem>> -> memref<1x128xi32, #tpu.memory_space<vmem>>
        %dma_start3A_294 = tpu.memref_squeeze %dma_start3A_293 : memref<1x128xi32, #tpu.memory_space<vmem>> -> memref<128xi32, #tpu.memory_space<vmem>>
        %dma_start3A_295 = arith.constant 0 : i32
        %dma_start3A_296 = arith.constant 0 : i32
        %dma_start3A_297 = tpu.memref_slice %arg10[%dma_start3A_295, %dma_start3A_296] : memref<10240x128xf32, #tpu.memory_space<vmem_shared>> -> memref<10240x128xf32, #tpu.memory_space<vmem_shared>>
        tpu.enqueue_indirect_dma source(%arg8 : memref<128x128xf32, #tpu.memory_space<vmem>>) target(%dma_start3A_297 : memref<10240x128xf32, #tpu.memory_space<vmem_shared>>) offsets(%dma_start3A_294 : memref<128xi32, #tpu.memory_space<vmem>>) semaphore(%run_scoped3A : memref<!tpu.dma_semaphore, #tpu.memory_space<semaphore_mem>>) {add = true}
        %dma_wait3A_298 = arith.constant 0 : i32
        %dma_wait3A_299 = tpu.memref_slice %arg7[%mul3A_265, %dma_wait3A_298] : memref<40x128xi32, #tpu.memory_space<vmem>> -> memref<1x128xi32, #tpu.memory_space<vmem>>
        %dma_wait3A_300 = tpu.memref_squeeze %dma_wait3A_299 : memref<1x128xi32, #tpu.memory_space<vmem>> -> memref<128xi32, #tpu.memory_space<vmem>>
        %dma_wait3A_301 = arith.constant 0 : i32
        %dma_wait3A_302 = arith.constant 0 : i32
        %dma_wait3A_303 = tpu.memref_slice %arg10[%dma_wait3A_301, %dma_wait3A_302] : memref<10240x128xf32, #tpu.memory_space<vmem_shared>> -> memref<10240x128xf32, #tpu.memory_space<vmem_shared>>
        tpu.wait_indirect_dma semaphore(%run_scoped3A : memref<!tpu.dma_semaphore, #tpu.memory_space<semaphore_mem>>) src(%arg8 : memref<128x128xf32, #tpu.memory_space<vmem>>) dst(%dma_wait3A_303 : memref<10240x128xf32, #tpu.memory_space<vmem_shared>>)
        tpu.yield
      }) : () -> ()
      %add3A_279 = arith.constant 2 : i32
      %add3A_280 = arith.addi %mul3A_265, %add3A_279 : i32
      %lt3A = arith.constant 40 : i32
      %lt3A_281 = arith.cmpi slt, %add3A_280, %lt3A : i32
      %convert_element_type3A = arith.extui %lt3A_281 : i1 to i32
      %cond3A = arith.constant 0 : i32
      %cond3A_282 = arith.cmpi ne, %convert_element_type3A, %cond3A : i32
      scf.if %cond3A_282 {
        %add3A_292 = arith.constant 2 : i32
        %add3A_293 = arith.addi %mul3A_265, %add3A_292 : i32
        %dma_start3A_294 = arith.constant 0 : i32
        %dma_start3A_295 = tpu.memref_slice %arg6[%add3A_293, %dma_start3A_294] : memref<40x128xi32, #tpu.memory_space<vmem>> -> memref<1x128xi32, #tpu.memory_space<vmem>>
        %dma_start3A_296 = tpu.memref_squeeze %dma_start3A_295 : memref<1x128xi32, #tpu.memory_space<vmem>> -> memref<128xi32, #tpu.memory_space<vmem>>
        %dma_start3A_297 = arith.constant 0 : i32
        %dma_start3A_298 = arith.constant 0 : i32
        %dma_start3A_299 = tpu.memref_slice %arg2[%dma_start3A_297, %dma_start3A_298] : memref<40960x128xf32, #tpu.memory_space<hbm>> -> memref<40960x128xf32, #tpu.memory_space<hbm>>
        tpu.enqueue_indirect_dma source(%dma_start3A_299 : memref<40960x128xf32, #tpu.memory_space<hbm>>) target(%arg8 : memref<128x128xf32, #tpu.memory_space<vmem>>) offsets(%dma_start3A_296 : memref<128xi32, #tpu.memory_space<vmem>>) semaphore(%arg11 : memref<!tpu.dma_semaphore, #tpu.memory_space<semaphore_mem>>)
      } else {
      }
      %dma_wait3A_283 = arith.constant 0 : i32
      %dma_wait3A_284 = arith.constant 0 : i32
      %dma_wait3A_285 = tpu.memref_slice %arg2[%dma_wait3A_283, %dma_wait3A_284] : memref<40960x128xf32, #tpu.memory_space<hbm>> -> memref<128x128xf32, #tpu.memory_space<hbm>>
      %dma_wait3A_286 = arith.constant 0 : i32
      %dma_wait3A_287 = arith.constant 0 : i32
      %dma_wait3A_288 = tpu.memref_slice %arg2[%dma_wait3A_286, %dma_wait3A_287] : memref<40960x128xf32, #tpu.memory_space<hbm>> -> memref<128x128xf32, #tpu.memory_space<hbm>>
      tpu.wait_dma2 semaphore(%arg12 : memref<!tpu.dma_semaphore, #tpu.memory_space<semaphore_mem>>) src(%dma_wait3A_288 : memref<128x128xf32, #tpu.memory_space<hbm>>) dst(%arg9 : memref<128x128xf32, #tpu.memory_space<vmem>>)
      %add3A_289 = arith.constant 1 : i32
      %add3A_290 = arith.addi %mul3A_265, %add3A_289 : i32
      "tpu.region"() ({
        %run_scoped3A = tpu.sem_alloc : memref<!tpu.dma_semaphore, #tpu.memory_space<semaphore_mem>>
        %dma_start3A_292 = arith.constant 0 : i32
        %dma_start3A_293 = tpu.memref_slice %arg7[%add3A_290, %dma_start3A_292] : memref<40x128xi32, #tpu.memory_space<vmem>> -> memref<1x128xi32, #tpu.memory_space<vmem>>
        %dma_start3A_294 = tpu.memref_squeeze %dma_start3A_293 : memref<1x128xi32, #tpu.memory_space<vmem>> -> memref<128xi32, #tpu.memory_space<vmem>>
        %dma_start3A_295 = arith.constant 0 : i32
        %dma_start3A_296 = arith.constant 0 : i32
        %dma_start3A_297 = tpu.memref_slice %arg10[%dma_start3A_295, %dma_start3A_296] : memref<10240x128xf32, #tpu.memory_space<vmem_shared>> -> memref<10240x128xf32, #tpu.memory_space<vmem_shared>>
        tpu.enqueue_indirect_dma source(%arg9 : memref<128x128xf32, #tpu.memory_space<vmem>>) target(%dma_start3A_297 : memref<10240x128xf32, #tpu.memory_space<vmem_shared>>) offsets(%dma_start3A_294 : memref<128xi32, #tpu.memory_space<vmem>>) semaphore(%run_scoped3A : memref<!tpu.dma_semaphore, #tpu.memory_space<semaphore_mem>>) {add = true}
        %dma_wait3A_298 = arith.constant 0 : i32
        %dma_wait3A_299 = tpu.memref_slice %arg7[%add3A_290, %dma_wait3A_298] : memref<40x128xi32, #tpu.memory_space<vmem>> -> memref<1x128xi32, #tpu.memory_space<vmem>>
        %dma_wait3A_300 = tpu.memref_squeeze %dma_wait3A_299 : memref<1x128xi32, #tpu.memory_space<vmem>> -> memref<128xi32, #tpu.memory_space<vmem>>
        %dma_wait3A_301 = arith.constant 0 : i32
        %dma_wait3A_302 = arith.constant 0 : i32
        %dma_wait3A_303 = tpu.memref_slice %arg10[%dma_wait3A_301, %dma_wait3A_302] : memref<10240x128xf32, #tpu.memory_space<vmem_shared>> -> memref<10240x128xf32, #tpu.memory_space<vmem_shared>>
        tpu.wait_indirect_dma semaphore(%run_scoped3A : memref<!tpu.dma_semaphore, #tpu.memory_space<semaphore_mem>>) src(%arg9 : memref<128x128xf32, #tpu.memory_space<vmem>>) dst(%dma_wait3A_303 : memref<10240x128xf32, #tpu.memory_space<vmem_shared>>)
        tpu.yield
      }) : () -> ()
      %scan3A_291 = arith.constant 0 : i32
      scf.yield %scan3A_291 : i32
    }
    %scan3A_118 = arith.constant 20 : i32
    %barrier3A_119 = arith.constant 0 : index
    tpu.barrier barrier_id(%barrier3A_119)
    %mul3A_120 = arith.constant 640 : i32
    %mul3A_121 = arith.muli %arg1, %mul3A_120 : i32
    %add3A_122 = arith.constant 2 : i32
    %add3A_123 = arith.addi %add3A_122, %arg0 : i32
    %mul3A_124 = arith.constant 10240 : i32
    %mul3A_125 = arith.muli %add3A_123, %mul3A_124 : i32
    %mul3A_126 = arith.constant 640 : i32
    %mul3A_127 = arith.muli %arg1, %mul3A_126 : i32
    %add3A_128 = arith.addi %mul3A_125, %mul3A_127 : i32
    "tpu.region"() ({
      %run_scoped3A = tpu.sem_alloc : memref<!tpu.dma_semaphore, #tpu.memory_space<semaphore_mem>>
      %dma_start3A_262 = arith.constant 0 : i32
      %dma_start3A_263 = tpu.memref_slice %arg5[%add3A_128, %dma_start3A_262] : memref<81920x128xf32, #tpu.memory_space<hbm>> -> memref<640x128xf32, #tpu.memory_space<hbm>>
      %dma_start3A_264 = arith.constant 0 : i32
      %dma_start3A_265 = tpu.memref_slice %arg10[%mul3A_121, %dma_start3A_264] : memref<10240x128xf32, #tpu.memory_space<vmem_shared>> -> memref<640x128xf32, #tpu.memory_space<vmem_shared>>
      tpu.enqueue_dma source(%dma_start3A_265 : memref<640x128xf32, #tpu.memory_space<vmem_shared>>) target(%dma_start3A_263 : memref<640x128xf32, #tpu.memory_space<hbm>>) target_semaphore(%run_scoped3A : memref<!tpu.dma_semaphore, #tpu.memory_space<semaphore_mem>>)
      %dma_wait3A = arith.constant 0 : i32
      %dma_wait3A_266 = tpu.memref_slice %arg5[%add3A_128, %dma_wait3A] : memref<81920x128xf32, #tpu.memory_space<hbm>> -> memref<640x128xf32, #tpu.memory_space<hbm>>
      %dma_wait3A_267 = arith.constant 0 : i32
      %dma_wait3A_268 = tpu.memref_slice %arg10[%mul3A_121, %dma_wait3A_267] : memref<10240x128xf32, #tpu.memory_space<vmem_shared>> -> memref<640x128xf32, #tpu.memory_space<vmem_shared>>
      tpu.wait_dma2 semaphore(%run_scoped3A : memref<!tpu.dma_semaphore, #tpu.memory_space<semaphore_mem>>) src(%dma_wait3A_268 : memref<640x128xf32, #tpu.memory_space<vmem_shared>>) dst(%dma_wait3A_266 : memref<640x128xf32, #tpu.memory_space<hbm>>)
      tpu.yield
    }) : () -> ()
    %barrier3A_129 = arith.constant 0 : index
    tpu.barrier barrier_id(%barrier3A_129)
    %mul3A_130 = arith.constant 640 : i32
    %mul3A_131 = arith.muli %arg1, %mul3A_130 : i32
    %add3A_132 = arith.constant 20480 : i32
    %add3A_133 = arith.addi %add3A_132, %mul3A_131 : i32
    %mul3A_134 = arith.constant 640 : i32
    %mul3A_135 = arith.muli %arg1, %mul3A_134 : i32
    "tpu.region"() ({
      %run_scoped3A = tpu.sem_alloc : memref<!tpu.dma_semaphore, #tpu.memory_space<semaphore_mem>>
      %dma_start3A_262 = arith.constant 0 : i32
      %dma_start3A_263 = tpu.memref_slice %arg10[%mul3A_135, %dma_start3A_262] : memref<10240x128xf32, #tpu.memory_space<vmem_shared>> -> memref<640x128xf32, #tpu.memory_space<vmem_shared>>
      %dma_start3A_264 = arith.constant 0 : i32
      %dma_start3A_265 = tpu.memref_slice %arg2[%add3A_133, %dma_start3A_264] : memref<40960x128xf32, #tpu.memory_space<hbm>> -> memref<640x128xf32, #tpu.memory_space<hbm>>
      tpu.enqueue_dma source(%dma_start3A_265 : memref<640x128xf32, #tpu.memory_space<hbm>>) target(%dma_start3A_263 : memref<640x128xf32, #tpu.memory_space<vmem_shared>>) target_semaphore(%run_scoped3A : memref<!tpu.dma_semaphore, #tpu.memory_space<semaphore_mem>>)
      %dma_wait3A = arith.constant 0 : i32
      %dma_wait3A_266 = tpu.memref_slice %arg10[%mul3A_135, %dma_wait3A] : memref<10240x128xf32, #tpu.memory_space<vmem_shared>> -> memref<640x128xf32, #tpu.memory_space<vmem_shared>>
      %dma_wait3A_267 = arith.constant 0 : i32
      %dma_wait3A_268 = tpu.memref_slice %arg2[%add3A_133, %dma_wait3A_267] : memref<40960x128xf32, #tpu.memory_space<hbm>> -> memref<640x128xf32, #tpu.memory_space<hbm>>
      tpu.wait_dma2 semaphore(%run_scoped3A : memref<!tpu.dma_semaphore, #tpu.memory_space<semaphore_mem>>) src(%dma_wait3A_268 : memref<640x128xf32, #tpu.memory_space<hbm>>) dst(%dma_wait3A_266 : memref<640x128xf32, #tpu.memory_space<vmem_shared>>)
      tpu.yield
    }) : () -> ()
    %add3A_136 = arith.constant 64 : i32
    %add3A_137 = arith.addi %add3A_136, %add3A : i32
    %mul3A_138 = arith.constant 80 : i32
    %mul3A_139 = arith.muli %add3A_137, %mul3A_138 : i32
    "tpu.region"() ({
      %run_scoped3A = tpu.sem_alloc : memref<!tpu.dma_semaphore, #tpu.memory_space<semaphore_mem>>
      %dma_start3A_262 = arith.constant 0 : i32
      %dma_start3A_263 = tpu.memref_slice %arg3[%mul3A_139, %dma_start3A_262] : memref<10240x128xi32, #tpu.memory_space<hbm>> -> memref<40x128xi32, #tpu.memory_space<hbm>>
      %dma_start3A_264 = arith.constant 0 : i32
      %dma_start3A_265 = tpu.memref_slice %arg3[%mul3A_139, %dma_start3A_264] : memref<10240x128xi32, #tpu.memory_space<hbm>> -> memref<40x128xi32, #tpu.memory_space<hbm>>
      tpu.enqueue_dma source(%dma_start3A_265 : memref<40x128xi32, #tpu.memory_space<hbm>>) target(%arg6 : memref<40x128xi32, #tpu.memory_space<vmem>>) target_semaphore(%run_scoped3A : memref<!tpu.dma_semaphore, #tpu.memory_space<semaphore_mem>>)
      %dma_wait3A = arith.constant 0 : i32
      %dma_wait3A_266 = tpu.memref_slice %arg3[%mul3A_139, %dma_wait3A] : memref<10240x128xi32, #tpu.memory_space<hbm>> -> memref<40x128xi32, #tpu.memory_space<hbm>>
      %dma_wait3A_267 = arith.constant 0 : i32
      %dma_wait3A_268 = tpu.memref_slice %arg3[%mul3A_139, %dma_wait3A_267] : memref<10240x128xi32, #tpu.memory_space<hbm>> -> memref<40x128xi32, #tpu.memory_space<hbm>>
      tpu.wait_dma2 semaphore(%run_scoped3A : memref<!tpu.dma_semaphore, #tpu.memory_space<semaphore_mem>>) src(%dma_wait3A_268 : memref<40x128xi32, #tpu.memory_space<hbm>>) dst(%arg6 : memref<40x128xi32, #tpu.memory_space<vmem>>)
      tpu.yield
    }) : () -> ()
    %add3A_140 = arith.constant 64 : i32
    %add3A_141 = arith.addi %add3A_140, %add3A : i32
    %mul3A_142 = arith.constant 80 : i32
    %mul3A_143 = arith.muli %add3A_141, %mul3A_142 : i32
    "tpu.region"() ({
      %run_scoped3A = tpu.sem_alloc : memref<!tpu.dma_semaphore, #tpu.memory_space<semaphore_mem>>
      %dma_start3A_262 = arith.constant 0 : i32
      %dma_start3A_263 = tpu.memref_slice %arg4[%mul3A_143, %dma_start3A_262] : memref<10240x128xi32, #tpu.memory_space<hbm>> -> memref<40x128xi32, #tpu.memory_space<hbm>>
      %dma_start3A_264 = arith.constant 0 : i32
      %dma_start3A_265 = tpu.memref_slice %arg4[%mul3A_143, %dma_start3A_264] : memref<10240x128xi32, #tpu.memory_space<hbm>> -> memref<40x128xi32, #tpu.memory_space<hbm>>
      tpu.enqueue_dma source(%dma_start3A_265 : memref<40x128xi32, #tpu.memory_space<hbm>>) target(%arg7 : memref<40x128xi32, #tpu.memory_space<vmem>>) target_semaphore(%run_scoped3A : memref<!tpu.dma_semaphore, #tpu.memory_space<semaphore_mem>>)
      %dma_wait3A = arith.constant 0 : i32
      %dma_wait3A_266 = tpu.memref_slice %arg4[%mul3A_143, %dma_wait3A] : memref<10240x128xi32, #tpu.memory_space<hbm>> -> memref<40x128xi32, #tpu.memory_space<hbm>>
      %dma_wait3A_267 = arith.constant 0 : i32
      %dma_wait3A_268 = tpu.memref_slice %arg4[%mul3A_143, %dma_wait3A_267] : memref<10240x128xi32, #tpu.memory_space<hbm>> -> memref<40x128xi32, #tpu.memory_space<hbm>>
      tpu.wait_dma2 semaphore(%run_scoped3A : memref<!tpu.dma_semaphore, #tpu.memory_space<semaphore_mem>>) src(%dma_wait3A_268 : memref<40x128xi32, #tpu.memory_space<hbm>>) dst(%arg7 : memref<40x128xi32, #tpu.memory_space<vmem>>)
      tpu.yield
    }) : () -> ()
    %barrier3A_144 = arith.constant 0 : index
    tpu.barrier barrier_id(%barrier3A_144)
    %dma_start3A_145 = arith.constant 0 : i32
    %dma_start3A_146 = arith.constant 0 : i32
    %dma_start3A_147 = tpu.memref_slice %arg6[%dma_start3A_145, %dma_start3A_146] : memref<40x128xi32, #tpu.memory_space<vmem>> -> memref<1x128xi32, #tpu.memory_space<vmem>>
    %dma_start3A_148 = tpu.memref_squeeze %dma_start3A_147 : memref<1x128xi32, #tpu.memory_space<vmem>> -> memref<128xi32, #tpu.memory_space<vmem>>
    %dma_start3A_149 = arith.constant 0 : i32
    %dma_start3A_150 = arith.constant 0 : i32
    %dma_start3A_151 = tpu.memref_slice %arg2[%dma_start3A_149, %dma_start3A_150] : memref<40960x128xf32, #tpu.memory_space<hbm>> -> memref<40960x128xf32, #tpu.memory_space<hbm>>
    tpu.enqueue_indirect_dma source(%dma_start3A_151 : memref<40960x128xf32, #tpu.memory_space<hbm>>) target(%arg8 : memref<128x128xf32, #tpu.memory_space<vmem>>) offsets(%dma_start3A_148 : memref<128xi32, #tpu.memory_space<vmem>>) semaphore(%arg11 : memref<!tpu.dma_semaphore, #tpu.memory_space<semaphore_mem>>)
    %scan3A_152 = arith.constant 0 : i32
    %scan3A_153 = arith.constant 0 : i32
    %scan3A_154 = arith.constant 20 : i32
    %scan3A_155 = arith.addi %scan3A_153, %scan3A_154 : i32
    %scan3A_156 = arith.constant 1 : i32
    %scan3A_157 = scf.for %scan3A_262 = %scan3A_153 to %scan3A_155 step %scan3A_156 iter_args(%scan3A_263 = %scan3A_152) -> (i32)  : i32 {
      %mul3A_264 = arith.constant 2 : i32
      %mul3A_265 = arith.muli %mul3A_264, %scan3A_262 : i32
      %add3A_266 = arith.constant 1 : i32
      %add3A_267 = arith.addi %mul3A_265, %add3A_266 : i32
      %dma_start3A_268 = arith.constant 0 : i32
      %dma_start3A_269 = tpu.memref_slice %arg6[%add3A_267, %dma_start3A_268] : memref<40x128xi32, #tpu.memory_space<vmem>> -> memref<1x128xi32, #tpu.memory_space<vmem>>
      %dma_start3A_270 = tpu.memref_squeeze %dma_start3A_269 : memref<1x128xi32, #tpu.memory_space<vmem>> -> memref<128xi32, #tpu.memory_space<vmem>>
      %dma_start3A_271 = arith.constant 0 : i32
      %dma_start3A_272 = arith.constant 0 : i32
      %dma_start3A_273 = tpu.memref_slice %arg2[%dma_start3A_271, %dma_start3A_272] : memref<40960x128xf32, #tpu.memory_space<hbm>> -> memref<40960x128xf32, #tpu.memory_space<hbm>>
      tpu.enqueue_indirect_dma source(%dma_start3A_273 : memref<40960x128xf32, #tpu.memory_space<hbm>>) target(%arg9 : memref<128x128xf32, #tpu.memory_space<vmem>>) offsets(%dma_start3A_270 : memref<128xi32, #tpu.memory_space<vmem>>) semaphore(%arg12 : memref<!tpu.dma_semaphore, #tpu.memory_space<semaphore_mem>>)
      %dma_wait3A = arith.constant 0 : i32
      %dma_wait3A_274 = arith.constant 0 : i32
      %dma_wait3A_275 = tpu.memref_slice %arg2[%dma_wait3A, %dma_wait3A_274] : memref<40960x128xf32, #tpu.memory_space<hbm>> -> memref<128x128xf32, #tpu.memory_space<hbm>>
      %dma_wait3A_276 = arith.constant 0 : i32
      %dma_wait3A_277 = arith.constant 0 : i32
      %dma_wait3A_278 = tpu.memref_slice %arg2[%dma_wait3A_276, %dma_wait3A_277] : memref<40960x128xf32, #tpu.memory_space<hbm>> -> memref<128x128xf32, #tpu.memory_space<hbm>>
      tpu.wait_dma2 semaphore(%arg11 : memref<!tpu.dma_semaphore, #tpu.memory_space<semaphore_mem>>) src(%dma_wait3A_278 : memref<128x128xf32, #tpu.memory_space<hbm>>) dst(%arg8 : memref<128x128xf32, #tpu.memory_space<vmem>>)
      "tpu.region"() ({
        %run_scoped3A = tpu.sem_alloc : memref<!tpu.dma_semaphore, #tpu.memory_space<semaphore_mem>>
        %dma_start3A_292 = arith.constant 0 : i32
        %dma_start3A_293 = tpu.memref_slice %arg7[%mul3A_265, %dma_start3A_292] : memref<40x128xi32, #tpu.memory_space<vmem>> -> memref<1x128xi32, #tpu.memory_space<vmem>>
        %dma_start3A_294 = tpu.memref_squeeze %dma_start3A_293 : memref<1x128xi32, #tpu.memory_space<vmem>> -> memref<128xi32, #tpu.memory_space<vmem>>
        %dma_start3A_295 = arith.constant 0 : i32
        %dma_start3A_296 = arith.constant 0 : i32
        %dma_start3A_297 = tpu.memref_slice %arg10[%dma_start3A_295, %dma_start3A_296] : memref<10240x128xf32, #tpu.memory_space<vmem_shared>> -> memref<10240x128xf32, #tpu.memory_space<vmem_shared>>
        tpu.enqueue_indirect_dma source(%arg8 : memref<128x128xf32, #tpu.memory_space<vmem>>) target(%dma_start3A_297 : memref<10240x128xf32, #tpu.memory_space<vmem_shared>>) offsets(%dma_start3A_294 : memref<128xi32, #tpu.memory_space<vmem>>) semaphore(%run_scoped3A : memref<!tpu.dma_semaphore, #tpu.memory_space<semaphore_mem>>) {add = true}
        %dma_wait3A_298 = arith.constant 0 : i32
        %dma_wait3A_299 = tpu.memref_slice %arg7[%mul3A_265, %dma_wait3A_298] : memref<40x128xi32, #tpu.memory_space<vmem>> -> memref<1x128xi32, #tpu.memory_space<vmem>>
        %dma_wait3A_300 = tpu.memref_squeeze %dma_wait3A_299 : memref<1x128xi32, #tpu.memory_space<vmem>> -> memref<128xi32, #tpu.memory_space<vmem>>
        %dma_wait3A_301 = arith.constant 0 : i32
        %dma_wait3A_302 = arith.constant 0 : i32
        %dma_wait3A_303 = tpu.memref_slice %arg10[%dma_wait3A_301, %dma_wait3A_302] : memref<10240x128xf32, #tpu.memory_space<vmem_shared>> -> memref<10240x128xf32, #tpu.memory_space<vmem_shared>>
        tpu.wait_indirect_dma semaphore(%run_scoped3A : memref<!tpu.dma_semaphore, #tpu.memory_space<semaphore_mem>>) src(%arg8 : memref<128x128xf32, #tpu.memory_space<vmem>>) dst(%dma_wait3A_303 : memref<10240x128xf32, #tpu.memory_space<vmem_shared>>)
        tpu.yield
      }) : () -> ()
      %add3A_279 = arith.constant 2 : i32
      %add3A_280 = arith.addi %mul3A_265, %add3A_279 : i32
      %lt3A = arith.constant 40 : i32
      %lt3A_281 = arith.cmpi slt, %add3A_280, %lt3A : i32
      %convert_element_type3A = arith.extui %lt3A_281 : i1 to i32
      %cond3A = arith.constant 0 : i32
      %cond3A_282 = arith.cmpi ne, %convert_element_type3A, %cond3A : i32
      scf.if %cond3A_282 {
        %add3A_292 = arith.constant 2 : i32
        %add3A_293 = arith.addi %mul3A_265, %add3A_292 : i32
        %dma_start3A_294 = arith.constant 0 : i32
        %dma_start3A_295 = tpu.memref_slice %arg6[%add3A_293, %dma_start3A_294] : memref<40x128xi32, #tpu.memory_space<vmem>> -> memref<1x128xi32, #tpu.memory_space<vmem>>
        %dma_start3A_296 = tpu.memref_squeeze %dma_start3A_295 : memref<1x128xi32, #tpu.memory_space<vmem>> -> memref<128xi32, #tpu.memory_space<vmem>>
        %dma_start3A_297 = arith.constant 0 : i32
        %dma_start3A_298 = arith.constant 0 : i32
        %dma_start3A_299 = tpu.memref_slice %arg2[%dma_start3A_297, %dma_start3A_298] : memref<40960x128xf32, #tpu.memory_space<hbm>> -> memref<40960x128xf32, #tpu.memory_space<hbm>>
        tpu.enqueue_indirect_dma source(%dma_start3A_299 : memref<40960x128xf32, #tpu.memory_space<hbm>>) target(%arg8 : memref<128x128xf32, #tpu.memory_space<vmem>>) offsets(%dma_start3A_296 : memref<128xi32, #tpu.memory_space<vmem>>) semaphore(%arg11 : memref<!tpu.dma_semaphore, #tpu.memory_space<semaphore_mem>>)
      } else {
      }
      %dma_wait3A_283 = arith.constant 0 : i32
      %dma_wait3A_284 = arith.constant 0 : i32
      %dma_wait3A_285 = tpu.memref_slice %arg2[%dma_wait3A_283, %dma_wait3A_284] : memref<40960x128xf32, #tpu.memory_space<hbm>> -> memref<128x128xf32, #tpu.memory_space<hbm>>
      %dma_wait3A_286 = arith.constant 0 : i32
      %dma_wait3A_287 = arith.constant 0 : i32
      %dma_wait3A_288 = tpu.memref_slice %arg2[%dma_wait3A_286, %dma_wait3A_287] : memref<40960x128xf32, #tpu.memory_space<hbm>> -> memref<128x128xf32, #tpu.memory_space<hbm>>
      tpu.wait_dma2 semaphore(%arg12 : memref<!tpu.dma_semaphore, #tpu.memory_space<semaphore_mem>>) src(%dma_wait3A_288 : memref<128x128xf32, #tpu.memory_space<hbm>>) dst(%arg9 : memref<128x128xf32, #tpu.memory_space<vmem>>)
      %add3A_289 = arith.constant 1 : i32
      %add3A_290 = arith.addi %mul3A_265, %add3A_289 : i32
      "tpu.region"() ({
        %run_scoped3A = tpu.sem_alloc : memref<!tpu.dma_semaphore, #tpu.memory_space<semaphore_mem>>
        %dma_start3A_292 = arith.constant 0 : i32
        %dma_start3A_293 = tpu.memref_slice %arg7[%add3A_290, %dma_start3A_292] : memref<40x128xi32, #tpu.memory_space<vmem>> -> memref<1x128xi32, #tpu.memory_space<vmem>>
        %dma_start3A_294 = tpu.memref_squeeze %dma_start3A_293 : memref<1x128xi32, #tpu.memory_space<vmem>> -> memref<128xi32, #tpu.memory_space<vmem>>
        %dma_start3A_295 = arith.constant 0 : i32
        %dma_start3A_296 = arith.constant 0 : i32
        %dma_start3A_297 = tpu.memref_slice %arg10[%dma_start3A_295, %dma_start3A_296] : memref<10240x128xf32, #tpu.memory_space<vmem_shared>> -> memref<10240x128xf32, #tpu.memory_space<vmem_shared>>
        tpu.enqueue_indirect_dma source(%arg9 : memref<128x128xf32, #tpu.memory_space<vmem>>) target(%dma_start3A_297 : memref<10240x128xf32, #tpu.memory_space<vmem_shared>>) offsets(%dma_start3A_294 : memref<128xi32, #tpu.memory_space<vmem>>) semaphore(%run_scoped3A : memref<!tpu.dma_semaphore, #tpu.memory_space<semaphore_mem>>) {add = true}
        %dma_wait3A_298 = arith.constant 0 : i32
        %dma_wait3A_299 = tpu.memref_slice %arg7[%add3A_290, %dma_wait3A_298] : memref<40x128xi32, #tpu.memory_space<vmem>> -> memref<1x128xi32, #tpu.memory_space<vmem>>
        %dma_wait3A_300 = tpu.memref_squeeze %dma_wait3A_299 : memref<1x128xi32, #tpu.memory_space<vmem>> -> memref<128xi32, #tpu.memory_space<vmem>>
        %dma_wait3A_301 = arith.constant 0 : i32
        %dma_wait3A_302 = arith.constant 0 : i32
        %dma_wait3A_303 = tpu.memref_slice %arg10[%dma_wait3A_301, %dma_wait3A_302] : memref<10240x128xf32, #tpu.memory_space<vmem_shared>> -> memref<10240x128xf32, #tpu.memory_space<vmem_shared>>
        tpu.wait_indirect_dma semaphore(%run_scoped3A : memref<!tpu.dma_semaphore, #tpu.memory_space<semaphore_mem>>) src(%arg9 : memref<128x128xf32, #tpu.memory_space<vmem>>) dst(%dma_wait3A_303 : memref<10240x128xf32, #tpu.memory_space<vmem_shared>>)
        tpu.yield
      }) : () -> ()
      %scan3A_291 = arith.constant 0 : i32
      scf.yield %scan3A_291 : i32
    }
    %scan3A_158 = arith.constant 20 : i32
    %add3A_159 = arith.constant 64 : i32
    %add3A_160 = arith.addi %add3A_159, %add3A : i32
    %mul3A_161 = arith.constant 80 : i32
    %mul3A_162 = arith.muli %add3A_160, %mul3A_161 : i32
    %add3A_163 = arith.constant 40 : i32
    %add3A_164 = arith.addi %mul3A_162, %add3A_163 : i32
    "tpu.region"() ({
      %run_scoped3A = tpu.sem_alloc : memref<!tpu.dma_semaphore, #tpu.memory_space<semaphore_mem>>
      %dma_start3A_262 = arith.constant 0 : i32
      %dma_start3A_263 = tpu.memref_slice %arg3[%add3A_164, %dma_start3A_262] : memref<10240x128xi32, #tpu.memory_space<hbm>> -> memref<40x128xi32, #tpu.memory_space<hbm>>
      %dma_start3A_264 = arith.constant 0 : i32
      %dma_start3A_265 = tpu.memref_slice %arg3[%add3A_164, %dma_start3A_264] : memref<10240x128xi32, #tpu.memory_space<hbm>> -> memref<40x128xi32, #tpu.memory_space<hbm>>
      tpu.enqueue_dma source(%dma_start3A_265 : memref<40x128xi32, #tpu.memory_space<hbm>>) target(%arg6 : memref<40x128xi32, #tpu.memory_space<vmem>>) target_semaphore(%run_scoped3A : memref<!tpu.dma_semaphore, #tpu.memory_space<semaphore_mem>>)
      %dma_wait3A = arith.constant 0 : i32
      %dma_wait3A_266 = tpu.memref_slice %arg3[%add3A_164, %dma_wait3A] : memref<10240x128xi32, #tpu.memory_space<hbm>> -> memref<40x128xi32, #tpu.memory_space<hbm>>
      %dma_wait3A_267 = arith.constant 0 : i32
      %dma_wait3A_268 = tpu.memref_slice %arg3[%add3A_164, %dma_wait3A_267] : memref<10240x128xi32, #tpu.memory_space<hbm>> -> memref<40x128xi32, #tpu.memory_space<hbm>>
      tpu.wait_dma2 semaphore(%run_scoped3A : memref<!tpu.dma_semaphore, #tpu.memory_space<semaphore_mem>>) src(%dma_wait3A_268 : memref<40x128xi32, #tpu.memory_space<hbm>>) dst(%arg6 : memref<40x128xi32, #tpu.memory_space<vmem>>)
      tpu.yield
    }) : () -> ()
    %add3A_165 = arith.constant 64 : i32
    %add3A_166 = arith.addi %add3A_165, %add3A : i32
    %mul3A_167 = arith.constant 80 : i32
    %mul3A_168 = arith.muli %add3A_166, %mul3A_167 : i32
    %add3A_169 = arith.constant 40 : i32
    %add3A_170 = arith.addi %mul3A_168, %add3A_169 : i32
    "tpu.region"() ({
      %run_scoped3A = tpu.sem_alloc : memref<!tpu.dma_semaphore, #tpu.memory_space<semaphore_mem>>
      %dma_start3A_262 = arith.constant 0 : i32
      %dma_start3A_263 = tpu.memref_slice %arg4[%add3A_170, %dma_start3A_262] : memref<10240x128xi32, #tpu.memory_space<hbm>> -> memref<40x128xi32, #tpu.memory_space<hbm>>
      %dma_start3A_264 = arith.constant 0 : i32
      %dma_start3A_265 = tpu.memref_slice %arg4[%add3A_170, %dma_start3A_264] : memref<10240x128xi32, #tpu.memory_space<hbm>> -> memref<40x128xi32, #tpu.memory_space<hbm>>
      tpu.enqueue_dma source(%dma_start3A_265 : memref<40x128xi32, #tpu.memory_space<hbm>>) target(%arg7 : memref<40x128xi32, #tpu.memory_space<vmem>>) target_semaphore(%run_scoped3A : memref<!tpu.dma_semaphore, #tpu.memory_space<semaphore_mem>>)
      %dma_wait3A = arith.constant 0 : i32
      %dma_wait3A_266 = tpu.memref_slice %arg4[%add3A_170, %dma_wait3A] : memref<10240x128xi32, #tpu.memory_space<hbm>> -> memref<40x128xi32, #tpu.memory_space<hbm>>
      %dma_wait3A_267 = arith.constant 0 : i32
      %dma_wait3A_268 = tpu.memref_slice %arg4[%add3A_170, %dma_wait3A_267] : memref<10240x128xi32, #tpu.memory_space<hbm>> -> memref<40x128xi32, #tpu.memory_space<hbm>>
      tpu.wait_dma2 semaphore(%run_scoped3A : memref<!tpu.dma_semaphore, #tpu.memory_space<semaphore_mem>>) src(%dma_wait3A_268 : memref<40x128xi32, #tpu.memory_space<hbm>>) dst(%arg7 : memref<40x128xi32, #tpu.memory_space<vmem>>)
      tpu.yield
    }) : () -> ()
    %dma_start3A_171 = arith.constant 0 : i32
    %dma_start3A_172 = arith.constant 0 : i32
    %dma_start3A_173 = tpu.memref_slice %arg6[%dma_start3A_171, %dma_start3A_172] : memref<40x128xi32, #tpu.memory_space<vmem>> -> memref<1x128xi32, #tpu.memory_space<vmem>>
    %dma_start3A_174 = tpu.memref_squeeze %dma_start3A_173 : memref<1x128xi32, #tpu.memory_space<vmem>> -> memref<128xi32, #tpu.memory_space<vmem>>
    %dma_start3A_175 = arith.constant 0 : i32
    %dma_start3A_176 = arith.constant 0 : i32
    %dma_start3A_177 = tpu.memref_slice %arg2[%dma_start3A_175, %dma_start3A_176] : memref<40960x128xf32, #tpu.memory_space<hbm>> -> memref<40960x128xf32, #tpu.memory_space<hbm>>
    tpu.enqueue_indirect_dma source(%dma_start3A_177 : memref<40960x128xf32, #tpu.memory_space<hbm>>) target(%arg8 : memref<128x128xf32, #tpu.memory_space<vmem>>) offsets(%dma_start3A_174 : memref<128xi32, #tpu.memory_space<vmem>>) semaphore(%arg11 : memref<!tpu.dma_semaphore, #tpu.memory_space<semaphore_mem>>)
    %scan3A_178 = arith.constant 0 : i32
    %scan3A_179 = arith.constant 0 : i32
    %scan3A_180 = arith.constant 20 : i32
    %scan3A_181 = arith.addi %scan3A_179, %scan3A_180 : i32
    %scan3A_182 = arith.constant 1 : i32
    %scan3A_183 = scf.for %scan3A_262 = %scan3A_179 to %scan3A_181 step %scan3A_182 iter_args(%scan3A_263 = %scan3A_178) -> (i32)  : i32 {
      %mul3A_264 = arith.constant 2 : i32
      %mul3A_265 = arith.muli %mul3A_264, %scan3A_262 : i32
      %add3A_266 = arith.constant 1 : i32
      %add3A_267 = arith.addi %mul3A_265, %add3A_266 : i32
      %dma_start3A_268 = arith.constant 0 : i32
      %dma_start3A_269 = tpu.memref_slice %arg6[%add3A_267, %dma_start3A_268] : memref<40x128xi32, #tpu.memory_space<vmem>> -> memref<1x128xi32, #tpu.memory_space<vmem>>
      %dma_start3A_270 = tpu.memref_squeeze %dma_start3A_269 : memref<1x128xi32, #tpu.memory_space<vmem>> -> memref<128xi32, #tpu.memory_space<vmem>>
      %dma_start3A_271 = arith.constant 0 : i32
      %dma_start3A_272 = arith.constant 0 : i32
      %dma_start3A_273 = tpu.memref_slice %arg2[%dma_start3A_271, %dma_start3A_272] : memref<40960x128xf32, #tpu.memory_space<hbm>> -> memref<40960x128xf32, #tpu.memory_space<hbm>>
      tpu.enqueue_indirect_dma source(%dma_start3A_273 : memref<40960x128xf32, #tpu.memory_space<hbm>>) target(%arg9 : memref<128x128xf32, #tpu.memory_space<vmem>>) offsets(%dma_start3A_270 : memref<128xi32, #tpu.memory_space<vmem>>) semaphore(%arg12 : memref<!tpu.dma_semaphore, #tpu.memory_space<semaphore_mem>>)
      %dma_wait3A = arith.constant 0 : i32
      %dma_wait3A_274 = arith.constant 0 : i32
      %dma_wait3A_275 = tpu.memref_slice %arg2[%dma_wait3A, %dma_wait3A_274] : memref<40960x128xf32, #tpu.memory_space<hbm>> -> memref<128x128xf32, #tpu.memory_space<hbm>>
      %dma_wait3A_276 = arith.constant 0 : i32
      %dma_wait3A_277 = arith.constant 0 : i32
      %dma_wait3A_278 = tpu.memref_slice %arg2[%dma_wait3A_276, %dma_wait3A_277] : memref<40960x128xf32, #tpu.memory_space<hbm>> -> memref<128x128xf32, #tpu.memory_space<hbm>>
      tpu.wait_dma2 semaphore(%arg11 : memref<!tpu.dma_semaphore, #tpu.memory_space<semaphore_mem>>) src(%dma_wait3A_278 : memref<128x128xf32, #tpu.memory_space<hbm>>) dst(%arg8 : memref<128x128xf32, #tpu.memory_space<vmem>>)
      "tpu.region"() ({
        %run_scoped3A = tpu.sem_alloc : memref<!tpu.dma_semaphore, #tpu.memory_space<semaphore_mem>>
        %dma_start3A_292 = arith.constant 0 : i32
        %dma_start3A_293 = tpu.memref_slice %arg7[%mul3A_265, %dma_start3A_292] : memref<40x128xi32, #tpu.memory_space<vmem>> -> memref<1x128xi32, #tpu.memory_space<vmem>>
        %dma_start3A_294 = tpu.memref_squeeze %dma_start3A_293 : memref<1x128xi32, #tpu.memory_space<vmem>> -> memref<128xi32, #tpu.memory_space<vmem>>
        %dma_start3A_295 = arith.constant 0 : i32
        %dma_start3A_296 = arith.constant 0 : i32
        %dma_start3A_297 = tpu.memref_slice %arg10[%dma_start3A_295, %dma_start3A_296] : memref<10240x128xf32, #tpu.memory_space<vmem_shared>> -> memref<10240x128xf32, #tpu.memory_space<vmem_shared>>
        tpu.enqueue_indirect_dma source(%arg8 : memref<128x128xf32, #tpu.memory_space<vmem>>) target(%dma_start3A_297 : memref<10240x128xf32, #tpu.memory_space<vmem_shared>>) offsets(%dma_start3A_294 : memref<128xi32, #tpu.memory_space<vmem>>) semaphore(%run_scoped3A : memref<!tpu.dma_semaphore, #tpu.memory_space<semaphore_mem>>) {add = true}
        %dma_wait3A_298 = arith.constant 0 : i32
        %dma_wait3A_299 = tpu.memref_slice %arg7[%mul3A_265, %dma_wait3A_298] : memref<40x128xi32, #tpu.memory_space<vmem>> -> memref<1x128xi32, #tpu.memory_space<vmem>>
        %dma_wait3A_300 = tpu.memref_squeeze %dma_wait3A_299 : memref<1x128xi32, #tpu.memory_space<vmem>> -> memref<128xi32, #tpu.memory_space<vmem>>
        %dma_wait3A_301 = arith.constant 0 : i32
        %dma_wait3A_302 = arith.constant 0 : i32
        %dma_wait3A_303 = tpu.memref_slice %arg10[%dma_wait3A_301, %dma_wait3A_302] : memref<10240x128xf32, #tpu.memory_space<vmem_shared>> -> memref<10240x128xf32, #tpu.memory_space<vmem_shared>>
        tpu.wait_indirect_dma semaphore(%run_scoped3A : memref<!tpu.dma_semaphore, #tpu.memory_space<semaphore_mem>>) src(%arg8 : memref<128x128xf32, #tpu.memory_space<vmem>>) dst(%dma_wait3A_303 : memref<10240x128xf32, #tpu.memory_space<vmem_shared>>)
        tpu.yield
      }) : () -> ()
      %add3A_279 = arith.constant 2 : i32
      %add3A_280 = arith.addi %mul3A_265, %add3A_279 : i32
      %lt3A = arith.constant 40 : i32
      %lt3A_281 = arith.cmpi slt, %add3A_280, %lt3A : i32
      %convert_element_type3A = arith.extui %lt3A_281 : i1 to i32
      %cond3A = arith.constant 0 : i32
      %cond3A_282 = arith.cmpi ne, %convert_element_type3A, %cond3A : i32
      scf.if %cond3A_282 {
        %add3A_292 = arith.constant 2 : i32
        %add3A_293 = arith.addi %mul3A_265, %add3A_292 : i32
        %dma_start3A_294 = arith.constant 0 : i32
        %dma_start3A_295 = tpu.memref_slice %arg6[%add3A_293, %dma_start3A_294] : memref<40x128xi32, #tpu.memory_space<vmem>> -> memref<1x128xi32, #tpu.memory_space<vmem>>
        %dma_start3A_296 = tpu.memref_squeeze %dma_start3A_295 : memref<1x128xi32, #tpu.memory_space<vmem>> -> memref<128xi32, #tpu.memory_space<vmem>>
        %dma_start3A_297 = arith.constant 0 : i32
        %dma_start3A_298 = arith.constant 0 : i32
        %dma_start3A_299 = tpu.memref_slice %arg2[%dma_start3A_297, %dma_start3A_298] : memref<40960x128xf32, #tpu.memory_space<hbm>> -> memref<40960x128xf32, #tpu.memory_space<hbm>>
        tpu.enqueue_indirect_dma source(%dma_start3A_299 : memref<40960x128xf32, #tpu.memory_space<hbm>>) target(%arg8 : memref<128x128xf32, #tpu.memory_space<vmem>>) offsets(%dma_start3A_296 : memref<128xi32, #tpu.memory_space<vmem>>) semaphore(%arg11 : memref<!tpu.dma_semaphore, #tpu.memory_space<semaphore_mem>>)
      } else {
      }
      %dma_wait3A_283 = arith.constant 0 : i32
      %dma_wait3A_284 = arith.constant 0 : i32
      %dma_wait3A_285 = tpu.memref_slice %arg2[%dma_wait3A_283, %dma_wait3A_284] : memref<40960x128xf32, #tpu.memory_space<hbm>> -> memref<128x128xf32, #tpu.memory_space<hbm>>
      %dma_wait3A_286 = arith.constant 0 : i32
      %dma_wait3A_287 = arith.constant 0 : i32
      %dma_wait3A_288 = tpu.memref_slice %arg2[%dma_wait3A_286, %dma_wait3A_287] : memref<40960x128xf32, #tpu.memory_space<hbm>> -> memref<128x128xf32, #tpu.memory_space<hbm>>
      tpu.wait_dma2 semaphore(%arg12 : memref<!tpu.dma_semaphore, #tpu.memory_space<semaphore_mem>>) src(%dma_wait3A_288 : memref<128x128xf32, #tpu.memory_space<hbm>>) dst(%arg9 : memref<128x128xf32, #tpu.memory_space<vmem>>)
      %add3A_289 = arith.constant 1 : i32
      %add3A_290 = arith.addi %mul3A_265, %add3A_289 : i32
      "tpu.region"() ({
        %run_scoped3A = tpu.sem_alloc : memref<!tpu.dma_semaphore, #tpu.memory_space<semaphore_mem>>
        %dma_start3A_292 = arith.constant 0 : i32
        %dma_start3A_293 = tpu.memref_slice %arg7[%add3A_290, %dma_start3A_292] : memref<40x128xi32, #tpu.memory_space<vmem>> -> memref<1x128xi32, #tpu.memory_space<vmem>>
        %dma_start3A_294 = tpu.memref_squeeze %dma_start3A_293 : memref<1x128xi32, #tpu.memory_space<vmem>> -> memref<128xi32, #tpu.memory_space<vmem>>
        %dma_start3A_295 = arith.constant 0 : i32
        %dma_start3A_296 = arith.constant 0 : i32
        %dma_start3A_297 = tpu.memref_slice %arg10[%dma_start3A_295, %dma_start3A_296] : memref<10240x128xf32, #tpu.memory_space<vmem_shared>> -> memref<10240x128xf32, #tpu.memory_space<vmem_shared>>
        tpu.enqueue_indirect_dma source(%arg9 : memref<128x128xf32, #tpu.memory_space<vmem>>) target(%dma_start3A_297 : memref<10240x128xf32, #tpu.memory_space<vmem_shared>>) offsets(%dma_start3A_294 : memref<128xi32, #tpu.memory_space<vmem>>) semaphore(%run_scoped3A : memref<!tpu.dma_semaphore, #tpu.memory_space<semaphore_mem>>) {add = true}
        %dma_wait3A_298 = arith.constant 0 : i32
        %dma_wait3A_299 = tpu.memref_slice %arg7[%add3A_290, %dma_wait3A_298] : memref<40x128xi32, #tpu.memory_space<vmem>> -> memref<1x128xi32, #tpu.memory_space<vmem>>
        %dma_wait3A_300 = tpu.memref_squeeze %dma_wait3A_299 : memref<1x128xi32, #tpu.memory_space<vmem>> -> memref<128xi32, #tpu.memory_space<vmem>>
        %dma_wait3A_301 = arith.constant 0 : i32
        %dma_wait3A_302 = arith.constant 0 : i32
        %dma_wait3A_303 = tpu.memref_slice %arg10[%dma_wait3A_301, %dma_wait3A_302] : memref<10240x128xf32, #tpu.memory_space<vmem_shared>> -> memref<10240x128xf32, #tpu.memory_space<vmem_shared>>
        tpu.wait_indirect_dma semaphore(%run_scoped3A : memref<!tpu.dma_semaphore, #tpu.memory_space<semaphore_mem>>) src(%arg9 : memref<128x128xf32, #tpu.memory_space<vmem>>) dst(%dma_wait3A_303 : memref<10240x128xf32, #tpu.memory_space<vmem_shared>>)
        tpu.yield
      }) : () -> ()
      %scan3A_291 = arith.constant 0 : i32
      scf.yield %scan3A_291 : i32
    }
    %scan3A_184 = arith.constant 20 : i32
    %barrier3A_185 = arith.constant 0 : index
    tpu.barrier barrier_id(%barrier3A_185)
    %mul3A_186 = arith.constant 640 : i32
    %mul3A_187 = arith.muli %arg1, %mul3A_186 : i32
    %add3A_188 = arith.constant 4 : i32
    %add3A_189 = arith.addi %add3A_188, %arg0 : i32
    %mul3A_190 = arith.constant 10240 : i32
    %mul3A_191 = arith.muli %add3A_189, %mul3A_190 : i32
    %mul3A_192 = arith.constant 640 : i32
    %mul3A_193 = arith.muli %arg1, %mul3A_192 : i32
    %add3A_194 = arith.addi %mul3A_191, %mul3A_193 : i32
    "tpu.region"() ({
      %run_scoped3A = tpu.sem_alloc : memref<!tpu.dma_semaphore, #tpu.memory_space<semaphore_mem>>
      %dma_start3A_262 = arith.constant 0 : i32
      %dma_start3A_263 = tpu.memref_slice %arg5[%add3A_194, %dma_start3A_262] : memref<81920x128xf32, #tpu.memory_space<hbm>> -> memref<640x128xf32, #tpu.memory_space<hbm>>
      %dma_start3A_264 = arith.constant 0 : i32
      %dma_start3A_265 = tpu.memref_slice %arg10[%mul3A_187, %dma_start3A_264] : memref<10240x128xf32, #tpu.memory_space<vmem_shared>> -> memref<640x128xf32, #tpu.memory_space<vmem_shared>>
      tpu.enqueue_dma source(%dma_start3A_265 : memref<640x128xf32, #tpu.memory_space<vmem_shared>>) target(%dma_start3A_263 : memref<640x128xf32, #tpu.memory_space<hbm>>) target_semaphore(%run_scoped3A : memref<!tpu.dma_semaphore, #tpu.memory_space<semaphore_mem>>)
      %dma_wait3A = arith.constant 0 : i32
      %dma_wait3A_266 = tpu.memref_slice %arg5[%add3A_194, %dma_wait3A] : memref<81920x128xf32, #tpu.memory_space<hbm>> -> memref<640x128xf32, #tpu.memory_space<hbm>>
      %dma_wait3A_267 = arith.constant 0 : i32
      %dma_wait3A_268 = tpu.memref_slice %arg10[%mul3A_187, %dma_wait3A_267] : memref<10240x128xf32, #tpu.memory_space<vmem_shared>> -> memref<640x128xf32, #tpu.memory_space<vmem_shared>>
      tpu.wait_dma2 semaphore(%run_scoped3A : memref<!tpu.dma_semaphore, #tpu.memory_space<semaphore_mem>>) src(%dma_wait3A_268 : memref<640x128xf32, #tpu.memory_space<vmem_shared>>) dst(%dma_wait3A_266 : memref<640x128xf32, #tpu.memory_space<hbm>>)
      tpu.yield
    }) : () -> ()
    %barrier3A_195 = arith.constant 0 : index
    tpu.barrier barrier_id(%barrier3A_195)
    %mul3A_196 = arith.constant 640 : i32
    %mul3A_197 = arith.muli %arg1, %mul3A_196 : i32
    %add3A_198 = arith.constant 30720 : i32
    %add3A_199 = arith.addi %add3A_198, %mul3A_197 : i32
    %mul3A_200 = arith.constant 640 : i32
    %mul3A_201 = arith.muli %arg1, %mul3A_200 : i32
    "tpu.region"() ({
      %run_scoped3A = tpu.sem_alloc : memref<!tpu.dma_semaphore, #tpu.memory_space<semaphore_mem>>
      %dma_start3A_262 = arith.constant 0 : i32
      %dma_start3A_263 = tpu.memref_slice %arg10[%mul3A_201, %dma_start3A_262] : memref<10240x128xf32, #tpu.memory_space<vmem_shared>> -> memref<640x128xf32, #tpu.memory_space<vmem_shared>>
      %dma_start3A_264 = arith.constant 0 : i32
      %dma_start3A_265 = tpu.memref_slice %arg2[%add3A_199, %dma_start3A_264] : memref<40960x128xf32, #tpu.memory_space<hbm>> -> memref<640x128xf32, #tpu.memory_space<hbm>>
      tpu.enqueue_dma source(%dma_start3A_265 : memref<640x128xf32, #tpu.memory_space<hbm>>) target(%dma_start3A_263 : memref<640x128xf32, #tpu.memory_space<vmem_shared>>) target_semaphore(%run_scoped3A : memref<!tpu.dma_semaphore, #tpu.memory_space<semaphore_mem>>)
      %dma_wait3A = arith.constant 0 : i32
      %dma_wait3A_266 = tpu.memref_slice %arg10[%mul3A_201, %dma_wait3A] : memref<10240x128xf32, #tpu.memory_space<vmem_shared>> -> memref<640x128xf32, #tpu.memory_space<vmem_shared>>
      %dma_wait3A_267 = arith.constant 0 : i32
      %dma_wait3A_268 = tpu.memref_slice %arg2[%add3A_199, %dma_wait3A_267] : memref<40960x128xf32, #tpu.memory_space<hbm>> -> memref<640x128xf32, #tpu.memory_space<hbm>>
      tpu.wait_dma2 semaphore(%run_scoped3A : memref<!tpu.dma_semaphore, #tpu.memory_space<semaphore_mem>>) src(%dma_wait3A_268 : memref<640x128xf32, #tpu.memory_space<hbm>>) dst(%dma_wait3A_266 : memref<640x128xf32, #tpu.memory_space<vmem_shared>>)
      tpu.yield
    }) : () -> ()
    %add3A_202 = arith.constant 96 : i32
    %add3A_203 = arith.addi %add3A_202, %add3A : i32
    %mul3A_204 = arith.constant 80 : i32
    %mul3A_205 = arith.muli %add3A_203, %mul3A_204 : i32
    "tpu.region"() ({
      %run_scoped3A = tpu.sem_alloc : memref<!tpu.dma_semaphore, #tpu.memory_space<semaphore_mem>>
      %dma_start3A_262 = arith.constant 0 : i32
      %dma_start3A_263 = tpu.memref_slice %arg3[%mul3A_205, %dma_start3A_262] : memref<10240x128xi32, #tpu.memory_space<hbm>> -> memref<40x128xi32, #tpu.memory_space<hbm>>
      %dma_start3A_264 = arith.constant 0 : i32
      %dma_start3A_265 = tpu.memref_slice %arg3[%mul3A_205, %dma_start3A_264] : memref<10240x128xi32, #tpu.memory_space<hbm>> -> memref<40x128xi32, #tpu.memory_space<hbm>>
      tpu.enqueue_dma source(%dma_start3A_265 : memref<40x128xi32, #tpu.memory_space<hbm>>) target(%arg6 : memref<40x128xi32, #tpu.memory_space<vmem>>) target_semaphore(%run_scoped3A : memref<!tpu.dma_semaphore, #tpu.memory_space<semaphore_mem>>)
      %dma_wait3A = arith.constant 0 : i32
      %dma_wait3A_266 = tpu.memref_slice %arg3[%mul3A_205, %dma_wait3A] : memref<10240x128xi32, #tpu.memory_space<hbm>> -> memref<40x128xi32, #tpu.memory_space<hbm>>
      %dma_wait3A_267 = arith.constant 0 : i32
      %dma_wait3A_268 = tpu.memref_slice %arg3[%mul3A_205, %dma_wait3A_267] : memref<10240x128xi32, #tpu.memory_space<hbm>> -> memref<40x128xi32, #tpu.memory_space<hbm>>
      tpu.wait_dma2 semaphore(%run_scoped3A : memref<!tpu.dma_semaphore, #tpu.memory_space<semaphore_mem>>) src(%dma_wait3A_268 : memref<40x128xi32, #tpu.memory_space<hbm>>) dst(%arg6 : memref<40x128xi32, #tpu.memory_space<vmem>>)
      tpu.yield
    }) : () -> ()
    %add3A_206 = arith.constant 96 : i32
    %add3A_207 = arith.addi %add3A_206, %add3A : i32
    %mul3A_208 = arith.constant 80 : i32
    %mul3A_209 = arith.muli %add3A_207, %mul3A_208 : i32
    "tpu.region"() ({
      %run_scoped3A = tpu.sem_alloc : memref<!tpu.dma_semaphore, #tpu.memory_space<semaphore_mem>>
      %dma_start3A_262 = arith.constant 0 : i32
      %dma_start3A_263 = tpu.memref_slice %arg4[%mul3A_209, %dma_start3A_262] : memref<10240x128xi32, #tpu.memory_space<hbm>> -> memref<40x128xi32, #tpu.memory_space<hbm>>
      %dma_start3A_264 = arith.constant 0 : i32
      %dma_start3A_265 = tpu.memref_slice %arg4[%mul3A_209, %dma_start3A_264] : memref<10240x128xi32, #tpu.memory_space<hbm>> -> memref<40x128xi32, #tpu.memory_space<hbm>>
      tpu.enqueue_dma source(%dma_start3A_265 : memref<40x128xi32, #tpu.memory_space<hbm>>) target(%arg7 : memref<40x128xi32, #tpu.memory_space<vmem>>) target_semaphore(%run_scoped3A : memref<!tpu.dma_semaphore, #tpu.memory_space<semaphore_mem>>)
      %dma_wait3A = arith.constant 0 : i32
      %dma_wait3A_266 = tpu.memref_slice %arg4[%mul3A_209, %dma_wait3A] : memref<10240x128xi32, #tpu.memory_space<hbm>> -> memref<40x128xi32, #tpu.memory_space<hbm>>
      %dma_wait3A_267 = arith.constant 0 : i32
      %dma_wait3A_268 = tpu.memref_slice %arg4[%mul3A_209, %dma_wait3A_267] : memref<10240x128xi32, #tpu.memory_space<hbm>> -> memref<40x128xi32, #tpu.memory_space<hbm>>
      tpu.wait_dma2 semaphore(%run_scoped3A : memref<!tpu.dma_semaphore, #tpu.memory_space<semaphore_mem>>) src(%dma_wait3A_268 : memref<40x128xi32, #tpu.memory_space<hbm>>) dst(%arg7 : memref<40x128xi32, #tpu.memory_space<vmem>>)
      tpu.yield
    }) : () -> ()
    %barrier3A_210 = arith.constant 0 : index
    tpu.barrier barrier_id(%barrier3A_210)
    %dma_start3A_211 = arith.constant 0 : i32
    %dma_start3A_212 = arith.constant 0 : i32
    %dma_start3A_213 = tpu.memref_slice %arg6[%dma_start3A_211, %dma_start3A_212] : memref<40x128xi32, #tpu.memory_space<vmem>> -> memref<1x128xi32, #tpu.memory_space<vmem>>
    %dma_start3A_214 = tpu.memref_squeeze %dma_start3A_213 : memref<1x128xi32, #tpu.memory_space<vmem>> -> memref<128xi32, #tpu.memory_space<vmem>>
    %dma_start3A_215 = arith.constant 0 : i32
    %dma_start3A_216 = arith.constant 0 : i32
    %dma_start3A_217 = tpu.memref_slice %arg2[%dma_start3A_215, %dma_start3A_216] : memref<40960x128xf32, #tpu.memory_space<hbm>> -> memref<40960x128xf32, #tpu.memory_space<hbm>>
    tpu.enqueue_indirect_dma source(%dma_start3A_217 : memref<40960x128xf32, #tpu.memory_space<hbm>>) target(%arg8 : memref<128x128xf32, #tpu.memory_space<vmem>>) offsets(%dma_start3A_214 : memref<128xi32, #tpu.memory_space<vmem>>) semaphore(%arg11 : memref<!tpu.dma_semaphore, #tpu.memory_space<semaphore_mem>>)
    %scan3A_218 = arith.constant 0 : i32
    %scan3A_219 = arith.constant 0 : i32
    %scan3A_220 = arith.constant 20 : i32
    %scan3A_221 = arith.addi %scan3A_219, %scan3A_220 : i32
    %scan3A_222 = arith.constant 1 : i32
    %scan3A_223 = scf.for %scan3A_262 = %scan3A_219 to %scan3A_221 step %scan3A_222 iter_args(%scan3A_263 = %scan3A_218) -> (i32)  : i32 {
      %mul3A_264 = arith.constant 2 : i32
      %mul3A_265 = arith.muli %mul3A_264, %scan3A_262 : i32
      %add3A_266 = arith.constant 1 : i32
      %add3A_267 = arith.addi %mul3A_265, %add3A_266 : i32
      %dma_start3A_268 = arith.constant 0 : i32
      %dma_start3A_269 = tpu.memref_slice %arg6[%add3A_267, %dma_start3A_268] : memref<40x128xi32, #tpu.memory_space<vmem>> -> memref<1x128xi32, #tpu.memory_space<vmem>>
      %dma_start3A_270 = tpu.memref_squeeze %dma_start3A_269 : memref<1x128xi32, #tpu.memory_space<vmem>> -> memref<128xi32, #tpu.memory_space<vmem>>
      %dma_start3A_271 = arith.constant 0 : i32
      %dma_start3A_272 = arith.constant 0 : i32
      %dma_start3A_273 = tpu.memref_slice %arg2[%dma_start3A_271, %dma_start3A_272] : memref<40960x128xf32, #tpu.memory_space<hbm>> -> memref<40960x128xf32, #tpu.memory_space<hbm>>
      tpu.enqueue_indirect_dma source(%dma_start3A_273 : memref<40960x128xf32, #tpu.memory_space<hbm>>) target(%arg9 : memref<128x128xf32, #tpu.memory_space<vmem>>) offsets(%dma_start3A_270 : memref<128xi32, #tpu.memory_space<vmem>>) semaphore(%arg12 : memref<!tpu.dma_semaphore, #tpu.memory_space<semaphore_mem>>)
      %dma_wait3A = arith.constant 0 : i32
      %dma_wait3A_274 = arith.constant 0 : i32
      %dma_wait3A_275 = tpu.memref_slice %arg2[%dma_wait3A, %dma_wait3A_274] : memref<40960x128xf32, #tpu.memory_space<hbm>> -> memref<128x128xf32, #tpu.memory_space<hbm>>
      %dma_wait3A_276 = arith.constant 0 : i32
      %dma_wait3A_277 = arith.constant 0 : i32
      %dma_wait3A_278 = tpu.memref_slice %arg2[%dma_wait3A_276, %dma_wait3A_277] : memref<40960x128xf32, #tpu.memory_space<hbm>> -> memref<128x128xf32, #tpu.memory_space<hbm>>
      tpu.wait_dma2 semaphore(%arg11 : memref<!tpu.dma_semaphore, #tpu.memory_space<semaphore_mem>>) src(%dma_wait3A_278 : memref<128x128xf32, #tpu.memory_space<hbm>>) dst(%arg8 : memref<128x128xf32, #tpu.memory_space<vmem>>)
      "tpu.region"() ({
        %run_scoped3A = tpu.sem_alloc : memref<!tpu.dma_semaphore, #tpu.memory_space<semaphore_mem>>
        %dma_start3A_292 = arith.constant 0 : i32
        %dma_start3A_293 = tpu.memref_slice %arg7[%mul3A_265, %dma_start3A_292] : memref<40x128xi32, #tpu.memory_space<vmem>> -> memref<1x128xi32, #tpu.memory_space<vmem>>
        %dma_start3A_294 = tpu.memref_squeeze %dma_start3A_293 : memref<1x128xi32, #tpu.memory_space<vmem>> -> memref<128xi32, #tpu.memory_space<vmem>>
        %dma_start3A_295 = arith.constant 0 : i32
        %dma_start3A_296 = arith.constant 0 : i32
        %dma_start3A_297 = tpu.memref_slice %arg10[%dma_start3A_295, %dma_start3A_296] : memref<10240x128xf32, #tpu.memory_space<vmem_shared>> -> memref<10240x128xf32, #tpu.memory_space<vmem_shared>>
        tpu.enqueue_indirect_dma source(%arg8 : memref<128x128xf32, #tpu.memory_space<vmem>>) target(%dma_start3A_297 : memref<10240x128xf32, #tpu.memory_space<vmem_shared>>) offsets(%dma_start3A_294 : memref<128xi32, #tpu.memory_space<vmem>>) semaphore(%run_scoped3A : memref<!tpu.dma_semaphore, #tpu.memory_space<semaphore_mem>>) {add = true}
        %dma_wait3A_298 = arith.constant 0 : i32
        %dma_wait3A_299 = tpu.memref_slice %arg7[%mul3A_265, %dma_wait3A_298] : memref<40x128xi32, #tpu.memory_space<vmem>> -> memref<1x128xi32, #tpu.memory_space<vmem>>
        %dma_wait3A_300 = tpu.memref_squeeze %dma_wait3A_299 : memref<1x128xi32, #tpu.memory_space<vmem>> -> memref<128xi32, #tpu.memory_space<vmem>>
        %dma_wait3A_301 = arith.constant 0 : i32
        %dma_wait3A_302 = arith.constant 0 : i32
        %dma_wait3A_303 = tpu.memref_slice %arg10[%dma_wait3A_301, %dma_wait3A_302] : memref<10240x128xf32, #tpu.memory_space<vmem_shared>> -> memref<10240x128xf32, #tpu.memory_space<vmem_shared>>
        tpu.wait_indirect_dma semaphore(%run_scoped3A : memref<!tpu.dma_semaphore, #tpu.memory_space<semaphore_mem>>) src(%arg8 : memref<128x128xf32, #tpu.memory_space<vmem>>) dst(%dma_wait3A_303 : memref<10240x128xf32, #tpu.memory_space<vmem_shared>>)
        tpu.yield
      }) : () -> ()
      %add3A_279 = arith.constant 2 : i32
      %add3A_280 = arith.addi %mul3A_265, %add3A_279 : i32
      %lt3A = arith.constant 40 : i32
      %lt3A_281 = arith.cmpi slt, %add3A_280, %lt3A : i32
      %convert_element_type3A = arith.extui %lt3A_281 : i1 to i32
      %cond3A = arith.constant 0 : i32
      %cond3A_282 = arith.cmpi ne, %convert_element_type3A, %cond3A : i32
      scf.if %cond3A_282 {
        %add3A_292 = arith.constant 2 : i32
        %add3A_293 = arith.addi %mul3A_265, %add3A_292 : i32
        %dma_start3A_294 = arith.constant 0 : i32
        %dma_start3A_295 = tpu.memref_slice %arg6[%add3A_293, %dma_start3A_294] : memref<40x128xi32, #tpu.memory_space<vmem>> -> memref<1x128xi32, #tpu.memory_space<vmem>>
        %dma_start3A_296 = tpu.memref_squeeze %dma_start3A_295 : memref<1x128xi32, #tpu.memory_space<vmem>> -> memref<128xi32, #tpu.memory_space<vmem>>
        %dma_start3A_297 = arith.constant 0 : i32
        %dma_start3A_298 = arith.constant 0 : i32
        %dma_start3A_299 = tpu.memref_slice %arg2[%dma_start3A_297, %dma_start3A_298] : memref<40960x128xf32, #tpu.memory_space<hbm>> -> memref<40960x128xf32, #tpu.memory_space<hbm>>
        tpu.enqueue_indirect_dma source(%dma_start3A_299 : memref<40960x128xf32, #tpu.memory_space<hbm>>) target(%arg8 : memref<128x128xf32, #tpu.memory_space<vmem>>) offsets(%dma_start3A_296 : memref<128xi32, #tpu.memory_space<vmem>>) semaphore(%arg11 : memref<!tpu.dma_semaphore, #tpu.memory_space<semaphore_mem>>)
      } else {
      }
      %dma_wait3A_283 = arith.constant 0 : i32
      %dma_wait3A_284 = arith.constant 0 : i32
      %dma_wait3A_285 = tpu.memref_slice %arg2[%dma_wait3A_283, %dma_wait3A_284] : memref<40960x128xf32, #tpu.memory_space<hbm>> -> memref<128x128xf32, #tpu.memory_space<hbm>>
      %dma_wait3A_286 = arith.constant 0 : i32
      %dma_wait3A_287 = arith.constant 0 : i32
      %dma_wait3A_288 = tpu.memref_slice %arg2[%dma_wait3A_286, %dma_wait3A_287] : memref<40960x128xf32, #tpu.memory_space<hbm>> -> memref<128x128xf32, #tpu.memory_space<hbm>>
      tpu.wait_dma2 semaphore(%arg12 : memref<!tpu.dma_semaphore, #tpu.memory_space<semaphore_mem>>) src(%dma_wait3A_288 : memref<128x128xf32, #tpu.memory_space<hbm>>) dst(%arg9 : memref<128x128xf32, #tpu.memory_space<vmem>>)
      %add3A_289 = arith.constant 1 : i32
      %add3A_290 = arith.addi %mul3A_265, %add3A_289 : i32
      "tpu.region"() ({
        %run_scoped3A = tpu.sem_alloc : memref<!tpu.dma_semaphore, #tpu.memory_space<semaphore_mem>>
        %dma_start3A_292 = arith.constant 0 : i32
        %dma_start3A_293 = tpu.memref_slice %arg7[%add3A_290, %dma_start3A_292] : memref<40x128xi32, #tpu.memory_space<vmem>> -> memref<1x128xi32, #tpu.memory_space<vmem>>
        %dma_start3A_294 = tpu.memref_squeeze %dma_start3A_293 : memref<1x128xi32, #tpu.memory_space<vmem>> -> memref<128xi32, #tpu.memory_space<vmem>>
        %dma_start3A_295 = arith.constant 0 : i32
        %dma_start3A_296 = arith.constant 0 : i32
        %dma_start3A_297 = tpu.memref_slice %arg10[%dma_start3A_295, %dma_start3A_296] : memref<10240x128xf32, #tpu.memory_space<vmem_shared>> -> memref<10240x128xf32, #tpu.memory_space<vmem_shared>>
        tpu.enqueue_indirect_dma source(%arg9 : memref<128x128xf32, #tpu.memory_space<vmem>>) target(%dma_start3A_297 : memref<10240x128xf32, #tpu.memory_space<vmem_shared>>) offsets(%dma_start3A_294 : memref<128xi32, #tpu.memory_space<vmem>>) semaphore(%run_scoped3A : memref<!tpu.dma_semaphore, #tpu.memory_space<semaphore_mem>>) {add = true}
        %dma_wait3A_298 = arith.constant 0 : i32
        %dma_wait3A_299 = tpu.memref_slice %arg7[%add3A_290, %dma_wait3A_298] : memref<40x128xi32, #tpu.memory_space<vmem>> -> memref<1x128xi32, #tpu.memory_space<vmem>>
        %dma_wait3A_300 = tpu.memref_squeeze %dma_wait3A_299 : memref<1x128xi32, #tpu.memory_space<vmem>> -> memref<128xi32, #tpu.memory_space<vmem>>
        %dma_wait3A_301 = arith.constant 0 : i32
        %dma_wait3A_302 = arith.constant 0 : i32
        %dma_wait3A_303 = tpu.memref_slice %arg10[%dma_wait3A_301, %dma_wait3A_302] : memref<10240x128xf32, #tpu.memory_space<vmem_shared>> -> memref<10240x128xf32, #tpu.memory_space<vmem_shared>>
        tpu.wait_indirect_dma semaphore(%run_scoped3A : memref<!tpu.dma_semaphore, #tpu.memory_space<semaphore_mem>>) src(%arg9 : memref<128x128xf32, #tpu.memory_space<vmem>>) dst(%dma_wait3A_303 : memref<10240x128xf32, #tpu.memory_space<vmem_shared>>)
        tpu.yield
      }) : () -> ()
      %scan3A_291 = arith.constant 0 : i32
      scf.yield %scan3A_291 : i32
    }
    %scan3A_224 = arith.constant 20 : i32
    %add3A_225 = arith.constant 96 : i32
    %add3A_226 = arith.addi %add3A_225, %add3A : i32
    %mul3A_227 = arith.constant 80 : i32
    %mul3A_228 = arith.muli %add3A_226, %mul3A_227 : i32
    %add3A_229 = arith.constant 40 : i32
    %add3A_230 = arith.addi %mul3A_228, %add3A_229 : i32
    "tpu.region"() ({
      %run_scoped3A = tpu.sem_alloc : memref<!tpu.dma_semaphore, #tpu.memory_space<semaphore_mem>>
      %dma_start3A_262 = arith.constant 0 : i32
      %dma_start3A_263 = tpu.memref_slice %arg3[%add3A_230, %dma_start3A_262] : memref<10240x128xi32, #tpu.memory_space<hbm>> -> memref<40x128xi32, #tpu.memory_space<hbm>>
      %dma_start3A_264 = arith.constant 0 : i32
      %dma_start3A_265 = tpu.memref_slice %arg3[%add3A_230, %dma_start3A_264] : memref<10240x128xi32, #tpu.memory_space<hbm>> -> memref<40x128xi32, #tpu.memory_space<hbm>>
      tpu.enqueue_dma source(%dma_start3A_265 : memref<40x128xi32, #tpu.memory_space<hbm>>) target(%arg6 : memref<40x128xi32, #tpu.memory_space<vmem>>) target_semaphore(%run_scoped3A : memref<!tpu.dma_semaphore, #tpu.memory_space<semaphore_mem>>)
      %dma_wait3A = arith.constant 0 : i32
      %dma_wait3A_266 = tpu.memref_slice %arg3[%add3A_230, %dma_wait3A] : memref<10240x128xi32, #tpu.memory_space<hbm>> -> memref<40x128xi32, #tpu.memory_space<hbm>>
      %dma_wait3A_267 = arith.constant 0 : i32
      %dma_wait3A_268 = tpu.memref_slice %arg3[%add3A_230, %dma_wait3A_267] : memref<10240x128xi32, #tpu.memory_space<hbm>> -> memref<40x128xi32, #tpu.memory_space<hbm>>
      tpu.wait_dma2 semaphore(%run_scoped3A : memref<!tpu.dma_semaphore, #tpu.memory_space<semaphore_mem>>) src(%dma_wait3A_268 : memref<40x128xi32, #tpu.memory_space<hbm>>) dst(%arg6 : memref<40x128xi32, #tpu.memory_space<vmem>>)
      tpu.yield
    }) : () -> ()
    %add3A_231 = arith.constant 96 : i32
    %add3A_232 = arith.addi %add3A_231, %add3A : i32
    %mul3A_233 = arith.constant 80 : i32
    %mul3A_234 = arith.muli %add3A_232, %mul3A_233 : i32
    %add3A_235 = arith.constant 40 : i32
    %add3A_236 = arith.addi %mul3A_234, %add3A_235 : i32
    "tpu.region"() ({
      %run_scoped3A = tpu.sem_alloc : memref<!tpu.dma_semaphore, #tpu.memory_space<semaphore_mem>>
      %dma_start3A_262 = arith.constant 0 : i32
      %dma_start3A_263 = tpu.memref_slice %arg4[%add3A_236, %dma_start3A_262] : memref<10240x128xi32, #tpu.memory_space<hbm>> -> memref<40x128xi32, #tpu.memory_space<hbm>>
      %dma_start3A_264 = arith.constant 0 : i32
      %dma_start3A_265 = tpu.memref_slice %arg4[%add3A_236, %dma_start3A_264] : memref<10240x128xi32, #tpu.memory_space<hbm>> -> memref<40x128xi32, #tpu.memory_space<hbm>>
      tpu.enqueue_dma source(%dma_start3A_265 : memref<40x128xi32, #tpu.memory_space<hbm>>) target(%arg7 : memref<40x128xi32, #tpu.memory_space<vmem>>) target_semaphore(%run_scoped3A : memref<!tpu.dma_semaphore, #tpu.memory_space<semaphore_mem>>)
      %dma_wait3A = arith.constant 0 : i32
      %dma_wait3A_266 = tpu.memref_slice %arg4[%add3A_236, %dma_wait3A] : memref<10240x128xi32, #tpu.memory_space<hbm>> -> memref<40x128xi32, #tpu.memory_space<hbm>>
      %dma_wait3A_267 = arith.constant 0 : i32
      %dma_wait3A_268 = tpu.memref_slice %arg4[%add3A_236, %dma_wait3A_267] : memref<10240x128xi32, #tpu.memory_space<hbm>> -> memref<40x128xi32, #tpu.memory_space<hbm>>
      tpu.wait_dma2 semaphore(%run_scoped3A : memref<!tpu.dma_semaphore, #tpu.memory_space<semaphore_mem>>) src(%dma_wait3A_268 : memref<40x128xi32, #tpu.memory_space<hbm>>) dst(%arg7 : memref<40x128xi32, #tpu.memory_space<vmem>>)
      tpu.yield
    }) : () -> ()
    %dma_start3A_237 = arith.constant 0 : i32
    %dma_start3A_238 = arith.constant 0 : i32
    %dma_start3A_239 = tpu.memref_slice %arg6[%dma_start3A_237, %dma_start3A_238] : memref<40x128xi32, #tpu.memory_space<vmem>> -> memref<1x128xi32, #tpu.memory_space<vmem>>
    %dma_start3A_240 = tpu.memref_squeeze %dma_start3A_239 : memref<1x128xi32, #tpu.memory_space<vmem>> -> memref<128xi32, #tpu.memory_space<vmem>>
    %dma_start3A_241 = arith.constant 0 : i32
    %dma_start3A_242 = arith.constant 0 : i32
    %dma_start3A_243 = tpu.memref_slice %arg2[%dma_start3A_241, %dma_start3A_242] : memref<40960x128xf32, #tpu.memory_space<hbm>> -> memref<40960x128xf32, #tpu.memory_space<hbm>>
    tpu.enqueue_indirect_dma source(%dma_start3A_243 : memref<40960x128xf32, #tpu.memory_space<hbm>>) target(%arg8 : memref<128x128xf32, #tpu.memory_space<vmem>>) offsets(%dma_start3A_240 : memref<128xi32, #tpu.memory_space<vmem>>) semaphore(%arg11 : memref<!tpu.dma_semaphore, #tpu.memory_space<semaphore_mem>>)
    %scan3A_244 = arith.constant 0 : i32
    %scan3A_245 = arith.constant 0 : i32
    %scan3A_246 = arith.constant 20 : i32
    %scan3A_247 = arith.addi %scan3A_245, %scan3A_246 : i32
    %scan3A_248 = arith.constant 1 : i32
    %scan3A_249 = scf.for %scan3A_262 = %scan3A_245 to %scan3A_247 step %scan3A_248 iter_args(%scan3A_263 = %scan3A_244) -> (i32)  : i32 {
      %mul3A_264 = arith.constant 2 : i32
      %mul3A_265 = arith.muli %mul3A_264, %scan3A_262 : i32
      %add3A_266 = arith.constant 1 : i32
      %add3A_267 = arith.addi %mul3A_265, %add3A_266 : i32
      %dma_start3A_268 = arith.constant 0 : i32
      %dma_start3A_269 = tpu.memref_slice %arg6[%add3A_267, %dma_start3A_268] : memref<40x128xi32, #tpu.memory_space<vmem>> -> memref<1x128xi32, #tpu.memory_space<vmem>>
      %dma_start3A_270 = tpu.memref_squeeze %dma_start3A_269 : memref<1x128xi32, #tpu.memory_space<vmem>> -> memref<128xi32, #tpu.memory_space<vmem>>
      %dma_start3A_271 = arith.constant 0 : i32
      %dma_start3A_272 = arith.constant 0 : i32
      %dma_start3A_273 = tpu.memref_slice %arg2[%dma_start3A_271, %dma_start3A_272] : memref<40960x128xf32, #tpu.memory_space<hbm>> -> memref<40960x128xf32, #tpu.memory_space<hbm>>
      tpu.enqueue_indirect_dma source(%dma_start3A_273 : memref<40960x128xf32, #tpu.memory_space<hbm>>) target(%arg9 : memref<128x128xf32, #tpu.memory_space<vmem>>) offsets(%dma_start3A_270 : memref<128xi32, #tpu.memory_space<vmem>>) semaphore(%arg12 : memref<!tpu.dma_semaphore, #tpu.memory_space<semaphore_mem>>)
      %dma_wait3A = arith.constant 0 : i32
      %dma_wait3A_274 = arith.constant 0 : i32
      %dma_wait3A_275 = tpu.memref_slice %arg2[%dma_wait3A, %dma_wait3A_274] : memref<40960x128xf32, #tpu.memory_space<hbm>> -> memref<128x128xf32, #tpu.memory_space<hbm>>
      %dma_wait3A_276 = arith.constant 0 : i32
      %dma_wait3A_277 = arith.constant 0 : i32
      %dma_wait3A_278 = tpu.memref_slice %arg2[%dma_wait3A_276, %dma_wait3A_277] : memref<40960x128xf32, #tpu.memory_space<hbm>> -> memref<128x128xf32, #tpu.memory_space<hbm>>
      tpu.wait_dma2 semaphore(%arg11 : memref<!tpu.dma_semaphore, #tpu.memory_space<semaphore_mem>>) src(%dma_wait3A_278 : memref<128x128xf32, #tpu.memory_space<hbm>>) dst(%arg8 : memref<128x128xf32, #tpu.memory_space<vmem>>)
      "tpu.region"() ({
        %run_scoped3A = tpu.sem_alloc : memref<!tpu.dma_semaphore, #tpu.memory_space<semaphore_mem>>
        %dma_start3A_292 = arith.constant 0 : i32
        %dma_start3A_293 = tpu.memref_slice %arg7[%mul3A_265, %dma_start3A_292] : memref<40x128xi32, #tpu.memory_space<vmem>> -> memref<1x128xi32, #tpu.memory_space<vmem>>
        %dma_start3A_294 = tpu.memref_squeeze %dma_start3A_293 : memref<1x128xi32, #tpu.memory_space<vmem>> -> memref<128xi32, #tpu.memory_space<vmem>>
        %dma_start3A_295 = arith.constant 0 : i32
        %dma_start3A_296 = arith.constant 0 : i32
        %dma_start3A_297 = tpu.memref_slice %arg10[%dma_start3A_295, %dma_start3A_296] : memref<10240x128xf32, #tpu.memory_space<vmem_shared>> -> memref<10240x128xf32, #tpu.memory_space<vmem_shared>>
        tpu.enqueue_indirect_dma source(%arg8 : memref<128x128xf32, #tpu.memory_space<vmem>>) target(%dma_start3A_297 : memref<10240x128xf32, #tpu.memory_space<vmem_shared>>) offsets(%dma_start3A_294 : memref<128xi32, #tpu.memory_space<vmem>>) semaphore(%run_scoped3A : memref<!tpu.dma_semaphore, #tpu.memory_space<semaphore_mem>>) {add = true}
        %dma_wait3A_298 = arith.constant 0 : i32
        %dma_wait3A_299 = tpu.memref_slice %arg7[%mul3A_265, %dma_wait3A_298] : memref<40x128xi32, #tpu.memory_space<vmem>> -> memref<1x128xi32, #tpu.memory_space<vmem>>
        %dma_wait3A_300 = tpu.memref_squeeze %dma_wait3A_299 : memref<1x128xi32, #tpu.memory_space<vmem>> -> memref<128xi32, #tpu.memory_space<vmem>>
        %dma_wait3A_301 = arith.constant 0 : i32
        %dma_wait3A_302 = arith.constant 0 : i32
        %dma_wait3A_303 = tpu.memref_slice %arg10[%dma_wait3A_301, %dma_wait3A_302] : memref<10240x128xf32, #tpu.memory_space<vmem_shared>> -> memref<10240x128xf32, #tpu.memory_space<vmem_shared>>
        tpu.wait_indirect_dma semaphore(%run_scoped3A : memref<!tpu.dma_semaphore, #tpu.memory_space<semaphore_mem>>) src(%arg8 : memref<128x128xf32, #tpu.memory_space<vmem>>) dst(%dma_wait3A_303 : memref<10240x128xf32, #tpu.memory_space<vmem_shared>>)
        tpu.yield
      }) : () -> ()
      %add3A_279 = arith.constant 2 : i32
      %add3A_280 = arith.addi %mul3A_265, %add3A_279 : i32
      %lt3A = arith.constant 40 : i32
      %lt3A_281 = arith.cmpi slt, %add3A_280, %lt3A : i32
      %convert_element_type3A = arith.extui %lt3A_281 : i1 to i32
      %cond3A = arith.constant 0 : i32
      %cond3A_282 = arith.cmpi ne, %convert_element_type3A, %cond3A : i32
      scf.if %cond3A_282 {
        %add3A_292 = arith.constant 2 : i32
        %add3A_293 = arith.addi %mul3A_265, %add3A_292 : i32
        %dma_start3A_294 = arith.constant 0 : i32
        %dma_start3A_295 = tpu.memref_slice %arg6[%add3A_293, %dma_start3A_294] : memref<40x128xi32, #tpu.memory_space<vmem>> -> memref<1x128xi32, #tpu.memory_space<vmem>>
        %dma_start3A_296 = tpu.memref_squeeze %dma_start3A_295 : memref<1x128xi32, #tpu.memory_space<vmem>> -> memref<128xi32, #tpu.memory_space<vmem>>
        %dma_start3A_297 = arith.constant 0 : i32
        %dma_start3A_298 = arith.constant 0 : i32
        %dma_start3A_299 = tpu.memref_slice %arg2[%dma_start3A_297, %dma_start3A_298] : memref<40960x128xf32, #tpu.memory_space<hbm>> -> memref<40960x128xf32, #tpu.memory_space<hbm>>
        tpu.enqueue_indirect_dma source(%dma_start3A_299 : memref<40960x128xf32, #tpu.memory_space<hbm>>) target(%arg8 : memref<128x128xf32, #tpu.memory_space<vmem>>) offsets(%dma_start3A_296 : memref<128xi32, #tpu.memory_space<vmem>>) semaphore(%arg11 : memref<!tpu.dma_semaphore, #tpu.memory_space<semaphore_mem>>)
      } else {
      }
      %dma_wait3A_283 = arith.constant 0 : i32
      %dma_wait3A_284 = arith.constant 0 : i32
      %dma_wait3A_285 = tpu.memref_slice %arg2[%dma_wait3A_283, %dma_wait3A_284] : memref<40960x128xf32, #tpu.memory_space<hbm>> -> memref<128x128xf32, #tpu.memory_space<hbm>>
      %dma_wait3A_286 = arith.constant 0 : i32
      %dma_wait3A_287 = arith.constant 0 : i32
      %dma_wait3A_288 = tpu.memref_slice %arg2[%dma_wait3A_286, %dma_wait3A_287] : memref<40960x128xf32, #tpu.memory_space<hbm>> -> memref<128x128xf32, #tpu.memory_space<hbm>>
      tpu.wait_dma2 semaphore(%arg12 : memref<!tpu.dma_semaphore, #tpu.memory_space<semaphore_mem>>) src(%dma_wait3A_288 : memref<128x128xf32, #tpu.memory_space<hbm>>) dst(%arg9 : memref<128x128xf32, #tpu.memory_space<vmem>>)
      %add3A_289 = arith.constant 1 : i32
      %add3A_290 = arith.addi %mul3A_265, %add3A_289 : i32
      "tpu.region"() ({
        %run_scoped3A = tpu.sem_alloc : memref<!tpu.dma_semaphore, #tpu.memory_space<semaphore_mem>>
        %dma_start3A_292 = arith.constant 0 : i32
        %dma_start3A_293 = tpu.memref_slice %arg7[%add3A_290, %dma_start3A_292] : memref<40x128xi32, #tpu.memory_space<vmem>> -> memref<1x128xi32, #tpu.memory_space<vmem>>
        %dma_start3A_294 = tpu.memref_squeeze %dma_start3A_293 : memref<1x128xi32, #tpu.memory_space<vmem>> -> memref<128xi32, #tpu.memory_space<vmem>>
        %dma_start3A_295 = arith.constant 0 : i32
        %dma_start3A_296 = arith.constant 0 : i32
        %dma_start3A_297 = tpu.memref_slice %arg10[%dma_start3A_295, %dma_start3A_296] : memref<10240x128xf32, #tpu.memory_space<vmem_shared>> -> memref<10240x128xf32, #tpu.memory_space<vmem_shared>>
        tpu.enqueue_indirect_dma source(%arg9 : memref<128x128xf32, #tpu.memory_space<vmem>>) target(%dma_start3A_297 : memref<10240x128xf32, #tpu.memory_space<vmem_shared>>) offsets(%dma_start3A_294 : memref<128xi32, #tpu.memory_space<vmem>>) semaphore(%run_scoped3A : memref<!tpu.dma_semaphore, #tpu.memory_space<semaphore_mem>>) {add = true}
        %dma_wait3A_298 = arith.constant 0 : i32
        %dma_wait3A_299 = tpu.memref_slice %arg7[%add3A_290, %dma_wait3A_298] : memref<40x128xi32, #tpu.memory_space<vmem>> -> memref<1x128xi32, #tpu.memory_space<vmem>>
        %dma_wait3A_300 = tpu.memref_squeeze %dma_wait3A_299 : memref<1x128xi32, #tpu.memory_space<vmem>> -> memref<128xi32, #tpu.memory_space<vmem>>
        %dma_wait3A_301 = arith.constant 0 : i32
        %dma_wait3A_302 = arith.constant 0 : i32
        %dma_wait3A_303 = tpu.memref_slice %arg10[%dma_wait3A_301, %dma_wait3A_302] : memref<10240x128xf32, #tpu.memory_space<vmem_shared>> -> memref<10240x128xf32, #tpu.memory_space<vmem_shared>>
        tpu.wait_indirect_dma semaphore(%run_scoped3A : memref<!tpu.dma_semaphore, #tpu.memory_space<semaphore_mem>>) src(%arg9 : memref<128x128xf32, #tpu.memory_space<vmem>>) dst(%dma_wait3A_303 : memref<10240x128xf32, #tpu.memory_space<vmem_shared>>)
        tpu.yield
      }) : () -> ()
      %scan3A_291 = arith.constant 0 : i32
      scf.yield %scan3A_291 : i32
    }
    %scan3A_250 = arith.constant 20 : i32
    %barrier3A_251 = arith.constant 0 : index
    tpu.barrier barrier_id(%barrier3A_251)
    %mul3A_252 = arith.constant 640 : i32
    %mul3A_253 = arith.muli %arg1, %mul3A_252 : i32
    %add3A_254 = arith.constant 6 : i32
    %add3A_255 = arith.addi %add3A_254, %arg0 : i32
    %mul3A_256 = arith.constant 10240 : i32
    %mul3A_257 = arith.muli %add3A_255, %mul3A_256 : i32
    %mul3A_258 = arith.constant 640 : i32
    %mul3A_259 = arith.muli %arg1, %mul3A_258 : i32
    %add3A_260 = arith.addi %mul3A_257, %mul3A_259 : i32
    "tpu.region"() ({
      %run_scoped3A = tpu.sem_alloc : memref<!tpu.dma_semaphore, #tpu.memory_space<semaphore_mem>>
      %dma_start3A_262 = arith.constant 0 : i32
      %dma_start3A_263 = tpu.memref_slice %arg5[%add3A_260, %dma_start3A_262] : memref<81920x128xf32, #tpu.memory_space<hbm>> -> memref<640x128xf32, #tpu.memory_space<hbm>>
      %dma_start3A_264 = arith.constant 0 : i32
      %dma_start3A_265 = tpu.memref_slice %arg10[%mul3A_253, %dma_start3A_264] : memref<10240x128xf32, #tpu.memory_space<vmem_shared>> -> memref<640x128xf32, #tpu.memory_space<vmem_shared>>
      tpu.enqueue_dma source(%dma_start3A_265 : memref<640x128xf32, #tpu.memory_space<vmem_shared>>) target(%dma_start3A_263 : memref<640x128xf32, #tpu.memory_space<hbm>>) target_semaphore(%run_scoped3A : memref<!tpu.dma_semaphore, #tpu.memory_space<semaphore_mem>>)
      %dma_wait3A = arith.constant 0 : i32
      %dma_wait3A_266 = tpu.memref_slice %arg5[%add3A_260, %dma_wait3A] : memref<81920x128xf32, #tpu.memory_space<hbm>> -> memref<640x128xf32, #tpu.memory_space<hbm>>
      %dma_wait3A_267 = arith.constant 0 : i32
      %dma_wait3A_268 = tpu.memref_slice %arg10[%mul3A_253, %dma_wait3A_267] : memref<10240x128xf32, #tpu.memory_space<vmem_shared>> -> memref<640x128xf32, #tpu.memory_space<vmem_shared>>
      tpu.wait_dma2 semaphore(%run_scoped3A : memref<!tpu.dma_semaphore, #tpu.memory_space<semaphore_mem>>) src(%dma_wait3A_268 : memref<640x128xf32, #tpu.memory_space<vmem_shared>>) dst(%dma_wait3A_266 : memref<640x128xf32, #tpu.memory_space<hbm>>)
      tpu.yield
    }) : () -> ()
    %barrier3A_261 = arith.constant 0 : index
    tpu.barrier barrier_id(%barrier3A_261)
    return
  }
}

#map = affine_map<(d0, d1) -> (0, 0)>
#map1 = affine_map<(d0, d1) -> (0)>
module attributes {stable_mosaic.version = 14 : i64} {
  func.func @_sc_deg_body(%arg0: i32, %arg1: i32, %arg2: memref<10240x128xi32, #tpu.memory_space<hbm>>, %arg3: memref<81920xf32, #tpu.memory_space<hbm>>, %arg4: memref<80x128xi32, #tpu.memory_space<vmem>>, %arg5: memref<640xf32, #tpu.memory_space<vmem>>, %arg6: memref<128xf32, #tpu.memory_space<vmem>>, %arg7: memref<10240xf32, #tpu.memory_space<vmem_shared>>) attributes {dimension_semantics = [#tpu.dimension_semantics<core_parallel>, #tpu.dimension_semantics<subcore_parallel>], iteration_bounds = array<i64: 2, 16>, scalar_prefetch = 0 : i64, scratch_operands = 4 : i64, tpu.core_type = #tpu.core_type<sc_vector_subcore>, window_params = [{transform_indices = #map}, {transform_indices = #map1}]} {
    %mul3A = arith.constant 16 : i32
    %mul3A_0 = arith.muli %arg0, %mul3A : i32
    %add3A = arith.addi %mul3A_0, %arg1 : i32
    %scan3A = arith.constant 0 : i32
    %scan3A_1 = arith.constant 0 : i32
    %scan3A_2 = arith.constant 40 : i32
    %scan3A_3 = arith.addi %scan3A_1, %scan3A_2 : i32
    %scan3A_4 = arith.constant 1 : i32
    %scan3A_5 = scf.for %scan3A_113 = %scan3A_1 to %scan3A_3 step %scan3A_4 iter_args(%scan3A_114 = %scan3A) -> (i32)  : i32 {
      %broadcast_in_dim3A = arith.constant 0.000000e+00 : f32
      %broadcast_in_dim3A_115 = vector.broadcast %broadcast_in_dim3A : f32 to vector<16xf32>
      %mul3A_116 = arith.constant 16 : i32
      %mul3A_117 = arith.muli %scan3A_113, %mul3A_116 : i32
      %swap3A = arith.index_cast %mul3A_117 : i32 to index
      %swap3A_118 = tpu.vector_load %arg5[%swap3A] {strides = array<i32>} : memref<640xf32, #tpu.memory_space<vmem>>, vector<16xf32>,
      %swap3A_119 = vector.shape_cast %swap3A_118 : vector<16xf32> to vector<16xf32>
      %swap3A_120 = vector.shape_cast %broadcast_in_dim3A_115 : vector<16xf32> to vector<16xf32>
      tpu.vector_store %arg5[%swap3A], %swap3A_120 {strides = array<i32>} : memref<640xf32, #tpu.memory_space<vmem>>, vector<16xf32>,
      %scan3A_121 = arith.constant 0 : i32
      scf.yield %scan3A_121 : i32
    }
    %scan3A_6 = arith.constant 40 : i32
    %scan3A_7 = arith.constant 0 : i32
    %scan3A_8 = arith.constant 0 : i32
    %scan3A_9 = arith.constant 8 : i32
    %scan3A_10 = arith.addi %scan3A_8, %scan3A_9 : i32
    %scan3A_11 = arith.constant 1 : i32
    %scan3A_12 = scf.for %scan3A_113 = %scan3A_8 to %scan3A_10 step %scan3A_11 iter_args(%scan3A_114 = %scan3A_7) -> (i32)  : i32 {
      %broadcast_in_dim3A = arith.constant 1.000000e+00 : f32
      %broadcast_in_dim3A_115 = vector.broadcast %broadcast_in_dim3A : f32 to vector<16xf32>
      %mul3A_116 = arith.constant 16 : i32
      %mul3A_117 = arith.muli %scan3A_113, %mul3A_116 : i32
      %swap3A = arith.index_cast %mul3A_117 : i32 to index
      %swap3A_118 = tpu.vector_load %arg6[%swap3A] {strides = array<i32>} : memref<128xf32, #tpu.memory_space<vmem>>, vector<16xf32>,
      %swap3A_119 = vector.shape_cast %swap3A_118 : vector<16xf32> to vector<16xf32>
      %swap3A_120 = vector.shape_cast %broadcast_in_dim3A_115 : vector<16xf32> to vector<16xf32>
      tpu.vector_store %arg6[%swap3A], %swap3A_120 {strides = array<i32>} : memref<128xf32, #tpu.memory_space<vmem>>, vector<16xf32>,
      %scan3A_121 = arith.constant 0 : i32
      scf.yield %scan3A_121 : i32
    }
    %scan3A_13 = arith.constant 8 : i32
    %mul3A_14 = arith.constant 640 : i32
    %mul3A_15 = arith.muli %arg1, %mul3A_14 : i32
    "tpu.region"() ({
      %run_scoped3A = tpu.sem_alloc : memref<!tpu.dma_semaphore, #tpu.memory_space<semaphore_mem>>
      %dma_start3A = tpu.memref_slice %arg7[%mul3A_15] : memref<10240xf32, #tpu.memory_space<vmem_shared>> -> memref<640xf32, #tpu.memory_space<vmem_shared>>
      %dma_start3A_113 = tpu.memref_slice %arg7[%mul3A_15] : memref<10240xf32, #tpu.memory_space<vmem_shared>> -> memref<640xf32, #tpu.memory_space<vmem_shared>>
      tpu.enqueue_dma source(%arg5 : memref<640xf32, #tpu.memory_space<vmem>>) target(%dma_start3A_113 : memref<640xf32, #tpu.memory_space<vmem_shared>>) target_semaphore(%run_scoped3A : memref<!tpu.dma_semaphore, #tpu.memory_space<semaphore_mem>>)
      %dma_wait3A = tpu.memref_slice %arg7[%mul3A_15] : memref<10240xf32, #tpu.memory_space<vmem_shared>> -> memref<640xf32, #tpu.memory_space<vmem_shared>>
      %dma_wait3A_114 = tpu.memref_slice %arg7[%mul3A_15] : memref<10240xf32, #tpu.memory_space<vmem_shared>> -> memref<640xf32, #tpu.memory_space<vmem_shared>>
      tpu.wait_dma2 semaphore(%run_scoped3A : memref<!tpu.dma_semaphore, #tpu.memory_space<semaphore_mem>>) src(%arg5 : memref<640xf32, #tpu.memory_space<vmem>>) dst(%dma_wait3A_114 : memref<640xf32, #tpu.memory_space<vmem_shared>>)
      tpu.yield
    }) : () -> ()
    %add3A_16 = arith.constant 0 : i32
    %add3A_17 = arith.addi %add3A_16, %add3A : i32
    %mul3A_18 = arith.constant 80 : i32
    %mul3A_19 = arith.muli %add3A_17, %mul3A_18 : i32
    "tpu.region"() ({
      %run_scoped3A = tpu.sem_alloc : memref<!tpu.dma_semaphore, #tpu.memory_space<semaphore_mem>>
      %dma_start3A = arith.constant 0 : i32
      %dma_start3A_113 = tpu.memref_slice %arg2[%mul3A_19, %dma_start3A] : memref<10240x128xi32, #tpu.memory_space<hbm>> -> memref<80x128xi32, #tpu.memory_space<hbm>>
      %dma_start3A_114 = arith.constant 0 : i32
      %dma_start3A_115 = tpu.memref_slice %arg2[%mul3A_19, %dma_start3A_114] : memref<10240x128xi32, #tpu.memory_space<hbm>> -> memref<80x128xi32, #tpu.memory_space<hbm>>
      tpu.enqueue_dma source(%dma_start3A_115 : memref<80x128xi32, #tpu.memory_space<hbm>>) target(%arg4 : memref<80x128xi32, #tpu.memory_space<vmem>>) target_semaphore(%run_scoped3A : memref<!tpu.dma_semaphore, #tpu.memory_space<semaphore_mem>>)
      %dma_wait3A = arith.constant 0 : i32
      %dma_wait3A_116 = tpu.memref_slice %arg2[%mul3A_19, %dma_wait3A] : memref<10240x128xi32, #tpu.memory_space<hbm>> -> memref<80x128xi32, #tpu.memory_space<hbm>>
      %dma_wait3A_117 = arith.constant 0 : i32
      %dma_wait3A_118 = tpu.memref_slice %arg2[%mul3A_19, %dma_wait3A_117] : memref<10240x128xi32, #tpu.memory_space<hbm>> -> memref<80x128xi32, #tpu.memory_space<hbm>>
      tpu.wait_dma2 semaphore(%run_scoped3A : memref<!tpu.dma_semaphore, #tpu.memory_space<semaphore_mem>>) src(%dma_wait3A_118 : memref<80x128xi32, #tpu.memory_space<hbm>>) dst(%arg4 : memref<80x128xi32, #tpu.memory_space<vmem>>)
      tpu.yield
    }) : () -> ()
    %barrier3A = arith.constant 0 : index
    tpu.barrier barrier_id(%barrier3A)
    %scan3A_20 = arith.constant 0 : i32
    %scan3A_21 = arith.constant 0 : i32
    %scan3A_22 = arith.constant 80 : i32
    %scan3A_23 = arith.addi %scan3A_21, %scan3A_22 : i32
    %scan3A_24 = arith.constant 1 : i32
    %scan3A_25 = scf.for %scan3A_113 = %scan3A_21 to %scan3A_23 step %scan3A_24 iter_args(%scan3A_114 = %scan3A_20) -> (i32)  : i32 {
      "tpu.region"() ({
        %run_scoped3A = tpu.sem_alloc : memref<!tpu.dma_semaphore, #tpu.memory_space<semaphore_mem>>
        %dma_start3A = arith.constant 0 : i32
        %dma_start3A_116 = tpu.memref_slice %arg4[%scan3A_113, %dma_start3A] : memref<80x128xi32, #tpu.memory_space<vmem>> -> memref<1x128xi32, #tpu.memory_space<vmem>>
        %dma_start3A_117 = tpu.memref_squeeze %dma_start3A_116 : memref<1x128xi32, #tpu.memory_space<vmem>> -> memref<128xi32, #tpu.memory_space<vmem>>
        %dma_start3A_118 = arith.constant 0 : i32
        %dma_start3A_119 = tpu.memref_slice %arg7[%dma_start3A_118] : memref<10240xf32, #tpu.memory_space<vmem_shared>> -> memref<10240xf32, #tpu.memory_space<vmem_shared>>
        tpu.enqueue_indirect_dma source(%arg6 : memref<128xf32, #tpu.memory_space<vmem>>) target(%dma_start3A_119 : memref<10240xf32, #tpu.memory_space<vmem_shared>>) offsets(%dma_start3A_117 : memref<128xi32, #tpu.memory_space<vmem>>) semaphore(%run_scoped3A : memref<!tpu.dma_semaphore, #tpu.memory_space<semaphore_mem>>) {add = true}
        %dma_wait3A = arith.constant 0 : i32
        %dma_wait3A_120 = tpu.memref_slice %arg4[%scan3A_113, %dma_wait3A] : memref<80x128xi32, #tpu.memory_space<vmem>> -> memref<1x128xi32, #tpu.memory_space<vmem>>
        %dma_wait3A_121 = tpu.memref_squeeze %dma_wait3A_120 : memref<1x128xi32, #tpu.memory_space<vmem>> -> memref<128xi32, #tpu.memory_space<vmem>>
        %dma_wait3A_122 = arith.constant 0 : i32
        %dma_wait3A_123 = tpu.memref_slice %arg7[%dma_wait3A_122] : memref<10240xf32, #tpu.memory_space<vmem_shared>> -> memref<10240xf32, #tpu.memory_space<vmem_shared>>
        tpu.wait_indirect_dma semaphore(%run_scoped3A : memref<!tpu.dma_semaphore, #tpu.memory_space<semaphore_mem>>) src(%arg6 : memref<128xf32, #tpu.memory_space<vmem>>) dst(%dma_wait3A_123 : memref<10240xf32, #tpu.memory_space<vmem_shared>>)
        tpu.yield
      }) : () -> ()
      %scan3A_115 = arith.constant 0 : i32
      scf.yield %scan3A_115 : i32
    }
    %scan3A_26 = arith.constant 80 : i32
    %barrier3A_27 = arith.constant 0 : index
    tpu.barrier barrier_id(%barrier3A_27)
    %mul3A_28 = arith.constant 640 : i32
    %mul3A_29 = arith.muli %arg1, %mul3A_28 : i32
    %add3A_30 = arith.constant 0 : i32
    %add3A_31 = arith.addi %add3A_30, %arg0 : i32
    %mul3A_32 = arith.constant 10240 : i32
    %mul3A_33 = arith.muli %add3A_31, %mul3A_32 : i32
    %mul3A_34 = arith.constant 640 : i32
    %mul3A_35 = arith.muli %arg1, %mul3A_34 : i32
    %add3A_36 = arith.addi %mul3A_33, %mul3A_35 : i32
    "tpu.region"() ({
      %run_scoped3A = tpu.sem_alloc : memref<!tpu.dma_semaphore, #tpu.memory_space<semaphore_mem>>
      %dma_start3A = tpu.memref_slice %arg3[%add3A_36] : memref<81920xf32, #tpu.memory_space<hbm>> -> memref<640xf32, #tpu.memory_space<hbm>>
      %dma_start3A_113 = tpu.memref_slice %arg7[%mul3A_29] : memref<10240xf32, #tpu.memory_space<vmem_shared>> -> memref<640xf32, #tpu.memory_space<vmem_shared>>
      tpu.enqueue_dma source(%dma_start3A_113 : memref<640xf32, #tpu.memory_space<vmem_shared>>) target(%dma_start3A : memref<640xf32, #tpu.memory_space<hbm>>) target_semaphore(%run_scoped3A : memref<!tpu.dma_semaphore, #tpu.memory_space<semaphore_mem>>)
      %dma_wait3A = tpu.memref_slice %arg3[%add3A_36] : memref<81920xf32, #tpu.memory_space<hbm>> -> memref<640xf32, #tpu.memory_space<hbm>>
      %dma_wait3A_114 = tpu.memref_slice %arg7[%mul3A_29] : memref<10240xf32, #tpu.memory_space<vmem_shared>> -> memref<640xf32, #tpu.memory_space<vmem_shared>>
      tpu.wait_dma2 semaphore(%run_scoped3A : memref<!tpu.dma_semaphore, #tpu.memory_space<semaphore_mem>>) src(%dma_wait3A_114 : memref<640xf32, #tpu.memory_space<vmem_shared>>) dst(%dma_wait3A : memref<640xf32, #tpu.memory_space<hbm>>)
      tpu.yield
    }) : () -> ()
    %barrier3A_37 = arith.constant 0 : index
    tpu.barrier barrier_id(%barrier3A_37)
    %mul3A_38 = arith.constant 640 : i32
    %mul3A_39 = arith.muli %arg1, %mul3A_38 : i32
    "tpu.region"() ({
      %run_scoped3A = tpu.sem_alloc : memref<!tpu.dma_semaphore, #tpu.memory_space<semaphore_mem>>
      %dma_start3A = tpu.memref_slice %arg7[%mul3A_39] : memref<10240xf32, #tpu.memory_space<vmem_shared>> -> memref<640xf32, #tpu.memory_space<vmem_shared>>
      %dma_start3A_113 = tpu.memref_slice %arg7[%mul3A_39] : memref<10240xf32, #tpu.memory_space<vmem_shared>> -> memref<640xf32, #tpu.memory_space<vmem_shared>>
      tpu.enqueue_dma source(%arg5 : memref<640xf32, #tpu.memory_space<vmem>>) target(%dma_start3A_113 : memref<640xf32, #tpu.memory_space<vmem_shared>>) target_semaphore(%run_scoped3A : memref<!tpu.dma_semaphore, #tpu.memory_space<semaphore_mem>>)
      %dma_wait3A = tpu.memref_slice %arg7[%mul3A_39] : memref<10240xf32, #tpu.memory_space<vmem_shared>> -> memref<640xf32, #tpu.memory_space<vmem_shared>>
      %dma_wait3A_114 = tpu.memref_slice %arg7[%mul3A_39] : memref<10240xf32, #tpu.memory_space<vmem_shared>> -> memref<640xf32, #tpu.memory_space<vmem_shared>>
      tpu.wait_dma2 semaphore(%run_scoped3A : memref<!tpu.dma_semaphore, #tpu.memory_space<semaphore_mem>>) src(%arg5 : memref<640xf32, #tpu.memory_space<vmem>>) dst(%dma_wait3A_114 : memref<640xf32, #tpu.memory_space<vmem_shared>>)
      tpu.yield
    }) : () -> ()
    %add3A_40 = arith.constant 32 : i32
    %add3A_41 = arith.addi %add3A_40, %add3A : i32
    %mul3A_42 = arith.constant 80 : i32
    %mul3A_43 = arith.muli %add3A_41, %mul3A_42 : i32
    "tpu.region"() ({
      %run_scoped3A = tpu.sem_alloc : memref<!tpu.dma_semaphore, #tpu.memory_space<semaphore_mem>>
      %dma_start3A = arith.constant 0 : i32
      %dma_start3A_113 = tpu.memref_slice %arg2[%mul3A_43, %dma_start3A] : memref<10240x128xi32, #tpu.memory_space<hbm>> -> memref<80x128xi32, #tpu.memory_space<hbm>>
      %dma_start3A_114 = arith.constant 0 : i32
      %dma_start3A_115 = tpu.memref_slice %arg2[%mul3A_43, %dma_start3A_114] : memref<10240x128xi32, #tpu.memory_space<hbm>> -> memref<80x128xi32, #tpu.memory_space<hbm>>
      tpu.enqueue_dma source(%dma_start3A_115 : memref<80x128xi32, #tpu.memory_space<hbm>>) target(%arg4 : memref<80x128xi32, #tpu.memory_space<vmem>>) target_semaphore(%run_scoped3A : memref<!tpu.dma_semaphore, #tpu.memory_space<semaphore_mem>>)
      %dma_wait3A = arith.constant 0 : i32
      %dma_wait3A_116 = tpu.memref_slice %arg2[%mul3A_43, %dma_wait3A] : memref<10240x128xi32, #tpu.memory_space<hbm>> -> memref<80x128xi32, #tpu.memory_space<hbm>>
      %dma_wait3A_117 = arith.constant 0 : i32
      %dma_wait3A_118 = tpu.memref_slice %arg2[%mul3A_43, %dma_wait3A_117] : memref<10240x128xi32, #tpu.memory_space<hbm>> -> memref<80x128xi32, #tpu.memory_space<hbm>>
      tpu.wait_dma2 semaphore(%run_scoped3A : memref<!tpu.dma_semaphore, #tpu.memory_space<semaphore_mem>>) src(%dma_wait3A_118 : memref<80x128xi32, #tpu.memory_space<hbm>>) dst(%arg4 : memref<80x128xi32, #tpu.memory_space<vmem>>)
      tpu.yield
    }) : () -> ()
    %barrier3A_44 = arith.constant 0 : index
    tpu.barrier barrier_id(%barrier3A_44)
    %scan3A_45 = arith.constant 0 : i32
    %scan3A_46 = arith.constant 0 : i32
    %scan3A_47 = arith.constant 80 : i32
    %scan3A_48 = arith.addi %scan3A_46, %scan3A_47 : i32
    %scan3A_49 = arith.constant 1 : i32
    %scan3A_50 = scf.for %scan3A_113 = %scan3A_46 to %scan3A_48 step %scan3A_49 iter_args(%scan3A_114 = %scan3A_45) -> (i32)  : i32 {
      "tpu.region"() ({
        %run_scoped3A = tpu.sem_alloc : memref<!tpu.dma_semaphore, #tpu.memory_space<semaphore_mem>>
        %dma_start3A = arith.constant 0 : i32
        %dma_start3A_116 = tpu.memref_slice %arg4[%scan3A_113, %dma_start3A] : memref<80x128xi32, #tpu.memory_space<vmem>> -> memref<1x128xi32, #tpu.memory_space<vmem>>
        %dma_start3A_117 = tpu.memref_squeeze %dma_start3A_116 : memref<1x128xi32, #tpu.memory_space<vmem>> -> memref<128xi32, #tpu.memory_space<vmem>>
        %dma_start3A_118 = arith.constant 0 : i32
        %dma_start3A_119 = tpu.memref_slice %arg7[%dma_start3A_118] : memref<10240xf32, #tpu.memory_space<vmem_shared>> -> memref<10240xf32, #tpu.memory_space<vmem_shared>>
        tpu.enqueue_indirect_dma source(%arg6 : memref<128xf32, #tpu.memory_space<vmem>>) target(%dma_start3A_119 : memref<10240xf32, #tpu.memory_space<vmem_shared>>) offsets(%dma_start3A_117 : memref<128xi32, #tpu.memory_space<vmem>>) semaphore(%run_scoped3A : memref<!tpu.dma_semaphore, #tpu.memory_space<semaphore_mem>>) {add = true}
        %dma_wait3A = arith.constant 0 : i32
        %dma_wait3A_120 = tpu.memref_slice %arg4[%scan3A_113, %dma_wait3A] : memref<80x128xi32, #tpu.memory_space<vmem>> -> memref<1x128xi32, #tpu.memory_space<vmem>>
        %dma_wait3A_121 = tpu.memref_squeeze %dma_wait3A_120 : memref<1x128xi32, #tpu.memory_space<vmem>> -> memref<128xi32, #tpu.memory_space<vmem>>
        %dma_wait3A_122 = arith.constant 0 : i32
        %dma_wait3A_123 = tpu.memref_slice %arg7[%dma_wait3A_122] : memref<10240xf32, #tpu.memory_space<vmem_shared>> -> memref<10240xf32, #tpu.memory_space<vmem_shared>>
        tpu.wait_indirect_dma semaphore(%run_scoped3A : memref<!tpu.dma_semaphore, #tpu.memory_space<semaphore_mem>>) src(%arg6 : memref<128xf32, #tpu.memory_space<vmem>>) dst(%dma_wait3A_123 : memref<10240xf32, #tpu.memory_space<vmem_shared>>)
        tpu.yield
      }) : () -> ()
      %scan3A_115 = arith.constant 0 : i32
      scf.yield %scan3A_115 : i32
    }
    %scan3A_51 = arith.constant 80 : i32
    %barrier3A_52 = arith.constant 0 : index
    tpu.barrier barrier_id(%barrier3A_52)
    %mul3A_53 = arith.constant 640 : i32
    %mul3A_54 = arith.muli %arg1, %mul3A_53 : i32
    %add3A_55 = arith.constant 2 : i32
    %add3A_56 = arith.addi %add3A_55, %arg0 : i32
    %mul3A_57 = arith.constant 10240 : i32
    %mul3A_58 = arith.muli %add3A_56, %mul3A_57 : i32
    %mul3A_59 = arith.constant 640 : i32
    %mul3A_60 = arith.muli %arg1, %mul3A_59 : i32
    %add3A_61 = arith.addi %mul3A_58, %mul3A_60 : i32
    "tpu.region"() ({
      %run_scoped3A = tpu.sem_alloc : memref<!tpu.dma_semaphore, #tpu.memory_space<semaphore_mem>>
      %dma_start3A = tpu.memref_slice %arg3[%add3A_61] : memref<81920xf32, #tpu.memory_space<hbm>> -> memref<640xf32, #tpu.memory_space<hbm>>
      %dma_start3A_113 = tpu.memref_slice %arg7[%mul3A_54] : memref<10240xf32, #tpu.memory_space<vmem_shared>> -> memref<640xf32, #tpu.memory_space<vmem_shared>>
      tpu.enqueue_dma source(%dma_start3A_113 : memref<640xf32, #tpu.memory_space<vmem_shared>>) target(%dma_start3A : memref<640xf32, #tpu.memory_space<hbm>>) target_semaphore(%run_scoped3A : memref<!tpu.dma_semaphore, #tpu.memory_space<semaphore_mem>>)
      %dma_wait3A = tpu.memref_slice %arg3[%add3A_61] : memref<81920xf32, #tpu.memory_space<hbm>> -> memref<640xf32, #tpu.memory_space<hbm>>
      %dma_wait3A_114 = tpu.memref_slice %arg7[%mul3A_54] : memref<10240xf32, #tpu.memory_space<vmem_shared>> -> memref<640xf32, #tpu.memory_space<vmem_shared>>
      tpu.wait_dma2 semaphore(%run_scoped3A : memref<!tpu.dma_semaphore, #tpu.memory_space<semaphore_mem>>) src(%dma_wait3A_114 : memref<640xf32, #tpu.memory_space<vmem_shared>>) dst(%dma_wait3A : memref<640xf32, #tpu.memory_space<hbm>>)
      tpu.yield
    }) : () -> ()
    %barrier3A_62 = arith.constant 0 : index
    tpu.barrier barrier_id(%barrier3A_62)
    %mul3A_63 = arith.constant 640 : i32
    %mul3A_64 = arith.muli %arg1, %mul3A_63 : i32
    "tpu.region"() ({
      %run_scoped3A = tpu.sem_alloc : memref<!tpu.dma_semaphore, #tpu.memory_space<semaphore_mem>>
      %dma_start3A = tpu.memref_slice %arg7[%mul3A_64] : memref<10240xf32, #tpu.memory_space<vmem_shared>> -> memref<640xf32, #tpu.memory_space<vmem_shared>>
      %dma_start3A_113 = tpu.memref_slice %arg7[%mul3A_64] : memref<10240xf32, #tpu.memory_space<vmem_shared>> -> memref<640xf32, #tpu.memory_space<vmem_shared>>
      tpu.enqueue_dma source(%arg5 : memref<640xf32, #tpu.memory_space<vmem>>) target(%dma_start3A_113 : memref<640xf32, #tpu.memory_space<vmem_shared>>) target_semaphore(%run_scoped3A : memref<!tpu.dma_semaphore, #tpu.memory_space<semaphore_mem>>)
      %dma_wait3A = tpu.memref_slice %arg7[%mul3A_64] : memref<10240xf32, #tpu.memory_space<vmem_shared>> -> memref<640xf32, #tpu.memory_space<vmem_shared>>
      %dma_wait3A_114 = tpu.memref_slice %arg7[%mul3A_64] : memref<10240xf32, #tpu.memory_space<vmem_shared>> -> memref<640xf32, #tpu.memory_space<vmem_shared>>
      tpu.wait_dma2 semaphore(%run_scoped3A : memref<!tpu.dma_semaphore, #tpu.memory_space<semaphore_mem>>) src(%arg5 : memref<640xf32, #tpu.memory_space<vmem>>) dst(%dma_wait3A_114 : memref<640xf32, #tpu.memory_space<vmem_shared>>)
      tpu.yield
    }) : () -> ()
    %add3A_65 = arith.constant 64 : i32
    %add3A_66 = arith.addi %add3A_65, %add3A : i32
    %mul3A_67 = arith.constant 80 : i32
    %mul3A_68 = arith.muli %add3A_66, %mul3A_67 : i32
    "tpu.region"() ({
      %run_scoped3A = tpu.sem_alloc : memref<!tpu.dma_semaphore, #tpu.memory_space<semaphore_mem>>
      %dma_start3A = arith.constant 0 : i32
      %dma_start3A_113 = tpu.memref_slice %arg2[%mul3A_68, %dma_start3A] : memref<10240x128xi32, #tpu.memory_space<hbm>> -> memref<80x128xi32, #tpu.memory_space<hbm>>
      %dma_start3A_114 = arith.constant 0 : i32
      %dma_start3A_115 = tpu.memref_slice %arg2[%mul3A_68, %dma_start3A_114] : memref<10240x128xi32, #tpu.memory_space<hbm>> -> memref<80x128xi32, #tpu.memory_space<hbm>>
      tpu.enqueue_dma source(%dma_start3A_115 : memref<80x128xi32, #tpu.memory_space<hbm>>) target(%arg4 : memref<80x128xi32, #tpu.memory_space<vmem>>) target_semaphore(%run_scoped3A : memref<!tpu.dma_semaphore, #tpu.memory_space<semaphore_mem>>)
      %dma_wait3A = arith.constant 0 : i32
      %dma_wait3A_116 = tpu.memref_slice %arg2[%mul3A_68, %dma_wait3A] : memref<10240x128xi32, #tpu.memory_space<hbm>> -> memref<80x128xi32, #tpu.memory_space<hbm>>
      %dma_wait3A_117 = arith.constant 0 : i32
      %dma_wait3A_118 = tpu.memref_slice %arg2[%mul3A_68, %dma_wait3A_117] : memref<10240x128xi32, #tpu.memory_space<hbm>> -> memref<80x128xi32, #tpu.memory_space<hbm>>
      tpu.wait_dma2 semaphore(%run_scoped3A : memref<!tpu.dma_semaphore, #tpu.memory_space<semaphore_mem>>) src(%dma_wait3A_118 : memref<80x128xi32, #tpu.memory_space<hbm>>) dst(%arg4 : memref<80x128xi32, #tpu.memory_space<vmem>>)
      tpu.yield
    }) : () -> ()
    %barrier3A_69 = arith.constant 0 : index
    tpu.barrier barrier_id(%barrier3A_69)
    %scan3A_70 = arith.constant 0 : i32
    %scan3A_71 = arith.constant 0 : i32
    %scan3A_72 = arith.constant 80 : i32
    %scan3A_73 = arith.addi %scan3A_71, %scan3A_72 : i32
    %scan3A_74 = arith.constant 1 : i32
    %scan3A_75 = scf.for %scan3A_113 = %scan3A_71 to %scan3A_73 step %scan3A_74 iter_args(%scan3A_114 = %scan3A_70) -> (i32)  : i32 {
      "tpu.region"() ({
        %run_scoped3A = tpu.sem_alloc : memref<!tpu.dma_semaphore, #tpu.memory_space<semaphore_mem>>
        %dma_start3A = arith.constant 0 : i32
        %dma_start3A_116 = tpu.memref_slice %arg4[%scan3A_113, %dma_start3A] : memref<80x128xi32, #tpu.memory_space<vmem>> -> memref<1x128xi32, #tpu.memory_space<vmem>>
        %dma_start3A_117 = tpu.memref_squeeze %dma_start3A_116 : memref<1x128xi32, #tpu.memory_space<vmem>> -> memref<128xi32, #tpu.memory_space<vmem>>
        %dma_start3A_118 = arith.constant 0 : i32
        %dma_start3A_119 = tpu.memref_slice %arg7[%dma_start3A_118] : memref<10240xf32, #tpu.memory_space<vmem_shared>> -> memref<10240xf32, #tpu.memory_space<vmem_shared>>
        tpu.enqueue_indirect_dma source(%arg6 : memref<128xf32, #tpu.memory_space<vmem>>) target(%dma_start3A_119 : memref<10240xf32, #tpu.memory_space<vmem_shared>>) offsets(%dma_start3A_117 : memref<128xi32, #tpu.memory_space<vmem>>) semaphore(%run_scoped3A : memref<!tpu.dma_semaphore, #tpu.memory_space<semaphore_mem>>) {add = true}
        %dma_wait3A = arith.constant 0 : i32
        %dma_wait3A_120 = tpu.memref_slice %arg4[%scan3A_113, %dma_wait3A] : memref<80x128xi32, #tpu.memory_space<vmem>> -> memref<1x128xi32, #tpu.memory_space<vmem>>
        %dma_wait3A_121 = tpu.memref_squeeze %dma_wait3A_120 : memref<1x128xi32, #tpu.memory_space<vmem>> -> memref<128xi32, #tpu.memory_space<vmem>>
        %dma_wait3A_122 = arith.constant 0 : i32
        %dma_wait3A_123 = tpu.memref_slice %arg7[%dma_wait3A_122] : memref<10240xf32, #tpu.memory_space<vmem_shared>> -> memref<10240xf32, #tpu.memory_space<vmem_shared>>
        tpu.wait_indirect_dma semaphore(%run_scoped3A : memref<!tpu.dma_semaphore, #tpu.memory_space<semaphore_mem>>) src(%arg6 : memref<128xf32, #tpu.memory_space<vmem>>) dst(%dma_wait3A_123 : memref<10240xf32, #tpu.memory_space<vmem_shared>>)
        tpu.yield
      }) : () -> ()
      %scan3A_115 = arith.constant 0 : i32
      scf.yield %scan3A_115 : i32
    }
    %scan3A_76 = arith.constant 80 : i32
    %barrier3A_77 = arith.constant 0 : index
    tpu.barrier barrier_id(%barrier3A_77)
    %mul3A_78 = arith.constant 640 : i32
    %mul3A_79 = arith.muli %arg1, %mul3A_78 : i32
    %add3A_80 = arith.constant 4 : i32
    %add3A_81 = arith.addi %add3A_80, %arg0 : i32
    %mul3A_82 = arith.constant 10240 : i32
    %mul3A_83 = arith.muli %add3A_81, %mul3A_82 : i32
    %mul3A_84 = arith.constant 640 : i32
    %mul3A_85 = arith.muli %arg1, %mul3A_84 : i32
    %add3A_86 = arith.addi %mul3A_83, %mul3A_85 : i32
    "tpu.region"() ({
      %run_scoped3A = tpu.sem_alloc : memref<!tpu.dma_semaphore, #tpu.memory_space<semaphore_mem>>
      %dma_start3A = tpu.memref_slice %arg3[%add3A_86] : memref<81920xf32, #tpu.memory_space<hbm>> -> memref<640xf32, #tpu.memory_space<hbm>>
      %dma_start3A_113 = tpu.memref_slice %arg7[%mul3A_79] : memref<10240xf32, #tpu.memory_space<vmem_shared>> -> memref<640xf32, #tpu.memory_space<vmem_shared>>
      tpu.enqueue_dma source(%dma_start3A_113 : memref<640xf32, #tpu.memory_space<vmem_shared>>) target(%dma_start3A : memref<640xf32, #tpu.memory_space<hbm>>) target_semaphore(%run_scoped3A : memref<!tpu.dma_semaphore, #tpu.memory_space<semaphore_mem>>)
      %dma_wait3A = tpu.memref_slice %arg3[%add3A_86] : memref<81920xf32, #tpu.memory_space<hbm>> -> memref<640xf32, #tpu.memory_space<hbm>>
      %dma_wait3A_114 = tpu.memref_slice %arg7[%mul3A_79] : memref<10240xf32, #tpu.memory_space<vmem_shared>> -> memref<640xf32, #tpu.memory_space<vmem_shared>>
      tpu.wait_dma2 semaphore(%run_scoped3A : memref<!tpu.dma_semaphore, #tpu.memory_space<semaphore_mem>>) src(%dma_wait3A_114 : memref<640xf32, #tpu.memory_space<vmem_shared>>) dst(%dma_wait3A : memref<640xf32, #tpu.memory_space<hbm>>)
      tpu.yield
    }) : () -> ()
    %barrier3A_87 = arith.constant 0 : index
    tpu.barrier barrier_id(%barrier3A_87)
    %mul3A_88 = arith.constant 640 : i32
    %mul3A_89 = arith.muli %arg1, %mul3A_88 : i32
    "tpu.region"() ({
      %run_scoped3A = tpu.sem_alloc : memref<!tpu.dma_semaphore, #tpu.memory_space<semaphore_mem>>
      %dma_start3A = tpu.memref_slice %arg7[%mul3A_89] : memref<10240xf32, #tpu.memory_space<vmem_shared>> -> memref<640xf32, #tpu.memory_space<vmem_shared>>
      %dma_start3A_113 = tpu.memref_slice %arg7[%mul3A_89] : memref<10240xf32, #tpu.memory_space<vmem_shared>> -> memref<640xf32, #tpu.memory_space<vmem_shared>>
      tpu.enqueue_dma source(%arg5 : memref<640xf32, #tpu.memory_space<vmem>>) target(%dma_start3A_113 : memref<640xf32, #tpu.memory_space<vmem_shared>>) target_semaphore(%run_scoped3A : memref<!tpu.dma_semaphore, #tpu.memory_space<semaphore_mem>>)
      %dma_wait3A = tpu.memref_slice %arg7[%mul3A_89] : memref<10240xf32, #tpu.memory_space<vmem_shared>> -> memref<640xf32, #tpu.memory_space<vmem_shared>>
      %dma_wait3A_114 = tpu.memref_slice %arg7[%mul3A_89] : memref<10240xf32, #tpu.memory_space<vmem_shared>> -> memref<640xf32, #tpu.memory_space<vmem_shared>>
      tpu.wait_dma2 semaphore(%run_scoped3A : memref<!tpu.dma_semaphore, #tpu.memory_space<semaphore_mem>>) src(%arg5 : memref<640xf32, #tpu.memory_space<vmem>>) dst(%dma_wait3A_114 : memref<640xf32, #tpu.memory_space<vmem_shared>>)
      tpu.yield
    }) : () -> ()
    %add3A_90 = arith.constant 96 : i32
    %add3A_91 = arith.addi %add3A_90, %add3A : i32
    %mul3A_92 = arith.constant 80 : i32
    %mul3A_93 = arith.muli %add3A_91, %mul3A_92 : i32
    "tpu.region"() ({
      %run_scoped3A = tpu.sem_alloc : memref<!tpu.dma_semaphore, #tpu.memory_space<semaphore_mem>>
      %dma_start3A = arith.constant 0 : i32
      %dma_start3A_113 = tpu.memref_slice %arg2[%mul3A_93, %dma_start3A] : memref<10240x128xi32, #tpu.memory_space<hbm>> -> memref<80x128xi32, #tpu.memory_space<hbm>>
      %dma_start3A_114 = arith.constant 0 : i32
      %dma_start3A_115 = tpu.memref_slice %arg2[%mul3A_93, %dma_start3A_114] : memref<10240x128xi32, #tpu.memory_space<hbm>> -> memref<80x128xi32, #tpu.memory_space<hbm>>
      tpu.enqueue_dma source(%dma_start3A_115 : memref<80x128xi32, #tpu.memory_space<hbm>>) target(%arg4 : memref<80x128xi32, #tpu.memory_space<vmem>>) target_semaphore(%run_scoped3A : memref<!tpu.dma_semaphore, #tpu.memory_space<semaphore_mem>>)
      %dma_wait3A = arith.constant 0 : i32
      %dma_wait3A_116 = tpu.memref_slice %arg2[%mul3A_93, %dma_wait3A] : memref<10240x128xi32, #tpu.memory_space<hbm>> -> memref<80x128xi32, #tpu.memory_space<hbm>>
      %dma_wait3A_117 = arith.constant 0 : i32
      %dma_wait3A_118 = tpu.memref_slice %arg2[%mul3A_93, %dma_wait3A_117] : memref<10240x128xi32, #tpu.memory_space<hbm>> -> memref<80x128xi32, #tpu.memory_space<hbm>>
      tpu.wait_dma2 semaphore(%run_scoped3A : memref<!tpu.dma_semaphore, #tpu.memory_space<semaphore_mem>>) src(%dma_wait3A_118 : memref<80x128xi32, #tpu.memory_space<hbm>>) dst(%arg4 : memref<80x128xi32, #tpu.memory_space<vmem>>)
      tpu.yield
    }) : () -> ()
    %barrier3A_94 = arith.constant 0 : index
    tpu.barrier barrier_id(%barrier3A_94)
    %scan3A_95 = arith.constant 0 : i32
    %scan3A_96 = arith.constant 0 : i32
    %scan3A_97 = arith.constant 80 : i32
    %scan3A_98 = arith.addi %scan3A_96, %scan3A_97 : i32
    %scan3A_99 = arith.constant 1 : i32
    %scan3A_100 = scf.for %scan3A_113 = %scan3A_96 to %scan3A_98 step %scan3A_99 iter_args(%scan3A_114 = %scan3A_95) -> (i32)  : i32 {
      "tpu.region"() ({
        %run_scoped3A = tpu.sem_alloc : memref<!tpu.dma_semaphore, #tpu.memory_space<semaphore_mem>>
        %dma_start3A = arith.constant 0 : i32
        %dma_start3A_116 = tpu.memref_slice %arg4[%scan3A_113, %dma_start3A] : memref<80x128xi32, #tpu.memory_space<vmem>> -> memref<1x128xi32, #tpu.memory_space<vmem>>
        %dma_start3A_117 = tpu.memref_squeeze %dma_start3A_116 : memref<1x128xi32, #tpu.memory_space<vmem>> -> memref<128xi32, #tpu.memory_space<vmem>>
        %dma_start3A_118 = arith.constant 0 : i32
        %dma_start3A_119 = tpu.memref_slice %arg7[%dma_start3A_118] : memref<10240xf32, #tpu.memory_space<vmem_shared>> -> memref<10240xf32, #tpu.memory_space<vmem_shared>>
        tpu.enqueue_indirect_dma source(%arg6 : memref<128xf32, #tpu.memory_space<vmem>>) target(%dma_start3A_119 : memref<10240xf32, #tpu.memory_space<vmem_shared>>) offsets(%dma_start3A_117 : memref<128xi32, #tpu.memory_space<vmem>>) semaphore(%run_scoped3A : memref<!tpu.dma_semaphore, #tpu.memory_space<semaphore_mem>>) {add = true}
        %dma_wait3A = arith.constant 0 : i32
        %dma_wait3A_120 = tpu.memref_slice %arg4[%scan3A_113, %dma_wait3A] : memref<80x128xi32, #tpu.memory_space<vmem>> -> memref<1x128xi32, #tpu.memory_space<vmem>>
        %dma_wait3A_121 = tpu.memref_squeeze %dma_wait3A_120 : memref<1x128xi32, #tpu.memory_space<vmem>> -> memref<128xi32, #tpu.memory_space<vmem>>
        %dma_wait3A_122 = arith.constant 0 : i32
        %dma_wait3A_123 = tpu.memref_slice %arg7[%dma_wait3A_122] : memref<10240xf32, #tpu.memory_space<vmem_shared>> -> memref<10240xf32, #tpu.memory_space<vmem_shared>>
        tpu.wait_indirect_dma semaphore(%run_scoped3A : memref<!tpu.dma_semaphore, #tpu.memory_space<semaphore_mem>>) src(%arg6 : memref<128xf32, #tpu.memory_space<vmem>>) dst(%dma_wait3A_123 : memref<10240xf32, #tpu.memory_space<vmem_shared>>)
        tpu.yield
      }) : () -> ()
      %scan3A_115 = arith.constant 0 : i32
      scf.yield %scan3A_115 : i32
    }
    %scan3A_101 = arith.constant 80 : i32
    %barrier3A_102 = arith.constant 0 : index
    tpu.barrier barrier_id(%barrier3A_102)
    %mul3A_103 = arith.constant 640 : i32
    %mul3A_104 = arith.muli %arg1, %mul3A_103 : i32
    %add3A_105 = arith.constant 6 : i32
    %add3A_106 = arith.addi %add3A_105, %arg0 : i32
    %mul3A_107 = arith.constant 10240 : i32
    %mul3A_108 = arith.muli %add3A_106, %mul3A_107 : i32
    %mul3A_109 = arith.constant 640 : i32
    %mul3A_110 = arith.muli %arg1, %mul3A_109 : i32
    %add3A_111 = arith.addi %mul3A_108, %mul3A_110 : i32
    "tpu.region"() ({
      %run_scoped3A = tpu.sem_alloc : memref<!tpu.dma_semaphore, #tpu.memory_space<semaphore_mem>>
      %dma_start3A = tpu.memref_slice %arg3[%add3A_111] : memref<81920xf32, #tpu.memory_space<hbm>> -> memref<640xf32, #tpu.memory_space<hbm>>
      %dma_start3A_113 = tpu.memref_slice %arg7[%mul3A_104] : memref<10240xf32, #tpu.memory_space<vmem_shared>> -> memref<640xf32, #tpu.memory_space<vmem_shared>>
      tpu.enqueue_dma source(%dma_start3A_113 : memref<640xf32, #tpu.memory_space<vmem_shared>>) target(%dma_start3A : memref<640xf32, #tpu.memory_space<hbm>>) target_semaphore(%run_scoped3A : memref<!tpu.dma_semaphore, #tpu.memory_space<semaphore_mem>>)
      %dma_wait3A = tpu.memref_slice %arg3[%add3A_111] : memref<81920xf32, #tpu.memory_space<hbm>> -> memref<640xf32, #tpu.memory_space<hbm>>
      %dma_wait3A_114 = tpu.memref_slice %arg7[%mul3A_104] : memref<10240xf32, #tpu.memory_space<vmem_shared>> -> memref<640xf32, #tpu.memory_space<vmem_shared>>
      tpu.wait_dma2 semaphore(%run_scoped3A : memref<!tpu.dma_semaphore, #tpu.memory_space<semaphore_mem>>) src(%dma_wait3A_114 : memref<640xf32, #tpu.memory_space<vmem_shared>>) dst(%dma_wait3A : memref<640xf32, #tpu.memory_space<hbm>>)
      tpu.yield
    }) : () -> ()
    %barrier3A_112 = arith.constant 0 : index
    tpu.barrier barrier_id(%barrier3A_112)
    return
  }
}

#map = affine_map<(d0, d1) -> (0, 0)>
module attributes {stable_mosaic.version = 14 : i64} {
  func.func @_sc_scatter_body(%arg0: i32, %arg1: i32, %arg2: memref<40960x128xf32, #tpu.memory_space<hbm>>, %arg3: memref<10240x128xi32, #tpu.memory_space<hbm>>, %arg4: memref<10240x128xi32, #tpu.memory_space<hbm>>, %arg5: memref<81920x128xf32, #tpu.memory_space<hbm>>, %arg6: memref<40x128xi32, #tpu.memory_space<vmem>>, %arg7: memref<40x128xi32, #tpu.memory_space<vmem>>, %arg8: memref<128x128xf32, #tpu.memory_space<vmem>>, %arg9: memref<128x128xf32, #tpu.memory_space<vmem>>, %arg10: memref<10240x128xf32, #tpu.memory_space<vmem_shared>>, %arg11: memref<!tpu.dma_semaphore, #tpu.memory_space<semaphore_mem>>, %arg12: memref<!tpu.dma_semaphore, #tpu.memory_space<semaphore_mem>>) attributes {dimension_semantics = [#tpu.dimension_semantics<core_parallel>, #tpu.dimension_semantics<subcore_parallel>], iteration_bounds = array<i64: 2, 16>, scalar_prefetch = 0 : i64, scratch_operands = 7 : i64, tpu.core_type = #tpu.core_type<sc_vector_subcore>, window_params = [{transform_indices = #map}, {transform_indices = #map}, {transform_indices = #map}, {transform_indices = #map}]} {
    %mul3A = arith.constant 16 : i32
    %mul3A_0 = arith.muli %arg0, %mul3A : i32
    %add3A = arith.addi %mul3A_0, %arg1 : i32
    %mul3A_1 = arith.constant 640 : i32
    %mul3A_2 = arith.muli %arg1, %mul3A_1 : i32
    %add3A_3 = arith.constant 0 : i32
    %add3A_4 = arith.addi %add3A_3, %mul3A_2 : i32
    %mul3A_5 = arith.constant 640 : i32
    %mul3A_6 = arith.muli %arg1, %mul3A_5 : i32
    "tpu.region"() ({
      %run_scoped3A = tpu.sem_alloc : memref<!tpu.dma_semaphore, #tpu.memory_space<semaphore_mem>>
      %dma_start3A_262 = arith.constant 0 : i32
      %dma_start3A_263 = tpu.memref_slice %arg10[%mul3A_6, %dma_start3A_262] : memref<10240x128xf32, #tpu.memory_space<vmem_shared>> -> memref<640x128xf32, #tpu.memory_space<vmem_shared>>
      %dma_start3A_264 = arith.constant 0 : i32
      %dma_start3A_265 = tpu.memref_slice %arg2[%add3A_4, %dma_start3A_264] : memref<40960x128xf32, #tpu.memory_space<hbm>> -> memref<640x128xf32, #tpu.memory_space<hbm>>
      tpu.enqueue_dma source(%dma_start3A_265 : memref<640x128xf32, #tpu.memory_space<hbm>>) target(%dma_start3A_263 : memref<640x128xf32, #tpu.memory_space<vmem_shared>>) target_semaphore(%run_scoped3A : memref<!tpu.dma_semaphore, #tpu.memory_space<semaphore_mem>>)
      %dma_wait3A = arith.constant 0 : i32
      %dma_wait3A_266 = tpu.memref_slice %arg10[%mul3A_6, %dma_wait3A] : memref<10240x128xf32, #tpu.memory_space<vmem_shared>> -> memref<640x128xf32, #tpu.memory_space<vmem_shared>>
      %dma_wait3A_267 = arith.constant 0 : i32
      %dma_wait3A_268 = tpu.memref_slice %arg2[%add3A_4, %dma_wait3A_267] : memref<40960x128xf32, #tpu.memory_space<hbm>> -> memref<640x128xf32, #tpu.memory_space<hbm>>
      tpu.wait_dma2 semaphore(%run_scoped3A : memref<!tpu.dma_semaphore, #tpu.memory_space<semaphore_mem>>) src(%dma_wait3A_268 : memref<640x128xf32, #tpu.memory_space<hbm>>) dst(%dma_wait3A_266 : memref<640x128xf32, #tpu.memory_space<vmem_shared>>)
      tpu.yield
    }) : () -> ()
    %add3A_7 = arith.constant 0 : i32
    %add3A_8 = arith.addi %add3A_7, %add3A : i32
    %mul3A_9 = arith.constant 80 : i32
    %mul3A_10 = arith.muli %add3A_8, %mul3A_9 : i32
    "tpu.region"() ({
      %run_scoped3A = tpu.sem_alloc : memref<!tpu.dma_semaphore, #tpu.memory_space<semaphore_mem>>
      %dma_start3A_262 = arith.constant 0 : i32
      %dma_start3A_263 = tpu.memref_slice %arg3[%mul3A_10, %dma_start3A_262] : memref<10240x128xi32, #tpu.memory_space<hbm>> -> memref<40x128xi32, #tpu.memory_space<hbm>>
      %dma_start3A_264 = arith.constant 0 : i32
      %dma_start3A_265 = tpu.memref_slice %arg3[%mul3A_10, %dma_start3A_264] : memref<10240x128xi32, #tpu.memory_space<hbm>> -> memref<40x128xi32, #tpu.memory_space<hbm>>
      tpu.enqueue_dma source(%dma_start3A_265 : memref<40x128xi32, #tpu.memory_space<hbm>>) target(%arg6 : memref<40x128xi32, #tpu.memory_space<vmem>>) target_semaphore(%run_scoped3A : memref<!tpu.dma_semaphore, #tpu.memory_space<semaphore_mem>>)
      %dma_wait3A = arith.constant 0 : i32
      %dma_wait3A_266 = tpu.memref_slice %arg3[%mul3A_10, %dma_wait3A] : memref<10240x128xi32, #tpu.memory_space<hbm>> -> memref<40x128xi32, #tpu.memory_space<hbm>>
      %dma_wait3A_267 = arith.constant 0 : i32
      %dma_wait3A_268 = tpu.memref_slice %arg3[%mul3A_10, %dma_wait3A_267] : memref<10240x128xi32, #tpu.memory_space<hbm>> -> memref<40x128xi32, #tpu.memory_space<hbm>>
      tpu.wait_dma2 semaphore(%run_scoped3A : memref<!tpu.dma_semaphore, #tpu.memory_space<semaphore_mem>>) src(%dma_wait3A_268 : memref<40x128xi32, #tpu.memory_space<hbm>>) dst(%arg6 : memref<40x128xi32, #tpu.memory_space<vmem>>)
      tpu.yield
    }) : () -> ()
    %add3A_11 = arith.constant 0 : i32
    %add3A_12 = arith.addi %add3A_11, %add3A : i32
    %mul3A_13 = arith.constant 80 : i32
    %mul3A_14 = arith.muli %add3A_12, %mul3A_13 : i32
    "tpu.region"() ({
      %run_scoped3A = tpu.sem_alloc : memref<!tpu.dma_semaphore, #tpu.memory_space<semaphore_mem>>
      %dma_start3A_262 = arith.constant 0 : i32
      %dma_start3A_263 = tpu.memref_slice %arg4[%mul3A_14, %dma_start3A_262] : memref<10240x128xi32, #tpu.memory_space<hbm>> -> memref<40x128xi32, #tpu.memory_space<hbm>>
      %dma_start3A_264 = arith.constant 0 : i32
      %dma_start3A_265 = tpu.memref_slice %arg4[%mul3A_14, %dma_start3A_264] : memref<10240x128xi32, #tpu.memory_space<hbm>> -> memref<40x128xi32, #tpu.memory_space<hbm>>
      tpu.enqueue_dma source(%dma_start3A_265 : memref<40x128xi32, #tpu.memory_space<hbm>>) target(%arg7 : memref<40x128xi32, #tpu.memory_space<vmem>>) target_semaphore(%run_scoped3A : memref<!tpu.dma_semaphore, #tpu.memory_space<semaphore_mem>>)
      %dma_wait3A = arith.constant 0 : i32
      %dma_wait3A_266 = tpu.memref_slice %arg4[%mul3A_14, %dma_wait3A] : memref<10240x128xi32, #tpu.memory_space<hbm>> -> memref<40x128xi32, #tpu.memory_space<hbm>>
      %dma_wait3A_267 = arith.constant 0 : i32
      %dma_wait3A_268 = tpu.memref_slice %arg4[%mul3A_14, %dma_wait3A_267] : memref<10240x128xi32, #tpu.memory_space<hbm>> -> memref<40x128xi32, #tpu.memory_space<hbm>>
      tpu.wait_dma2 semaphore(%run_scoped3A : memref<!tpu.dma_semaphore, #tpu.memory_space<semaphore_mem>>) src(%dma_wait3A_268 : memref<40x128xi32, #tpu.memory_space<hbm>>) dst(%arg7 : memref<40x128xi32, #tpu.memory_space<vmem>>)
      tpu.yield
    }) : () -> ()
    %barrier3A = arith.constant 0 : index
    tpu.barrier barrier_id(%barrier3A)
    %dma_start3A = arith.constant 0 : i32
    %dma_start3A_15 = arith.constant 0 : i32
    %dma_start3A_16 = tpu.memref_slice %arg6[%dma_start3A, %dma_start3A_15] : memref<40x128xi32, #tpu.memory_space<vmem>> -> memref<1x128xi32, #tpu.memory_space<vmem>>
    %dma_start3A_17 = tpu.memref_squeeze %dma_start3A_16 : memref<1x128xi32, #tpu.memory_space<vmem>> -> memref<128xi32, #tpu.memory_space<vmem>>
    %dma_start3A_18 = arith.constant 0 : i32
    %dma_start3A_19 = arith.constant 0 : i32
    %dma_start3A_20 = tpu.memref_slice %arg2[%dma_start3A_18, %dma_start3A_19] : memref<40960x128xf32, #tpu.memory_space<hbm>> -> memref<40960x128xf32, #tpu.memory_space<hbm>>
    tpu.enqueue_indirect_dma source(%dma_start3A_20 : memref<40960x128xf32, #tpu.memory_space<hbm>>) target(%arg8 : memref<128x128xf32, #tpu.memory_space<vmem>>) offsets(%dma_start3A_17 : memref<128xi32, #tpu.memory_space<vmem>>) semaphore(%arg11 : memref<!tpu.dma_semaphore, #tpu.memory_space<semaphore_mem>>)
    %scan3A = arith.constant 0 : i32
    %scan3A_21 = arith.constant 0 : i32
    %scan3A_22 = arith.constant 20 : i32
    %scan3A_23 = arith.addi %scan3A_21, %scan3A_22 : i32
    %scan3A_24 = arith.constant 1 : i32
    %scan3A_25 = scf.for %scan3A_262 = %scan3A_21 to %scan3A_23 step %scan3A_24 iter_args(%scan3A_263 = %scan3A) -> (i32)  : i32 {
      %mul3A_264 = arith.constant 2 : i32
      %mul3A_265 = arith.muli %mul3A_264, %scan3A_262 : i32
      %add3A_266 = arith.constant 1 : i32
      %add3A_267 = arith.addi %mul3A_265, %add3A_266 : i32
      %dma_start3A_268 = arith.constant 0 : i32
      %dma_start3A_269 = tpu.memref_slice %arg6[%add3A_267, %dma_start3A_268] : memref<40x128xi32, #tpu.memory_space<vmem>> -> memref<1x128xi32, #tpu.memory_space<vmem>>
      %dma_start3A_270 = tpu.memref_squeeze %dma_start3A_269 : memref<1x128xi32, #tpu.memory_space<vmem>> -> memref<128xi32, #tpu.memory_space<vmem>>
      %dma_start3A_271 = arith.constant 0 : i32
      %dma_start3A_272 = arith.constant 0 : i32
      %dma_start3A_273 = tpu.memref_slice %arg2[%dma_start3A_271, %dma_start3A_272] : memref<40960x128xf32, #tpu.memory_space<hbm>> -> memref<40960x128xf32, #tpu.memory_space<hbm>>
      tpu.enqueue_indirect_dma source(%dma_start3A_273 : memref<40960x128xf32, #tpu.memory_space<hbm>>) target(%arg9 : memref<128x128xf32, #tpu.memory_space<vmem>>) offsets(%dma_start3A_270 : memref<128xi32, #tpu.memory_space<vmem>>) semaphore(%arg12 : memref<!tpu.dma_semaphore, #tpu.memory_space<semaphore_mem>>)
      %dma_wait3A = arith.constant 0 : i32
      %dma_wait3A_274 = arith.constant 0 : i32
      %dma_wait3A_275 = tpu.memref_slice %arg2[%dma_wait3A, %dma_wait3A_274] : memref<40960x128xf32, #tpu.memory_space<hbm>> -> memref<128x128xf32, #tpu.memory_space<hbm>>
      %dma_wait3A_276 = arith.constant 0 : i32
      %dma_wait3A_277 = arith.constant 0 : i32
      %dma_wait3A_278 = tpu.memref_slice %arg2[%dma_wait3A_276, %dma_wait3A_277] : memref<40960x128xf32, #tpu.memory_space<hbm>> -> memref<128x128xf32, #tpu.memory_space<hbm>>
      tpu.wait_dma2 semaphore(%arg11 : memref<!tpu.dma_semaphore, #tpu.memory_space<semaphore_mem>>) src(%dma_wait3A_278 : memref<128x128xf32, #tpu.memory_space<hbm>>) dst(%arg8 : memref<128x128xf32, #tpu.memory_space<vmem>>)
      "tpu.region"() ({
        %run_scoped3A = tpu.sem_alloc : memref<!tpu.dma_semaphore, #tpu.memory_space<semaphore_mem>>
        %dma_start3A_292 = arith.constant 0 : i32
        %dma_start3A_293 = tpu.memref_slice %arg7[%mul3A_265, %dma_start3A_292] : memref<40x128xi32, #tpu.memory_space<vmem>> -> memref<1x128xi32, #tpu.memory_space<vmem>>
        %dma_start3A_294 = tpu.memref_squeeze %dma_start3A_293 : memref<1x128xi32, #tpu.memory_space<vmem>> -> memref<128xi32, #tpu.memory_space<vmem>>
        %dma_start3A_295 = arith.constant 0 : i32
        %dma_start3A_296 = arith.constant 0 : i32
        %dma_start3A_297 = tpu.memref_slice %arg10[%dma_start3A_295, %dma_start3A_296] : memref<10240x128xf32, #tpu.memory_space<vmem_shared>> -> memref<10240x128xf32, #tpu.memory_space<vmem_shared>>
        tpu.enqueue_indirect_dma source(%arg8 : memref<128x128xf32, #tpu.memory_space<vmem>>) target(%dma_start3A_297 : memref<10240x128xf32, #tpu.memory_space<vmem_shared>>) offsets(%dma_start3A_294 : memref<128xi32, #tpu.memory_space<vmem>>) semaphore(%run_scoped3A : memref<!tpu.dma_semaphore, #tpu.memory_space<semaphore_mem>>) {add = true}
        %dma_wait3A_298 = arith.constant 0 : i32
        %dma_wait3A_299 = tpu.memref_slice %arg7[%mul3A_265, %dma_wait3A_298] : memref<40x128xi32, #tpu.memory_space<vmem>> -> memref<1x128xi32, #tpu.memory_space<vmem>>
        %dma_wait3A_300 = tpu.memref_squeeze %dma_wait3A_299 : memref<1x128xi32, #tpu.memory_space<vmem>> -> memref<128xi32, #tpu.memory_space<vmem>>
        %dma_wait3A_301 = arith.constant 0 : i32
        %dma_wait3A_302 = arith.constant 0 : i32
        %dma_wait3A_303 = tpu.memref_slice %arg10[%dma_wait3A_301, %dma_wait3A_302] : memref<10240x128xf32, #tpu.memory_space<vmem_shared>> -> memref<10240x128xf32, #tpu.memory_space<vmem_shared>>
        tpu.wait_indirect_dma semaphore(%run_scoped3A : memref<!tpu.dma_semaphore, #tpu.memory_space<semaphore_mem>>) src(%arg8 : memref<128x128xf32, #tpu.memory_space<vmem>>) dst(%dma_wait3A_303 : memref<10240x128xf32, #tpu.memory_space<vmem_shared>>)
        tpu.yield
      }) : () -> ()
      %add3A_279 = arith.constant 2 : i32
      %add3A_280 = arith.addi %mul3A_265, %add3A_279 : i32
      %lt3A = arith.constant 40 : i32
      %lt3A_281 = arith.cmpi slt, %add3A_280, %lt3A : i32
      %convert_element_type3A = arith.extui %lt3A_281 : i1 to i32
      %cond3A = arith.constant 0 : i32
      %cond3A_282 = arith.cmpi ne, %convert_element_type3A, %cond3A : i32
      scf.if %cond3A_282 {
        %add3A_292 = arith.constant 2 : i32
        %add3A_293 = arith.addi %mul3A_265, %add3A_292 : i32
        %dma_start3A_294 = arith.constant 0 : i32
        %dma_start3A_295 = tpu.memref_slice %arg6[%add3A_293, %dma_start3A_294] : memref<40x128xi32, #tpu.memory_space<vmem>> -> memref<1x128xi32, #tpu.memory_space<vmem>>
        %dma_start3A_296 = tpu.memref_squeeze %dma_start3A_295 : memref<1x128xi32, #tpu.memory_space<vmem>> -> memref<128xi32, #tpu.memory_space<vmem>>
        %dma_start3A_297 = arith.constant 0 : i32
        %dma_start3A_298 = arith.constant 0 : i32
        %dma_start3A_299 = tpu.memref_slice %arg2[%dma_start3A_297, %dma_start3A_298] : memref<40960x128xf32, #tpu.memory_space<hbm>> -> memref<40960x128xf32, #tpu.memory_space<hbm>>
        tpu.enqueue_indirect_dma source(%dma_start3A_299 : memref<40960x128xf32, #tpu.memory_space<hbm>>) target(%arg8 : memref<128x128xf32, #tpu.memory_space<vmem>>) offsets(%dma_start3A_296 : memref<128xi32, #tpu.memory_space<vmem>>) semaphore(%arg11 : memref<!tpu.dma_semaphore, #tpu.memory_space<semaphore_mem>>)
      } else {
      }
      %dma_wait3A_283 = arith.constant 0 : i32
      %dma_wait3A_284 = arith.constant 0 : i32
      %dma_wait3A_285 = tpu.memref_slice %arg2[%dma_wait3A_283, %dma_wait3A_284] : memref<40960x128xf32, #tpu.memory_space<hbm>> -> memref<128x128xf32, #tpu.memory_space<hbm>>
      %dma_wait3A_286 = arith.constant 0 : i32
      %dma_wait3A_287 = arith.constant 0 : i32
      %dma_wait3A_288 = tpu.memref_slice %arg2[%dma_wait3A_286, %dma_wait3A_287] : memref<40960x128xf32, #tpu.memory_space<hbm>> -> memref<128x128xf32, #tpu.memory_space<hbm>>
      tpu.wait_dma2 semaphore(%arg12 : memref<!tpu.dma_semaphore, #tpu.memory_space<semaphore_mem>>) src(%dma_wait3A_288 : memref<128x128xf32, #tpu.memory_space<hbm>>) dst(%arg9 : memref<128x128xf32, #tpu.memory_space<vmem>>)
      %add3A_289 = arith.constant 1 : i32
      %add3A_290 = arith.addi %mul3A_265, %add3A_289 : i32
      "tpu.region"() ({
        %run_scoped3A = tpu.sem_alloc : memref<!tpu.dma_semaphore, #tpu.memory_space<semaphore_mem>>
        %dma_start3A_292 = arith.constant 0 : i32
        %dma_start3A_293 = tpu.memref_slice %arg7[%add3A_290, %dma_start3A_292] : memref<40x128xi32, #tpu.memory_space<vmem>> -> memref<1x128xi32, #tpu.memory_space<vmem>>
        %dma_start3A_294 = tpu.memref_squeeze %dma_start3A_293 : memref<1x128xi32, #tpu.memory_space<vmem>> -> memref<128xi32, #tpu.memory_space<vmem>>
        %dma_start3A_295 = arith.constant 0 : i32
        %dma_start3A_296 = arith.constant 0 : i32
        %dma_start3A_297 = tpu.memref_slice %arg10[%dma_start3A_295, %dma_start3A_296] : memref<10240x128xf32, #tpu.memory_space<vmem_shared>> -> memref<10240x128xf32, #tpu.memory_space<vmem_shared>>
        tpu.enqueue_indirect_dma source(%arg9 : memref<128x128xf32, #tpu.memory_space<vmem>>) target(%dma_start3A_297 : memref<10240x128xf32, #tpu.memory_space<vmem_shared>>) offsets(%dma_start3A_294 : memref<128xi32, #tpu.memory_space<vmem>>) semaphore(%run_scoped3A : memref<!tpu.dma_semaphore, #tpu.memory_space<semaphore_mem>>) {add = true}
        %dma_wait3A_298 = arith.constant 0 : i32
        %dma_wait3A_299 = tpu.memref_slice %arg7[%add3A_290, %dma_wait3A_298] : memref<40x128xi32, #tpu.memory_space<vmem>> -> memref<1x128xi32, #tpu.memory_space<vmem>>
        %dma_wait3A_300 = tpu.memref_squeeze %dma_wait3A_299 : memref<1x128xi32, #tpu.memory_space<vmem>> -> memref<128xi32, #tpu.memory_space<vmem>>
        %dma_wait3A_301 = arith.constant 0 : i32
        %dma_wait3A_302 = arith.constant 0 : i32
        %dma_wait3A_303 = tpu.memref_slice %arg10[%dma_wait3A_301, %dma_wait3A_302] : memref<10240x128xf32, #tpu.memory_space<vmem_shared>> -> memref<10240x128xf32, #tpu.memory_space<vmem_shared>>
        tpu.wait_indirect_dma semaphore(%run_scoped3A : memref<!tpu.dma_semaphore, #tpu.memory_space<semaphore_mem>>) src(%arg9 : memref<128x128xf32, #tpu.memory_space<vmem>>) dst(%dma_wait3A_303 : memref<10240x128xf32, #tpu.memory_space<vmem_shared>>)
        tpu.yield
      }) : () -> ()
      %scan3A_291 = arith.constant 0 : i32
      scf.yield %scan3A_291 : i32
    }
    %scan3A_26 = arith.constant 20 : i32
    %add3A_27 = arith.constant 0 : i32
    %add3A_28 = arith.addi %add3A_27, %add3A : i32
    %mul3A_29 = arith.constant 80 : i32
    %mul3A_30 = arith.muli %add3A_28, %mul3A_29 : i32
    %add3A_31 = arith.constant 40 : i32
    %add3A_32 = arith.addi %mul3A_30, %add3A_31 : i32
    "tpu.region"() ({
      %run_scoped3A = tpu.sem_alloc : memref<!tpu.dma_semaphore, #tpu.memory_space<semaphore_mem>>
      %dma_start3A_262 = arith.constant 0 : i32
      %dma_start3A_263 = tpu.memref_slice %arg3[%add3A_32, %dma_start3A_262] : memref<10240x128xi32, #tpu.memory_space<hbm>> -> memref<40x128xi32, #tpu.memory_space<hbm>>
      %dma_start3A_264 = arith.constant 0 : i32
      %dma_start3A_265 = tpu.memref_slice %arg3[%add3A_32, %dma_start3A_264] : memref<10240x128xi32, #tpu.memory_space<hbm>> -> memref<40x128xi32, #tpu.memory_space<hbm>>
      tpu.enqueue_dma source(%dma_start3A_265 : memref<40x128xi32, #tpu.memory_space<hbm>>) target(%arg6 : memref<40x128xi32, #tpu.memory_space<vmem>>) target_semaphore(%run_scoped3A : memref<!tpu.dma_semaphore, #tpu.memory_space<semaphore_mem>>)
      %dma_wait3A = arith.constant 0 : i32
      %dma_wait3A_266 = tpu.memref_slice %arg3[%add3A_32, %dma_wait3A] : memref<10240x128xi32, #tpu.memory_space<hbm>> -> memref<40x128xi32, #tpu.memory_space<hbm>>
      %dma_wait3A_267 = arith.constant 0 : i32
      %dma_wait3A_268 = tpu.memref_slice %arg3[%add3A_32, %dma_wait3A_267] : memref<10240x128xi32, #tpu.memory_space<hbm>> -> memref<40x128xi32, #tpu.memory_space<hbm>>
      tpu.wait_dma2 semaphore(%run_scoped3A : memref<!tpu.dma_semaphore, #tpu.memory_space<semaphore_mem>>) src(%dma_wait3A_268 : memref<40x128xi32, #tpu.memory_space<hbm>>) dst(%arg6 : memref<40x128xi32, #tpu.memory_space<vmem>>)
      tpu.yield
    }) : () -> ()
    %add3A_33 = arith.constant 0 : i32
    %add3A_34 = arith.addi %add3A_33, %add3A : i32
    %mul3A_35 = arith.constant 80 : i32
    %mul3A_36 = arith.muli %add3A_34, %mul3A_35 : i32
    %add3A_37 = arith.constant 40 : i32
    %add3A_38 = arith.addi %mul3A_36, %add3A_37 : i32
    "tpu.region"() ({
      %run_scoped3A = tpu.sem_alloc : memref<!tpu.dma_semaphore, #tpu.memory_space<semaphore_mem>>
      %dma_start3A_262 = arith.constant 0 : i32
      %dma_start3A_263 = tpu.memref_slice %arg4[%add3A_38, %dma_start3A_262] : memref<10240x128xi32, #tpu.memory_space<hbm>> -> memref<40x128xi32, #tpu.memory_space<hbm>>
      %dma_start3A_264 = arith.constant 0 : i32
      %dma_start3A_265 = tpu.memref_slice %arg4[%add3A_38, %dma_start3A_264] : memref<10240x128xi32, #tpu.memory_space<hbm>> -> memref<40x128xi32, #tpu.memory_space<hbm>>
      tpu.enqueue_dma source(%dma_start3A_265 : memref<40x128xi32, #tpu.memory_space<hbm>>) target(%arg7 : memref<40x128xi32, #tpu.memory_space<vmem>>) target_semaphore(%run_scoped3A : memref<!tpu.dma_semaphore, #tpu.memory_space<semaphore_mem>>)
      %dma_wait3A = arith.constant 0 : i32
      %dma_wait3A_266 = tpu.memref_slice %arg4[%add3A_38, %dma_wait3A] : memref<10240x128xi32, #tpu.memory_space<hbm>> -> memref<40x128xi32, #tpu.memory_space<hbm>>
      %dma_wait3A_267 = arith.constant 0 : i32
      %dma_wait3A_268 = tpu.memref_slice %arg4[%add3A_38, %dma_wait3A_267] : memref<10240x128xi32, #tpu.memory_space<hbm>> -> memref<40x128xi32, #tpu.memory_space<hbm>>
      tpu.wait_dma2 semaphore(%run_scoped3A : memref<!tpu.dma_semaphore, #tpu.memory_space<semaphore_mem>>) src(%dma_wait3A_268 : memref<40x128xi32, #tpu.memory_space<hbm>>) dst(%arg7 : memref<40x128xi32, #tpu.memory_space<vmem>>)
      tpu.yield
    }) : () -> ()
    %dma_start3A_39 = arith.constant 0 : i32
    %dma_start3A_40 = arith.constant 0 : i32
    %dma_start3A_41 = tpu.memref_slice %arg6[%dma_start3A_39, %dma_start3A_40] : memref<40x128xi32, #tpu.memory_space<vmem>> -> memref<1x128xi32, #tpu.memory_space<vmem>>
    %dma_start3A_42 = tpu.memref_squeeze %dma_start3A_41 : memref<1x128xi32, #tpu.memory_space<vmem>> -> memref<128xi32, #tpu.memory_space<vmem>>
    %dma_start3A_43 = arith.constant 0 : i32
    %dma_start3A_44 = arith.constant 0 : i32
    %dma_start3A_45 = tpu.memref_slice %arg2[%dma_start3A_43, %dma_start3A_44] : memref<40960x128xf32, #tpu.memory_space<hbm>> -> memref<40960x128xf32, #tpu.memory_space<hbm>>
    tpu.enqueue_indirect_dma source(%dma_start3A_45 : memref<40960x128xf32, #tpu.memory_space<hbm>>) target(%arg8 : memref<128x128xf32, #tpu.memory_space<vmem>>) offsets(%dma_start3A_42 : memref<128xi32, #tpu.memory_space<vmem>>) semaphore(%arg11 : memref<!tpu.dma_semaphore, #tpu.memory_space<semaphore_mem>>)
    %scan3A_46 = arith.constant 0 : i32
    %scan3A_47 = arith.constant 0 : i32
    %scan3A_48 = arith.constant 20 : i32
    %scan3A_49 = arith.addi %scan3A_47, %scan3A_48 : i32
    %scan3A_50 = arith.constant 1 : i32
    %scan3A_51 = scf.for %scan3A_262 = %scan3A_47 to %scan3A_49 step %scan3A_50 iter_args(%scan3A_263 = %scan3A_46) -> (i32)  : i32 {
      %mul3A_264 = arith.constant 2 : i32
      %mul3A_265 = arith.muli %mul3A_264, %scan3A_262 : i32
      %add3A_266 = arith.constant 1 : i32
      %add3A_267 = arith.addi %mul3A_265, %add3A_266 : i32
      %dma_start3A_268 = arith.constant 0 : i32
      %dma_start3A_269 = tpu.memref_slice %arg6[%add3A_267, %dma_start3A_268] : memref<40x128xi32, #tpu.memory_space<vmem>> -> memref<1x128xi32, #tpu.memory_space<vmem>>
      %dma_start3A_270 = tpu.memref_squeeze %dma_start3A_269 : memref<1x128xi32, #tpu.memory_space<vmem>> -> memref<128xi32, #tpu.memory_space<vmem>>
      %dma_start3A_271 = arith.constant 0 : i32
      %dma_start3A_272 = arith.constant 0 : i32
      %dma_start3A_273 = tpu.memref_slice %arg2[%dma_start3A_271, %dma_start3A_272] : memref<40960x128xf32, #tpu.memory_space<hbm>> -> memref<40960x128xf32, #tpu.memory_space<hbm>>
      tpu.enqueue_indirect_dma source(%dma_start3A_273 : memref<40960x128xf32, #tpu.memory_space<hbm>>) target(%arg9 : memref<128x128xf32, #tpu.memory_space<vmem>>) offsets(%dma_start3A_270 : memref<128xi32, #tpu.memory_space<vmem>>) semaphore(%arg12 : memref<!tpu.dma_semaphore, #tpu.memory_space<semaphore_mem>>)
      %dma_wait3A = arith.constant 0 : i32
      %dma_wait3A_274 = arith.constant 0 : i32
      %dma_wait3A_275 = tpu.memref_slice %arg2[%dma_wait3A, %dma_wait3A_274] : memref<40960x128xf32, #tpu.memory_space<hbm>> -> memref<128x128xf32, #tpu.memory_space<hbm>>
      %dma_wait3A_276 = arith.constant 0 : i32
      %dma_wait3A_277 = arith.constant 0 : i32
      %dma_wait3A_278 = tpu.memref_slice %arg2[%dma_wait3A_276, %dma_wait3A_277] : memref<40960x128xf32, #tpu.memory_space<hbm>> -> memref<128x128xf32, #tpu.memory_space<hbm>>
      tpu.wait_dma2 semaphore(%arg11 : memref<!tpu.dma_semaphore, #tpu.memory_space<semaphore_mem>>) src(%dma_wait3A_278 : memref<128x128xf32, #tpu.memory_space<hbm>>) dst(%arg8 : memref<128x128xf32, #tpu.memory_space<vmem>>)
      "tpu.region"() ({
        %run_scoped3A = tpu.sem_alloc : memref<!tpu.dma_semaphore, #tpu.memory_space<semaphore_mem>>
        %dma_start3A_292 = arith.constant 0 : i32
        %dma_start3A_293 = tpu.memref_slice %arg7[%mul3A_265, %dma_start3A_292] : memref<40x128xi32, #tpu.memory_space<vmem>> -> memref<1x128xi32, #tpu.memory_space<vmem>>
        %dma_start3A_294 = tpu.memref_squeeze %dma_start3A_293 : memref<1x128xi32, #tpu.memory_space<vmem>> -> memref<128xi32, #tpu.memory_space<vmem>>
        %dma_start3A_295 = arith.constant 0 : i32
        %dma_start3A_296 = arith.constant 0 : i32
        %dma_start3A_297 = tpu.memref_slice %arg10[%dma_start3A_295, %dma_start3A_296] : memref<10240x128xf32, #tpu.memory_space<vmem_shared>> -> memref<10240x128xf32, #tpu.memory_space<vmem_shared>>
        tpu.enqueue_indirect_dma source(%arg8 : memref<128x128xf32, #tpu.memory_space<vmem>>) target(%dma_start3A_297 : memref<10240x128xf32, #tpu.memory_space<vmem_shared>>) offsets(%dma_start3A_294 : memref<128xi32, #tpu.memory_space<vmem>>) semaphore(%run_scoped3A : memref<!tpu.dma_semaphore, #tpu.memory_space<semaphore_mem>>) {add = true}
        %dma_wait3A_298 = arith.constant 0 : i32
        %dma_wait3A_299 = tpu.memref_slice %arg7[%mul3A_265, %dma_wait3A_298] : memref<40x128xi32, #tpu.memory_space<vmem>> -> memref<1x128xi32, #tpu.memory_space<vmem>>
        %dma_wait3A_300 = tpu.memref_squeeze %dma_wait3A_299 : memref<1x128xi32, #tpu.memory_space<vmem>> -> memref<128xi32, #tpu.memory_space<vmem>>
        %dma_wait3A_301 = arith.constant 0 : i32
        %dma_wait3A_302 = arith.constant 0 : i32
        %dma_wait3A_303 = tpu.memref_slice %arg10[%dma_wait3A_301, %dma_wait3A_302] : memref<10240x128xf32, #tpu.memory_space<vmem_shared>> -> memref<10240x128xf32, #tpu.memory_space<vmem_shared>>
        tpu.wait_indirect_dma semaphore(%run_scoped3A : memref<!tpu.dma_semaphore, #tpu.memory_space<semaphore_mem>>) src(%arg8 : memref<128x128xf32, #tpu.memory_space<vmem>>) dst(%dma_wait3A_303 : memref<10240x128xf32, #tpu.memory_space<vmem_shared>>)
        tpu.yield
      }) : () -> ()
      %add3A_279 = arith.constant 2 : i32
      %add3A_280 = arith.addi %mul3A_265, %add3A_279 : i32
      %lt3A = arith.constant 40 : i32
      %lt3A_281 = arith.cmpi slt, %add3A_280, %lt3A : i32
      %convert_element_type3A = arith.extui %lt3A_281 : i1 to i32
      %cond3A = arith.constant 0 : i32
      %cond3A_282 = arith.cmpi ne, %convert_element_type3A, %cond3A : i32
      scf.if %cond3A_282 {
        %add3A_292 = arith.constant 2 : i32
        %add3A_293 = arith.addi %mul3A_265, %add3A_292 : i32
        %dma_start3A_294 = arith.constant 0 : i32
        %dma_start3A_295 = tpu.memref_slice %arg6[%add3A_293, %dma_start3A_294] : memref<40x128xi32, #tpu.memory_space<vmem>> -> memref<1x128xi32, #tpu.memory_space<vmem>>
        %dma_start3A_296 = tpu.memref_squeeze %dma_start3A_295 : memref<1x128xi32, #tpu.memory_space<vmem>> -> memref<128xi32, #tpu.memory_space<vmem>>
        %dma_start3A_297 = arith.constant 0 : i32
        %dma_start3A_298 = arith.constant 0 : i32
        %dma_start3A_299 = tpu.memref_slice %arg2[%dma_start3A_297, %dma_start3A_298] : memref<40960x128xf32, #tpu.memory_space<hbm>> -> memref<40960x128xf32, #tpu.memory_space<hbm>>
        tpu.enqueue_indirect_dma source(%dma_start3A_299 : memref<40960x128xf32, #tpu.memory_space<hbm>>) target(%arg8 : memref<128x128xf32, #tpu.memory_space<vmem>>) offsets(%dma_start3A_296 : memref<128xi32, #tpu.memory_space<vmem>>) semaphore(%arg11 : memref<!tpu.dma_semaphore, #tpu.memory_space<semaphore_mem>>)
      } else {
      }
      %dma_wait3A_283 = arith.constant 0 : i32
      %dma_wait3A_284 = arith.constant 0 : i32
      %dma_wait3A_285 = tpu.memref_slice %arg2[%dma_wait3A_283, %dma_wait3A_284] : memref<40960x128xf32, #tpu.memory_space<hbm>> -> memref<128x128xf32, #tpu.memory_space<hbm>>
      %dma_wait3A_286 = arith.constant 0 : i32
      %dma_wait3A_287 = arith.constant 0 : i32
      %dma_wait3A_288 = tpu.memref_slice %arg2[%dma_wait3A_286, %dma_wait3A_287] : memref<40960x128xf32, #tpu.memory_space<hbm>> -> memref<128x128xf32, #tpu.memory_space<hbm>>
      tpu.wait_dma2 semaphore(%arg12 : memref<!tpu.dma_semaphore, #tpu.memory_space<semaphore_mem>>) src(%dma_wait3A_288 : memref<128x128xf32, #tpu.memory_space<hbm>>) dst(%arg9 : memref<128x128xf32, #tpu.memory_space<vmem>>)
      %add3A_289 = arith.constant 1 : i32
      %add3A_290 = arith.addi %mul3A_265, %add3A_289 : i32
      "tpu.region"() ({
        %run_scoped3A = tpu.sem_alloc : memref<!tpu.dma_semaphore, #tpu.memory_space<semaphore_mem>>
        %dma_start3A_292 = arith.constant 0 : i32
        %dma_start3A_293 = tpu.memref_slice %arg7[%add3A_290, %dma_start3A_292] : memref<40x128xi32, #tpu.memory_space<vmem>> -> memref<1x128xi32, #tpu.memory_space<vmem>>
        %dma_start3A_294 = tpu.memref_squeeze %dma_start3A_293 : memref<1x128xi32, #tpu.memory_space<vmem>> -> memref<128xi32, #tpu.memory_space<vmem>>
        %dma_start3A_295 = arith.constant 0 : i32
        %dma_start3A_296 = arith.constant 0 : i32
        %dma_start3A_297 = tpu.memref_slice %arg10[%dma_start3A_295, %dma_start3A_296] : memref<10240x128xf32, #tpu.memory_space<vmem_shared>> -> memref<10240x128xf32, #tpu.memory_space<vmem_shared>>
        tpu.enqueue_indirect_dma source(%arg9 : memref<128x128xf32, #tpu.memory_space<vmem>>) target(%dma_start3A_297 : memref<10240x128xf32, #tpu.memory_space<vmem_shared>>) offsets(%dma_start3A_294 : memref<128xi32, #tpu.memory_space<vmem>>) semaphore(%run_scoped3A : memref<!tpu.dma_semaphore, #tpu.memory_space<semaphore_mem>>) {add = true}
        %dma_wait3A_298 = arith.constant 0 : i32
        %dma_wait3A_299 = tpu.memref_slice %arg7[%add3A_290, %dma_wait3A_298] : memref<40x128xi32, #tpu.memory_space<vmem>> -> memref<1x128xi32, #tpu.memory_space<vmem>>
        %dma_wait3A_300 = tpu.memref_squeeze %dma_wait3A_299 : memref<1x128xi32, #tpu.memory_space<vmem>> -> memref<128xi32, #tpu.memory_space<vmem>>
        %dma_wait3A_301 = arith.constant 0 : i32
        %dma_wait3A_302 = arith.constant 0 : i32
        %dma_wait3A_303 = tpu.memref_slice %arg10[%dma_wait3A_301, %dma_wait3A_302] : memref<10240x128xf32, #tpu.memory_space<vmem_shared>> -> memref<10240x128xf32, #tpu.memory_space<vmem_shared>>
        tpu.wait_indirect_dma semaphore(%run_scoped3A : memref<!tpu.dma_semaphore, #tpu.memory_space<semaphore_mem>>) src(%arg9 : memref<128x128xf32, #tpu.memory_space<vmem>>) dst(%dma_wait3A_303 : memref<10240x128xf32, #tpu.memory_space<vmem_shared>>)
        tpu.yield
      }) : () -> ()
      %scan3A_291 = arith.constant 0 : i32
      scf.yield %scan3A_291 : i32
    }
    %scan3A_52 = arith.constant 20 : i32
    %barrier3A_53 = arith.constant 0 : index
    tpu.barrier barrier_id(%barrier3A_53)
    %mul3A_54 = arith.constant 640 : i32
    %mul3A_55 = arith.muli %arg1, %mul3A_54 : i32
    %add3A_56 = arith.constant 0 : i32
    %add3A_57 = arith.addi %add3A_56, %arg0 : i32
    %mul3A_58 = arith.constant 10240 : i32
    %mul3A_59 = arith.muli %add3A_57, %mul3A_58 : i32
    %mul3A_60 = arith.constant 640 : i32
    %mul3A_61 = arith.muli %arg1, %mul3A_60 : i32
    %add3A_62 = arith.addi %mul3A_59, %mul3A_61 : i32
    "tpu.region"() ({
      %run_scoped3A = tpu.sem_alloc : memref<!tpu.dma_semaphore, #tpu.memory_space<semaphore_mem>>
      %dma_start3A_262 = arith.constant 0 : i32
      %dma_start3A_263 = tpu.memref_slice %arg5[%add3A_62, %dma_start3A_262] : memref<81920x128xf32, #tpu.memory_space<hbm>> -> memref<640x128xf32, #tpu.memory_space<hbm>>
      %dma_start3A_264 = arith.constant 0 : i32
      %dma_start3A_265 = tpu.memref_slice %arg10[%mul3A_55, %dma_start3A_264] : memref<10240x128xf32, #tpu.memory_space<vmem_shared>> -> memref<640x128xf32, #tpu.memory_space<vmem_shared>>
      tpu.enqueue_dma source(%dma_start3A_265 : memref<640x128xf32, #tpu.memory_space<vmem_shared>>) target(%dma_start3A_263 : memref<640x128xf32, #tpu.memory_space<hbm>>) target_semaphore(%run_scoped3A : memref<!tpu.dma_semaphore, #tpu.memory_space<semaphore_mem>>)
      %dma_wait3A = arith.constant 0 : i32
      %dma_wait3A_266 = tpu.memref_slice %arg5[%add3A_62, %dma_wait3A] : memref<81920x128xf32, #tpu.memory_space<hbm>> -> memref<640x128xf32, #tpu.memory_space<hbm>>
      %dma_wait3A_267 = arith.constant 0 : i32
      %dma_wait3A_268 = tpu.memref_slice %arg10[%mul3A_55, %dma_wait3A_267] : memref<10240x128xf32, #tpu.memory_space<vmem_shared>> -> memref<640x128xf32, #tpu.memory_space<vmem_shared>>
      tpu.wait_dma2 semaphore(%run_scoped3A : memref<!tpu.dma_semaphore, #tpu.memory_space<semaphore_mem>>) src(%dma_wait3A_268 : memref<640x128xf32, #tpu.memory_space<vmem_shared>>) dst(%dma_wait3A_266 : memref<640x128xf32, #tpu.memory_space<hbm>>)
      tpu.yield
    }) : () -> ()
    %barrier3A_63 = arith.constant 0 : index
    tpu.barrier barrier_id(%barrier3A_63)
    %mul3A_64 = arith.constant 640 : i32
    %mul3A_65 = arith.muli %arg1, %mul3A_64 : i32
    %add3A_66 = arith.constant 10240 : i32
    %add3A_67 = arith.addi %add3A_66, %mul3A_65 : i32
    %mul3A_68 = arith.constant 640 : i32
    %mul3A_69 = arith.muli %arg1, %mul3A_68 : i32
    "tpu.region"() ({
      %run_scoped3A = tpu.sem_alloc : memref<!tpu.dma_semaphore, #tpu.memory_space<semaphore_mem>>
      %dma_start3A_262 = arith.constant 0 : i32
      %dma_start3A_263 = tpu.memref_slice %arg10[%mul3A_69, %dma_start3A_262] : memref<10240x128xf32, #tpu.memory_space<vmem_shared>> -> memref<640x128xf32, #tpu.memory_space<vmem_shared>>
      %dma_start3A_264 = arith.constant 0 : i32
      %dma_start3A_265 = tpu.memref_slice %arg2[%add3A_67, %dma_start3A_264] : memref<40960x128xf32, #tpu.memory_space<hbm>> -> memref<640x128xf32, #tpu.memory_space<hbm>>
      tpu.enqueue_dma source(%dma_start3A_265 : memref<640x128xf32, #tpu.memory_space<hbm>>) target(%dma_start3A_263 : memref<640x128xf32, #tpu.memory_space<vmem_shared>>) target_semaphore(%run_scoped3A : memref<!tpu.dma_semaphore, #tpu.memory_space<semaphore_mem>>)
      %dma_wait3A = arith.constant 0 : i32
      %dma_wait3A_266 = tpu.memref_slice %arg10[%mul3A_69, %dma_wait3A] : memref<10240x128xf32, #tpu.memory_space<vmem_shared>> -> memref<640x128xf32, #tpu.memory_space<vmem_shared>>
      %dma_wait3A_267 = arith.constant 0 : i32
      %dma_wait3A_268 = tpu.memref_slice %arg2[%add3A_67, %dma_wait3A_267] : memref<40960x128xf32, #tpu.memory_space<hbm>> -> memref<640x128xf32, #tpu.memory_space<hbm>>
      tpu.wait_dma2 semaphore(%run_scoped3A : memref<!tpu.dma_semaphore, #tpu.memory_space<semaphore_mem>>) src(%dma_wait3A_268 : memref<640x128xf32, #tpu.memory_space<hbm>>) dst(%dma_wait3A_266 : memref<640x128xf32, #tpu.memory_space<vmem_shared>>)
      tpu.yield
    }) : () -> ()
    %add3A_70 = arith.constant 32 : i32
    %add3A_71 = arith.addi %add3A_70, %add3A : i32
    %mul3A_72 = arith.constant 80 : i32
    %mul3A_73 = arith.muli %add3A_71, %mul3A_72 : i32
    "tpu.region"() ({
      %run_scoped3A = tpu.sem_alloc : memref<!tpu.dma_semaphore, #tpu.memory_space<semaphore_mem>>
      %dma_start3A_262 = arith.constant 0 : i32
      %dma_start3A_263 = tpu.memref_slice %arg3[%mul3A_73, %dma_start3A_262] : memref<10240x128xi32, #tpu.memory_space<hbm>> -> memref<40x128xi32, #tpu.memory_space<hbm>>
      %dma_start3A_264 = arith.constant 0 : i32
      %dma_start3A_265 = tpu.memref_slice %arg3[%mul3A_73, %dma_start3A_264] : memref<10240x128xi32, #tpu.memory_space<hbm>> -> memref<40x128xi32, #tpu.memory_space<hbm>>
      tpu.enqueue_dma source(%dma_start3A_265 : memref<40x128xi32, #tpu.memory_space<hbm>>) target(%arg6 : memref<40x128xi32, #tpu.memory_space<vmem>>) target_semaphore(%run_scoped3A : memref<!tpu.dma_semaphore, #tpu.memory_space<semaphore_mem>>)
      %dma_wait3A = arith.constant 0 : i32
      %dma_wait3A_266 = tpu.memref_slice %arg3[%mul3A_73, %dma_wait3A] : memref<10240x128xi32, #tpu.memory_space<hbm>> -> memref<40x128xi32, #tpu.memory_space<hbm>>
      %dma_wait3A_267 = arith.constant 0 : i32
      %dma_wait3A_268 = tpu.memref_slice %arg3[%mul3A_73, %dma_wait3A_267] : memref<10240x128xi32, #tpu.memory_space<hbm>> -> memref<40x128xi32, #tpu.memory_space<hbm>>
      tpu.wait_dma2 semaphore(%run_scoped3A : memref<!tpu.dma_semaphore, #tpu.memory_space<semaphore_mem>>) src(%dma_wait3A_268 : memref<40x128xi32, #tpu.memory_space<hbm>>) dst(%arg6 : memref<40x128xi32, #tpu.memory_space<vmem>>)
      tpu.yield
    }) : () -> ()
    %add3A_74 = arith.constant 32 : i32
    %add3A_75 = arith.addi %add3A_74, %add3A : i32
    %mul3A_76 = arith.constant 80 : i32
    %mul3A_77 = arith.muli %add3A_75, %mul3A_76 : i32
    "tpu.region"() ({
      %run_scoped3A = tpu.sem_alloc : memref<!tpu.dma_semaphore, #tpu.memory_space<semaphore_mem>>
      %dma_start3A_262 = arith.constant 0 : i32
      %dma_start3A_263 = tpu.memref_slice %arg4[%mul3A_77, %dma_start3A_262] : memref<10240x128xi32, #tpu.memory_space<hbm>> -> memref<40x128xi32, #tpu.memory_space<hbm>>
      %dma_start3A_264 = arith.constant 0 : i32
      %dma_start3A_265 = tpu.memref_slice %arg4[%mul3A_77, %dma_start3A_264] : memref<10240x128xi32, #tpu.memory_space<hbm>> -> memref<40x128xi32, #tpu.memory_space<hbm>>
      tpu.enqueue_dma source(%dma_start3A_265 : memref<40x128xi32, #tpu.memory_space<hbm>>) target(%arg7 : memref<40x128xi32, #tpu.memory_space<vmem>>) target_semaphore(%run_scoped3A : memref<!tpu.dma_semaphore, #tpu.memory_space<semaphore_mem>>)
      %dma_wait3A = arith.constant 0 : i32
      %dma_wait3A_266 = tpu.memref_slice %arg4[%mul3A_77, %dma_wait3A] : memref<10240x128xi32, #tpu.memory_space<hbm>> -> memref<40x128xi32, #tpu.memory_space<hbm>>
      %dma_wait3A_267 = arith.constant 0 : i32
      %dma_wait3A_268 = tpu.memref_slice %arg4[%mul3A_77, %dma_wait3A_267] : memref<10240x128xi32, #tpu.memory_space<hbm>> -> memref<40x128xi32, #tpu.memory_space<hbm>>
      tpu.wait_dma2 semaphore(%run_scoped3A : memref<!tpu.dma_semaphore, #tpu.memory_space<semaphore_mem>>) src(%dma_wait3A_268 : memref<40x128xi32, #tpu.memory_space<hbm>>) dst(%arg7 : memref<40x128xi32, #tpu.memory_space<vmem>>)
      tpu.yield
    }) : () -> ()
    %barrier3A_78 = arith.constant 0 : index
    tpu.barrier barrier_id(%barrier3A_78)
    %dma_start3A_79 = arith.constant 0 : i32
    %dma_start3A_80 = arith.constant 0 : i32
    %dma_start3A_81 = tpu.memref_slice %arg6[%dma_start3A_79, %dma_start3A_80] : memref<40x128xi32, #tpu.memory_space<vmem>> -> memref<1x128xi32, #tpu.memory_space<vmem>>
    %dma_start3A_82 = tpu.memref_squeeze %dma_start3A_81 : memref<1x128xi32, #tpu.memory_space<vmem>> -> memref<128xi32, #tpu.memory_space<vmem>>
    %dma_start3A_83 = arith.constant 0 : i32
    %dma_start3A_84 = arith.constant 0 : i32
    %dma_start3A_85 = tpu.memref_slice %arg2[%dma_start3A_83, %dma_start3A_84] : memref<40960x128xf32, #tpu.memory_space<hbm>> -> memref<40960x128xf32, #tpu.memory_space<hbm>>
    tpu.enqueue_indirect_dma source(%dma_start3A_85 : memref<40960x128xf32, #tpu.memory_space<hbm>>) target(%arg8 : memref<128x128xf32, #tpu.memory_space<vmem>>) offsets(%dma_start3A_82 : memref<128xi32, #tpu.memory_space<vmem>>) semaphore(%arg11 : memref<!tpu.dma_semaphore, #tpu.memory_space<semaphore_mem>>)
    %scan3A_86 = arith.constant 0 : i32
    %scan3A_87 = arith.constant 0 : i32
    %scan3A_88 = arith.constant 20 : i32
    %scan3A_89 = arith.addi %scan3A_87, %scan3A_88 : i32
    %scan3A_90 = arith.constant 1 : i32
    %scan3A_91 = scf.for %scan3A_262 = %scan3A_87 to %scan3A_89 step %scan3A_90 iter_args(%scan3A_263 = %scan3A_86) -> (i32)  : i32 {
      %mul3A_264 = arith.constant 2 : i32
      %mul3A_265 = arith.muli %mul3A_264, %scan3A_262 : i32
      %add3A_266 = arith.constant 1 : i32
      %add3A_267 = arith.addi %mul3A_265, %add3A_266 : i32
      %dma_start3A_268 = arith.constant 0 : i32
      %dma_start3A_269 = tpu.memref_slice %arg6[%add3A_267, %dma_start3A_268] : memref<40x128xi32, #tpu.memory_space<vmem>> -> memref<1x128xi32, #tpu.memory_space<vmem>>
      %dma_start3A_270 = tpu.memref_squeeze %dma_start3A_269 : memref<1x128xi32, #tpu.memory_space<vmem>> -> memref<128xi32, #tpu.memory_space<vmem>>
      %dma_start3A_271 = arith.constant 0 : i32
      %dma_start3A_272 = arith.constant 0 : i32
      %dma_start3A_273 = tpu.memref_slice %arg2[%dma_start3A_271, %dma_start3A_272] : memref<40960x128xf32, #tpu.memory_space<hbm>> -> memref<40960x128xf32, #tpu.memory_space<hbm>>
      tpu.enqueue_indirect_dma source(%dma_start3A_273 : memref<40960x128xf32, #tpu.memory_space<hbm>>) target(%arg9 : memref<128x128xf32, #tpu.memory_space<vmem>>) offsets(%dma_start3A_270 : memref<128xi32, #tpu.memory_space<vmem>>) semaphore(%arg12 : memref<!tpu.dma_semaphore, #tpu.memory_space<semaphore_mem>>)
      %dma_wait3A = arith.constant 0 : i32
      %dma_wait3A_274 = arith.constant 0 : i32
      %dma_wait3A_275 = tpu.memref_slice %arg2[%dma_wait3A, %dma_wait3A_274] : memref<40960x128xf32, #tpu.memory_space<hbm>> -> memref<128x128xf32, #tpu.memory_space<hbm>>
      %dma_wait3A_276 = arith.constant 0 : i32
      %dma_wait3A_277 = arith.constant 0 : i32
      %dma_wait3A_278 = tpu.memref_slice %arg2[%dma_wait3A_276, %dma_wait3A_277] : memref<40960x128xf32, #tpu.memory_space<hbm>> -> memref<128x128xf32, #tpu.memory_space<hbm>>
      tpu.wait_dma2 semaphore(%arg11 : memref<!tpu.dma_semaphore, #tpu.memory_space<semaphore_mem>>) src(%dma_wait3A_278 : memref<128x128xf32, #tpu.memory_space<hbm>>) dst(%arg8 : memref<128x128xf32, #tpu.memory_space<vmem>>)
      "tpu.region"() ({
        %run_scoped3A = tpu.sem_alloc : memref<!tpu.dma_semaphore, #tpu.memory_space<semaphore_mem>>
        %dma_start3A_292 = arith.constant 0 : i32
        %dma_start3A_293 = tpu.memref_slice %arg7[%mul3A_265, %dma_start3A_292] : memref<40x128xi32, #tpu.memory_space<vmem>> -> memref<1x128xi32, #tpu.memory_space<vmem>>
        %dma_start3A_294 = tpu.memref_squeeze %dma_start3A_293 : memref<1x128xi32, #tpu.memory_space<vmem>> -> memref<128xi32, #tpu.memory_space<vmem>>
        %dma_start3A_295 = arith.constant 0 : i32
        %dma_start3A_296 = arith.constant 0 : i32
        %dma_start3A_297 = tpu.memref_slice %arg10[%dma_start3A_295, %dma_start3A_296] : memref<10240x128xf32, #tpu.memory_space<vmem_shared>> -> memref<10240x128xf32, #tpu.memory_space<vmem_shared>>
        tpu.enqueue_indirect_dma source(%arg8 : memref<128x128xf32, #tpu.memory_space<vmem>>) target(%dma_start3A_297 : memref<10240x128xf32, #tpu.memory_space<vmem_shared>>) offsets(%dma_start3A_294 : memref<128xi32, #tpu.memory_space<vmem>>) semaphore(%run_scoped3A : memref<!tpu.dma_semaphore, #tpu.memory_space<semaphore_mem>>) {add = true}
        %dma_wait3A_298 = arith.constant 0 : i32
        %dma_wait3A_299 = tpu.memref_slice %arg7[%mul3A_265, %dma_wait3A_298] : memref<40x128xi32, #tpu.memory_space<vmem>> -> memref<1x128xi32, #tpu.memory_space<vmem>>
        %dma_wait3A_300 = tpu.memref_squeeze %dma_wait3A_299 : memref<1x128xi32, #tpu.memory_space<vmem>> -> memref<128xi32, #tpu.memory_space<vmem>>
        %dma_wait3A_301 = arith.constant 0 : i32
        %dma_wait3A_302 = arith.constant 0 : i32
        %dma_wait3A_303 = tpu.memref_slice %arg10[%dma_wait3A_301, %dma_wait3A_302] : memref<10240x128xf32, #tpu.memory_space<vmem_shared>> -> memref<10240x128xf32, #tpu.memory_space<vmem_shared>>
        tpu.wait_indirect_dma semaphore(%run_scoped3A : memref<!tpu.dma_semaphore, #tpu.memory_space<semaphore_mem>>) src(%arg8 : memref<128x128xf32, #tpu.memory_space<vmem>>) dst(%dma_wait3A_303 : memref<10240x128xf32, #tpu.memory_space<vmem_shared>>)
        tpu.yield
      }) : () -> ()
      %add3A_279 = arith.constant 2 : i32
      %add3A_280 = arith.addi %mul3A_265, %add3A_279 : i32
      %lt3A = arith.constant 40 : i32
      %lt3A_281 = arith.cmpi slt, %add3A_280, %lt3A : i32
      %convert_element_type3A = arith.extui %lt3A_281 : i1 to i32
      %cond3A = arith.constant 0 : i32
      %cond3A_282 = arith.cmpi ne, %convert_element_type3A, %cond3A : i32
      scf.if %cond3A_282 {
        %add3A_292 = arith.constant 2 : i32
        %add3A_293 = arith.addi %mul3A_265, %add3A_292 : i32
        %dma_start3A_294 = arith.constant 0 : i32
        %dma_start3A_295 = tpu.memref_slice %arg6[%add3A_293, %dma_start3A_294] : memref<40x128xi32, #tpu.memory_space<vmem>> -> memref<1x128xi32, #tpu.memory_space<vmem>>
        %dma_start3A_296 = tpu.memref_squeeze %dma_start3A_295 : memref<1x128xi32, #tpu.memory_space<vmem>> -> memref<128xi32, #tpu.memory_space<vmem>>
        %dma_start3A_297 = arith.constant 0 : i32
        %dma_start3A_298 = arith.constant 0 : i32
        %dma_start3A_299 = tpu.memref_slice %arg2[%dma_start3A_297, %dma_start3A_298] : memref<40960x128xf32, #tpu.memory_space<hbm>> -> memref<40960x128xf32, #tpu.memory_space<hbm>>
        tpu.enqueue_indirect_dma source(%dma_start3A_299 : memref<40960x128xf32, #tpu.memory_space<hbm>>) target(%arg8 : memref<128x128xf32, #tpu.memory_space<vmem>>) offsets(%dma_start3A_296 : memref<128xi32, #tpu.memory_space<vmem>>) semaphore(%arg11 : memref<!tpu.dma_semaphore, #tpu.memory_space<semaphore_mem>>)
      } else {
      }
      %dma_wait3A_283 = arith.constant 0 : i32
      %dma_wait3A_284 = arith.constant 0 : i32
      %dma_wait3A_285 = tpu.memref_slice %arg2[%dma_wait3A_283, %dma_wait3A_284] : memref<40960x128xf32, #tpu.memory_space<hbm>> -> memref<128x128xf32, #tpu.memory_space<hbm>>
      %dma_wait3A_286 = arith.constant 0 : i32
      %dma_wait3A_287 = arith.constant 0 : i32
      %dma_wait3A_288 = tpu.memref_slice %arg2[%dma_wait3A_286, %dma_wait3A_287] : memref<40960x128xf32, #tpu.memory_space<hbm>> -> memref<128x128xf32, #tpu.memory_space<hbm>>
      tpu.wait_dma2 semaphore(%arg12 : memref<!tpu.dma_semaphore, #tpu.memory_space<semaphore_mem>>) src(%dma_wait3A_288 : memref<128x128xf32, #tpu.memory_space<hbm>>) dst(%arg9 : memref<128x128xf32, #tpu.memory_space<vmem>>)
      %add3A_289 = arith.constant 1 : i32
      %add3A_290 = arith.addi %mul3A_265, %add3A_289 : i32
      "tpu.region"() ({
        %run_scoped3A = tpu.sem_alloc : memref<!tpu.dma_semaphore, #tpu.memory_space<semaphore_mem>>
        %dma_start3A_292 = arith.constant 0 : i32
        %dma_start3A_293 = tpu.memref_slice %arg7[%add3A_290, %dma_start3A_292] : memref<40x128xi32, #tpu.memory_space<vmem>> -> memref<1x128xi32, #tpu.memory_space<vmem>>
        %dma_start3A_294 = tpu.memref_squeeze %dma_start3A_293 : memref<1x128xi32, #tpu.memory_space<vmem>> -> memref<128xi32, #tpu.memory_space<vmem>>
        %dma_start3A_295 = arith.constant 0 : i32
        %dma_start3A_296 = arith.constant 0 : i32
        %dma_start3A_297 = tpu.memref_slice %arg10[%dma_start3A_295, %dma_start3A_296] : memref<10240x128xf32, #tpu.memory_space<vmem_shared>> -> memref<10240x128xf32, #tpu.memory_space<vmem_shared>>
        tpu.enqueue_indirect_dma source(%arg9 : memref<128x128xf32, #tpu.memory_space<vmem>>) target(%dma_start3A_297 : memref<10240x128xf32, #tpu.memory_space<vmem_shared>>) offsets(%dma_start3A_294 : memref<128xi32, #tpu.memory_space<vmem>>) semaphore(%run_scoped3A : memref<!tpu.dma_semaphore, #tpu.memory_space<semaphore_mem>>) {add = true}
        %dma_wait3A_298 = arith.constant 0 : i32
        %dma_wait3A_299 = tpu.memref_slice %arg7[%add3A_290, %dma_wait3A_298] : memref<40x128xi32, #tpu.memory_space<vmem>> -> memref<1x128xi32, #tpu.memory_space<vmem>>
        %dma_wait3A_300 = tpu.memref_squeeze %dma_wait3A_299 : memref<1x128xi32, #tpu.memory_space<vmem>> -> memref<128xi32, #tpu.memory_space<vmem>>
        %dma_wait3A_301 = arith.constant 0 : i32
        %dma_wait3A_302 = arith.constant 0 : i32
        %dma_wait3A_303 = tpu.memref_slice %arg10[%dma_wait3A_301, %dma_wait3A_302] : memref<10240x128xf32, #tpu.memory_space<vmem_shared>> -> memref<10240x128xf32, #tpu.memory_space<vmem_shared>>
        tpu.wait_indirect_dma semaphore(%run_scoped3A : memref<!tpu.dma_semaphore, #tpu.memory_space<semaphore_mem>>) src(%arg9 : memref<128x128xf32, #tpu.memory_space<vmem>>) dst(%dma_wait3A_303 : memref<10240x128xf32, #tpu.memory_space<vmem_shared>>)
        tpu.yield
      }) : () -> ()
      %scan3A_291 = arith.constant 0 : i32
      scf.yield %scan3A_291 : i32
    }
    %scan3A_92 = arith.constant 20 : i32
    %add3A_93 = arith.constant 32 : i32
    %add3A_94 = arith.addi %add3A_93, %add3A : i32
    %mul3A_95 = arith.constant 80 : i32
    %mul3A_96 = arith.muli %add3A_94, %mul3A_95 : i32
    %add3A_97 = arith.constant 40 : i32
    %add3A_98 = arith.addi %mul3A_96, %add3A_97 : i32
    "tpu.region"() ({
      %run_scoped3A = tpu.sem_alloc : memref<!tpu.dma_semaphore, #tpu.memory_space<semaphore_mem>>
      %dma_start3A_262 = arith.constant 0 : i32
      %dma_start3A_263 = tpu.memref_slice %arg3[%add3A_98, %dma_start3A_262] : memref<10240x128xi32, #tpu.memory_space<hbm>> -> memref<40x128xi32, #tpu.memory_space<hbm>>
      %dma_start3A_264 = arith.constant 0 : i32
      %dma_start3A_265 = tpu.memref_slice %arg3[%add3A_98, %dma_start3A_264] : memref<10240x128xi32, #tpu.memory_space<hbm>> -> memref<40x128xi32, #tpu.memory_space<hbm>>
      tpu.enqueue_dma source(%dma_start3A_265 : memref<40x128xi32, #tpu.memory_space<hbm>>) target(%arg6 : memref<40x128xi32, #tpu.memory_space<vmem>>) target_semaphore(%run_scoped3A : memref<!tpu.dma_semaphore, #tpu.memory_space<semaphore_mem>>)
      %dma_wait3A = arith.constant 0 : i32
      %dma_wait3A_266 = tpu.memref_slice %arg3[%add3A_98, %dma_wait3A] : memref<10240x128xi32, #tpu.memory_space<hbm>> -> memref<40x128xi32, #tpu.memory_space<hbm>>
      %dma_wait3A_267 = arith.constant 0 : i32
      %dma_wait3A_268 = tpu.memref_slice %arg3[%add3A_98, %dma_wait3A_267] : memref<10240x128xi32, #tpu.memory_space<hbm>> -> memref<40x128xi32, #tpu.memory_space<hbm>>
      tpu.wait_dma2 semaphore(%run_scoped3A : memref<!tpu.dma_semaphore, #tpu.memory_space<semaphore_mem>>) src(%dma_wait3A_268 : memref<40x128xi32, #tpu.memory_space<hbm>>) dst(%arg6 : memref<40x128xi32, #tpu.memory_space<vmem>>)
      tpu.yield
    }) : () -> ()
    %add3A_99 = arith.constant 32 : i32
    %add3A_100 = arith.addi %add3A_99, %add3A : i32
    %mul3A_101 = arith.constant 80 : i32
    %mul3A_102 = arith.muli %add3A_100, %mul3A_101 : i32
    %add3A_103 = arith.constant 40 : i32
    %add3A_104 = arith.addi %mul3A_102, %add3A_103 : i32
    "tpu.region"() ({
      %run_scoped3A = tpu.sem_alloc : memref<!tpu.dma_semaphore, #tpu.memory_space<semaphore_mem>>
      %dma_start3A_262 = arith.constant 0 : i32
      %dma_start3A_263 = tpu.memref_slice %arg4[%add3A_104, %dma_start3A_262] : memref<10240x128xi32, #tpu.memory_space<hbm>> -> memref<40x128xi32, #tpu.memory_space<hbm>>
      %dma_start3A_264 = arith.constant 0 : i32
      %dma_start3A_265 = tpu.memref_slice %arg4[%add3A_104, %dma_start3A_264] : memref<10240x128xi32, #tpu.memory_space<hbm>> -> memref<40x128xi32, #tpu.memory_space<hbm>>
      tpu.enqueue_dma source(%dma_start3A_265 : memref<40x128xi32, #tpu.memory_space<hbm>>) target(%arg7 : memref<40x128xi32, #tpu.memory_space<vmem>>) target_semaphore(%run_scoped3A : memref<!tpu.dma_semaphore, #tpu.memory_space<semaphore_mem>>)
      %dma_wait3A = arith.constant 0 : i32
      %dma_wait3A_266 = tpu.memref_slice %arg4[%add3A_104, %dma_wait3A] : memref<10240x128xi32, #tpu.memory_space<hbm>> -> memref<40x128xi32, #tpu.memory_space<hbm>>
      %dma_wait3A_267 = arith.constant 0 : i32
      %dma_wait3A_268 = tpu.memref_slice %arg4[%add3A_104, %dma_wait3A_267] : memref<10240x128xi32, #tpu.memory_space<hbm>> -> memref<40x128xi32, #tpu.memory_space<hbm>>
      tpu.wait_dma2 semaphore(%run_scoped3A : memref<!tpu.dma_semaphore, #tpu.memory_space<semaphore_mem>>) src(%dma_wait3A_268 : memref<40x128xi32, #tpu.memory_space<hbm>>) dst(%arg7 : memref<40x128xi32, #tpu.memory_space<vmem>>)
      tpu.yield
    }) : () -> ()
    %dma_start3A_105 = arith.constant 0 : i32
    %dma_start3A_106 = arith.constant 0 : i32
    %dma_start3A_107 = tpu.memref_slice %arg6[%dma_start3A_105, %dma_start3A_106] : memref<40x128xi32, #tpu.memory_space<vmem>> -> memref<1x128xi32, #tpu.memory_space<vmem>>
    %dma_start3A_108 = tpu.memref_squeeze %dma_start3A_107 : memref<1x128xi32, #tpu.memory_space<vmem>> -> memref<128xi32, #tpu.memory_space<vmem>>
    %dma_start3A_109 = arith.constant 0 : i32
    %dma_start3A_110 = arith.constant 0 : i32
    %dma_start3A_111 = tpu.memref_slice %arg2[%dma_start3A_109, %dma_start3A_110] : memref<40960x128xf32, #tpu.memory_space<hbm>> -> memref<40960x128xf32, #tpu.memory_space<hbm>>
    tpu.enqueue_indirect_dma source(%dma_start3A_111 : memref<40960x128xf32, #tpu.memory_space<hbm>>) target(%arg8 : memref<128x128xf32, #tpu.memory_space<vmem>>) offsets(%dma_start3A_108 : memref<128xi32, #tpu.memory_space<vmem>>) semaphore(%arg11 : memref<!tpu.dma_semaphore, #tpu.memory_space<semaphore_mem>>)
    %scan3A_112 = arith.constant 0 : i32
    %scan3A_113 = arith.constant 0 : i32
    %scan3A_114 = arith.constant 20 : i32
    %scan3A_115 = arith.addi %scan3A_113, %scan3A_114 : i32
    %scan3A_116 = arith.constant 1 : i32
    %scan3A_117 = scf.for %scan3A_262 = %scan3A_113 to %scan3A_115 step %scan3A_116 iter_args(%scan3A_263 = %scan3A_112) -> (i32)  : i32 {
      %mul3A_264 = arith.constant 2 : i32
      %mul3A_265 = arith.muli %mul3A_264, %scan3A_262 : i32
      %add3A_266 = arith.constant 1 : i32
      %add3A_267 = arith.addi %mul3A_265, %add3A_266 : i32
      %dma_start3A_268 = arith.constant 0 : i32
      %dma_start3A_269 = tpu.memref_slice %arg6[%add3A_267, %dma_start3A_268] : memref<40x128xi32, #tpu.memory_space<vmem>> -> memref<1x128xi32, #tpu.memory_space<vmem>>
      %dma_start3A_270 = tpu.memref_squeeze %dma_start3A_269 : memref<1x128xi32, #tpu.memory_space<vmem>> -> memref<128xi32, #tpu.memory_space<vmem>>
      %dma_start3A_271 = arith.constant 0 : i32
      %dma_start3A_272 = arith.constant 0 : i32
      %dma_start3A_273 = tpu.memref_slice %arg2[%dma_start3A_271, %dma_start3A_272] : memref<40960x128xf32, #tpu.memory_space<hbm>> -> memref<40960x128xf32, #tpu.memory_space<hbm>>
      tpu.enqueue_indirect_dma source(%dma_start3A_273 : memref<40960x128xf32, #tpu.memory_space<hbm>>) target(%arg9 : memref<128x128xf32, #tpu.memory_space<vmem>>) offsets(%dma_start3A_270 : memref<128xi32, #tpu.memory_space<vmem>>) semaphore(%arg12 : memref<!tpu.dma_semaphore, #tpu.memory_space<semaphore_mem>>)
      %dma_wait3A = arith.constant 0 : i32
      %dma_wait3A_274 = arith.constant 0 : i32
      %dma_wait3A_275 = tpu.memref_slice %arg2[%dma_wait3A, %dma_wait3A_274] : memref<40960x128xf32, #tpu.memory_space<hbm>> -> memref<128x128xf32, #tpu.memory_space<hbm>>
      %dma_wait3A_276 = arith.constant 0 : i32
      %dma_wait3A_277 = arith.constant 0 : i32
      %dma_wait3A_278 = tpu.memref_slice %arg2[%dma_wait3A_276, %dma_wait3A_277] : memref<40960x128xf32, #tpu.memory_space<hbm>> -> memref<128x128xf32, #tpu.memory_space<hbm>>
      tpu.wait_dma2 semaphore(%arg11 : memref<!tpu.dma_semaphore, #tpu.memory_space<semaphore_mem>>) src(%dma_wait3A_278 : memref<128x128xf32, #tpu.memory_space<hbm>>) dst(%arg8 : memref<128x128xf32, #tpu.memory_space<vmem>>)
      "tpu.region"() ({
        %run_scoped3A = tpu.sem_alloc : memref<!tpu.dma_semaphore, #tpu.memory_space<semaphore_mem>>
        %dma_start3A_292 = arith.constant 0 : i32
        %dma_start3A_293 = tpu.memref_slice %arg7[%mul3A_265, %dma_start3A_292] : memref<40x128xi32, #tpu.memory_space<vmem>> -> memref<1x128xi32, #tpu.memory_space<vmem>>
        %dma_start3A_294 = tpu.memref_squeeze %dma_start3A_293 : memref<1x128xi32, #tpu.memory_space<vmem>> -> memref<128xi32, #tpu.memory_space<vmem>>
        %dma_start3A_295 = arith.constant 0 : i32
        %dma_start3A_296 = arith.constant 0 : i32
        %dma_start3A_297 = tpu.memref_slice %arg10[%dma_start3A_295, %dma_start3A_296] : memref<10240x128xf32, #tpu.memory_space<vmem_shared>> -> memref<10240x128xf32, #tpu.memory_space<vmem_shared>>
        tpu.enqueue_indirect_dma source(%arg8 : memref<128x128xf32, #tpu.memory_space<vmem>>) target(%dma_start3A_297 : memref<10240x128xf32, #tpu.memory_space<vmem_shared>>) offsets(%dma_start3A_294 : memref<128xi32, #tpu.memory_space<vmem>>) semaphore(%run_scoped3A : memref<!tpu.dma_semaphore, #tpu.memory_space<semaphore_mem>>) {add = true}
        %dma_wait3A_298 = arith.constant 0 : i32
        %dma_wait3A_299 = tpu.memref_slice %arg7[%mul3A_265, %dma_wait3A_298] : memref<40x128xi32, #tpu.memory_space<vmem>> -> memref<1x128xi32, #tpu.memory_space<vmem>>
        %dma_wait3A_300 = tpu.memref_squeeze %dma_wait3A_299 : memref<1x128xi32, #tpu.memory_space<vmem>> -> memref<128xi32, #tpu.memory_space<vmem>>
        %dma_wait3A_301 = arith.constant 0 : i32
        %dma_wait3A_302 = arith.constant 0 : i32
        %dma_wait3A_303 = tpu.memref_slice %arg10[%dma_wait3A_301, %dma_wait3A_302] : memref<10240x128xf32, #tpu.memory_space<vmem_shared>> -> memref<10240x128xf32, #tpu.memory_space<vmem_shared>>
        tpu.wait_indirect_dma semaphore(%run_scoped3A : memref<!tpu.dma_semaphore, #tpu.memory_space<semaphore_mem>>) src(%arg8 : memref<128x128xf32, #tpu.memory_space<vmem>>) dst(%dma_wait3A_303 : memref<10240x128xf32, #tpu.memory_space<vmem_shared>>)
        tpu.yield
      }) : () -> ()
      %add3A_279 = arith.constant 2 : i32
      %add3A_280 = arith.addi %mul3A_265, %add3A_279 : i32
      %lt3A = arith.constant 40 : i32
      %lt3A_281 = arith.cmpi slt, %add3A_280, %lt3A : i32
      %convert_element_type3A = arith.extui %lt3A_281 : i1 to i32
      %cond3A = arith.constant 0 : i32
      %cond3A_282 = arith.cmpi ne, %convert_element_type3A, %cond3A : i32
      scf.if %cond3A_282 {
        %add3A_292 = arith.constant 2 : i32
        %add3A_293 = arith.addi %mul3A_265, %add3A_292 : i32
        %dma_start3A_294 = arith.constant 0 : i32
        %dma_start3A_295 = tpu.memref_slice %arg6[%add3A_293, %dma_start3A_294] : memref<40x128xi32, #tpu.memory_space<vmem>> -> memref<1x128xi32, #tpu.memory_space<vmem>>
        %dma_start3A_296 = tpu.memref_squeeze %dma_start3A_295 : memref<1x128xi32, #tpu.memory_space<vmem>> -> memref<128xi32, #tpu.memory_space<vmem>>
        %dma_start3A_297 = arith.constant 0 : i32
        %dma_start3A_298 = arith.constant 0 : i32
        %dma_start3A_299 = tpu.memref_slice %arg2[%dma_start3A_297, %dma_start3A_298] : memref<40960x128xf32, #tpu.memory_space<hbm>> -> memref<40960x128xf32, #tpu.memory_space<hbm>>
        tpu.enqueue_indirect_dma source(%dma_start3A_299 : memref<40960x128xf32, #tpu.memory_space<hbm>>) target(%arg8 : memref<128x128xf32, #tpu.memory_space<vmem>>) offsets(%dma_start3A_296 : memref<128xi32, #tpu.memory_space<vmem>>) semaphore(%arg11 : memref<!tpu.dma_semaphore, #tpu.memory_space<semaphore_mem>>)
      } else {
      }
      %dma_wait3A_283 = arith.constant 0 : i32
      %dma_wait3A_284 = arith.constant 0 : i32
      %dma_wait3A_285 = tpu.memref_slice %arg2[%dma_wait3A_283, %dma_wait3A_284] : memref<40960x128xf32, #tpu.memory_space<hbm>> -> memref<128x128xf32, #tpu.memory_space<hbm>>
      %dma_wait3A_286 = arith.constant 0 : i32
      %dma_wait3A_287 = arith.constant 0 : i32
      %dma_wait3A_288 = tpu.memref_slice %arg2[%dma_wait3A_286, %dma_wait3A_287] : memref<40960x128xf32, #tpu.memory_space<hbm>> -> memref<128x128xf32, #tpu.memory_space<hbm>>
      tpu.wait_dma2 semaphore(%arg12 : memref<!tpu.dma_semaphore, #tpu.memory_space<semaphore_mem>>) src(%dma_wait3A_288 : memref<128x128xf32, #tpu.memory_space<hbm>>) dst(%arg9 : memref<128x128xf32, #tpu.memory_space<vmem>>)
      %add3A_289 = arith.constant 1 : i32
      %add3A_290 = arith.addi %mul3A_265, %add3A_289 : i32
      "tpu.region"() ({
        %run_scoped3A = tpu.sem_alloc : memref<!tpu.dma_semaphore, #tpu.memory_space<semaphore_mem>>
        %dma_start3A_292 = arith.constant 0 : i32
        %dma_start3A_293 = tpu.memref_slice %arg7[%add3A_290, %dma_start3A_292] : memref<40x128xi32, #tpu.memory_space<vmem>> -> memref<1x128xi32, #tpu.memory_space<vmem>>
        %dma_start3A_294 = tpu.memref_squeeze %dma_start3A_293 : memref<1x128xi32, #tpu.memory_space<vmem>> -> memref<128xi32, #tpu.memory_space<vmem>>
        %dma_start3A_295 = arith.constant 0 : i32
        %dma_start3A_296 = arith.constant 0 : i32
        %dma_start3A_297 = tpu.memref_slice %arg10[%dma_start3A_295, %dma_start3A_296] : memref<10240x128xf32, #tpu.memory_space<vmem_shared>> -> memref<10240x128xf32, #tpu.memory_space<vmem_shared>>
        tpu.enqueue_indirect_dma source(%arg9 : memref<128x128xf32, #tpu.memory_space<vmem>>) target(%dma_start3A_297 : memref<10240x128xf32, #tpu.memory_space<vmem_shared>>) offsets(%dma_start3A_294 : memref<128xi32, #tpu.memory_space<vmem>>) semaphore(%run_scoped3A : memref<!tpu.dma_semaphore, #tpu.memory_space<semaphore_mem>>) {add = true}
        %dma_wait3A_298 = arith.constant 0 : i32
        %dma_wait3A_299 = tpu.memref_slice %arg7[%add3A_290, %dma_wait3A_298] : memref<40x128xi32, #tpu.memory_space<vmem>> -> memref<1x128xi32, #tpu.memory_space<vmem>>
        %dma_wait3A_300 = tpu.memref_squeeze %dma_wait3A_299 : memref<1x128xi32, #tpu.memory_space<vmem>> -> memref<128xi32, #tpu.memory_space<vmem>>
        %dma_wait3A_301 = arith.constant 0 : i32
        %dma_wait3A_302 = arith.constant 0 : i32
        %dma_wait3A_303 = tpu.memref_slice %arg10[%dma_wait3A_301, %dma_wait3A_302] : memref<10240x128xf32, #tpu.memory_space<vmem_shared>> -> memref<10240x128xf32, #tpu.memory_space<vmem_shared>>
        tpu.wait_indirect_dma semaphore(%run_scoped3A : memref<!tpu.dma_semaphore, #tpu.memory_space<semaphore_mem>>) src(%arg9 : memref<128x128xf32, #tpu.memory_space<vmem>>) dst(%dma_wait3A_303 : memref<10240x128xf32, #tpu.memory_space<vmem_shared>>)
        tpu.yield
      }) : () -> ()
      %scan3A_291 = arith.constant 0 : i32
      scf.yield %scan3A_291 : i32
    }
    %scan3A_118 = arith.constant 20 : i32
    %barrier3A_119 = arith.constant 0 : index
    tpu.barrier barrier_id(%barrier3A_119)
    %mul3A_120 = arith.constant 640 : i32
    %mul3A_121 = arith.muli %arg1, %mul3A_120 : i32
    %add3A_122 = arith.constant 2 : i32
    %add3A_123 = arith.addi %add3A_122, %arg0 : i32
    %mul3A_124 = arith.constant 10240 : i32
    %mul3A_125 = arith.muli %add3A_123, %mul3A_124 : i32
    %mul3A_126 = arith.constant 640 : i32
    %mul3A_127 = arith.muli %arg1, %mul3A_126 : i32
    %add3A_128 = arith.addi %mul3A_125, %mul3A_127 : i32
    "tpu.region"() ({
      %run_scoped3A = tpu.sem_alloc : memref<!tpu.dma_semaphore, #tpu.memory_space<semaphore_mem>>
      %dma_start3A_262 = arith.constant 0 : i32
      %dma_start3A_263 = tpu.memref_slice %arg5[%add3A_128, %dma_start3A_262] : memref<81920x128xf32, #tpu.memory_space<hbm>> -> memref<640x128xf32, #tpu.memory_space<hbm>>
      %dma_start3A_264 = arith.constant 0 : i32
      %dma_start3A_265 = tpu.memref_slice %arg10[%mul3A_121, %dma_start3A_264] : memref<10240x128xf32, #tpu.memory_space<vmem_shared>> -> memref<640x128xf32, #tpu.memory_space<vmem_shared>>
      tpu.enqueue_dma source(%dma_start3A_265 : memref<640x128xf32, #tpu.memory_space<vmem_shared>>) target(%dma_start3A_263 : memref<640x128xf32, #tpu.memory_space<hbm>>) target_semaphore(%run_scoped3A : memref<!tpu.dma_semaphore, #tpu.memory_space<semaphore_mem>>)
      %dma_wait3A = arith.constant 0 : i32
      %dma_wait3A_266 = tpu.memref_slice %arg5[%add3A_128, %dma_wait3A] : memref<81920x128xf32, #tpu.memory_space<hbm>> -> memref<640x128xf32, #tpu.memory_space<hbm>>
      %dma_wait3A_267 = arith.constant 0 : i32
      %dma_wait3A_268 = tpu.memref_slice %arg10[%mul3A_121, %dma_wait3A_267] : memref<10240x128xf32, #tpu.memory_space<vmem_shared>> -> memref<640x128xf32, #tpu.memory_space<vmem_shared>>
      tpu.wait_dma2 semaphore(%run_scoped3A : memref<!tpu.dma_semaphore, #tpu.memory_space<semaphore_mem>>) src(%dma_wait3A_268 : memref<640x128xf32, #tpu.memory_space<vmem_shared>>) dst(%dma_wait3A_266 : memref<640x128xf32, #tpu.memory_space<hbm>>)
      tpu.yield
    }) : () -> ()
    %barrier3A_129 = arith.constant 0 : index
    tpu.barrier barrier_id(%barrier3A_129)
    %mul3A_130 = arith.constant 640 : i32
    %mul3A_131 = arith.muli %arg1, %mul3A_130 : i32
    %add3A_132 = arith.constant 20480 : i32
    %add3A_133 = arith.addi %add3A_132, %mul3A_131 : i32
    %mul3A_134 = arith.constant 640 : i32
    %mul3A_135 = arith.muli %arg1, %mul3A_134 : i32
    "tpu.region"() ({
      %run_scoped3A = tpu.sem_alloc : memref<!tpu.dma_semaphore, #tpu.memory_space<semaphore_mem>>
      %dma_start3A_262 = arith.constant 0 : i32
      %dma_start3A_263 = tpu.memref_slice %arg10[%mul3A_135, %dma_start3A_262] : memref<10240x128xf32, #tpu.memory_space<vmem_shared>> -> memref<640x128xf32, #tpu.memory_space<vmem_shared>>
      %dma_start3A_264 = arith.constant 0 : i32
      %dma_start3A_265 = tpu.memref_slice %arg2[%add3A_133, %dma_start3A_264] : memref<40960x128xf32, #tpu.memory_space<hbm>> -> memref<640x128xf32, #tpu.memory_space<hbm>>
      tpu.enqueue_dma source(%dma_start3A_265 : memref<640x128xf32, #tpu.memory_space<hbm>>) target(%dma_start3A_263 : memref<640x128xf32, #tpu.memory_space<vmem_shared>>) target_semaphore(%run_scoped3A : memref<!tpu.dma_semaphore, #tpu.memory_space<semaphore_mem>>)
      %dma_wait3A = arith.constant 0 : i32
      %dma_wait3A_266 = tpu.memref_slice %arg10[%mul3A_135, %dma_wait3A] : memref<10240x128xf32, #tpu.memory_space<vmem_shared>> -> memref<640x128xf32, #tpu.memory_space<vmem_shared>>
      %dma_wait3A_267 = arith.constant 0 : i32
      %dma_wait3A_268 = tpu.memref_slice %arg2[%add3A_133, %dma_wait3A_267] : memref<40960x128xf32, #tpu.memory_space<hbm>> -> memref<640x128xf32, #tpu.memory_space<hbm>>
      tpu.wait_dma2 semaphore(%run_scoped3A : memref<!tpu.dma_semaphore, #tpu.memory_space<semaphore_mem>>) src(%dma_wait3A_268 : memref<640x128xf32, #tpu.memory_space<hbm>>) dst(%dma_wait3A_266 : memref<640x128xf32, #tpu.memory_space<vmem_shared>>)
      tpu.yield
    }) : () -> ()
    %add3A_136 = arith.constant 64 : i32
    %add3A_137 = arith.addi %add3A_136, %add3A : i32
    %mul3A_138 = arith.constant 80 : i32
    %mul3A_139 = arith.muli %add3A_137, %mul3A_138 : i32
    "tpu.region"() ({
      %run_scoped3A = tpu.sem_alloc : memref<!tpu.dma_semaphore, #tpu.memory_space<semaphore_mem>>
      %dma_start3A_262 = arith.constant 0 : i32
      %dma_start3A_263 = tpu.memref_slice %arg3[%mul3A_139, %dma_start3A_262] : memref<10240x128xi32, #tpu.memory_space<hbm>> -> memref<40x128xi32, #tpu.memory_space<hbm>>
      %dma_start3A_264 = arith.constant 0 : i32
      %dma_start3A_265 = tpu.memref_slice %arg3[%mul3A_139, %dma_start3A_264] : memref<10240x128xi32, #tpu.memory_space<hbm>> -> memref<40x128xi32, #tpu.memory_space<hbm>>
      tpu.enqueue_dma source(%dma_start3A_265 : memref<40x128xi32, #tpu.memory_space<hbm>>) target(%arg6 : memref<40x128xi32, #tpu.memory_space<vmem>>) target_semaphore(%run_scoped3A : memref<!tpu.dma_semaphore, #tpu.memory_space<semaphore_mem>>)
      %dma_wait3A = arith.constant 0 : i32
      %dma_wait3A_266 = tpu.memref_slice %arg3[%mul3A_139, %dma_wait3A] : memref<10240x128xi32, #tpu.memory_space<hbm>> -> memref<40x128xi32, #tpu.memory_space<hbm>>
      %dma_wait3A_267 = arith.constant 0 : i32
      %dma_wait3A_268 = tpu.memref_slice %arg3[%mul3A_139, %dma_wait3A_267] : memref<10240x128xi32, #tpu.memory_space<hbm>> -> memref<40x128xi32, #tpu.memory_space<hbm>>
      tpu.wait_dma2 semaphore(%run_scoped3A : memref<!tpu.dma_semaphore, #tpu.memory_space<semaphore_mem>>) src(%dma_wait3A_268 : memref<40x128xi32, #tpu.memory_space<hbm>>) dst(%arg6 : memref<40x128xi32, #tpu.memory_space<vmem>>)
      tpu.yield
    }) : () -> ()
    %add3A_140 = arith.constant 64 : i32
    %add3A_141 = arith.addi %add3A_140, %add3A : i32
    %mul3A_142 = arith.constant 80 : i32
    %mul3A_143 = arith.muli %add3A_141, %mul3A_142 : i32
    "tpu.region"() ({
      %run_scoped3A = tpu.sem_alloc : memref<!tpu.dma_semaphore, #tpu.memory_space<semaphore_mem>>
      %dma_start3A_262 = arith.constant 0 : i32
      %dma_start3A_263 = tpu.memref_slice %arg4[%mul3A_143, %dma_start3A_262] : memref<10240x128xi32, #tpu.memory_space<hbm>> -> memref<40x128xi32, #tpu.memory_space<hbm>>
      %dma_start3A_264 = arith.constant 0 : i32
      %dma_start3A_265 = tpu.memref_slice %arg4[%mul3A_143, %dma_start3A_264] : memref<10240x128xi32, #tpu.memory_space<hbm>> -> memref<40x128xi32, #tpu.memory_space<hbm>>
      tpu.enqueue_dma source(%dma_start3A_265 : memref<40x128xi32, #tpu.memory_space<hbm>>) target(%arg7 : memref<40x128xi32, #tpu.memory_space<vmem>>) target_semaphore(%run_scoped3A : memref<!tpu.dma_semaphore, #tpu.memory_space<semaphore_mem>>)
      %dma_wait3A = arith.constant 0 : i32
      %dma_wait3A_266 = tpu.memref_slice %arg4[%mul3A_143, %dma_wait3A] : memref<10240x128xi32, #tpu.memory_space<hbm>> -> memref<40x128xi32, #tpu.memory_space<hbm>>
      %dma_wait3A_267 = arith.constant 0 : i32
      %dma_wait3A_268 = tpu.memref_slice %arg4[%mul3A_143, %dma_wait3A_267] : memref<10240x128xi32, #tpu.memory_space<hbm>> -> memref<40x128xi32, #tpu.memory_space<hbm>>
      tpu.wait_dma2 semaphore(%run_scoped3A : memref<!tpu.dma_semaphore, #tpu.memory_space<semaphore_mem>>) src(%dma_wait3A_268 : memref<40x128xi32, #tpu.memory_space<hbm>>) dst(%arg7 : memref<40x128xi32, #tpu.memory_space<vmem>>)
      tpu.yield
    }) : () -> ()
    %barrier3A_144 = arith.constant 0 : index
    tpu.barrier barrier_id(%barrier3A_144)
    %dma_start3A_145 = arith.constant 0 : i32
    %dma_start3A_146 = arith.constant 0 : i32
    %dma_start3A_147 = tpu.memref_slice %arg6[%dma_start3A_145, %dma_start3A_146] : memref<40x128xi32, #tpu.memory_space<vmem>> -> memref<1x128xi32, #tpu.memory_space<vmem>>
    %dma_start3A_148 = tpu.memref_squeeze %dma_start3A_147 : memref<1x128xi32, #tpu.memory_space<vmem>> -> memref<128xi32, #tpu.memory_space<vmem>>
    %dma_start3A_149 = arith.constant 0 : i32
    %dma_start3A_150 = arith.constant 0 : i32
    %dma_start3A_151 = tpu.memref_slice %arg2[%dma_start3A_149, %dma_start3A_150] : memref<40960x128xf32, #tpu.memory_space<hbm>> -> memref<40960x128xf32, #tpu.memory_space<hbm>>
    tpu.enqueue_indirect_dma source(%dma_start3A_151 : memref<40960x128xf32, #tpu.memory_space<hbm>>) target(%arg8 : memref<128x128xf32, #tpu.memory_space<vmem>>) offsets(%dma_start3A_148 : memref<128xi32, #tpu.memory_space<vmem>>) semaphore(%arg11 : memref<!tpu.dma_semaphore, #tpu.memory_space<semaphore_mem>>)
    %scan3A_152 = arith.constant 0 : i32
    %scan3A_153 = arith.constant 0 : i32
    %scan3A_154 = arith.constant 20 : i32
    %scan3A_155 = arith.addi %scan3A_153, %scan3A_154 : i32
    %scan3A_156 = arith.constant 1 : i32
    %scan3A_157 = scf.for %scan3A_262 = %scan3A_153 to %scan3A_155 step %scan3A_156 iter_args(%scan3A_263 = %scan3A_152) -> (i32)  : i32 {
      %mul3A_264 = arith.constant 2 : i32
      %mul3A_265 = arith.muli %mul3A_264, %scan3A_262 : i32
      %add3A_266 = arith.constant 1 : i32
      %add3A_267 = arith.addi %mul3A_265, %add3A_266 : i32
      %dma_start3A_268 = arith.constant 0 : i32
      %dma_start3A_269 = tpu.memref_slice %arg6[%add3A_267, %dma_start3A_268] : memref<40x128xi32, #tpu.memory_space<vmem>> -> memref<1x128xi32, #tpu.memory_space<vmem>>
      %dma_start3A_270 = tpu.memref_squeeze %dma_start3A_269 : memref<1x128xi32, #tpu.memory_space<vmem>> -> memref<128xi32, #tpu.memory_space<vmem>>
      %dma_start3A_271 = arith.constant 0 : i32
      %dma_start3A_272 = arith.constant 0 : i32
      %dma_start3A_273 = tpu.memref_slice %arg2[%dma_start3A_271, %dma_start3A_272] : memref<40960x128xf32, #tpu.memory_space<hbm>> -> memref<40960x128xf32, #tpu.memory_space<hbm>>
      tpu.enqueue_indirect_dma source(%dma_start3A_273 : memref<40960x128xf32, #tpu.memory_space<hbm>>) target(%arg9 : memref<128x128xf32, #tpu.memory_space<vmem>>) offsets(%dma_start3A_270 : memref<128xi32, #tpu.memory_space<vmem>>) semaphore(%arg12 : memref<!tpu.dma_semaphore, #tpu.memory_space<semaphore_mem>>)
      %dma_wait3A = arith.constant 0 : i32
      %dma_wait3A_274 = arith.constant 0 : i32
      %dma_wait3A_275 = tpu.memref_slice %arg2[%dma_wait3A, %dma_wait3A_274] : memref<40960x128xf32, #tpu.memory_space<hbm>> -> memref<128x128xf32, #tpu.memory_space<hbm>>
      %dma_wait3A_276 = arith.constant 0 : i32
      %dma_wait3A_277 = arith.constant 0 : i32
      %dma_wait3A_278 = tpu.memref_slice %arg2[%dma_wait3A_276, %dma_wait3A_277] : memref<40960x128xf32, #tpu.memory_space<hbm>> -> memref<128x128xf32, #tpu.memory_space<hbm>>
      tpu.wait_dma2 semaphore(%arg11 : memref<!tpu.dma_semaphore, #tpu.memory_space<semaphore_mem>>) src(%dma_wait3A_278 : memref<128x128xf32, #tpu.memory_space<hbm>>) dst(%arg8 : memref<128x128xf32, #tpu.memory_space<vmem>>)
      "tpu.region"() ({
        %run_scoped3A = tpu.sem_alloc : memref<!tpu.dma_semaphore, #tpu.memory_space<semaphore_mem>>
        %dma_start3A_292 = arith.constant 0 : i32
        %dma_start3A_293 = tpu.memref_slice %arg7[%mul3A_265, %dma_start3A_292] : memref<40x128xi32, #tpu.memory_space<vmem>> -> memref<1x128xi32, #tpu.memory_space<vmem>>
        %dma_start3A_294 = tpu.memref_squeeze %dma_start3A_293 : memref<1x128xi32, #tpu.memory_space<vmem>> -> memref<128xi32, #tpu.memory_space<vmem>>
        %dma_start3A_295 = arith.constant 0 : i32
        %dma_start3A_296 = arith.constant 0 : i32
        %dma_start3A_297 = tpu.memref_slice %arg10[%dma_start3A_295, %dma_start3A_296] : memref<10240x128xf32, #tpu.memory_space<vmem_shared>> -> memref<10240x128xf32, #tpu.memory_space<vmem_shared>>
        tpu.enqueue_indirect_dma source(%arg8 : memref<128x128xf32, #tpu.memory_space<vmem>>) target(%dma_start3A_297 : memref<10240x128xf32, #tpu.memory_space<vmem_shared>>) offsets(%dma_start3A_294 : memref<128xi32, #tpu.memory_space<vmem>>) semaphore(%run_scoped3A : memref<!tpu.dma_semaphore, #tpu.memory_space<semaphore_mem>>) {add = true}
        %dma_wait3A_298 = arith.constant 0 : i32
        %dma_wait3A_299 = tpu.memref_slice %arg7[%mul3A_265, %dma_wait3A_298] : memref<40x128xi32, #tpu.memory_space<vmem>> -> memref<1x128xi32, #tpu.memory_space<vmem>>
        %dma_wait3A_300 = tpu.memref_squeeze %dma_wait3A_299 : memref<1x128xi32, #tpu.memory_space<vmem>> -> memref<128xi32, #tpu.memory_space<vmem>>
        %dma_wait3A_301 = arith.constant 0 : i32
        %dma_wait3A_302 = arith.constant 0 : i32
        %dma_wait3A_303 = tpu.memref_slice %arg10[%dma_wait3A_301, %dma_wait3A_302] : memref<10240x128xf32, #tpu.memory_space<vmem_shared>> -> memref<10240x128xf32, #tpu.memory_space<vmem_shared>>
        tpu.wait_indirect_dma semaphore(%run_scoped3A : memref<!tpu.dma_semaphore, #tpu.memory_space<semaphore_mem>>) src(%arg8 : memref<128x128xf32, #tpu.memory_space<vmem>>) dst(%dma_wait3A_303 : memref<10240x128xf32, #tpu.memory_space<vmem_shared>>)
        tpu.yield
      }) : () -> ()
      %add3A_279 = arith.constant 2 : i32
      %add3A_280 = arith.addi %mul3A_265, %add3A_279 : i32
      %lt3A = arith.constant 40 : i32
      %lt3A_281 = arith.cmpi slt, %add3A_280, %lt3A : i32
      %convert_element_type3A = arith.extui %lt3A_281 : i1 to i32
      %cond3A = arith.constant 0 : i32
      %cond3A_282 = arith.cmpi ne, %convert_element_type3A, %cond3A : i32
      scf.if %cond3A_282 {
        %add3A_292 = arith.constant 2 : i32
        %add3A_293 = arith.addi %mul3A_265, %add3A_292 : i32
        %dma_start3A_294 = arith.constant 0 : i32
        %dma_start3A_295 = tpu.memref_slice %arg6[%add3A_293, %dma_start3A_294] : memref<40x128xi32, #tpu.memory_space<vmem>> -> memref<1x128xi32, #tpu.memory_space<vmem>>
        %dma_start3A_296 = tpu.memref_squeeze %dma_start3A_295 : memref<1x128xi32, #tpu.memory_space<vmem>> -> memref<128xi32, #tpu.memory_space<vmem>>
        %dma_start3A_297 = arith.constant 0 : i32
        %dma_start3A_298 = arith.constant 0 : i32
        %dma_start3A_299 = tpu.memref_slice %arg2[%dma_start3A_297, %dma_start3A_298] : memref<40960x128xf32, #tpu.memory_space<hbm>> -> memref<40960x128xf32, #tpu.memory_space<hbm>>
        tpu.enqueue_indirect_dma source(%dma_start3A_299 : memref<40960x128xf32, #tpu.memory_space<hbm>>) target(%arg8 : memref<128x128xf32, #tpu.memory_space<vmem>>) offsets(%dma_start3A_296 : memref<128xi32, #tpu.memory_space<vmem>>) semaphore(%arg11 : memref<!tpu.dma_semaphore, #tpu.memory_space<semaphore_mem>>)
      } else {
      }
      %dma_wait3A_283 = arith.constant 0 : i32
      %dma_wait3A_284 = arith.constant 0 : i32
      %dma_wait3A_285 = tpu.memref_slice %arg2[%dma_wait3A_283, %dma_wait3A_284] : memref<40960x128xf32, #tpu.memory_space<hbm>> -> memref<128x128xf32, #tpu.memory_space<hbm>>
      %dma_wait3A_286 = arith.constant 0 : i32
      %dma_wait3A_287 = arith.constant 0 : i32
      %dma_wait3A_288 = tpu.memref_slice %arg2[%dma_wait3A_286, %dma_wait3A_287] : memref<40960x128xf32, #tpu.memory_space<hbm>> -> memref<128x128xf32, #tpu.memory_space<hbm>>
      tpu.wait_dma2 semaphore(%arg12 : memref<!tpu.dma_semaphore, #tpu.memory_space<semaphore_mem>>) src(%dma_wait3A_288 : memref<128x128xf32, #tpu.memory_space<hbm>>) dst(%arg9 : memref<128x128xf32, #tpu.memory_space<vmem>>)
      %add3A_289 = arith.constant 1 : i32
      %add3A_290 = arith.addi %mul3A_265, %add3A_289 : i32
      "tpu.region"() ({
        %run_scoped3A = tpu.sem_alloc : memref<!tpu.dma_semaphore, #tpu.memory_space<semaphore_mem>>
        %dma_start3A_292 = arith.constant 0 : i32
        %dma_start3A_293 = tpu.memref_slice %arg7[%add3A_290, %dma_start3A_292] : memref<40x128xi32, #tpu.memory_space<vmem>> -> memref<1x128xi32, #tpu.memory_space<vmem>>
        %dma_start3A_294 = tpu.memref_squeeze %dma_start3A_293 : memref<1x128xi32, #tpu.memory_space<vmem>> -> memref<128xi32, #tpu.memory_space<vmem>>
        %dma_start3A_295 = arith.constant 0 : i32
        %dma_start3A_296 = arith.constant 0 : i32
        %dma_start3A_297 = tpu.memref_slice %arg10[%dma_start3A_295, %dma_start3A_296] : memref<10240x128xf32, #tpu.memory_space<vmem_shared>> -> memref<10240x128xf32, #tpu.memory_space<vmem_shared>>
        tpu.enqueue_indirect_dma source(%arg9 : memref<128x128xf32, #tpu.memory_space<vmem>>) target(%dma_start3A_297 : memref<10240x128xf32, #tpu.memory_space<vmem_shared>>) offsets(%dma_start3A_294 : memref<128xi32, #tpu.memory_space<vmem>>) semaphore(%run_scoped3A : memref<!tpu.dma_semaphore, #tpu.memory_space<semaphore_mem>>) {add = true}
        %dma_wait3A_298 = arith.constant 0 : i32
        %dma_wait3A_299 = tpu.memref_slice %arg7[%add3A_290, %dma_wait3A_298] : memref<40x128xi32, #tpu.memory_space<vmem>> -> memref<1x128xi32, #tpu.memory_space<vmem>>
        %dma_wait3A_300 = tpu.memref_squeeze %dma_wait3A_299 : memref<1x128xi32, #tpu.memory_space<vmem>> -> memref<128xi32, #tpu.memory_space<vmem>>
        %dma_wait3A_301 = arith.constant 0 : i32
        %dma_wait3A_302 = arith.constant 0 : i32
        %dma_wait3A_303 = tpu.memref_slice %arg10[%dma_wait3A_301, %dma_wait3A_302] : memref<10240x128xf32, #tpu.memory_space<vmem_shared>> -> memref<10240x128xf32, #tpu.memory_space<vmem_shared>>
        tpu.wait_indirect_dma semaphore(%run_scoped3A : memref<!tpu.dma_semaphore, #tpu.memory_space<semaphore_mem>>) src(%arg9 : memref<128x128xf32, #tpu.memory_space<vmem>>) dst(%dma_wait3A_303 : memref<10240x128xf32, #tpu.memory_space<vmem_shared>>)
        tpu.yield
      }) : () -> ()
      %scan3A_291 = arith.constant 0 : i32
      scf.yield %scan3A_291 : i32
    }
    %scan3A_158 = arith.constant 20 : i32
    %add3A_159 = arith.constant 64 : i32
    %add3A_160 = arith.addi %add3A_159, %add3A : i32
    %mul3A_161 = arith.constant 80 : i32
    %mul3A_162 = arith.muli %add3A_160, %mul3A_161 : i32
    %add3A_163 = arith.constant 40 : i32
    %add3A_164 = arith.addi %mul3A_162, %add3A_163 : i32
    "tpu.region"() ({
      %run_scoped3A = tpu.sem_alloc : memref<!tpu.dma_semaphore, #tpu.memory_space<semaphore_mem>>
      %dma_start3A_262 = arith.constant 0 : i32
      %dma_start3A_263 = tpu.memref_slice %arg3[%add3A_164, %dma_start3A_262] : memref<10240x128xi32, #tpu.memory_space<hbm>> -> memref<40x128xi32, #tpu.memory_space<hbm>>
      %dma_start3A_264 = arith.constant 0 : i32
      %dma_start3A_265 = tpu.memref_slice %arg3[%add3A_164, %dma_start3A_264] : memref<10240x128xi32, #tpu.memory_space<hbm>> -> memref<40x128xi32, #tpu.memory_space<hbm>>
      tpu.enqueue_dma source(%dma_start3A_265 : memref<40x128xi32, #tpu.memory_space<hbm>>) target(%arg6 : memref<40x128xi32, #tpu.memory_space<vmem>>) target_semaphore(%run_scoped3A : memref<!tpu.dma_semaphore, #tpu.memory_space<semaphore_mem>>)
      %dma_wait3A = arith.constant 0 : i32
      %dma_wait3A_266 = tpu.memref_slice %arg3[%add3A_164, %dma_wait3A] : memref<10240x128xi32, #tpu.memory_space<hbm>> -> memref<40x128xi32, #tpu.memory_space<hbm>>
      %dma_wait3A_267 = arith.constant 0 : i32
      %dma_wait3A_268 = tpu.memref_slice %arg3[%add3A_164, %dma_wait3A_267] : memref<10240x128xi32, #tpu.memory_space<hbm>> -> memref<40x128xi32, #tpu.memory_space<hbm>>
      tpu.wait_dma2 semaphore(%run_scoped3A : memref<!tpu.dma_semaphore, #tpu.memory_space<semaphore_mem>>) src(%dma_wait3A_268 : memref<40x128xi32, #tpu.memory_space<hbm>>) dst(%arg6 : memref<40x128xi32, #tpu.memory_space<vmem>>)
      tpu.yield
    }) : () -> ()
    %add3A_165 = arith.constant 64 : i32
    %add3A_166 = arith.addi %add3A_165, %add3A : i32
    %mul3A_167 = arith.constant 80 : i32
    %mul3A_168 = arith.muli %add3A_166, %mul3A_167 : i32
    %add3A_169 = arith.constant 40 : i32
    %add3A_170 = arith.addi %mul3A_168, %add3A_169 : i32
    "tpu.region"() ({
      %run_scoped3A = tpu.sem_alloc : memref<!tpu.dma_semaphore, #tpu.memory_space<semaphore_mem>>
      %dma_start3A_262 = arith.constant 0 : i32
      %dma_start3A_263 = tpu.memref_slice %arg4[%add3A_170, %dma_start3A_262] : memref<10240x128xi32, #tpu.memory_space<hbm>> -> memref<40x128xi32, #tpu.memory_space<hbm>>
      %dma_start3A_264 = arith.constant 0 : i32
      %dma_start3A_265 = tpu.memref_slice %arg4[%add3A_170, %dma_start3A_264] : memref<10240x128xi32, #tpu.memory_space<hbm>> -> memref<40x128xi32, #tpu.memory_space<hbm>>
      tpu.enqueue_dma source(%dma_start3A_265 : memref<40x128xi32, #tpu.memory_space<hbm>>) target(%arg7 : memref<40x128xi32, #tpu.memory_space<vmem>>) target_semaphore(%run_scoped3A : memref<!tpu.dma_semaphore, #tpu.memory_space<semaphore_mem>>)
      %dma_wait3A = arith.constant 0 : i32
      %dma_wait3A_266 = tpu.memref_slice %arg4[%add3A_170, %dma_wait3A] : memref<10240x128xi32, #tpu.memory_space<hbm>> -> memref<40x128xi32, #tpu.memory_space<hbm>>
      %dma_wait3A_267 = arith.constant 0 : i32
      %dma_wait3A_268 = tpu.memref_slice %arg4[%add3A_170, %dma_wait3A_267] : memref<10240x128xi32, #tpu.memory_space<hbm>> -> memref<40x128xi32, #tpu.memory_space<hbm>>
      tpu.wait_dma2 semaphore(%run_scoped3A : memref<!tpu.dma_semaphore, #tpu.memory_space<semaphore_mem>>) src(%dma_wait3A_268 : memref<40x128xi32, #tpu.memory_space<hbm>>) dst(%arg7 : memref<40x128xi32, #tpu.memory_space<vmem>>)
      tpu.yield
    }) : () -> ()
    %dma_start3A_171 = arith.constant 0 : i32
    %dma_start3A_172 = arith.constant 0 : i32
    %dma_start3A_173 = tpu.memref_slice %arg6[%dma_start3A_171, %dma_start3A_172] : memref<40x128xi32, #tpu.memory_space<vmem>> -> memref<1x128xi32, #tpu.memory_space<vmem>>
    %dma_start3A_174 = tpu.memref_squeeze %dma_start3A_173 : memref<1x128xi32, #tpu.memory_space<vmem>> -> memref<128xi32, #tpu.memory_space<vmem>>
    %dma_start3A_175 = arith.constant 0 : i32
    %dma_start3A_176 = arith.constant 0 : i32
    %dma_start3A_177 = tpu.memref_slice %arg2[%dma_start3A_175, %dma_start3A_176] : memref<40960x128xf32, #tpu.memory_space<hbm>> -> memref<40960x128xf32, #tpu.memory_space<hbm>>
    tpu.enqueue_indirect_dma source(%dma_start3A_177 : memref<40960x128xf32, #tpu.memory_space<hbm>>) target(%arg8 : memref<128x128xf32, #tpu.memory_space<vmem>>) offsets(%dma_start3A_174 : memref<128xi32, #tpu.memory_space<vmem>>) semaphore(%arg11 : memref<!tpu.dma_semaphore, #tpu.memory_space<semaphore_mem>>)
    %scan3A_178 = arith.constant 0 : i32
    %scan3A_179 = arith.constant 0 : i32
    %scan3A_180 = arith.constant 20 : i32
    %scan3A_181 = arith.addi %scan3A_179, %scan3A_180 : i32
    %scan3A_182 = arith.constant 1 : i32
    %scan3A_183 = scf.for %scan3A_262 = %scan3A_179 to %scan3A_181 step %scan3A_182 iter_args(%scan3A_263 = %scan3A_178) -> (i32)  : i32 {
      %mul3A_264 = arith.constant 2 : i32
      %mul3A_265 = arith.muli %mul3A_264, %scan3A_262 : i32
      %add3A_266 = arith.constant 1 : i32
      %add3A_267 = arith.addi %mul3A_265, %add3A_266 : i32
      %dma_start3A_268 = arith.constant 0 : i32
      %dma_start3A_269 = tpu.memref_slice %arg6[%add3A_267, %dma_start3A_268] : memref<40x128xi32, #tpu.memory_space<vmem>> -> memref<1x128xi32, #tpu.memory_space<vmem>>
      %dma_start3A_270 = tpu.memref_squeeze %dma_start3A_269 : memref<1x128xi32, #tpu.memory_space<vmem>> -> memref<128xi32, #tpu.memory_space<vmem>>
      %dma_start3A_271 = arith.constant 0 : i32
      %dma_start3A_272 = arith.constant 0 : i32
      %dma_start3A_273 = tpu.memref_slice %arg2[%dma_start3A_271, %dma_start3A_272] : memref<40960x128xf32, #tpu.memory_space<hbm>> -> memref<40960x128xf32, #tpu.memory_space<hbm>>
      tpu.enqueue_indirect_dma source(%dma_start3A_273 : memref<40960x128xf32, #tpu.memory_space<hbm>>) target(%arg9 : memref<128x128xf32, #tpu.memory_space<vmem>>) offsets(%dma_start3A_270 : memref<128xi32, #tpu.memory_space<vmem>>) semaphore(%arg12 : memref<!tpu.dma_semaphore, #tpu.memory_space<semaphore_mem>>)
      %dma_wait3A = arith.constant 0 : i32
      %dma_wait3A_274 = arith.constant 0 : i32
      %dma_wait3A_275 = tpu.memref_slice %arg2[%dma_wait3A, %dma_wait3A_274] : memref<40960x128xf32, #tpu.memory_space<hbm>> -> memref<128x128xf32, #tpu.memory_space<hbm>>
      %dma_wait3A_276 = arith.constant 0 : i32
      %dma_wait3A_277 = arith.constant 0 : i32
      %dma_wait3A_278 = tpu.memref_slice %arg2[%dma_wait3A_276, %dma_wait3A_277] : memref<40960x128xf32, #tpu.memory_space<hbm>> -> memref<128x128xf32, #tpu.memory_space<hbm>>
      tpu.wait_dma2 semaphore(%arg11 : memref<!tpu.dma_semaphore, #tpu.memory_space<semaphore_mem>>) src(%dma_wait3A_278 : memref<128x128xf32, #tpu.memory_space<hbm>>) dst(%arg8 : memref<128x128xf32, #tpu.memory_space<vmem>>)
      "tpu.region"() ({
        %run_scoped3A = tpu.sem_alloc : memref<!tpu.dma_semaphore, #tpu.memory_space<semaphore_mem>>
        %dma_start3A_292 = arith.constant 0 : i32
        %dma_start3A_293 = tpu.memref_slice %arg7[%mul3A_265, %dma_start3A_292] : memref<40x128xi32, #tpu.memory_space<vmem>> -> memref<1x128xi32, #tpu.memory_space<vmem>>
        %dma_start3A_294 = tpu.memref_squeeze %dma_start3A_293 : memref<1x128xi32, #tpu.memory_space<vmem>> -> memref<128xi32, #tpu.memory_space<vmem>>
        %dma_start3A_295 = arith.constant 0 : i32
        %dma_start3A_296 = arith.constant 0 : i32
        %dma_start3A_297 = tpu.memref_slice %arg10[%dma_start3A_295, %dma_start3A_296] : memref<10240x128xf32, #tpu.memory_space<vmem_shared>> -> memref<10240x128xf32, #tpu.memory_space<vmem_shared>>
        tpu.enqueue_indirect_dma source(%arg8 : memref<128x128xf32, #tpu.memory_space<vmem>>) target(%dma_start3A_297 : memref<10240x128xf32, #tpu.memory_space<vmem_shared>>) offsets(%dma_start3A_294 : memref<128xi32, #tpu.memory_space<vmem>>) semaphore(%run_scoped3A : memref<!tpu.dma_semaphore, #tpu.memory_space<semaphore_mem>>) {add = true}
        %dma_wait3A_298 = arith.constant 0 : i32
        %dma_wait3A_299 = tpu.memref_slice %arg7[%mul3A_265, %dma_wait3A_298] : memref<40x128xi32, #tpu.memory_space<vmem>> -> memref<1x128xi32, #tpu.memory_space<vmem>>
        %dma_wait3A_300 = tpu.memref_squeeze %dma_wait3A_299 : memref<1x128xi32, #tpu.memory_space<vmem>> -> memref<128xi32, #tpu.memory_space<vmem>>
        %dma_wait3A_301 = arith.constant 0 : i32
        %dma_wait3A_302 = arith.constant 0 : i32
        %dma_wait3A_303 = tpu.memref_slice %arg10[%dma_wait3A_301, %dma_wait3A_302] : memref<10240x128xf32, #tpu.memory_space<vmem_shared>> -> memref<10240x128xf32, #tpu.memory_space<vmem_shared>>
        tpu.wait_indirect_dma semaphore(%run_scoped3A : memref<!tpu.dma_semaphore, #tpu.memory_space<semaphore_mem>>) src(%arg8 : memref<128x128xf32, #tpu.memory_space<vmem>>) dst(%dma_wait3A_303 : memref<10240x128xf32, #tpu.memory_space<vmem_shared>>)
        tpu.yield
      }) : () -> ()
      %add3A_279 = arith.constant 2 : i32
      %add3A_280 = arith.addi %mul3A_265, %add3A_279 : i32
      %lt3A = arith.constant 40 : i32
      %lt3A_281 = arith.cmpi slt, %add3A_280, %lt3A : i32
      %convert_element_type3A = arith.extui %lt3A_281 : i1 to i32
      %cond3A = arith.constant 0 : i32
      %cond3A_282 = arith.cmpi ne, %convert_element_type3A, %cond3A : i32
      scf.if %cond3A_282 {
        %add3A_292 = arith.constant 2 : i32
        %add3A_293 = arith.addi %mul3A_265, %add3A_292 : i32
        %dma_start3A_294 = arith.constant 0 : i32
        %dma_start3A_295 = tpu.memref_slice %arg6[%add3A_293, %dma_start3A_294] : memref<40x128xi32, #tpu.memory_space<vmem>> -> memref<1x128xi32, #tpu.memory_space<vmem>>
        %dma_start3A_296 = tpu.memref_squeeze %dma_start3A_295 : memref<1x128xi32, #tpu.memory_space<vmem>> -> memref<128xi32, #tpu.memory_space<vmem>>
        %dma_start3A_297 = arith.constant 0 : i32
        %dma_start3A_298 = arith.constant 0 : i32
        %dma_start3A_299 = tpu.memref_slice %arg2[%dma_start3A_297, %dma_start3A_298] : memref<40960x128xf32, #tpu.memory_space<hbm>> -> memref<40960x128xf32, #tpu.memory_space<hbm>>
        tpu.enqueue_indirect_dma source(%dma_start3A_299 : memref<40960x128xf32, #tpu.memory_space<hbm>>) target(%arg8 : memref<128x128xf32, #tpu.memory_space<vmem>>) offsets(%dma_start3A_296 : memref<128xi32, #tpu.memory_space<vmem>>) semaphore(%arg11 : memref<!tpu.dma_semaphore, #tpu.memory_space<semaphore_mem>>)
      } else {
      }
      %dma_wait3A_283 = arith.constant 0 : i32
      %dma_wait3A_284 = arith.constant 0 : i32
      %dma_wait3A_285 = tpu.memref_slice %arg2[%dma_wait3A_283, %dma_wait3A_284] : memref<40960x128xf32, #tpu.memory_space<hbm>> -> memref<128x128xf32, #tpu.memory_space<hbm>>
      %dma_wait3A_286 = arith.constant 0 : i32
      %dma_wait3A_287 = arith.constant 0 : i32
      %dma_wait3A_288 = tpu.memref_slice %arg2[%dma_wait3A_286, %dma_wait3A_287] : memref<40960x128xf32, #tpu.memory_space<hbm>> -> memref<128x128xf32, #tpu.memory_space<hbm>>
      tpu.wait_dma2 semaphore(%arg12 : memref<!tpu.dma_semaphore, #tpu.memory_space<semaphore_mem>>) src(%dma_wait3A_288 : memref<128x128xf32, #tpu.memory_space<hbm>>) dst(%arg9 : memref<128x128xf32, #tpu.memory_space<vmem>>)
      %add3A_289 = arith.constant 1 : i32
      %add3A_290 = arith.addi %mul3A_265, %add3A_289 : i32
      "tpu.region"() ({
        %run_scoped3A = tpu.sem_alloc : memref<!tpu.dma_semaphore, #tpu.memory_space<semaphore_mem>>
        %dma_start3A_292 = arith.constant 0 : i32
        %dma_start3A_293 = tpu.memref_slice %arg7[%add3A_290, %dma_start3A_292] : memref<40x128xi32, #tpu.memory_space<vmem>> -> memref<1x128xi32, #tpu.memory_space<vmem>>
        %dma_start3A_294 = tpu.memref_squeeze %dma_start3A_293 : memref<1x128xi32, #tpu.memory_space<vmem>> -> memref<128xi32, #tpu.memory_space<vmem>>
        %dma_start3A_295 = arith.constant 0 : i32
        %dma_start3A_296 = arith.constant 0 : i32
        %dma_start3A_297 = tpu.memref_slice %arg10[%dma_start3A_295, %dma_start3A_296] : memref<10240x128xf32, #tpu.memory_space<vmem_shared>> -> memref<10240x128xf32, #tpu.memory_space<vmem_shared>>
        tpu.enqueue_indirect_dma source(%arg9 : memref<128x128xf32, #tpu.memory_space<vmem>>) target(%dma_start3A_297 : memref<10240x128xf32, #tpu.memory_space<vmem_shared>>) offsets(%dma_start3A_294 : memref<128xi32, #tpu.memory_space<vmem>>) semaphore(%run_scoped3A : memref<!tpu.dma_semaphore, #tpu.memory_space<semaphore_mem>>) {add = true}
        %dma_wait3A_298 = arith.constant 0 : i32
        %dma_wait3A_299 = tpu.memref_slice %arg7[%add3A_290, %dma_wait3A_298] : memref<40x128xi32, #tpu.memory_space<vmem>> -> memref<1x128xi32, #tpu.memory_space<vmem>>
        %dma_wait3A_300 = tpu.memref_squeeze %dma_wait3A_299 : memref<1x128xi32, #tpu.memory_space<vmem>> -> memref<128xi32, #tpu.memory_space<vmem>>
        %dma_wait3A_301 = arith.constant 0 : i32
        %dma_wait3A_302 = arith.constant 0 : i32
        %dma_wait3A_303 = tpu.memref_slice %arg10[%dma_wait3A_301, %dma_wait3A_302] : memref<10240x128xf32, #tpu.memory_space<vmem_shared>> -> memref<10240x128xf32, #tpu.memory_space<vmem_shared>>
        tpu.wait_indirect_dma semaphore(%run_scoped3A : memref<!tpu.dma_semaphore, #tpu.memory_space<semaphore_mem>>) src(%arg9 : memref<128x128xf32, #tpu.memory_space<vmem>>) dst(%dma_wait3A_303 : memref<10240x128xf32, #tpu.memory_space<vmem_shared>>)
        tpu.yield
      }) : () -> ()
      %scan3A_291 = arith.constant 0 : i32
      scf.yield %scan3A_291 : i32
    }
    %scan3A_184 = arith.constant 20 : i32
    %barrier3A_185 = arith.constant 0 : index
    tpu.barrier barrier_id(%barrier3A_185)
    %mul3A_186 = arith.constant 640 : i32
    %mul3A_187 = arith.muli %arg1, %mul3A_186 : i32
    %add3A_188 = arith.constant 4 : i32
    %add3A_189 = arith.addi %add3A_188, %arg0 : i32
    %mul3A_190 = arith.constant 10240 : i32
    %mul3A_191 = arith.muli %add3A_189, %mul3A_190 : i32
    %mul3A_192 = arith.constant 640 : i32
    %mul3A_193 = arith.muli %arg1, %mul3A_192 : i32
    %add3A_194 = arith.addi %mul3A_191, %mul3A_193 : i32
    "tpu.region"() ({
      %run_scoped3A = tpu.sem_alloc : memref<!tpu.dma_semaphore, #tpu.memory_space<semaphore_mem>>
      %dma_start3A_262 = arith.constant 0 : i32
      %dma_start3A_263 = tpu.memref_slice %arg5[%add3A_194, %dma_start3A_262] : memref<81920x128xf32, #tpu.memory_space<hbm>> -> memref<640x128xf32, #tpu.memory_space<hbm>>
      %dma_start3A_264 = arith.constant 0 : i32
      %dma_start3A_265 = tpu.memref_slice %arg10[%mul3A_187, %dma_start3A_264] : memref<10240x128xf32, #tpu.memory_space<vmem_shared>> -> memref<640x128xf32, #tpu.memory_space<vmem_shared>>
      tpu.enqueue_dma source(%dma_start3A_265 : memref<640x128xf32, #tpu.memory_space<vmem_shared>>) target(%dma_start3A_263 : memref<640x128xf32, #tpu.memory_space<hbm>>) target_semaphore(%run_scoped3A : memref<!tpu.dma_semaphore, #tpu.memory_space<semaphore_mem>>)
      %dma_wait3A = arith.constant 0 : i32
      %dma_wait3A_266 = tpu.memref_slice %arg5[%add3A_194, %dma_wait3A] : memref<81920x128xf32, #tpu.memory_space<hbm>> -> memref<640x128xf32, #tpu.memory_space<hbm>>
      %dma_wait3A_267 = arith.constant 0 : i32
      %dma_wait3A_268 = tpu.memref_slice %arg10[%mul3A_187, %dma_wait3A_267] : memref<10240x128xf32, #tpu.memory_space<vmem_shared>> -> memref<640x128xf32, #tpu.memory_space<vmem_shared>>
      tpu.wait_dma2 semaphore(%run_scoped3A : memref<!tpu.dma_semaphore, #tpu.memory_space<semaphore_mem>>) src(%dma_wait3A_268 : memref<640x128xf32, #tpu.memory_space<vmem_shared>>) dst(%dma_wait3A_266 : memref<640x128xf32, #tpu.memory_space<hbm>>)
      tpu.yield
    }) : () -> ()
    %barrier3A_195 = arith.constant 0 : index
    tpu.barrier barrier_id(%barrier3A_195)
    %mul3A_196 = arith.constant 640 : i32
    %mul3A_197 = arith.muli %arg1, %mul3A_196 : i32
    %add3A_198 = arith.constant 30720 : i32
    %add3A_199 = arith.addi %add3A_198, %mul3A_197 : i32
    %mul3A_200 = arith.constant 640 : i32
    %mul3A_201 = arith.muli %arg1, %mul3A_200 : i32
    "tpu.region"() ({
      %run_scoped3A = tpu.sem_alloc : memref<!tpu.dma_semaphore, #tpu.memory_space<semaphore_mem>>
      %dma_start3A_262 = arith.constant 0 : i32
      %dma_start3A_263 = tpu.memref_slice %arg10[%mul3A_201, %dma_start3A_262] : memref<10240x128xf32, #tpu.memory_space<vmem_shared>> -> memref<640x128xf32, #tpu.memory_space<vmem_shared>>
      %dma_start3A_264 = arith.constant 0 : i32
      %dma_start3A_265 = tpu.memref_slice %arg2[%add3A_199, %dma_start3A_264] : memref<40960x128xf32, #tpu.memory_space<hbm>> -> memref<640x128xf32, #tpu.memory_space<hbm>>
      tpu.enqueue_dma source(%dma_start3A_265 : memref<640x128xf32, #tpu.memory_space<hbm>>) target(%dma_start3A_263 : memref<640x128xf32, #tpu.memory_space<vmem_shared>>) target_semaphore(%run_scoped3A : memref<!tpu.dma_semaphore, #tpu.memory_space<semaphore_mem>>)
      %dma_wait3A = arith.constant 0 : i32
      %dma_wait3A_266 = tpu.memref_slice %arg10[%mul3A_201, %dma_wait3A] : memref<10240x128xf32, #tpu.memory_space<vmem_shared>> -> memref<640x128xf32, #tpu.memory_space<vmem_shared>>
      %dma_wait3A_267 = arith.constant 0 : i32
      %dma_wait3A_268 = tpu.memref_slice %arg2[%add3A_199, %dma_wait3A_267] : memref<40960x128xf32, #tpu.memory_space<hbm>> -> memref<640x128xf32, #tpu.memory_space<hbm>>
      tpu.wait_dma2 semaphore(%run_scoped3A : memref<!tpu.dma_semaphore, #tpu.memory_space<semaphore_mem>>) src(%dma_wait3A_268 : memref<640x128xf32, #tpu.memory_space<hbm>>) dst(%dma_wait3A_266 : memref<640x128xf32, #tpu.memory_space<vmem_shared>>)
      tpu.yield
    }) : () -> ()
    %add3A_202 = arith.constant 96 : i32
    %add3A_203 = arith.addi %add3A_202, %add3A : i32
    %mul3A_204 = arith.constant 80 : i32
    %mul3A_205 = arith.muli %add3A_203, %mul3A_204 : i32
    "tpu.region"() ({
      %run_scoped3A = tpu.sem_alloc : memref<!tpu.dma_semaphore, #tpu.memory_space<semaphore_mem>>
      %dma_start3A_262 = arith.constant 0 : i32
      %dma_start3A_263 = tpu.memref_slice %arg3[%mul3A_205, %dma_start3A_262] : memref<10240x128xi32, #tpu.memory_space<hbm>> -> memref<40x128xi32, #tpu.memory_space<hbm>>
      %dma_start3A_264 = arith.constant 0 : i32
      %dma_start3A_265 = tpu.memref_slice %arg3[%mul3A_205, %dma_start3A_264] : memref<10240x128xi32, #tpu.memory_space<hbm>> -> memref<40x128xi32, #tpu.memory_space<hbm>>
      tpu.enqueue_dma source(%dma_start3A_265 : memref<40x128xi32, #tpu.memory_space<hbm>>) target(%arg6 : memref<40x128xi32, #tpu.memory_space<vmem>>) target_semaphore(%run_scoped3A : memref<!tpu.dma_semaphore, #tpu.memory_space<semaphore_mem>>)
      %dma_wait3A = arith.constant 0 : i32
      %dma_wait3A_266 = tpu.memref_slice %arg3[%mul3A_205, %dma_wait3A] : memref<10240x128xi32, #tpu.memory_space<hbm>> -> memref<40x128xi32, #tpu.memory_space<hbm>>
      %dma_wait3A_267 = arith.constant 0 : i32
      %dma_wait3A_268 = tpu.memref_slice %arg3[%mul3A_205, %dma_wait3A_267] : memref<10240x128xi32, #tpu.memory_space<hbm>> -> memref<40x128xi32, #tpu.memory_space<hbm>>
      tpu.wait_dma2 semaphore(%run_scoped3A : memref<!tpu.dma_semaphore, #tpu.memory_space<semaphore_mem>>) src(%dma_wait3A_268 : memref<40x128xi32, #tpu.memory_space<hbm>>) dst(%arg6 : memref<40x128xi32, #tpu.memory_space<vmem>>)
      tpu.yield
    }) : () -> ()
    %add3A_206 = arith.constant 96 : i32
    %add3A_207 = arith.addi %add3A_206, %add3A : i32
    %mul3A_208 = arith.constant 80 : i32
    %mul3A_209 = arith.muli %add3A_207, %mul3A_208 : i32
    "tpu.region"() ({
      %run_scoped3A = tpu.sem_alloc : memref<!tpu.dma_semaphore, #tpu.memory_space<semaphore_mem>>
      %dma_start3A_262 = arith.constant 0 : i32
      %dma_start3A_263 = tpu.memref_slice %arg4[%mul3A_209, %dma_start3A_262] : memref<10240x128xi32, #tpu.memory_space<hbm>> -> memref<40x128xi32, #tpu.memory_space<hbm>>
      %dma_start3A_264 = arith.constant 0 : i32
      %dma_start3A_265 = tpu.memref_slice %arg4[%mul3A_209, %dma_start3A_264] : memref<10240x128xi32, #tpu.memory_space<hbm>> -> memref<40x128xi32, #tpu.memory_space<hbm>>
      tpu.enqueue_dma source(%dma_start3A_265 : memref<40x128xi32, #tpu.memory_space<hbm>>) target(%arg7 : memref<40x128xi32, #tpu.memory_space<vmem>>) target_semaphore(%run_scoped3A : memref<!tpu.dma_semaphore, #tpu.memory_space<semaphore_mem>>)
      %dma_wait3A = arith.constant 0 : i32
      %dma_wait3A_266 = tpu.memref_slice %arg4[%mul3A_209, %dma_wait3A] : memref<10240x128xi32, #tpu.memory_space<hbm>> -> memref<40x128xi32, #tpu.memory_space<hbm>>
      %dma_wait3A_267 = arith.constant 0 : i32
      %dma_wait3A_268 = tpu.memref_slice %arg4[%mul3A_209, %dma_wait3A_267] : memref<10240x128xi32, #tpu.memory_space<hbm>> -> memref<40x128xi32, #tpu.memory_space<hbm>>
      tpu.wait_dma2 semaphore(%run_scoped3A : memref<!tpu.dma_semaphore, #tpu.memory_space<semaphore_mem>>) src(%dma_wait3A_268 : memref<40x128xi32, #tpu.memory_space<hbm>>) dst(%arg7 : memref<40x128xi32, #tpu.memory_space<vmem>>)
      tpu.yield
    }) : () -> ()
    %barrier3A_210 = arith.constant 0 : index
    tpu.barrier barrier_id(%barrier3A_210)
    %dma_start3A_211 = arith.constant 0 : i32
    %dma_start3A_212 = arith.constant 0 : i32
    %dma_start3A_213 = tpu.memref_slice %arg6[%dma_start3A_211, %dma_start3A_212] : memref<40x128xi32, #tpu.memory_space<vmem>> -> memref<1x128xi32, #tpu.memory_space<vmem>>
    %dma_start3A_214 = tpu.memref_squeeze %dma_start3A_213 : memref<1x128xi32, #tpu.memory_space<vmem>> -> memref<128xi32, #tpu.memory_space<vmem>>
    %dma_start3A_215 = arith.constant 0 : i32
    %dma_start3A_216 = arith.constant 0 : i32
    %dma_start3A_217 = tpu.memref_slice %arg2[%dma_start3A_215, %dma_start3A_216] : memref<40960x128xf32, #tpu.memory_space<hbm>> -> memref<40960x128xf32, #tpu.memory_space<hbm>>
    tpu.enqueue_indirect_dma source(%dma_start3A_217 : memref<40960x128xf32, #tpu.memory_space<hbm>>) target(%arg8 : memref<128x128xf32, #tpu.memory_space<vmem>>) offsets(%dma_start3A_214 : memref<128xi32, #tpu.memory_space<vmem>>) semaphore(%arg11 : memref<!tpu.dma_semaphore, #tpu.memory_space<semaphore_mem>>)
    %scan3A_218 = arith.constant 0 : i32
    %scan3A_219 = arith.constant 0 : i32
    %scan3A_220 = arith.constant 20 : i32
    %scan3A_221 = arith.addi %scan3A_219, %scan3A_220 : i32
    %scan3A_222 = arith.constant 1 : i32
    %scan3A_223 = scf.for %scan3A_262 = %scan3A_219 to %scan3A_221 step %scan3A_222 iter_args(%scan3A_263 = %scan3A_218) -> (i32)  : i32 {
      %mul3A_264 = arith.constant 2 : i32
      %mul3A_265 = arith.muli %mul3A_264, %scan3A_262 : i32
      %add3A_266 = arith.constant 1 : i32
      %add3A_267 = arith.addi %mul3A_265, %add3A_266 : i32
      %dma_start3A_268 = arith.constant 0 : i32
      %dma_start3A_269 = tpu.memref_slice %arg6[%add3A_267, %dma_start3A_268] : memref<40x128xi32, #tpu.memory_space<vmem>> -> memref<1x128xi32, #tpu.memory_space<vmem>>
      %dma_start3A_270 = tpu.memref_squeeze %dma_start3A_269 : memref<1x128xi32, #tpu.memory_space<vmem>> -> memref<128xi32, #tpu.memory_space<vmem>>
      %dma_start3A_271 = arith.constant 0 : i32
      %dma_start3A_272 = arith.constant 0 : i32
      %dma_start3A_273 = tpu.memref_slice %arg2[%dma_start3A_271, %dma_start3A_272] : memref<40960x128xf32, #tpu.memory_space<hbm>> -> memref<40960x128xf32, #tpu.memory_space<hbm>>
      tpu.enqueue_indirect_dma source(%dma_start3A_273 : memref<40960x128xf32, #tpu.memory_space<hbm>>) target(%arg9 : memref<128x128xf32, #tpu.memory_space<vmem>>) offsets(%dma_start3A_270 : memref<128xi32, #tpu.memory_space<vmem>>) semaphore(%arg12 : memref<!tpu.dma_semaphore, #tpu.memory_space<semaphore_mem>>)
      %dma_wait3A = arith.constant 0 : i32
      %dma_wait3A_274 = arith.constant 0 : i32
      %dma_wait3A_275 = tpu.memref_slice %arg2[%dma_wait3A, %dma_wait3A_274] : memref<40960x128xf32, #tpu.memory_space<hbm>> -> memref<128x128xf32, #tpu.memory_space<hbm>>
      %dma_wait3A_276 = arith.constant 0 : i32
      %dma_wait3A_277 = arith.constant 0 : i32
      %dma_wait3A_278 = tpu.memref_slice %arg2[%dma_wait3A_276, %dma_wait3A_277] : memref<40960x128xf32, #tpu.memory_space<hbm>> -> memref<128x128xf32, #tpu.memory_space<hbm>>
      tpu.wait_dma2 semaphore(%arg11 : memref<!tpu.dma_semaphore, #tpu.memory_space<semaphore_mem>>) src(%dma_wait3A_278 : memref<128x128xf32, #tpu.memory_space<hbm>>) dst(%arg8 : memref<128x128xf32, #tpu.memory_space<vmem>>)
      "tpu.region"() ({
        %run_scoped3A = tpu.sem_alloc : memref<!tpu.dma_semaphore, #tpu.memory_space<semaphore_mem>>
        %dma_start3A_292 = arith.constant 0 : i32
        %dma_start3A_293 = tpu.memref_slice %arg7[%mul3A_265, %dma_start3A_292] : memref<40x128xi32, #tpu.memory_space<vmem>> -> memref<1x128xi32, #tpu.memory_space<vmem>>
        %dma_start3A_294 = tpu.memref_squeeze %dma_start3A_293 : memref<1x128xi32, #tpu.memory_space<vmem>> -> memref<128xi32, #tpu.memory_space<vmem>>
        %dma_start3A_295 = arith.constant 0 : i32
        %dma_start3A_296 = arith.constant 0 : i32
        %dma_start3A_297 = tpu.memref_slice %arg10[%dma_start3A_295, %dma_start3A_296] : memref<10240x128xf32, #tpu.memory_space<vmem_shared>> -> memref<10240x128xf32, #tpu.memory_space<vmem_shared>>
        tpu.enqueue_indirect_dma source(%arg8 : memref<128x128xf32, #tpu.memory_space<vmem>>) target(%dma_start3A_297 : memref<10240x128xf32, #tpu.memory_space<vmem_shared>>) offsets(%dma_start3A_294 : memref<128xi32, #tpu.memory_space<vmem>>) semaphore(%run_scoped3A : memref<!tpu.dma_semaphore, #tpu.memory_space<semaphore_mem>>) {add = true}
        %dma_wait3A_298 = arith.constant 0 : i32
        %dma_wait3A_299 = tpu.memref_slice %arg7[%mul3A_265, %dma_wait3A_298] : memref<40x128xi32, #tpu.memory_space<vmem>> -> memref<1x128xi32, #tpu.memory_space<vmem>>
        %dma_wait3A_300 = tpu.memref_squeeze %dma_wait3A_299 : memref<1x128xi32, #tpu.memory_space<vmem>> -> memref<128xi32, #tpu.memory_space<vmem>>
        %dma_wait3A_301 = arith.constant 0 : i32
        %dma_wait3A_302 = arith.constant 0 : i32
        %dma_wait3A_303 = tpu.memref_slice %arg10[%dma_wait3A_301, %dma_wait3A_302] : memref<10240x128xf32, #tpu.memory_space<vmem_shared>> -> memref<10240x128xf32, #tpu.memory_space<vmem_shared>>
        tpu.wait_indirect_dma semaphore(%run_scoped3A : memref<!tpu.dma_semaphore, #tpu.memory_space<semaphore_mem>>) src(%arg8 : memref<128x128xf32, #tpu.memory_space<vmem>>) dst(%dma_wait3A_303 : memref<10240x128xf32, #tpu.memory_space<vmem_shared>>)
        tpu.yield
      }) : () -> ()
      %add3A_279 = arith.constant 2 : i32
      %add3A_280 = arith.addi %mul3A_265, %add3A_279 : i32
      %lt3A = arith.constant 40 : i32
      %lt3A_281 = arith.cmpi slt, %add3A_280, %lt3A : i32
      %convert_element_type3A = arith.extui %lt3A_281 : i1 to i32
      %cond3A = arith.constant 0 : i32
      %cond3A_282 = arith.cmpi ne, %convert_element_type3A, %cond3A : i32
      scf.if %cond3A_282 {
        %add3A_292 = arith.constant 2 : i32
        %add3A_293 = arith.addi %mul3A_265, %add3A_292 : i32
        %dma_start3A_294 = arith.constant 0 : i32
        %dma_start3A_295 = tpu.memref_slice %arg6[%add3A_293, %dma_start3A_294] : memref<40x128xi32, #tpu.memory_space<vmem>> -> memref<1x128xi32, #tpu.memory_space<vmem>>
        %dma_start3A_296 = tpu.memref_squeeze %dma_start3A_295 : memref<1x128xi32, #tpu.memory_space<vmem>> -> memref<128xi32, #tpu.memory_space<vmem>>
        %dma_start3A_297 = arith.constant 0 : i32
        %dma_start3A_298 = arith.constant 0 : i32
        %dma_start3A_299 = tpu.memref_slice %arg2[%dma_start3A_297, %dma_start3A_298] : memref<40960x128xf32, #tpu.memory_space<hbm>> -> memref<40960x128xf32, #tpu.memory_space<hbm>>
        tpu.enqueue_indirect_dma source(%dma_start3A_299 : memref<40960x128xf32, #tpu.memory_space<hbm>>) target(%arg8 : memref<128x128xf32, #tpu.memory_space<vmem>>) offsets(%dma_start3A_296 : memref<128xi32, #tpu.memory_space<vmem>>) semaphore(%arg11 : memref<!tpu.dma_semaphore, #tpu.memory_space<semaphore_mem>>)
      } else {
      }
      %dma_wait3A_283 = arith.constant 0 : i32
      %dma_wait3A_284 = arith.constant 0 : i32
      %dma_wait3A_285 = tpu.memref_slice %arg2[%dma_wait3A_283, %dma_wait3A_284] : memref<40960x128xf32, #tpu.memory_space<hbm>> -> memref<128x128xf32, #tpu.memory_space<hbm>>
      %dma_wait3A_286 = arith.constant 0 : i32
      %dma_wait3A_287 = arith.constant 0 : i32
      %dma_wait3A_288 = tpu.memref_slice %arg2[%dma_wait3A_286, %dma_wait3A_287] : memref<40960x128xf32, #tpu.memory_space<hbm>> -> memref<128x128xf32, #tpu.memory_space<hbm>>
      tpu.wait_dma2 semaphore(%arg12 : memref<!tpu.dma_semaphore, #tpu.memory_space<semaphore_mem>>) src(%dma_wait3A_288 : memref<128x128xf32, #tpu.memory_space<hbm>>) dst(%arg9 : memref<128x128xf32, #tpu.memory_space<vmem>>)
      %add3A_289 = arith.constant 1 : i32
      %add3A_290 = arith.addi %mul3A_265, %add3A_289 : i32
      "tpu.region"() ({
        %run_scoped3A = tpu.sem_alloc : memref<!tpu.dma_semaphore, #tpu.memory_space<semaphore_mem>>
        %dma_start3A_292 = arith.constant 0 : i32
        %dma_start3A_293 = tpu.memref_slice %arg7[%add3A_290, %dma_start3A_292] : memref<40x128xi32, #tpu.memory_space<vmem>> -> memref<1x128xi32, #tpu.memory_space<vmem>>
        %dma_start3A_294 = tpu.memref_squeeze %dma_start3A_293 : memref<1x128xi32, #tpu.memory_space<vmem>> -> memref<128xi32, #tpu.memory_space<vmem>>
        %dma_start3A_295 = arith.constant 0 : i32
        %dma_start3A_296 = arith.constant 0 : i32
        %dma_start3A_297 = tpu.memref_slice %arg10[%dma_start3A_295, %dma_start3A_296] : memref<10240x128xf32, #tpu.memory_space<vmem_shared>> -> memref<10240x128xf32, #tpu.memory_space<vmem_shared>>
        tpu.enqueue_indirect_dma source(%arg9 : memref<128x128xf32, #tpu.memory_space<vmem>>) target(%dma_start3A_297 : memref<10240x128xf32, #tpu.memory_space<vmem_shared>>) offsets(%dma_start3A_294 : memref<128xi32, #tpu.memory_space<vmem>>) semaphore(%run_scoped3A : memref<!tpu.dma_semaphore, #tpu.memory_space<semaphore_mem>>) {add = true}
        %dma_wait3A_298 = arith.constant 0 : i32
        %dma_wait3A_299 = tpu.memref_slice %arg7[%add3A_290, %dma_wait3A_298] : memref<40x128xi32, #tpu.memory_space<vmem>> -> memref<1x128xi32, #tpu.memory_space<vmem>>
        %dma_wait3A_300 = tpu.memref_squeeze %dma_wait3A_299 : memref<1x128xi32, #tpu.memory_space<vmem>> -> memref<128xi32, #tpu.memory_space<vmem>>
        %dma_wait3A_301 = arith.constant 0 : i32
        %dma_wait3A_302 = arith.constant 0 : i32
        %dma_wait3A_303 = tpu.memref_slice %arg10[%dma_wait3A_301, %dma_wait3A_302] : memref<10240x128xf32, #tpu.memory_space<vmem_shared>> -> memref<10240x128xf32, #tpu.memory_space<vmem_shared>>
        tpu.wait_indirect_dma semaphore(%run_scoped3A : memref<!tpu.dma_semaphore, #tpu.memory_space<semaphore_mem>>) src(%arg9 : memref<128x128xf32, #tpu.memory_space<vmem>>) dst(%dma_wait3A_303 : memref<10240x128xf32, #tpu.memory_space<vmem_shared>>)
        tpu.yield
      }) : () -> ()
      %scan3A_291 = arith.constant 0 : i32
      scf.yield %scan3A_291 : i32
    }
    %scan3A_224 = arith.constant 20 : i32
    %add3A_225 = arith.constant 96 : i32
    %add3A_226 = arith.addi %add3A_225, %add3A : i32
    %mul3A_227 = arith.constant 80 : i32
    %mul3A_228 = arith.muli %add3A_226, %mul3A_227 : i32
    %add3A_229 = arith.constant 40 : i32
    %add3A_230 = arith.addi %mul3A_228, %add3A_229 : i32
    "tpu.region"() ({
      %run_scoped3A = tpu.sem_alloc : memref<!tpu.dma_semaphore, #tpu.memory_space<semaphore_mem>>
      %dma_start3A_262 = arith.constant 0 : i32
      %dma_start3A_263 = tpu.memref_slice %arg3[%add3A_230, %dma_start3A_262] : memref<10240x128xi32, #tpu.memory_space<hbm>> -> memref<40x128xi32, #tpu.memory_space<hbm>>
      %dma_start3A_264 = arith.constant 0 : i32
      %dma_start3A_265 = tpu.memref_slice %arg3[%add3A_230, %dma_start3A_264] : memref<10240x128xi32, #tpu.memory_space<hbm>> -> memref<40x128xi32, #tpu.memory_space<hbm>>
      tpu.enqueue_dma source(%dma_start3A_265 : memref<40x128xi32, #tpu.memory_space<hbm>>) target(%arg6 : memref<40x128xi32, #tpu.memory_space<vmem>>) target_semaphore(%run_scoped3A : memref<!tpu.dma_semaphore, #tpu.memory_space<semaphore_mem>>)
      %dma_wait3A = arith.constant 0 : i32
      %dma_wait3A_266 = tpu.memref_slice %arg3[%add3A_230, %dma_wait3A] : memref<10240x128xi32, #tpu.memory_space<hbm>> -> memref<40x128xi32, #tpu.memory_space<hbm>>
      %dma_wait3A_267 = arith.constant 0 : i32
      %dma_wait3A_268 = tpu.memref_slice %arg3[%add3A_230, %dma_wait3A_267] : memref<10240x128xi32, #tpu.memory_space<hbm>> -> memref<40x128xi32, #tpu.memory_space<hbm>>
      tpu.wait_dma2 semaphore(%run_scoped3A : memref<!tpu.dma_semaphore, #tpu.memory_space<semaphore_mem>>) src(%dma_wait3A_268 : memref<40x128xi32, #tpu.memory_space<hbm>>) dst(%arg6 : memref<40x128xi32, #tpu.memory_space<vmem>>)
      tpu.yield
    }) : () -> ()
    %add3A_231 = arith.constant 96 : i32
    %add3A_232 = arith.addi %add3A_231, %add3A : i32
    %mul3A_233 = arith.constant 80 : i32
    %mul3A_234 = arith.muli %add3A_232, %mul3A_233 : i32
    %add3A_235 = arith.constant 40 : i32
    %add3A_236 = arith.addi %mul3A_234, %add3A_235 : i32
    "tpu.region"() ({
      %run_scoped3A = tpu.sem_alloc : memref<!tpu.dma_semaphore, #tpu.memory_space<semaphore_mem>>
      %dma_start3A_262 = arith.constant 0 : i32
      %dma_start3A_263 = tpu.memref_slice %arg4[%add3A_236, %dma_start3A_262] : memref<10240x128xi32, #tpu.memory_space<hbm>> -> memref<40x128xi32, #tpu.memory_space<hbm>>
      %dma_start3A_264 = arith.constant 0 : i32
      %dma_start3A_265 = tpu.memref_slice %arg4[%add3A_236, %dma_start3A_264] : memref<10240x128xi32, #tpu.memory_space<hbm>> -> memref<40x128xi32, #tpu.memory_space<hbm>>
      tpu.enqueue_dma source(%dma_start3A_265 : memref<40x128xi32, #tpu.memory_space<hbm>>) target(%arg7 : memref<40x128xi32, #tpu.memory_space<vmem>>) target_semaphore(%run_scoped3A : memref<!tpu.dma_semaphore, #tpu.memory_space<semaphore_mem>>)
      %dma_wait3A = arith.constant 0 : i32
      %dma_wait3A_266 = tpu.memref_slice %arg4[%add3A_236, %dma_wait3A] : memref<10240x128xi32, #tpu.memory_space<hbm>> -> memref<40x128xi32, #tpu.memory_space<hbm>>
      %dma_wait3A_267 = arith.constant 0 : i32
      %dma_wait3A_268 = tpu.memref_slice %arg4[%add3A_236, %dma_wait3A_267] : memref<10240x128xi32, #tpu.memory_space<hbm>> -> memref<40x128xi32, #tpu.memory_space<hbm>>
      tpu.wait_dma2 semaphore(%run_scoped3A : memref<!tpu.dma_semaphore, #tpu.memory_space<semaphore_mem>>) src(%dma_wait3A_268 : memref<40x128xi32, #tpu.memory_space<hbm>>) dst(%arg7 : memref<40x128xi32, #tpu.memory_space<vmem>>)
      tpu.yield
    }) : () -> ()
    %dma_start3A_237 = arith.constant 0 : i32
    %dma_start3A_238 = arith.constant 0 : i32
    %dma_start3A_239 = tpu.memref_slice %arg6[%dma_start3A_237, %dma_start3A_238] : memref<40x128xi32, #tpu.memory_space<vmem>> -> memref<1x128xi32, #tpu.memory_space<vmem>>
    %dma_start3A_240 = tpu.memref_squeeze %dma_start3A_239 : memref<1x128xi32, #tpu.memory_space<vmem>> -> memref<128xi32, #tpu.memory_space<vmem>>
    %dma_start3A_241 = arith.constant 0 : i32
    %dma_start3A_242 = arith.constant 0 : i32
    %dma_start3A_243 = tpu.memref_slice %arg2[%dma_start3A_241, %dma_start3A_242] : memref<40960x128xf32, #tpu.memory_space<hbm>> -> memref<40960x128xf32, #tpu.memory_space<hbm>>
    tpu.enqueue_indirect_dma source(%dma_start3A_243 : memref<40960x128xf32, #tpu.memory_space<hbm>>) target(%arg8 : memref<128x128xf32, #tpu.memory_space<vmem>>) offsets(%dma_start3A_240 : memref<128xi32, #tpu.memory_space<vmem>>) semaphore(%arg11 : memref<!tpu.dma_semaphore, #tpu.memory_space<semaphore_mem>>)
    %scan3A_244 = arith.constant 0 : i32
    %scan3A_245 = arith.constant 0 : i32
    %scan3A_246 = arith.constant 20 : i32
    %scan3A_247 = arith.addi %scan3A_245, %scan3A_246 : i32
    %scan3A_248 = arith.constant 1 : i32
    %scan3A_249 = scf.for %scan3A_262 = %scan3A_245 to %scan3A_247 step %scan3A_248 iter_args(%scan3A_263 = %scan3A_244) -> (i32)  : i32 {
      %mul3A_264 = arith.constant 2 : i32
      %mul3A_265 = arith.muli %mul3A_264, %scan3A_262 : i32
      %add3A_266 = arith.constant 1 : i32
      %add3A_267 = arith.addi %mul3A_265, %add3A_266 : i32
      %dma_start3A_268 = arith.constant 0 : i32
      %dma_start3A_269 = tpu.memref_slice %arg6[%add3A_267, %dma_start3A_268] : memref<40x128xi32, #tpu.memory_space<vmem>> -> memref<1x128xi32, #tpu.memory_space<vmem>>
      %dma_start3A_270 = tpu.memref_squeeze %dma_start3A_269 : memref<1x128xi32, #tpu.memory_space<vmem>> -> memref<128xi32, #tpu.memory_space<vmem>>
      %dma_start3A_271 = arith.constant 0 : i32
      %dma_start3A_272 = arith.constant 0 : i32
      %dma_start3A_273 = tpu.memref_slice %arg2[%dma_start3A_271, %dma_start3A_272] : memref<40960x128xf32, #tpu.memory_space<hbm>> -> memref<40960x128xf32, #tpu.memory_space<hbm>>
      tpu.enqueue_indirect_dma source(%dma_start3A_273 : memref<40960x128xf32, #tpu.memory_space<hbm>>) target(%arg9 : memref<128x128xf32, #tpu.memory_space<vmem>>) offsets(%dma_start3A_270 : memref<128xi32, #tpu.memory_space<vmem>>) semaphore(%arg12 : memref<!tpu.dma_semaphore, #tpu.memory_space<semaphore_mem>>)
      %dma_wait3A = arith.constant 0 : i32
      %dma_wait3A_274 = arith.constant 0 : i32
      %dma_wait3A_275 = tpu.memref_slice %arg2[%dma_wait3A, %dma_wait3A_274] : memref<40960x128xf32, #tpu.memory_space<hbm>> -> memref<128x128xf32, #tpu.memory_space<hbm>>
      %dma_wait3A_276 = arith.constant 0 : i32
      %dma_wait3A_277 = arith.constant 0 : i32
      %dma_wait3A_278 = tpu.memref_slice %arg2[%dma_wait3A_276, %dma_wait3A_277] : memref<40960x128xf32, #tpu.memory_space<hbm>> -> memref<128x128xf32, #tpu.memory_space<hbm>>
      tpu.wait_dma2 semaphore(%arg11 : memref<!tpu.dma_semaphore, #tpu.memory_space<semaphore_mem>>) src(%dma_wait3A_278 : memref<128x128xf32, #tpu.memory_space<hbm>>) dst(%arg8 : memref<128x128xf32, #tpu.memory_space<vmem>>)
      "tpu.region"() ({
        %run_scoped3A = tpu.sem_alloc : memref<!tpu.dma_semaphore, #tpu.memory_space<semaphore_mem>>
        %dma_start3A_292 = arith.constant 0 : i32
        %dma_start3A_293 = tpu.memref_slice %arg7[%mul3A_265, %dma_start3A_292] : memref<40x128xi32, #tpu.memory_space<vmem>> -> memref<1x128xi32, #tpu.memory_space<vmem>>
        %dma_start3A_294 = tpu.memref_squeeze %dma_start3A_293 : memref<1x128xi32, #tpu.memory_space<vmem>> -> memref<128xi32, #tpu.memory_space<vmem>>
        %dma_start3A_295 = arith.constant 0 : i32
        %dma_start3A_296 = arith.constant 0 : i32
        %dma_start3A_297 = tpu.memref_slice %arg10[%dma_start3A_295, %dma_start3A_296] : memref<10240x128xf32, #tpu.memory_space<vmem_shared>> -> memref<10240x128xf32, #tpu.memory_space<vmem_shared>>
        tpu.enqueue_indirect_dma source(%arg8 : memref<128x128xf32, #tpu.memory_space<vmem>>) target(%dma_start3A_297 : memref<10240x128xf32, #tpu.memory_space<vmem_shared>>) offsets(%dma_start3A_294 : memref<128xi32, #tpu.memory_space<vmem>>) semaphore(%run_scoped3A : memref<!tpu.dma_semaphore, #tpu.memory_space<semaphore_mem>>) {add = true}
        %dma_wait3A_298 = arith.constant 0 : i32
        %dma_wait3A_299 = tpu.memref_slice %arg7[%mul3A_265, %dma_wait3A_298] : memref<40x128xi32, #tpu.memory_space<vmem>> -> memref<1x128xi32, #tpu.memory_space<vmem>>
        %dma_wait3A_300 = tpu.memref_squeeze %dma_wait3A_299 : memref<1x128xi32, #tpu.memory_space<vmem>> -> memref<128xi32, #tpu.memory_space<vmem>>
        %dma_wait3A_301 = arith.constant 0 : i32
        %dma_wait3A_302 = arith.constant 0 : i32
        %dma_wait3A_303 = tpu.memref_slice %arg10[%dma_wait3A_301, %dma_wait3A_302] : memref<10240x128xf32, #tpu.memory_space<vmem_shared>> -> memref<10240x128xf32, #tpu.memory_space<vmem_shared>>
        tpu.wait_indirect_dma semaphore(%run_scoped3A : memref<!tpu.dma_semaphore, #tpu.memory_space<semaphore_mem>>) src(%arg8 : memref<128x128xf32, #tpu.memory_space<vmem>>) dst(%dma_wait3A_303 : memref<10240x128xf32, #tpu.memory_space<vmem_shared>>)
        tpu.yield
      }) : () -> ()
      %add3A_279 = arith.constant 2 : i32
      %add3A_280 = arith.addi %mul3A_265, %add3A_279 : i32
      %lt3A = arith.constant 40 : i32
      %lt3A_281 = arith.cmpi slt, %add3A_280, %lt3A : i32
      %convert_element_type3A = arith.extui %lt3A_281 : i1 to i32
      %cond3A = arith.constant 0 : i32
      %cond3A_282 = arith.cmpi ne, %convert_element_type3A, %cond3A : i32
      scf.if %cond3A_282 {
        %add3A_292 = arith.constant 2 : i32
        %add3A_293 = arith.addi %mul3A_265, %add3A_292 : i32
        %dma_start3A_294 = arith.constant 0 : i32
        %dma_start3A_295 = tpu.memref_slice %arg6[%add3A_293, %dma_start3A_294] : memref<40x128xi32, #tpu.memory_space<vmem>> -> memref<1x128xi32, #tpu.memory_space<vmem>>
        %dma_start3A_296 = tpu.memref_squeeze %dma_start3A_295 : memref<1x128xi32, #tpu.memory_space<vmem>> -> memref<128xi32, #tpu.memory_space<vmem>>
        %dma_start3A_297 = arith.constant 0 : i32
        %dma_start3A_298 = arith.constant 0 : i32
        %dma_start3A_299 = tpu.memref_slice %arg2[%dma_start3A_297, %dma_start3A_298] : memref<40960x128xf32, #tpu.memory_space<hbm>> -> memref<40960x128xf32, #tpu.memory_space<hbm>>
        tpu.enqueue_indirect_dma source(%dma_start3A_299 : memref<40960x128xf32, #tpu.memory_space<hbm>>) target(%arg8 : memref<128x128xf32, #tpu.memory_space<vmem>>) offsets(%dma_start3A_296 : memref<128xi32, #tpu.memory_space<vmem>>) semaphore(%arg11 : memref<!tpu.dma_semaphore, #tpu.memory_space<semaphore_mem>>)
      } else {
      }
      %dma_wait3A_283 = arith.constant 0 : i32
      %dma_wait3A_284 = arith.constant 0 : i32
      %dma_wait3A_285 = tpu.memref_slice %arg2[%dma_wait3A_283, %dma_wait3A_284] : memref<40960x128xf32, #tpu.memory_space<hbm>> -> memref<128x128xf32, #tpu.memory_space<hbm>>
      %dma_wait3A_286 = arith.constant 0 : i32
      %dma_wait3A_287 = arith.constant 0 : i32
      %dma_wait3A_288 = tpu.memref_slice %arg2[%dma_wait3A_286, %dma_wait3A_287] : memref<40960x128xf32, #tpu.memory_space<hbm>> -> memref<128x128xf32, #tpu.memory_space<hbm>>
      tpu.wait_dma2 semaphore(%arg12 : memref<!tpu.dma_semaphore, #tpu.memory_space<semaphore_mem>>) src(%dma_wait3A_288 : memref<128x128xf32, #tpu.memory_space<hbm>>) dst(%arg9 : memref<128x128xf32, #tpu.memory_space<vmem>>)
      %add3A_289 = arith.constant 1 : i32
      %add3A_290 = arith.addi %mul3A_265, %add3A_289 : i32
      "tpu.region"() ({
        %run_scoped3A = tpu.sem_alloc : memref<!tpu.dma_semaphore, #tpu.memory_space<semaphore_mem>>
        %dma_start3A_292 = arith.constant 0 : i32
        %dma_start3A_293 = tpu.memref_slice %arg7[%add3A_290, %dma_start3A_292] : memref<40x128xi32, #tpu.memory_space<vmem>> -> memref<1x128xi32, #tpu.memory_space<vmem>>
        %dma_start3A_294 = tpu.memref_squeeze %dma_start3A_293 : memref<1x128xi32, #tpu.memory_space<vmem>> -> memref<128xi32, #tpu.memory_space<vmem>>
        %dma_start3A_295 = arith.constant 0 : i32
        %dma_start3A_296 = arith.constant 0 : i32
        %dma_start3A_297 = tpu.memref_slice %arg10[%dma_start3A_295, %dma_start3A_296] : memref<10240x128xf32, #tpu.memory_space<vmem_shared>> -> memref<10240x128xf32, #tpu.memory_space<vmem_shared>>
        tpu.enqueue_indirect_dma source(%arg9 : memref<128x128xf32, #tpu.memory_space<vmem>>) target(%dma_start3A_297 : memref<10240x128xf32, #tpu.memory_space<vmem_shared>>) offsets(%dma_start3A_294 : memref<128xi32, #tpu.memory_space<vmem>>) semaphore(%run_scoped3A : memref<!tpu.dma_semaphore, #tpu.memory_space<semaphore_mem>>) {add = true}
        %dma_wait3A_298 = arith.constant 0 : i32
        %dma_wait3A_299 = tpu.memref_slice %arg7[%add3A_290, %dma_wait3A_298] : memref<40x128xi32, #tpu.memory_space<vmem>> -> memref<1x128xi32, #tpu.memory_space<vmem>>
        %dma_wait3A_300 = tpu.memref_squeeze %dma_wait3A_299 : memref<1x128xi32, #tpu.memory_space<vmem>> -> memref<128xi32, #tpu.memory_space<vmem>>
        %dma_wait3A_301 = arith.constant 0 : i32
        %dma_wait3A_302 = arith.constant 0 : i32
        %dma_wait3A_303 = tpu.memref_slice %arg10[%dma_wait3A_301, %dma_wait3A_302] : memref<10240x128xf32, #tpu.memory_space<vmem_shared>> -> memref<10240x128xf32, #tpu.memory_space<vmem_shared>>
        tpu.wait_indirect_dma semaphore(%run_scoped3A : memref<!tpu.dma_semaphore, #tpu.memory_space<semaphore_mem>>) src(%arg9 : memref<128x128xf32, #tpu.memory_space<vmem>>) dst(%dma_wait3A_303 : memref<10240x128xf32, #tpu.memory_space<vmem_shared>>)
        tpu.yield
      }) : () -> ()
      %scan3A_291 = arith.constant 0 : i32
      scf.yield %scan3A_291 : i32
    }
    %scan3A_250 = arith.constant 20 : i32
    %barrier3A_251 = arith.constant 0 : index
    tpu.barrier barrier_id(%barrier3A_251)
    %mul3A_252 = arith.constant 640 : i32
    %mul3A_253 = arith.muli %arg1, %mul3A_252 : i32
    %add3A_254 = arith.constant 6 : i32
    %add3A_255 = arith.addi %add3A_254, %arg0 : i32
    %mul3A_256 = arith.constant 10240 : i32
    %mul3A_257 = arith.muli %add3A_255, %mul3A_256 : i32
    %mul3A_258 = arith.constant 640 : i32
    %mul3A_259 = arith.muli %arg1, %mul3A_258 : i32
    %add3A_260 = arith.addi %mul3A_257, %mul3A_259 : i32
    "tpu.region"() ({
      %run_scoped3A = tpu.sem_alloc : memref<!tpu.dma_semaphore, #tpu.memory_space<semaphore_mem>>
      %dma_start3A_262 = arith.constant 0 : i32
      %dma_start3A_263 = tpu.memref_slice %arg5[%add3A_260, %dma_start3A_262] : memref<81920x128xf32, #tpu.memory_space<hbm>> -> memref<640x128xf32, #tpu.memory_space<hbm>>
      %dma_start3A_264 = arith.constant 0 : i32
      %dma_start3A_265 = tpu.memref_slice %arg10[%mul3A_253, %dma_start3A_264] : memref<10240x128xf32, #tpu.memory_space<vmem_shared>> -> memref<640x128xf32, #tpu.memory_space<vmem_shared>>
      tpu.enqueue_dma source(%dma_start3A_265 : memref<640x128xf32, #tpu.memory_space<vmem_shared>>) target(%dma_start3A_263 : memref<640x128xf32, #tpu.memory_space<hbm>>) target_semaphore(%run_scoped3A : memref<!tpu.dma_semaphore, #tpu.memory_space<semaphore_mem>>)
      %dma_wait3A = arith.constant 0 : i32
      %dma_wait3A_266 = tpu.memref_slice %arg5[%add3A_260, %dma_wait3A] : memref<81920x128xf32, #tpu.memory_space<hbm>> -> memref<640x128xf32, #tpu.memory_space<hbm>>
      %dma_wait3A_267 = arith.constant 0 : i32
      %dma_wait3A_268 = tpu.memref_slice %arg10[%mul3A_253, %dma_wait3A_267] : memref<10240x128xf32, #tpu.memory_space<vmem_shared>> -> memref<640x128xf32, #tpu.memory_space<vmem_shared>>
      tpu.wait_dma2 semaphore(%run_scoped3A : memref<!tpu.dma_semaphore, #tpu.memory_space<semaphore_mem>>) src(%dma_wait3A_268 : memref<640x128xf32, #tpu.memory_space<vmem_shared>>) dst(%dma_wait3A_266 : memref<640x128xf32, #tpu.memory_space<hbm>>)
      tpu.yield
    }) : () -> ()
    %barrier3A_261 = arith.constant 0 : index
    tpu.barrier barrier_id(%barrier3A_261)
    return
  }
}

module attributes {stable_mosaic.version = 14 : i64} {
  func.func @_k1_body(%arg0: i32, %arg1: i32, %arg2: memref<2048x128xf32, #tpu.memory_space<vmem>>, %arg3: memref<2048x1xf32, #tpu.memory_space<vmem>>, %arg4: memref<2048x1xf32, #tpu.memory_space<vmem>>, %arg5: memref<128x128xf32, #tpu.memory_space<vmem>>, %arg6: memref<2048x128xf32, #tpu.memory_space<vmem>>, %arg7: memref<2048x1xf32, #tpu.memory_space<vmem>>) attributes {dimension_semantics = [#tpu.dimension_semantics<arbitrary>, #tpu.dimension_semantics<arbitrary>], iteration_bounds = array<i64: 4, 5>, scalar_prefetch = 0 : i64, scratch_operands = 0 : i64, tpu.core_type = #tpu.core_type<tc>, window_params = [{transform_indices = @transform_0, window_bounds = array<i64: 2048, 128>}, {transform_indices = @transform_1, window_bounds = array<i64: 2048, 1>}, {transform_indices = @transform_2, window_bounds = array<i64: 2048, 1>}, {pipeline_mode = #tpu.pipeline_mode<synchronous>, transform_indices = @transform_3, window_bounds = array<i64: 128, 128>}, {transform_indices = @transform_4, window_bounds = array<i64: 2048, 128>}, {transform_indices = @transform_5, window_bounds = array<i64: 2048, 1>}]} {
    %get3A = arith.constant 0 : index
    %get3A_0 = arith.constant 0 : index
    %get3A_1 = vector.load %arg3[%get3A, %get3A_0] : memref<2048x1xf32, #tpu.memory_space<vmem>>, vector<2048x1xf32>
    %get3A_2 = arith.constant 0 : index
    %get3A_3 = arith.constant 0 : index
    %get3A_4 = vector.load %arg4[%get3A_2, %get3A_3] : memref<2048x1xf32, #tpu.memory_space<vmem>>, vector<2048x1xf32>
    %add3A = arith.addf %get3A_1, %get3A_4 : vector<2048x1xf32>
    %add3A_5 = arith.constant 1.000000e+00 : f32
    %add3A_6 = vector.broadcast %add3A_5 : f32 to vector<2048x1xf32>
    %add3A_7 = arith.addf %add3A, %add3A_6 : vector<2048x1xf32>
    %max3A = arith.constant 1.000000e+00 : f32
    %max3A_8 = vector.broadcast %max3A : f32 to vector<2048x1xf32>
    %max3A_9 = arith.maximumf %add3A_7, %max3A_8 : vector<2048x1xf32>
    %rsqrt3A = math.rsqrt %max3A_9 : vector<2048x1xf32>
    %get3A_10 = arith.constant 0 : index
    %get3A_11 = arith.constant 0 : index
    %get3A_12 = vector.load %arg2[%get3A_10, %get3A_11] : memref<2048x128xf32, #tpu.memory_space<vmem>>, vector<2048x128xf32>
    %get3A_13 = arith.constant 0 : index
    %get3A_14 = arith.constant 0 : index
    %get3A_15 = vector.load %arg5[%get3A_13, %get3A_14] : memref<128x128xf32, #tpu.memory_space<vmem>>, vector<128x128xf32>
    %dot_general3A = arith.constant dense<0.000000e+00> : vector<2048x128xf32>
    %dot_general3A_16 = tpu.matmul %get3A_12, %get3A_15, %dot_general3A {dimension_numbers = #tpu.dot_dimension_numbers<[1], [0], [0], [1], [0, 0, 1, 1], [], []>, transpose_lhs_hint = false} : vector<2048x128xf32>, vector<128x128xf32>, vector<2048x128xf32> -> vector<2048x128xf32>
    %mul3A = vector.broadcast %rsqrt3A : vector<2048x1xf32> to vector<2048x128xf32>
    %mul3A_17 = arith.mulf %dot_general3A_16, %mul3A : vector<2048x128xf32>
    %swap3A = arith.constant 0 : index
    %swap3A_18 = arith.constant 0 : index
    %swap3A_19 = vector.load %arg6[%swap3A, %swap3A_18] : memref<2048x128xf32, #tpu.memory_space<vmem>>, vector<2048x128xf32>
    tpu.vector_store %arg6[%swap3A, %swap3A_18], %mul3A_17 {strides = array<i32>} : memref<2048x128xf32, #tpu.memory_space<vmem>>, vector<2048x128xf32>,
    %swap3A_20 = arith.constant 0 : index
    %swap3A_21 = arith.constant 0 : index
    %swap3A_22 = vector.load %arg7[%swap3A_20, %swap3A_21] : memref<2048x1xf32, #tpu.memory_space<vmem>>, vector<2048x1xf32>
    tpu.vector_store %arg7[%swap3A_20, %swap3A_21], %rsqrt3A {strides = array<i32>} : memref<2048x1xf32, #tpu.memory_space<vmem>>, vector<2048x1xf32>,
    return
  }
  func.func @transform_0(%arg0: i32, %arg1: i32) -> (i32, i32) {
    %mul3A = arith.constant 5 : i32
    %mul3A_0 = arith.muli %arg0, %mul3A : i32
    %add3A = arith.addi %mul3A_0, %arg1 : i32
    %c0_i32 = arith.constant 0 : i32
    %c0_i32_1 = arith.constant 0 : i32
    return %add3A, %c0_i32 : i32, i32
  }
  func.func @transform_1(%arg0: i32, %arg1: i32) -> (i32, i32) {
    %mul3A = arith.constant 2 : i32
    %mul3A_0 = arith.muli %arg0, %mul3A : i32
    %add3A = arith.constant 0 : i32
    %add3A_1 = arith.addi %mul3A_0, %add3A : i32
    %mul3A_2 = arith.constant 5 : i32
    %mul3A_3 = arith.muli %add3A_1, %mul3A_2 : i32
    %add3A_4 = arith.addi %mul3A_3, %arg1 : i32
    %c0_i32 = arith.constant 0 : i32
    %c0_i32_5 = arith.constant 0 : i32
    return %add3A_4, %c0_i32 : i32, i32
  }
  func.func @transform_2(%arg0: i32, %arg1: i32) -> (i32, i32) {
    %mul3A = arith.constant 2 : i32
    %mul3A_0 = arith.muli %arg0, %mul3A : i32
    %add3A = arith.constant 1 : i32
    %add3A_1 = arith.addi %mul3A_0, %add3A : i32
    %mul3A_2 = arith.constant 5 : i32
    %mul3A_3 = arith.muli %add3A_1, %mul3A_2 : i32
    %add3A_4 = arith.addi %mul3A_3, %arg1 : i32
    %c0_i32 = arith.constant 0 : i32
    %c0_i32_5 = arith.constant 0 : i32
    return %add3A_4, %c0_i32 : i32, i32
  }
  func.func @transform_3(%arg0: i32, %arg1: i32) -> (i32, i32) {
    %c0_i32 = arith.constant 0 : i32
    %c0_i32_0 = arith.constant 0 : i32
    %c0_i32_1 = arith.constant 0 : i32
    return %c0_i32, %c0_i32_0 : i32, i32
  }
  func.func @transform_4(%arg0: i32, %arg1: i32) -> (i32, i32) {
    %mul3A = arith.constant 5 : i32
    %mul3A_0 = arith.muli %arg0, %mul3A : i32
    %add3A = arith.addi %mul3A_0, %arg1 : i32
    %c0_i32 = arith.constant 0 : i32
    %c0_i32_1 = arith.constant 0 : i32
    return %add3A, %c0_i32 : i32, i32
  }
  func.func @transform_5(%arg0: i32, %arg1: i32) -> (i32, i32) {
    %mul3A = arith.constant 5 : i32
    %mul3A_0 = arith.muli %arg0, %mul3A : i32
    %add3A = arith.addi %mul3A_0, %arg1 : i32
    %c0_i32 = arith.constant 0 : i32
    %c0_i32_1 = arith.constant 0 : i32
    return %add3A, %c0_i32 : i32, i32
  }
}

module attributes {stable_mosaic.version = 14 : i64} {
  func.func @_k2_body(%arg0: i32, %arg1: i32, %arg2: memref<2048x128xf32, #tpu.memory_space<vmem>>, %arg3: memref<2048x128xf32, #tpu.memory_space<vmem>>, %arg4: memref<2048x128xf32, #tpu.memory_space<vmem>>, %arg5: memref<2048x1xf32, #tpu.memory_space<vmem>>, %arg6: memref<1x128xf32, #tpu.memory_space<vmem>>, %arg7: memref<128x128xf32, #tpu.memory_space<vmem>>, %arg8: memref<2048x128xf32, #tpu.memory_space<vmem>>) attributes {dimension_semantics = [#tpu.dimension_semantics<arbitrary>, #tpu.dimension_semantics<arbitrary>], iteration_bounds = array<i64: 4, 5>, scalar_prefetch = 0 : i64, scratch_operands = 0 : i64, tpu.core_type = #tpu.core_type<tc>, window_params = [{transform_indices = @transform_0, window_bounds = array<i64: 2048, 128>}, {transform_indices = @transform_1, window_bounds = array<i64: 2048, 128>}, {transform_indices = @transform_2, window_bounds = array<i64: 2048, 128>}, {transform_indices = @transform_3, window_bounds = array<i64: 2048, 1>}, {pipeline_mode = #tpu.pipeline_mode<synchronous>, transform_indices = @transform_4, window_bounds = array<i64: 1, 128>}, {pipeline_mode = #tpu.pipeline_mode<synchronous>, transform_indices = @transform_5, window_bounds = array<i64: 128, 128>}, {transform_indices = @transform_6, window_bounds = array<i64: 2048, 128>}]} {
    %get3A = arith.constant 0 : index
    %get3A_0 = arith.constant 0 : index
    %get3A_1 = vector.load %arg5[%get3A, %get3A_0] : memref<2048x1xf32, #tpu.memory_space<vmem>>, vector<2048x1xf32>
    %get3A_2 = arith.constant 0 : index
    %get3A_3 = arith.constant 0 : index
    %get3A_4 = vector.load %arg3[%get3A_2, %get3A_3] : memref<2048x128xf32, #tpu.memory_space<vmem>>, vector<2048x128xf32>
    %get3A_5 = arith.constant 0 : index
    %get3A_6 = arith.constant 0 : index
    %get3A_7 = vector.load %arg4[%get3A_5, %get3A_6] : memref<2048x128xf32, #tpu.memory_space<vmem>>, vector<2048x128xf32>
    %add3A = arith.addf %get3A_4, %get3A_7 : vector<2048x128xf32>
    %get3A_8 = arith.constant 0 : index
    %get3A_9 = arith.constant 0 : index
    %get3A_10 = vector.load %arg2[%get3A_8, %get3A_9] : memref<2048x128xf32, #tpu.memory_space<vmem>>, vector<2048x128xf32>
    %sub3A = arith.subf %add3A, %get3A_10 : vector<2048x128xf32>
    %mul3A = vector.broadcast %get3A_1 : vector<2048x1xf32> to vector<2048x128xf32>
    %mul3A_11 = arith.mulf %sub3A, %mul3A : vector<2048x128xf32>
    %get3A_12 = arith.constant 0 : index
    %get3A_13 = arith.constant 0 : index
    %get3A_14 = vector.load %arg6[%get3A_12, %get3A_13] : memref<1x128xf32, #tpu.memory_space<vmem>>, vector<1x128xf32>
    %add3A_15 = vector.broadcast %get3A_14 : vector<1x128xf32> to vector<2048x128xf32>
    %add3A_16 = arith.addf %mul3A_11, %add3A_15 : vector<2048x128xf32>
    %max3A = arith.constant 0.000000e+00 : f32
    %max3A_17 = vector.broadcast %max3A : f32 to vector<2048x128xf32>
    %max3A_18 = arith.maximumf %add3A_16, %max3A_17 : vector<2048x128xf32>
    %get3A_19 = arith.constant 0 : index
    %get3A_20 = arith.constant 0 : index
    %get3A_21 = vector.load %arg7[%get3A_19, %get3A_20] : memref<128x128xf32, #tpu.memory_space<vmem>>, vector<128x128xf32>
    %dot_general3A = arith.constant dense<0.000000e+00> : vector<2048x128xf32>
    %dot_general3A_22 = tpu.matmul %max3A_18, %get3A_21, %dot_general3A {dimension_numbers = #tpu.dot_dimension_numbers<[1], [0], [0], [1], [0, 0, 1, 1], [], []>, transpose_lhs_hint = false} : vector<2048x128xf32>, vector<128x128xf32>, vector<2048x128xf32> -> vector<2048x128xf32>
    %mul3A_23 = vector.broadcast %get3A_1 : vector<2048x1xf32> to vector<2048x128xf32>
    %mul3A_24 = arith.mulf %dot_general3A_22, %mul3A_23 : vector<2048x128xf32>
    %swap3A = arith.constant 0 : index
    %swap3A_25 = arith.constant 0 : index
    %swap3A_26 = vector.load %arg8[%swap3A, %swap3A_25] : memref<2048x128xf32, #tpu.memory_space<vmem>>, vector<2048x128xf32>
    tpu.vector_store %arg8[%swap3A, %swap3A_25], %mul3A_24 {strides = array<i32>} : memref<2048x128xf32, #tpu.memory_space<vmem>>, vector<2048x128xf32>,
    return
  }
  func.func @transform_0(%arg0: i32, %arg1: i32) -> (i32, i32) {
    %mul3A = arith.constant 5 : i32
    %mul3A_0 = arith.muli %arg0, %mul3A : i32
    %add3A = arith.addi %mul3A_0, %arg1 : i32
    %c0_i32 = arith.constant 0 : i32
    %c0_i32_1 = arith.constant 0 : i32
    return %add3A, %c0_i32 : i32, i32
  }
  func.func @transform_1(%arg0: i32, %arg1: i32) -> (i32, i32) {
    %mul3A = arith.constant 2 : i32
    %mul3A_0 = arith.muli %arg0, %mul3A : i32
    %add3A = arith.constant 0 : i32
    %add3A_1 = arith.addi %mul3A_0, %add3A : i32
    %mul3A_2 = arith.constant 5 : i32
    %mul3A_3 = arith.muli %add3A_1, %mul3A_2 : i32
    %add3A_4 = arith.addi %mul3A_3, %arg1 : i32
    %c0_i32 = arith.constant 0 : i32
    %c0_i32_5 = arith.constant 0 : i32
    return %add3A_4, %c0_i32 : i32, i32
  }
  func.func @transform_2(%arg0: i32, %arg1: i32) -> (i32, i32) {
    %mul3A = arith.constant 2 : i32
    %mul3A_0 = arith.muli %arg0, %mul3A : i32
    %add3A = arith.constant 1 : i32
    %add3A_1 = arith.addi %mul3A_0, %add3A : i32
    %mul3A_2 = arith.constant 5 : i32
    %mul3A_3 = arith.muli %add3A_1, %mul3A_2 : i32
    %add3A_4 = arith.addi %mul3A_3, %arg1 : i32
    %c0_i32 = arith.constant 0 : i32
    %c0_i32_5 = arith.constant 0 : i32
    return %add3A_4, %c0_i32 : i32, i32
  }
  func.func @transform_3(%arg0: i32, %arg1: i32) -> (i32, i32) {
    %mul3A = arith.constant 5 : i32
    %mul3A_0 = arith.muli %arg0, %mul3A : i32
    %add3A = arith.addi %mul3A_0, %arg1 : i32
    %c0_i32 = arith.constant 0 : i32
    %c0_i32_1 = arith.constant 0 : i32
    return %add3A, %c0_i32 : i32, i32
  }
  func.func @transform_4(%arg0: i32, %arg1: i32) -> (i32, i32) {
    %c0_i32 = arith.constant 0 : i32
    %c0_i32_0 = arith.constant 0 : i32
    %c0_i32_1 = arith.constant 0 : i32
    return %c0_i32, %c0_i32_0 : i32, i32
  }
  func.func @transform_5(%arg0: i32, %arg1: i32) -> (i32, i32) {
    %c0_i32 = arith.constant 0 : i32
    %c0_i32_0 = arith.constant 0 : i32
    %c0_i32_1 = arith.constant 0 : i32
    return %c0_i32, %c0_i32_0 : i32, i32
  }
  func.func @transform_6(%arg0: i32, %arg1: i32) -> (i32, i32) {
    %mul3A = arith.constant 5 : i32
    %mul3A_0 = arith.muli %arg0, %mul3A : i32
    %add3A = arith.addi %mul3A_0, %arg1 : i32
    %c0_i32 = arith.constant 0 : i32
    %c0_i32_1 = arith.constant 0 : i32
    return %add3A, %c0_i32 : i32, i32
  }
}

module attributes {stable_mosaic.version = 14 : i64} {
  func.func @_k3_body(%arg0: i32, %arg1: i32, %arg2: memref<2048x128xf32, #tpu.memory_space<vmem>>, %arg3: memref<2048x128xf32, #tpu.memory_space<vmem>>, %arg4: memref<2048x128xf32, #tpu.memory_space<vmem>>, %arg5: memref<2048x1xf32, #tpu.memory_space<vmem>>, %arg6: memref<1x128xf32, #tpu.memory_space<vmem>>, %arg7: memref<1x1x2048xi32, #tpu.memory_space<vmem>>, %arg8: memref<384x128xf32, #tpu.memory_space<vmem>>, %arg9: memref<384x128xf32, #tpu.memory_space<vmem>>, %arg10: memref<1x384xf32, #tpu.memory_space<vmem>>, %arg11: memref<1x384xf32, #tpu.memory_space<vmem>>, %arg12: memref<384x128xf32, #tpu.memory_space<vmem>>, %arg13: memref<384x128xf32, #tpu.memory_space<vmem>>, %arg14: memref<1x384xf32, #tpu.memory_space<vmem>>, %arg15: memref<1x384xf32, #tpu.memory_space<vmem>>, %arg16: memref<128x16xf32, #tpu.memory_space<vmem>>, %arg17: memref<1x16xf32, #tpu.memory_space<vmem>>, %arg18: memref<16x16xf32, #tpu.memory_space<vmem>>, %arg19: memref<4x16x128xf32, #tpu.memory_space<vmem>>, %arg20: memref<16x1xf32, #tpu.memory_space<vmem>>) attributes {dimension_semantics = [#tpu.dimension_semantics<arbitrary>, #tpu.dimension_semantics<arbitrary>], iteration_bounds = array<i64: 4, 5>, scalar_prefetch = 0 : i64, scratch_operands = 2 : i64, tpu.core_type = #tpu.core_type<tc>, window_params = [{transform_indices = @transform_0, window_bounds = array<i64: 2048, 128>}, {transform_indices = @transform_1, window_bounds = array<i64: 2048, 128>}, {transform_indices = @transform_2, window_bounds = array<i64: 2048, 128>}, {transform_indices = @transform_3, window_bounds = array<i64: 2048, 1>}, {pipeline_mode = #tpu.pipeline_mode<synchronous>, transform_indices = @transform_4, window_bounds = array<i64: 1, 128>}, {transform_indices = @transform_5, window_bounds = array<i64: 1, 1, 2048>}, {pipeline_mode = #tpu.pipeline_mode<synchronous>, transform_indices = @transform_6, window_bounds = array<i64: 384, 128>}, {pipeline_mode = #tpu.pipeline_mode<synchronous>, transform_indices = @transform_7, window_bounds = array<i64: 384, 128>}, {pipeline_mode = #tpu.pipeline_mode<synchronous>, transform_indices = @transform_8, window_bounds = array<i64: 1, 384>}, {pipeline_mode = #tpu.pipeline_mode<synchronous>, transform_indices = @transform_9, window_bounds = array<i64: 1, 384>}, {pipeline_mode = #tpu.pipeline_mode<synchronous>, transform_indices = @transform_10, window_bounds = array<i64: 384, 128>}, {pipeline_mode = #tpu.pipeline_mode<synchronous>, transform_indices = @transform_11, window_bounds = array<i64: 384, 128>}, {pipeline_mode = #tpu.pipeline_mode<synchronous>, transform_indices = @transform_12, window_bounds = array<i64: 1, 384>}, {pipeline_mode = #tpu.pipeline_mode<synchronous>, transform_indices = @transform_13, window_bounds = array<i64: 1, 384>}, {pipeline_mode = #tpu.pipeline_mode<synchronous>, transform_indices = @transform_14, window_bounds = array<i64: 128, 16>}, {pipeline_mode = #tpu.pipeline_mode<synchronous>, transform_indices = @transform_15, window_bounds = array<i64: 1, 16>}, {pipeline_mode = #tpu.pipeline_mode<synchronous>, transform_indices = @transform_16, window_bounds = array<i64: 16, 16>}]} {
    %eq3A = arith.constant 0 : i32
    %eq3A_0 = arith.cmpi eq, %arg0, %eq3A : i32
    %eq3A_1 = arith.constant 0 : i32
    %eq3A_2 = arith.cmpi eq, %arg1, %eq3A_1 : i32
    %and3A = arith.andi %eq3A_0, %eq3A_2 : i1
    %convert_element_type3A = arith.extui %and3A : i1 to i32
    %cond3A = arith.constant 0 : i32
    %cond3A_3 = arith.cmpi ne, %convert_element_type3A, %cond3A : i32
    scf.if %cond3A_3 {
      %broadcast_in_dim3A_56 = arith.constant 0.000000e+00 : f32
      %broadcast_in_dim3A_57 = vector.broadcast %broadcast_in_dim3A_56 : f32 to vector<4x16x128xf32>
      %swap3A_58 = arith.constant 0 : index
      %swap3A_59 = arith.constant 0 : index
      %swap3A_60 = arith.constant 0 : index
      %swap3A_61 = vector.load %arg19[%swap3A_58, %swap3A_59, %swap3A_60] : memref<4x16x128xf32, #tpu.memory_space<vmem>>, vector<4x16x128xf32>
      tpu.vector_store %arg19[%swap3A_58, %swap3A_59, %swap3A_60], %broadcast_in_dim3A_57 {strides = array<i32>} : memref<4x16x128xf32, #tpu.memory_space<vmem>>, vector<4x16x128xf32>,
      %broadcast_in_dim3A_62 = arith.constant 0.000000e+00 : f32
      %broadcast_in_dim3A_63 = vector.broadcast %broadcast_in_dim3A_62 : f32 to vector<16x1xf32>
      %swap3A_64 = arith.constant 0 : index
      %swap3A_65 = arith.constant 0 : index
      %swap3A_66 = vector.load %arg20[%swap3A_64, %swap3A_65] : memref<16x1xf32, #tpu.memory_space<vmem>>, vector<16x1xf32>
      tpu.vector_store %arg20[%swap3A_64, %swap3A_65], %broadcast_in_dim3A_63 {strides = array<i32>} : memref<16x1xf32, #tpu.memory_space<vmem>>, vector<16x1xf32>,
    } else {
    }
    %get3A = arith.constant 0 : index
    %get3A_4 = arith.constant 0 : index
    %get3A_5 = vector.load %arg5[%get3A, %get3A_4] : memref<2048x1xf32, #tpu.memory_space<vmem>>, vector<2048x1xf32>
    %get3A_6 = arith.constant 0 : index
    %get3A_7 = arith.constant 0 : index
    %get3A_8 = vector.load %arg3[%get3A_6, %get3A_7] : memref<2048x128xf32, #tpu.memory_space<vmem>>, vector<2048x128xf32>
    %get3A_9 = arith.constant 0 : index
    %get3A_10 = arith.constant 0 : index
    %get3A_11 = vector.load %arg4[%get3A_9, %get3A_10] : memref<2048x128xf32, #tpu.memory_space<vmem>>, vector<2048x128xf32>
    %add3A = arith.addf %get3A_8, %get3A_11 : vector<2048x128xf32>
    %get3A_12 = arith.constant 0 : index
    %get3A_13 = arith.constant 0 : index
    %get3A_14 = vector.load %arg2[%get3A_12, %get3A_13] : memref<2048x128xf32, #tpu.memory_space<vmem>>, vector<2048x128xf32>
    %sub3A = arith.subf %add3A, %get3A_14 : vector<2048x128xf32>
    %mul3A = vector.broadcast %get3A_5 : vector<2048x1xf32> to vector<2048x128xf32>
    %mul3A_15 = arith.mulf %sub3A, %mul3A : vector<2048x128xf32>
    %get3A_16 = arith.constant 0 : index
    %get3A_17 = arith.constant 0 : index
    %get3A_18 = vector.load %arg6[%get3A_16, %get3A_17] : memref<1x128xf32, #tpu.memory_space<vmem>>, vector<1x128xf32>
    %add3A_19 = vector.broadcast %get3A_18 : vector<1x128xf32> to vector<2048x128xf32>
    %add3A_20 = arith.addf %mul3A_15, %add3A_19 : vector<2048x128xf32>
    %max3A = arith.constant 0.000000e+00 : f32
    %max3A_21 = vector.broadcast %max3A : f32 to vector<2048x128xf32>
    %max3A_22 = arith.maximumf %add3A_20, %max3A_21 : vector<2048x128xf32>
    %get3A_23 = arith.constant 0 : index
    %get3A_24 = arith.constant 0 : index
    %get3A_25 = arith.constant 0 : index
    %get3A_26 = vector.load %arg7[%get3A_23, %get3A_24, %get3A_25] : memref<1x1x2048xi32, #tpu.memory_space<vmem>>, vector<1x1x2048xi32>
    %get3A_27 = vector.shape_cast %get3A_26 : vector<1x1x2048xi32> to vector<2048xi32>
    %broadcast_in_dim3A = vector.shape_cast %get3A_27 : vector<2048xi32> to vector<2048x1xi32>
    %iota3A = tpu.iota {dimensions = array<i32: 1>} : vector<1x16xi32>
    %eq3A_28 = vector.broadcast %broadcast_in_dim3A : vector<2048x1xi32> to vector<2048x16xi32>
    %eq3A_29 = vector.broadcast %iota3A : vector<1x16xi32> to vector<2048x16xi32>
    %eq3A_30 = arith.cmpi eq, %eq3A_28, %eq3A_29 : vector<2048x16xi32>
    %convert_element_type3A_31 = arith.extui %eq3A_30 : vector<2048x16xi1> to vector<2048x16xi32>
    %convert_element_type3A_32 = arith.sitofp %convert_element_type3A_31 : vector<2048x16xi32> to vector<2048x16xf32>
    %dot_general3A = arith.constant dense<0.000000e+00> : vector<16x128xf32>
    %dot_general3A_33 = tpu.matmul %convert_element_type3A_32, %max3A_22, %dot_general3A {dimension_numbers = #tpu.dot_dimension_numbers<[0], [0], [1], [1], [0, 1, 1, 1], [], []>, transpose_lhs_hint = false} : vector<2048x16xf32>, vector<2048x128xf32>, vector<16x128xf32> -> vector<16x128xf32>
    %get3A_34 = arith.index_cast %arg0 : i32 to index
    %get3A_35 = arith.constant 0 : index
    %get3A_36 = arith.constant 0 : index
    %get3A_37 = vector.load %arg19[%get3A_34, %get3A_35, %get3A_36] : memref<4x16x128xf32, #tpu.memory_space<vmem>>, vector<1x16x128xf32>
    %broadcast_in_dim3A_38 = vector.shape_cast %dot_general3A_33 : vector<16x128xf32> to vector<1x16x128xf32>
    %add3A_39 = arith.addf %get3A_37, %broadcast_in_dim3A_38 : vector<1x16x128xf32>
    %swap3A = arith.index_cast %arg0 : i32 to index
    %swap3A_40 = arith.constant 0 : index
    %swap3A_41 = arith.constant 0 : index
    %swap3A_42 = vector.load %arg19[%swap3A, %swap3A_40, %swap3A_41] : memref<4x16x128xf32, #tpu.memory_space<vmem>>, vector<1x16x128xf32>
    tpu.vector_store %arg19[%swap3A, %swap3A_40, %swap3A_41], %add3A_39 {strides = array<i32>} : memref<4x16x128xf32, #tpu.memory_space<vmem>>, vector<1x16x128xf32>,
    %eq3A_43 = arith.constant 0 : i32
    %eq3A_44 = arith.cmpi eq, %arg0, %eq3A_43 : i32
    %convert_element_type3A_45 = arith.extui %eq3A_44 : i1 to i32
    %cond3A_46 = arith.constant 0 : i32
    %cond3A_47 = arith.cmpi ne, %convert_element_type3A_45, %cond3A_46 : i32
    scf.if %cond3A_47 {
      %broadcast_in_dim3A_56 = arith.constant 1.000000e+00 : f32
      %broadcast_in_dim3A_57 = vector.broadcast %broadcast_in_dim3A_56 : f32 to vector<2048x1xf32>
      %get3A_58 = arith.constant 0 : index
      %get3A_59 = arith.constant 0 : index
      %get3A_60 = vector.load %arg20[%get3A_58, %get3A_59] : memref<16x1xf32, #tpu.memory_space<vmem>>, vector<16x1xf32>
      %dot_general3A_61 = arith.constant dense<0.000000e+00> : vector<16x1xf32>
      %dot_general3A_62 = tpu.matmul %convert_element_type3A_32, %broadcast_in_dim3A_57, %dot_general3A_61 {dimension_numbers = #tpu.dot_dimension_numbers<[0], [0], [1], [1], [0, 1, 1, 1], [], []>, transpose_lhs_hint = false} : vector<2048x16xf32>, vector<2048x1xf32>, vector<16x1xf32> -> vector<16x1xf32>
      %add3A_63 = arith.addf %get3A_60, %dot_general3A_62 : vector<16x1xf32>
      %swap3A_64 = arith.constant 0 : index
      %swap3A_65 = arith.constant 0 : index
      %swap3A_66 = vector.load %arg20[%swap3A_64, %swap3A_65] : memref<16x1xf32, #tpu.memory_space<vmem>>, vector<16x1xf32>
      tpu.vector_store %arg20[%swap3A_64, %swap3A_65], %add3A_63 {strides = array<i32>} : memref<16x1xf32, #tpu.memory_space<vmem>>, vector<16x1xf32>,
    } else {
    }
    %eq3A_48 = arith.constant 3 : i32
    %eq3A_49 = arith.cmpi eq, %arg0, %eq3A_48 : i32
    %eq3A_50 = arith.constant 4 : i32
    %eq3A_51 = arith.cmpi eq, %arg1, %eq3A_50 : i32
    %and3A_52 = arith.andi %eq3A_49, %eq3A_51 : i1
    %convert_element_type3A_53 = arith.extui %and3A_52 : i1 to i32
    %cond3A_54 = arith.constant 0 : i32
    %cond3A_55 = arith.cmpi ne, %convert_element_type3A_53, %cond3A_54 : i32
    scf.if %cond3A_55 {
      %get3A_56 = arith.constant 0 : index
      %get3A_57 = arith.constant 0 : index
      %get3A_58 = vector.load %arg20[%get3A_56, %get3A_57] : memref<16x1xf32, #tpu.memory_space<vmem>>, vector<16x1xf32>
      %max3A_59 = arith.constant 1.000000e+00 : f32
      %max3A_60 = vector.broadcast %max3A_59 : f32 to vector<16x1xf32>
      %max3A_61 = arith.maximumf %get3A_58, %max3A_60 : vector<16x1xf32>
      %get3A_62 = arith.constant 0 : index
      %get3A_63 = arith.constant 0 : index
      %get3A_64 = arith.constant 0 : index
      %get3A_65 = vector.load %arg19[%get3A_62, %get3A_63, %get3A_64] : memref<4x16x128xf32, #tpu.memory_space<vmem>>, vector<4x16x128xf32>
      %broadcast_in_dim3A_66 = vector.shape_cast %max3A_61 : vector<16x1xf32> to vector<1x16x1xf32>
      %div3A = vector.broadcast %broadcast_in_dim3A_66 : vector<1x16x1xf32> to vector<4x16x128xf32>
      %div3A_67 = arith.divf %get3A_65, %div3A : vector<4x16x128xf32>
      %broadcast_in_dim3A_68 = arith.constant 0.000000e+00 : f32
      %broadcast_in_dim3A_69 = vector.broadcast %broadcast_in_dim3A_68 : f32 to vector<16x128xf32>
      %slice3A = vector.extract_strided_slice %div3A_67 {offsets = [0, 0, 0], sizes = [1, 16, 128], strides = [1, 1, 1]} : vector<4x16x128xf32> to vector<1x16x128xf32>
      %squeeze3A = vector.shape_cast %slice3A : vector<1x16x128xf32> to vector<16x128xf32>
      %get3A_70 = arith.constant 0 : index
      %get3A_71 = arith.constant 0 : index
      %get3A_72 = vector.load %arg8[%get3A_70, %get3A_71] : memref<384x128xf32, #tpu.memory_space<vmem>>, vector<384x128xf32>
      %get3A_73 = arith.constant 0 : index
      %get3A_74 = arith.constant 0 : index
      %get3A_75 = vector.load %arg9[%get3A_73, %get3A_74] : memref<384x128xf32, #tpu.memory_space<vmem>>, vector<384x128xf32>
      %get3A_76 = arith.constant 0 : index
      %get3A_77 = arith.constant 0 : index
      %get3A_78 = vector.load %arg10[%get3A_76, %get3A_77] : memref<1x384xf32, #tpu.memory_space<vmem>>, vector<1x384xf32>
      %get3A_79 = arith.constant 0 : index
      %get3A_80 = arith.constant 0 : index
      %get3A_81 = vector.load %arg11[%get3A_79, %get3A_80] : memref<1x384xf32, #tpu.memory_space<vmem>>, vector<1x384xf32>
      %dot_general3A_82 = arith.constant dense<0.000000e+00> : vector<16x384xf32>
      %dot_general3A_83 = tpu.matmul %squeeze3A, %get3A_72, %dot_general3A_82 {dimension_numbers = #tpu.dot_dimension_numbers<[1], [1], [0], [0], [0, 0, 1, 0], [], []>, transpose_lhs_hint = false} : vector<16x128xf32>, vector<384x128xf32>, vector<16x384xf32> -> vector<16x384xf32>
      %add3A_84 = vector.broadcast %get3A_78 : vector<1x384xf32> to vector<16x384xf32>
      %add3A_85 = arith.addf %dot_general3A_83, %add3A_84 : vector<16x384xf32>
      %dot_general3A_86 = arith.constant dense<0.000000e+00> : vector<16x384xf32>
      %dot_general3A_87 = tpu.matmul %broadcast_in_dim3A_69, %get3A_75, %dot_general3A_86 {dimension_numbers = #tpu.dot_dimension_numbers<[1], [1], [0], [0], [0, 0, 1, 0], [], []>, transpose_lhs_hint = false} : vector<16x128xf32>, vector<384x128xf32>, vector<16x384xf32> -> vector<16x384xf32>
      %add3A_88 = vector.broadcast %get3A_81 : vector<1x384xf32> to vector<16x384xf32>
      %add3A_89 = arith.addf %dot_general3A_87, %add3A_88 : vector<16x384xf32>
      %slice3A_90 = vector.extract_strided_slice %add3A_85 {offsets = [0, 0], sizes = [16, 128], strides = [1, 1]} : vector<16x384xf32> to vector<16x128xf32>
      %slice3A_91 = vector.extract_strided_slice %add3A_89 {offsets = [0, 0], sizes = [16, 128], strides = [1, 1]} : vector<16x384xf32> to vector<16x128xf32>
      %add3A_92 = arith.addf %slice3A_90, %slice3A_91 : vector<16x128xf32>
      %logistic3A = arith.negf %add3A_92 : vector<16x128xf32>
      %logistic3A_93 = math.exp %logistic3A : vector<16x128xf32>
      %logistic3A_94 = arith.constant 1.000000e+00 : f32
      %logistic3A_95 = vector.broadcast %logistic3A_94 : f32 to vector<16x128xf32>
      %logistic3A_96 = arith.addf %logistic3A_95, %logistic3A_93 : vector<16x128xf32>
      %logistic3A_97 = arith.divf %logistic3A_95, %logistic3A_96 : vector<16x128xf32>
      %slice3A_98 = vector.extract_strided_slice %add3A_85 {offsets = [0, 128], sizes = [16, 128], strides = [1, 1]} : vector<16x384xf32> to vector<16x128xf32>
      %slice3A_99 = vector.extract_strided_slice %add3A_89 {offsets = [0, 128], sizes = [16, 128], strides = [1, 1]} : vector<16x384xf32> to vector<16x128xf32>
      %add3A_100 = arith.addf %slice3A_98, %slice3A_99 : vector<16x128xf32>
      %logistic3A_101 = arith.negf %add3A_100 : vector<16x128xf32>
      %logistic3A_102 = math.exp %logistic3A_101 : vector<16x128xf32>
      %logistic3A_103 = arith.constant 1.000000e+00 : f32
      %logistic3A_104 = vector.broadcast %logistic3A_103 : f32 to vector<16x128xf32>
      %logistic3A_105 = arith.addf %logistic3A_104, %logistic3A_102 : vector<16x128xf32>
      %logistic3A_106 = arith.divf %logistic3A_104, %logistic3A_105 : vector<16x128xf32>
      %slice3A_107 = vector.extract_strided_slice %add3A_85 {offsets = [0, 256], sizes = [16, 128], strides = [1, 1]} : vector<16x384xf32> to vector<16x128xf32>
      %slice3A_108 = vector.extract_strided_slice %add3A_89 {offsets = [0, 256], sizes = [16, 128], strides = [1, 1]} : vector<16x384xf32> to vector<16x128xf32>
      %mul3A_109 = arith.mulf %logistic3A_97, %slice3A_108 : vector<16x128xf32>
      %add3A_110 = arith.addf %slice3A_107, %mul3A_109 : vector<16x128xf32>
      %tanh3A = math.tanh %add3A_110 : vector<16x128xf32>
      %sub3A_111 = arith.constant 1.000000e+00 : f32
      %sub3A_112 = vector.broadcast %sub3A_111 : f32 to vector<16x128xf32>
      %sub3A_113 = arith.subf %sub3A_112, %logistic3A_106 : vector<16x128xf32>
      %mul3A_114 = arith.mulf %sub3A_113, %tanh3A : vector<16x128xf32>
      %mul3A_115 = arith.mulf %logistic3A_106, %broadcast_in_dim3A_69 : vector<16x128xf32>
      %add3A_116 = arith.addf %mul3A_114, %mul3A_115 : vector<16x128xf32>
      %slice3A_117 = vector.extract_strided_slice %div3A_67 {offsets = [1, 0, 0], sizes = [1, 16, 128], strides = [1, 1, 1]} : vector<4x16x128xf32> to vector<1x16x128xf32>
      %squeeze3A_118 = vector.shape_cast %slice3A_117 : vector<1x16x128xf32> to vector<16x128xf32>
      %get3A_119 = arith.constant 0 : index
      %get3A_120 = arith.constant 0 : index
      %get3A_121 = vector.load %arg8[%get3A_119, %get3A_120] : memref<384x128xf32, #tpu.memory_space<vmem>>, vector<384x128xf32>
      %get3A_122 = arith.constant 0 : index
      %get3A_123 = arith.constant 0 : index
      %get3A_124 = vector.load %arg9[%get3A_122, %get3A_123] : memref<384x128xf32, #tpu.memory_space<vmem>>, vector<384x128xf32>
      %get3A_125 = arith.constant 0 : index
      %get3A_126 = arith.constant 0 : index
      %get3A_127 = vector.load %arg10[%get3A_125, %get3A_126] : memref<1x384xf32, #tpu.memory_space<vmem>>, vector<1x384xf32>
      %get3A_128 = arith.constant 0 : index
      %get3A_129 = arith.constant 0 : index
      %get3A_130 = vector.load %arg11[%get3A_128, %get3A_129] : memref<1x384xf32, #tpu.memory_space<vmem>>, vector<1x384xf32>
      %dot_general3A_131 = arith.constant dense<0.000000e+00> : vector<16x384xf32>
      %dot_general3A_132 = tpu.matmul %squeeze3A_118, %get3A_121, %dot_general3A_131 {dimension_numbers = #tpu.dot_dimension_numbers<[1], [1], [0], [0], [0, 0, 1, 0], [], []>, transpose_lhs_hint = false} : vector<16x128xf32>, vector<384x128xf32>, vector<16x384xf32> -> vector<16x384xf32>
      %add3A_133 = vector.broadcast %get3A_127 : vector<1x384xf32> to vector<16x384xf32>
      %add3A_134 = arith.addf %dot_general3A_132, %add3A_133 : vector<16x384xf32>
      %dot_general3A_135 = arith.constant dense<0.000000e+00> : vector<16x384xf32>
      %dot_general3A_136 = tpu.matmul %add3A_116, %get3A_124, %dot_general3A_135 {dimension_numbers = #tpu.dot_dimension_numbers<[1], [1], [0], [0], [0, 0, 1, 0], [], []>, transpose_lhs_hint = false} : vector<16x128xf32>, vector<384x128xf32>, vector<16x384xf32> -> vector<16x384xf32>
      %add3A_137 = vector.broadcast %get3A_130 : vector<1x384xf32> to vector<16x384xf32>
      %add3A_138 = arith.addf %dot_general3A_136, %add3A_137 : vector<16x384xf32>
      %slice3A_139 = vector.extract_strided_slice %add3A_134 {offsets = [0, 0], sizes = [16, 128], strides = [1, 1]} : vector<16x384xf32> to vector<16x128xf32>
      %slice3A_140 = vector.extract_strided_slice %add3A_138 {offsets = [0, 0], sizes = [16, 128], strides = [1, 1]} : vector<16x384xf32> to vector<16x128xf32>
      %add3A_141 = arith.addf %slice3A_139, %slice3A_140 : vector<16x128xf32>
      %logistic3A_142 = arith.negf %add3A_141 : vector<16x128xf32>
      %logistic3A_143 = math.exp %logistic3A_142 : vector<16x128xf32>
      %logistic3A_144 = arith.constant 1.000000e+00 : f32
      %logistic3A_145 = vector.broadcast %logistic3A_144 : f32 to vector<16x128xf32>
      %logistic3A_146 = arith.addf %logistic3A_145, %logistic3A_143 : vector<16x128xf32>
      %logistic3A_147 = arith.divf %logistic3A_145, %logistic3A_146 : vector<16x128xf32>
      %slice3A_148 = vector.extract_strided_slice %add3A_134 {offsets = [0, 128], sizes = [16, 128], strides = [1, 1]} : vector<16x384xf32> to vector<16x128xf32>
      %slice3A_149 = vector.extract_strided_slice %add3A_138 {offsets = [0, 128], sizes = [16, 128], strides = [1, 1]} : vector<16x384xf32> to vector<16x128xf32>
      %add3A_150 = arith.addf %slice3A_148, %slice3A_149 : vector<16x128xf32>
      %logistic3A_151 = arith.negf %add3A_150 : vector<16x128xf32>
      %logistic3A_152 = math.exp %logistic3A_151 : vector<16x128xf32>
      %logistic3A_153 = arith.constant 1.000000e+00 : f32
      %logistic3A_154 = vector.broadcast %logistic3A_153 : f32 to vector<16x128xf32>
      %logistic3A_155 = arith.addf %logistic3A_154, %logistic3A_152 : vector<16x128xf32>
      %logistic3A_156 = arith.divf %logistic3A_154, %logistic3A_155 : vector<16x128xf32>
      %slice3A_157 = vector.extract_strided_slice %add3A_134 {offsets = [0, 256], sizes = [16, 128], strides = [1, 1]} : vector<16x384xf32> to vector<16x128xf32>
      %slice3A_158 = vector.extract_strided_slice %add3A_138 {offsets = [0, 256], sizes = [16, 128], strides = [1, 1]} : vector<16x384xf32> to vector<16x128xf32>
      %mul3A_159 = arith.mulf %logistic3A_147, %slice3A_158 : vector<16x128xf32>
      %add3A_160 = arith.addf %slice3A_157, %mul3A_159 : vector<16x128xf32>
      %tanh3A_161 = math.tanh %add3A_160 : vector<16x128xf32>
      %sub3A_162 = arith.constant 1.000000e+00 : f32
      %sub3A_163 = vector.broadcast %sub3A_162 : f32 to vector<16x128xf32>
      %sub3A_164 = arith.subf %sub3A_163, %logistic3A_156 : vector<16x128xf32>
      %mul3A_165 = arith.mulf %sub3A_164, %tanh3A_161 : vector<16x128xf32>
      %mul3A_166 = arith.mulf %logistic3A_156, %add3A_116 : vector<16x128xf32>
      %add3A_167 = arith.addf %mul3A_165, %mul3A_166 : vector<16x128xf32>
      %slice3A_168 = vector.extract_strided_slice %div3A_67 {offsets = [2, 0, 0], sizes = [1, 16, 128], strides = [1, 1, 1]} : vector<4x16x128xf32> to vector<1x16x128xf32>
      %squeeze3A_169 = vector.shape_cast %slice3A_168 : vector<1x16x128xf32> to vector<16x128xf32>
      %get3A_170 = arith.constant 0 : index
      %get3A_171 = arith.constant 0 : index
      %get3A_172 = vector.load %arg8[%get3A_170, %get3A_171] : memref<384x128xf32, #tpu.memory_space<vmem>>, vector<384x128xf32>
      %get3A_173 = arith.constant 0 : index
      %get3A_174 = arith.constant 0 : index
      %get3A_175 = vector.load %arg9[%get3A_173, %get3A_174] : memref<384x128xf32, #tpu.memory_space<vmem>>, vector<384x128xf32>
      %get3A_176 = arith.constant 0 : index
      %get3A_177 = arith.constant 0 : index
      %get3A_178 = vector.load %arg10[%get3A_176, %get3A_177] : memref<1x384xf32, #tpu.memory_space<vmem>>, vector<1x384xf32>
      %get3A_179 = arith.constant 0 : index
      %get3A_180 = arith.constant 0 : index
      %get3A_181 = vector.load %arg11[%get3A_179, %get3A_180] : memref<1x384xf32, #tpu.memory_space<vmem>>, vector<1x384xf32>
      %dot_general3A_182 = arith.constant dense<0.000000e+00> : vector<16x384xf32>
      %dot_general3A_183 = tpu.matmul %squeeze3A_169, %get3A_172, %dot_general3A_182 {dimension_numbers = #tpu.dot_dimension_numbers<[1], [1], [0], [0], [0, 0, 1, 0], [], []>, transpose_lhs_hint = false} : vector<16x128xf32>, vector<384x128xf32>, vector<16x384xf32> -> vector<16x384xf32>
      %add3A_184 = vector.broadcast %get3A_178 : vector<1x384xf32> to vector<16x384xf32>
      %add3A_185 = arith.addf %dot_general3A_183, %add3A_184 : vector<16x384xf32>
      %dot_general3A_186 = arith.constant dense<0.000000e+00> : vector<16x384xf32>
      %dot_general3A_187 = tpu.matmul %add3A_167, %get3A_175, %dot_general3A_186 {dimension_numbers = #tpu.dot_dimension_numbers<[1], [1], [0], [0], [0, 0, 1, 0], [], []>, transpose_lhs_hint = false} : vector<16x128xf32>, vector<384x128xf32>, vector<16x384xf32> -> vector<16x384xf32>
      %add3A_188 = vector.broadcast %get3A_181 : vector<1x384xf32> to vector<16x384xf32>
      %add3A_189 = arith.addf %dot_general3A_187, %add3A_188 : vector<16x384xf32>
      %slice3A_190 = vector.extract_strided_slice %add3A_185 {offsets = [0, 0], sizes = [16, 128], strides = [1, 1]} : vector<16x384xf32> to vector<16x128xf32>
      %slice3A_191 = vector.extract_strided_slice %add3A_189 {offsets = [0, 0], sizes = [16, 128], strides = [1, 1]} : vector<16x384xf32> to vector<16x128xf32>
      %add3A_192 = arith.addf %slice3A_190, %slice3A_191 : vector<16x128xf32>
      %logistic3A_193 = arith.negf %add3A_192 : vector<16x128xf32>
      %logistic3A_194 = math.exp %logistic3A_193 : vector<16x128xf32>
      %logistic3A_195 = arith.constant 1.000000e+00 : f32
      %logistic3A_196 = vector.broadcast %logistic3A_195 : f32 to vector<16x128xf32>
      %logistic3A_197 = arith.addf %logistic3A_196, %logistic3A_194 : vector<16x128xf32>
      %logistic3A_198 = arith.divf %logistic3A_196, %logistic3A_197 : vector<16x128xf32>
      %slice3A_199 = vector.extract_strided_slice %add3A_185 {offsets = [0, 128], sizes = [16, 128], strides = [1, 1]} : vector<16x384xf32> to vector<16x128xf32>
      %slice3A_200 = vector.extract_strided_slice %add3A_189 {offsets = [0, 128], sizes = [16, 128], strides = [1, 1]} : vector<16x384xf32> to vector<16x128xf32>
      %add3A_201 = arith.addf %slice3A_199, %slice3A_200 : vector<16x128xf32>
      %logistic3A_202 = arith.negf %add3A_201 : vector<16x128xf32>
      %logistic3A_203 = math.exp %logistic3A_202 : vector<16x128xf32>
      %logistic3A_204 = arith.constant 1.000000e+00 : f32
      %logistic3A_205 = vector.broadcast %logistic3A_204 : f32 to vector<16x128xf32>
      %logistic3A_206 = arith.addf %logistic3A_205, %logistic3A_203 : vector<16x128xf32>
      %logistic3A_207 = arith.divf %logistic3A_205, %logistic3A_206 : vector<16x128xf32>
      %slice3A_208 = vector.extract_strided_slice %add3A_185 {offsets = [0, 256], sizes = [16, 128], strides = [1, 1]} : vector<16x384xf32> to vector<16x128xf32>
      %slice3A_209 = vector.extract_strided_slice %add3A_189 {offsets = [0, 256], sizes = [16, 128], strides = [1, 1]} : vector<16x384xf32> to vector<16x128xf32>
      %mul3A_210 = arith.mulf %logistic3A_198, %slice3A_209 : vector<16x128xf32>
      %add3A_211 = arith.addf %slice3A_208, %mul3A_210 : vector<16x128xf32>
      %tanh3A_212 = math.tanh %add3A_211 : vector<16x128xf32>
      %sub3A_213 = arith.constant 1.000000e+00 : f32
      %sub3A_214 = vector.broadcast %sub3A_213 : f32 to vector<16x128xf32>
      %sub3A_215 = arith.subf %sub3A_214, %logistic3A_207 : vector<16x128xf32>
      %mul3A_216 = arith.mulf %sub3A_215, %tanh3A_212 : vector<16x128xf32>
      %mul3A_217 = arith.mulf %logistic3A_207, %add3A_167 : vector<16x128xf32>
      %add3A_218 = arith.addf %mul3A_216, %mul3A_217 : vector<16x128xf32>
      %slice3A_219 = vector.extract_strided_slice %div3A_67 {offsets = [3, 0, 0], sizes = [1, 16, 128], strides = [1, 1, 1]} : vector<4x16x128xf32> to vector<1x16x128xf32>
      %squeeze3A_220 = vector.shape_cast %slice3A_219 : vector<1x16x128xf32> to vector<16x128xf32>
      %get3A_221 = arith.constant 0 : index
      %get3A_222 = arith.constant 0 : index
      %get3A_223 = vector.load %arg8[%get3A_221, %get3A_222] : memref<384x128xf32, #tpu.memory_space<vmem>>, vector<384x128xf32>
      %get3A_224 = arith.constant 0 : index
      %get3A_225 = arith.constant 0 : index
      %get3A_226 = vector.load %arg9[%get3A_224, %get3A_225] : memref<384x128xf32, #tpu.memory_space<vmem>>, vector<384x128xf32>
      %get3A_227 = arith.constant 0 : index
      %get3A_228 = arith.constant 0 : index
      %get3A_229 = vector.load %arg10[%get3A_227, %get3A_228] : memref<1x384xf32, #tpu.memory_space<vmem>>, vector<1x384xf32>
      %get3A_230 = arith.constant 0 : index
      %get3A_231 = arith.constant 0 : index
      %get3A_232 = vector.load %arg11[%get3A_230, %get3A_231] : memref<1x384xf32, #tpu.memory_space<vmem>>, vector<1x384xf32>
      %dot_general3A_233 = arith.constant dense<0.000000e+00> : vector<16x384xf32>
      %dot_general3A_234 = tpu.matmul %squeeze3A_220, %get3A_223, %dot_general3A_233 {dimension_numbers = #tpu.dot_dimension_numbers<[1], [1], [0], [0], [0, 0, 1, 0], [], []>, transpose_lhs_hint = false} : vector<16x128xf32>, vector<384x128xf32>, vector<16x384xf32> -> vector<16x384xf32>
      %add3A_235 = vector.broadcast %get3A_229 : vector<1x384xf32> to vector<16x384xf32>
      %add3A_236 = arith.addf %dot_general3A_234, %add3A_235 : vector<16x384xf32>
      %dot_general3A_237 = arith.constant dense<0.000000e+00> : vector<16x384xf32>
      %dot_general3A_238 = tpu.matmul %add3A_218, %get3A_226, %dot_general3A_237 {dimension_numbers = #tpu.dot_dimension_numbers<[1], [1], [0], [0], [0, 0, 1, 0], [], []>, transpose_lhs_hint = false} : vector<16x128xf32>, vector<384x128xf32>, vector<16x384xf32> -> vector<16x384xf32>
      %add3A_239 = vector.broadcast %get3A_232 : vector<1x384xf32> to vector<16x384xf32>
      %add3A_240 = arith.addf %dot_general3A_238, %add3A_239 : vector<16x384xf32>
      %slice3A_241 = vector.extract_strided_slice %add3A_236 {offsets = [0, 0], sizes = [16, 128], strides = [1, 1]} : vector<16x384xf32> to vector<16x128xf32>
      %slice3A_242 = vector.extract_strided_slice %add3A_240 {offsets = [0, 0], sizes = [16, 128], strides = [1, 1]} : vector<16x384xf32> to vector<16x128xf32>
      %add3A_243 = arith.addf %slice3A_241, %slice3A_242 : vector<16x128xf32>
      %logistic3A_244 = arith.negf %add3A_243 : vector<16x128xf32>
      %logistic3A_245 = math.exp %logistic3A_244 : vector<16x128xf32>
      %logistic3A_246 = arith.constant 1.000000e+00 : f32
      %logistic3A_247 = vector.broadcast %logistic3A_246 : f32 to vector<16x128xf32>
      %logistic3A_248 = arith.addf %logistic3A_247, %logistic3A_245 : vector<16x128xf32>
      %logistic3A_249 = arith.divf %logistic3A_247, %logistic3A_248 : vector<16x128xf32>
      %slice3A_250 = vector.extract_strided_slice %add3A_236 {offsets = [0, 128], sizes = [16, 128], strides = [1, 1]} : vector<16x384xf32> to vector<16x128xf32>
      %slice3A_251 = vector.extract_strided_slice %add3A_240 {offsets = [0, 128], sizes = [16, 128], strides = [1, 1]} : vector<16x384xf32> to vector<16x128xf32>
      %add3A_252 = arith.addf %slice3A_250, %slice3A_251 : vector<16x128xf32>
      %logistic3A_253 = arith.negf %add3A_252 : vector<16x128xf32>
      %logistic3A_254 = math.exp %logistic3A_253 : vector<16x128xf32>
      %logistic3A_255 = arith.constant 1.000000e+00 : f32
      %logistic3A_256 = vector.broadcast %logistic3A_255 : f32 to vector<16x128xf32>
      %logistic3A_257 = arith.addf %logistic3A_256, %logistic3A_254 : vector<16x128xf32>
      %logistic3A_258 = arith.divf %logistic3A_256, %logistic3A_257 : vector<16x128xf32>
      %slice3A_259 = vector.extract_strided_slice %add3A_236 {offsets = [0, 256], sizes = [16, 128], strides = [1, 1]} : vector<16x384xf32> to vector<16x128xf32>
      %slice3A_260 = vector.extract_strided_slice %add3A_240 {offsets = [0, 256], sizes = [16, 128], strides = [1, 1]} : vector<16x384xf32> to vector<16x128xf32>
      %mul3A_261 = arith.mulf %logistic3A_249, %slice3A_260 : vector<16x128xf32>
      %add3A_262 = arith.addf %slice3A_259, %mul3A_261 : vector<16x128xf32>
      %tanh3A_263 = math.tanh %add3A_262 : vector<16x128xf32>
      %sub3A_264 = arith.constant 1.000000e+00 : f32
      %sub3A_265 = vector.broadcast %sub3A_264 : f32 to vector<16x128xf32>
      %sub3A_266 = arith.subf %sub3A_265, %logistic3A_258 : vector<16x128xf32>
      %mul3A_267 = arith.mulf %sub3A_266, %tanh3A_263 : vector<16x128xf32>
      %mul3A_268 = arith.mulf %logistic3A_258, %add3A_218 : vector<16x128xf32>
      %add3A_269 = arith.addf %mul3A_267, %mul3A_268 : vector<16x128xf32>
      %broadcast_in_dim3A_270 = arith.constant 0.000000e+00 : f32
      %broadcast_in_dim3A_271 = vector.broadcast %broadcast_in_dim3A_270 : f32 to vector<16x128xf32>
      %get3A_272 = arith.constant 0 : index
      %get3A_273 = arith.constant 0 : index
      %get3A_274 = vector.load %arg12[%get3A_272, %get3A_273] : memref<384x128xf32, #tpu.memory_space<vmem>>, vector<384x128xf32>
      %get3A_275 = arith.constant 0 : index
      %get3A_276 = arith.constant 0 : index
      %get3A_277 = vector.load %arg13[%get3A_275, %get3A_276] : memref<384x128xf32, #tpu.memory_space<vmem>>, vector<384x128xf32>
      %get3A_278 = arith.constant 0 : index
      %get3A_279 = arith.constant 0 : index
      %get3A_280 = vector.load %arg14[%get3A_278, %get3A_279] : memref<1x384xf32, #tpu.memory_space<vmem>>, vector<1x384xf32>
      %get3A_281 = arith.constant 0 : index
      %get3A_282 = arith.constant 0 : index
      %get3A_283 = vector.load %arg15[%get3A_281, %get3A_282] : memref<1x384xf32, #tpu.memory_space<vmem>>, vector<1x384xf32>
      %dot_general3A_284 = arith.constant dense<0.000000e+00> : vector<16x384xf32>
      %dot_general3A_285 = tpu.matmul %add3A_116, %get3A_274, %dot_general3A_284 {dimension_numbers = #tpu.dot_dimension_numbers<[1], [1], [0], [0], [0, 0, 1, 0], [], []>, transpose_lhs_hint = false} : vector<16x128xf32>, vector<384x128xf32>, vector<16x384xf32> -> vector<16x384xf32>
      %add3A_286 = vector.broadcast %get3A_280 : vector<1x384xf32> to vector<16x384xf32>
      %add3A_287 = arith.addf %dot_general3A_285, %add3A_286 : vector<16x384xf32>
      %dot_general3A_288 = arith.constant dense<0.000000e+00> : vector<16x384xf32>
      %dot_general3A_289 = tpu.matmul %broadcast_in_dim3A_271, %get3A_277, %dot_general3A_288 {dimension_numbers = #tpu.dot_dimension_numbers<[1], [1], [0], [0], [0, 0, 1, 0], [], []>, transpose_lhs_hint = false} : vector<16x128xf32>, vector<384x128xf32>, vector<16x384xf32> -> vector<16x384xf32>
      %add3A_290 = vector.broadcast %get3A_283 : vector<1x384xf32> to vector<16x384xf32>
      %add3A_291 = arith.addf %dot_general3A_289, %add3A_290 : vector<16x384xf32>
      %slice3A_292 = vector.extract_strided_slice %add3A_287 {offsets = [0, 0], sizes = [16, 128], strides = [1, 1]} : vector<16x384xf32> to vector<16x128xf32>
      %slice3A_293 = vector.extract_strided_slice %add3A_291 {offsets = [0, 0], sizes = [16, 128], strides = [1, 1]} : vector<16x384xf32> to vector<16x128xf32>
      %add3A_294 = arith.addf %slice3A_292, %slice3A_293 : vector<16x128xf32>
      %logistic3A_295 = arith.negf %add3A_294 : vector<16x128xf32>
      %logistic3A_296 = math.exp %logistic3A_295 : vector<16x128xf32>
      %logistic3A_297 = arith.constant 1.000000e+00 : f32
      %logistic3A_298 = vector.broadcast %logistic3A_297 : f32 to vector<16x128xf32>
      %logistic3A_299 = arith.addf %logistic3A_298, %logistic3A_296 : vector<16x128xf32>
      %logistic3A_300 = arith.divf %logistic3A_298, %logistic3A_299 : vector<16x128xf32>
      %slice3A_301 = vector.extract_strided_slice %add3A_287 {offsets = [0, 128], sizes = [16, 128], strides = [1, 1]} : vector<16x384xf32> to vector<16x128xf32>
      %slice3A_302 = vector.extract_strided_slice %add3A_291 {offsets = [0, 128], sizes = [16, 128], strides = [1, 1]} : vector<16x384xf32> to vector<16x128xf32>
      %add3A_303 = arith.addf %slice3A_301, %slice3A_302 : vector<16x128xf32>
      %logistic3A_304 = arith.negf %add3A_303 : vector<16x128xf32>
      %logistic3A_305 = math.exp %logistic3A_304 : vector<16x128xf32>
      %logistic3A_306 = arith.constant 1.000000e+00 : f32
      %logistic3A_307 = vector.broadcast %logistic3A_306 : f32 to vector<16x128xf32>
      %logistic3A_308 = arith.addf %logistic3A_307, %logistic3A_305 : vector<16x128xf32>
      %logistic3A_309 = arith.divf %logistic3A_307, %logistic3A_308 : vector<16x128xf32>
      %slice3A_310 = vector.extract_strided_slice %add3A_287 {offsets = [0, 256], sizes = [16, 128], strides = [1, 1]} : vector<16x384xf32> to vector<16x128xf32>
      %slice3A_311 = vector.extract_strided_slice %add3A_291 {offsets = [0, 256], sizes = [16, 128], strides = [1, 1]} : vector<16x384xf32> to vector<16x128xf32>
      %mul3A_312 = arith.mulf %logistic3A_300, %slice3A_311 : vector<16x128xf32>
      %add3A_313 = arith.addf %slice3A_310, %mul3A_312 : vector<16x128xf32>
      %tanh3A_314 = math.tanh %add3A_313 : vector<16x128xf32>
      %sub3A_315 = arith.constant 1.000000e+00 : f32
      %sub3A_316 = vector.broadcast %sub3A_315 : f32 to vector<16x128xf32>
      %sub3A_317 = arith.subf %sub3A_316, %logistic3A_309 : vector<16x128xf32>
      %mul3A_318 = arith.mulf %sub3A_317, %tanh3A_314 : vector<16x128xf32>
      %mul3A_319 = arith.mulf %logistic3A_309, %broadcast_in_dim3A_271 : vector<16x128xf32>
      %add3A_320 = arith.addf %mul3A_318, %mul3A_319 : vector<16x128xf32>
      %get3A_321 = arith.constant 0 : index
      %get3A_322 = arith.constant 0 : index
      %get3A_323 = vector.load %arg12[%get3A_321, %get3A_322] : memref<384x128xf32, #tpu.memory_space<vmem>>, vector<384x128xf32>
      %get3A_324 = arith.constant 0 : index
      %get3A_325 = arith.constant 0 : index
      %get3A_326 = vector.load %arg13[%get3A_324, %get3A_325] : memref<384x128xf32, #tpu.memory_space<vmem>>, vector<384x128xf32>
      %get3A_327 = arith.constant 0 : index
      %get3A_328 = arith.constant 0 : index
      %get3A_329 = vector.load %arg14[%get3A_327, %get3A_328] : memref<1x384xf32, #tpu.memory_space<vmem>>, vector<1x384xf32>
      %get3A_330 = arith.constant 0 : index
      %get3A_331 = arith.constant 0 : index
      %get3A_332 = vector.load %arg15[%get3A_330, %get3A_331] : memref<1x384xf32, #tpu.memory_space<vmem>>, vector<1x384xf32>
      %dot_general3A_333 = arith.constant dense<0.000000e+00> : vector<16x384xf32>
      %dot_general3A_334 = tpu.matmul %add3A_167, %get3A_323, %dot_general3A_333 {dimension_numbers = #tpu.dot_dimension_numbers<[1], [1], [0], [0], [0, 0, 1, 0], [], []>, transpose_lhs_hint = false} : vector<16x128xf32>, vector<384x128xf32>, vector<16x384xf32> -> vector<16x384xf32>
      %add3A_335 = vector.broadcast %get3A_329 : vector<1x384xf32> to vector<16x384xf32>
      %add3A_336 = arith.addf %dot_general3A_334, %add3A_335 : vector<16x384xf32>
      %dot_general3A_337 = arith.constant dense<0.000000e+00> : vector<16x384xf32>
      %dot_general3A_338 = tpu.matmul %add3A_320, %get3A_326, %dot_general3A_337 {dimension_numbers = #tpu.dot_dimension_numbers<[1], [1], [0], [0], [0, 0, 1, 0], [], []>, transpose_lhs_hint = false} : vector<16x128xf32>, vector<384x128xf32>, vector<16x384xf32> -> vector<16x384xf32>
      %add3A_339 = vector.broadcast %get3A_332 : vector<1x384xf32> to vector<16x384xf32>
      %add3A_340 = arith.addf %dot_general3A_338, %add3A_339 : vector<16x384xf32>
      %slice3A_341 = vector.extract_strided_slice %add3A_336 {offsets = [0, 0], sizes = [16, 128], strides = [1, 1]} : vector<16x384xf32> to vector<16x128xf32>
      %slice3A_342 = vector.extract_strided_slice %add3A_340 {offsets = [0, 0], sizes = [16, 128], strides = [1, 1]} : vector<16x384xf32> to vector<16x128xf32>
      %add3A_343 = arith.addf %slice3A_341, %slice3A_342 : vector<16x128xf32>
      %logistic3A_344 = arith.negf %add3A_343 : vector<16x128xf32>
      %logistic3A_345 = math.exp %logistic3A_344 : vector<16x128xf32>
      %logistic3A_346 = arith.constant 1.000000e+00 : f32
      %logistic3A_347 = vector.broadcast %logistic3A_346 : f32 to vector<16x128xf32>
      %logistic3A_348 = arith.addf %logistic3A_347, %logistic3A_345 : vector<16x128xf32>
      %logistic3A_349 = arith.divf %logistic3A_347, %logistic3A_348 : vector<16x128xf32>
      %slice3A_350 = vector.extract_strided_slice %add3A_336 {offsets = [0, 128], sizes = [16, 128], strides = [1, 1]} : vector<16x384xf32> to vector<16x128xf32>
      %slice3A_351 = vector.extract_strided_slice %add3A_340 {offsets = [0, 128], sizes = [16, 128], strides = [1, 1]} : vector<16x384xf32> to vector<16x128xf32>
      %add3A_352 = arith.addf %slice3A_350, %slice3A_351 : vector<16x128xf32>
      %logistic3A_353 = arith.negf %add3A_352 : vector<16x128xf32>
      %logistic3A_354 = math.exp %logistic3A_353 : vector<16x128xf32>
      %logistic3A_355 = arith.constant 1.000000e+00 : f32
      %logistic3A_356 = vector.broadcast %logistic3A_355 : f32 to vector<16x128xf32>
      %logistic3A_357 = arith.addf %logistic3A_356, %logistic3A_354 : vector<16x128xf32>
      %logistic3A_358 = arith.divf %logistic3A_356, %logistic3A_357 : vector<16x128xf32>
      %slice3A_359 = vector.extract_strided_slice %add3A_336 {offsets = [0, 256], sizes = [16, 128], strides = [1, 1]} : vector<16x384xf32> to vector<16x128xf32>
      %slice3A_360 = vector.extract_strided_slice %add3A_340 {offsets = [0, 256], sizes = [16, 128], strides = [1, 1]} : vector<16x384xf32> to vector<16x128xf32>
      %mul3A_361 = arith.mulf %logistic3A_349, %slice3A_360 : vector<16x128xf32>
      %add3A_362 = arith.addf %slice3A_359, %mul3A_361 : vector<16x128xf32>
      %tanh3A_363 = math.tanh %add3A_362 : vector<16x128xf32>
      %sub3A_364 = arith.constant 1.000000e+00 : f32
      %sub3A_365 = vector.broadcast %sub3A_364 : f32 to vector<16x128xf32>
      %sub3A_366 = arith.subf %sub3A_365, %logistic3A_358 : vector<16x128xf32>
      %mul3A_367 = arith.mulf %sub3A_366, %tanh3A_363 : vector<16x128xf32>
      %mul3A_368 = arith.mulf %logistic3A_358, %add3A_320 : vector<16x128xf32>
      %add3A_369 = arith.addf %mul3A_367, %mul3A_368 : vector<16x128xf32>
      %get3A_370 = arith.constant 0 : index
      %get3A_371 = arith.constant 0 : index
      %get3A_372 = vector.load %arg12[%get3A_370, %get3A_371] : memref<384x128xf32, #tpu.memory_space<vmem>>, vector<384x128xf32>
      %get3A_373 = arith.constant 0 : index
      %get3A_374 = arith.constant 0 : index
      %get3A_375 = vector.load %arg13[%get3A_373, %get3A_374] : memref<384x128xf32, #tpu.memory_space<vmem>>, vector<384x128xf32>
      %get3A_376 = arith.constant 0 : index
      %get3A_377 = arith.constant 0 : index
      %get3A_378 = vector.load %arg14[%get3A_376, %get3A_377] : memref<1x384xf32, #tpu.memory_space<vmem>>, vector<1x384xf32>
      %get3A_379 = arith.constant 0 : index
      %get3A_380 = arith.constant 0 : index
      %get3A_381 = vector.load %arg15[%get3A_379, %get3A_380] : memref<1x384xf32, #tpu.memory_space<vmem>>, vector<1x384xf32>
      %dot_general3A_382 = arith.constant dense<0.000000e+00> : vector<16x384xf32>
      %dot_general3A_383 = tpu.matmul %add3A_218, %get3A_372, %dot_general3A_382 {dimension_numbers = #tpu.dot_dimension_numbers<[1], [1], [0], [0], [0, 0, 1, 0], [], []>, transpose_lhs_hint = false} : vector<16x128xf32>, vector<384x128xf32>, vector<16x384xf32> -> vector<16x384xf32>
      %add3A_384 = vector.broadcast %get3A_378 : vector<1x384xf32> to vector<16x384xf32>
      %add3A_385 = arith.addf %dot_general3A_383, %add3A_384 : vector<16x384xf32>
      %dot_general3A_386 = arith.constant dense<0.000000e+00> : vector<16x384xf32>
      %dot_general3A_387 = tpu.matmul %add3A_369, %get3A_375, %dot_general3A_386 {dimension_numbers = #tpu.dot_dimension_numbers<[1], [1], [0], [0], [0, 0, 1, 0], [], []>, transpose_lhs_hint = false} : vector<16x128xf32>, vector<384x128xf32>, vector<16x384xf32> -> vector<16x384xf32>
      %add3A_388 = vector.broadcast %get3A_381 : vector<1x384xf32> to vector<16x384xf32>
      %add3A_389 = arith.addf %dot_general3A_387, %add3A_388 : vector<16x384xf32>
      %slice3A_390 = vector.extract_strided_slice %add3A_385 {offsets = [0, 0], sizes = [16, 128], strides = [1, 1]} : vector<16x384xf32> to vector<16x128xf32>
      %slice3A_391 = vector.extract_strided_slice %add3A_389 {offsets = [0, 0], sizes = [16, 128], strides = [1, 1]} : vector<16x384xf32> to vector<16x128xf32>
      %add3A_392 = arith.addf %slice3A_390, %slice3A_391 : vector<16x128xf32>
      %logistic3A_393 = arith.negf %add3A_392 : vector<16x128xf32>
      %logistic3A_394 = math.exp %logistic3A_393 : vector<16x128xf32>
      %logistic3A_395 = arith.constant 1.000000e+00 : f32
      %logistic3A_396 = vector.broadcast %logistic3A_395 : f32 to vector<16x128xf32>
      %logistic3A_397 = arith.addf %logistic3A_396, %logistic3A_394 : vector<16x128xf32>
      %logistic3A_398 = arith.divf %logistic3A_396, %logistic3A_397 : vector<16x128xf32>
      %slice3A_399 = vector.extract_strided_slice %add3A_385 {offsets = [0, 128], sizes = [16, 128], strides = [1, 1]} : vector<16x384xf32> to vector<16x128xf32>
      %slice3A_400 = vector.extract_strided_slice %add3A_389 {offsets = [0, 128], sizes = [16, 128], strides = [1, 1]} : vector<16x384xf32> to vector<16x128xf32>
      %add3A_401 = arith.addf %slice3A_399, %slice3A_400 : vector<16x128xf32>
      %logistic3A_402 = arith.negf %add3A_401 : vector<16x128xf32>
      %logistic3A_403 = math.exp %logistic3A_402 : vector<16x128xf32>
      %logistic3A_404 = arith.constant 1.000000e+00 : f32
      %logistic3A_405 = vector.broadcast %logistic3A_404 : f32 to vector<16x128xf32>
      %logistic3A_406 = arith.addf %logistic3A_405, %logistic3A_403 : vector<16x128xf32>
      %logistic3A_407 = arith.divf %logistic3A_405, %logistic3A_406 : vector<16x128xf32>
      %slice3A_408 = vector.extract_strided_slice %add3A_385 {offsets = [0, 256], sizes = [16, 128], strides = [1, 1]} : vector<16x384xf32> to vector<16x128xf32>
      %slice3A_409 = vector.extract_strided_slice %add3A_389 {offsets = [0, 256], sizes = [16, 128], strides = [1, 1]} : vector<16x384xf32> to vector<16x128xf32>
      %mul3A_410 = arith.mulf %logistic3A_398, %slice3A_409 : vector<16x128xf32>
      %add3A_411 = arith.addf %slice3A_408, %mul3A_410 : vector<16x128xf32>
      %tanh3A_412 = math.tanh %add3A_411 : vector<16x128xf32>
      %sub3A_413 = arith.constant 1.000000e+00 : f32
      %sub3A_414 = vector.broadcast %sub3A_413 : f32 to vector<16x128xf32>
      %sub3A_415 = arith.subf %sub3A_414, %logistic3A_407 : vector<16x128xf32>
      %mul3A_416 = arith.mulf %sub3A_415, %tanh3A_412 : vector<16x128xf32>
      %mul3A_417 = arith.mulf %logistic3A_407, %add3A_369 : vector<16x128xf32>
      %add3A_418 = arith.addf %mul3A_416, %mul3A_417 : vector<16x128xf32>
      %get3A_419 = arith.constant 0 : index
      %get3A_420 = arith.constant 0 : index
      %get3A_421 = vector.load %arg12[%get3A_419, %get3A_420] : memref<384x128xf32, #tpu.memory_space<vmem>>, vector<384x128xf32>
      %get3A_422 = arith.constant 0 : index
      %get3A_423 = arith.constant 0 : index
      %get3A_424 = vector.load %arg13[%get3A_422, %get3A_423] : memref<384x128xf32, #tpu.memory_space<vmem>>, vector<384x128xf32>
      %get3A_425 = arith.constant 0 : index
      %get3A_426 = arith.constant 0 : index
      %get3A_427 = vector.load %arg14[%get3A_425, %get3A_426] : memref<1x384xf32, #tpu.memory_space<vmem>>, vector<1x384xf32>
      %get3A_428 = arith.constant 0 : index
      %get3A_429 = arith.constant 0 : index
      %get3A_430 = vector.load %arg15[%get3A_428, %get3A_429] : memref<1x384xf32, #tpu.memory_space<vmem>>, vector<1x384xf32>
      %dot_general3A_431 = arith.constant dense<0.000000e+00> : vector<16x384xf32>
      %dot_general3A_432 = tpu.matmul %add3A_269, %get3A_421, %dot_general3A_431 {dimension_numbers = #tpu.dot_dimension_numbers<[1], [1], [0], [0], [0, 0, 1, 0], [], []>, transpose_lhs_hint = false} : vector<16x128xf32>, vector<384x128xf32>, vector<16x384xf32> -> vector<16x384xf32>
      %add3A_433 = vector.broadcast %get3A_427 : vector<1x384xf32> to vector<16x384xf32>
      %add3A_434 = arith.addf %dot_general3A_432, %add3A_433 : vector<16x384xf32>
      %dot_general3A_435 = arith.constant dense<0.000000e+00> : vector<16x384xf32>
      %dot_general3A_436 = tpu.matmul %add3A_418, %get3A_424, %dot_general3A_435 {dimension_numbers = #tpu.dot_dimension_numbers<[1], [1], [0], [0], [0, 0, 1, 0], [], []>, transpose_lhs_hint = false} : vector<16x128xf32>, vector<384x128xf32>, vector<16x384xf32> -> vector<16x384xf32>
      %add3A_437 = vector.broadcast %get3A_430 : vector<1x384xf32> to vector<16x384xf32>
      %add3A_438 = arith.addf %dot_general3A_436, %add3A_437 : vector<16x384xf32>
      %slice3A_439 = vector.extract_strided_slice %add3A_434 {offsets = [0, 0], sizes = [16, 128], strides = [1, 1]} : vector<16x384xf32> to vector<16x128xf32>
      %slice3A_440 = vector.extract_strided_slice %add3A_438 {offsets = [0, 0], sizes = [16, 128], strides = [1, 1]} : vector<16x384xf32> to vector<16x128xf32>
      %add3A_441 = arith.addf %slice3A_439, %slice3A_440 : vector<16x128xf32>
      %logistic3A_442 = arith.negf %add3A_441 : vector<16x128xf32>
      %logistic3A_443 = math.exp %logistic3A_442 : vector<16x128xf32>
      %logistic3A_444 = arith.constant 1.000000e+00 : f32
      %logistic3A_445 = vector.broadcast %logistic3A_444 : f32 to vector<16x128xf32>
      %logistic3A_446 = arith.addf %logistic3A_445, %logistic3A_443 : vector<16x128xf32>
      %logistic3A_447 = arith.divf %logistic3A_445, %logistic3A_446 : vector<16x128xf32>
      %slice3A_448 = vector.extract_strided_slice %add3A_434 {offsets = [0, 128], sizes = [16, 128], strides = [1, 1]} : vector<16x384xf32> to vector<16x128xf32>
      %slice3A_449 = vector.extract_strided_slice %add3A_438 {offsets = [0, 128], sizes = [16, 128], strides = [1, 1]} : vector<16x384xf32> to vector<16x128xf32>
      %add3A_450 = arith.addf %slice3A_448, %slice3A_449 : vector<16x128xf32>
      %logistic3A_451 = arith.negf %add3A_450 : vector<16x128xf32>
      %logistic3A_452 = math.exp %logistic3A_451 : vector<16x128xf32>
      %logistic3A_453 = arith.constant 1.000000e+00 : f32
      %logistic3A_454 = vector.broadcast %logistic3A_453 : f32 to vector<16x128xf32>
      %logistic3A_455 = arith.addf %logistic3A_454, %logistic3A_452 : vector<16x128xf32>
      %logistic3A_456 = arith.divf %logistic3A_454, %logistic3A_455 : vector<16x128xf32>
      %slice3A_457 = vector.extract_strided_slice %add3A_434 {offsets = [0, 256], sizes = [16, 128], strides = [1, 1]} : vector<16x384xf32> to vector<16x128xf32>
      %slice3A_458 = vector.extract_strided_slice %add3A_438 {offsets = [0, 256], sizes = [16, 128], strides = [1, 1]} : vector<16x384xf32> to vector<16x128xf32>
      %mul3A_459 = arith.mulf %logistic3A_447, %slice3A_458 : vector<16x128xf32>
      %add3A_460 = arith.addf %slice3A_457, %mul3A_459 : vector<16x128xf32>
      %tanh3A_461 = math.tanh %add3A_460 : vector<16x128xf32>
      %sub3A_462 = arith.constant 1.000000e+00 : f32
      %sub3A_463 = vector.broadcast %sub3A_462 : f32 to vector<16x128xf32>
      %sub3A_464 = arith.subf %sub3A_463, %logistic3A_456 : vector<16x128xf32>
      %mul3A_465 = arith.mulf %sub3A_464, %tanh3A_461 : vector<16x128xf32>
      %mul3A_466 = arith.mulf %logistic3A_456, %add3A_418 : vector<16x128xf32>
      %add3A_467 = arith.addf %mul3A_465, %mul3A_466 : vector<16x128xf32>
      %get3A_468 = arith.constant 0 : index
      %get3A_469 = arith.constant 0 : index
      %get3A_470 = vector.load %arg16[%get3A_468, %get3A_469] : memref<128x16xf32, #tpu.memory_space<vmem>>, vector<128x16xf32>
      %dot_general3A_471 = arith.constant dense<0.000000e+00> : vector<16x16xf32>
      %dot_general3A_472 = tpu.matmul %add3A_467, %get3A_470, %dot_general3A_471 {dimension_numbers = #tpu.dot_dimension_numbers<[1], [0], [0], [1], [0, 0, 1, 1], [], []>, transpose_lhs_hint = false} : vector<16x128xf32>, vector<128x16xf32>, vector<16x16xf32> -> vector<16x16xf32>
      %get3A_473 = arith.constant 0 : index
      %get3A_474 = arith.constant 0 : index
      %get3A_475 = vector.load %arg17[%get3A_473, %get3A_474] : memref<1x16xf32, #tpu.memory_space<vmem>>, vector<1x16xf32>
      %add3A_476 = vector.broadcast %get3A_475 : vector<1x16xf32> to vector<16x16xf32>
      %add3A_477 = arith.addf %dot_general3A_472, %add3A_476 : vector<16x16xf32>
      %swap3A_478 = arith.constant 0 : index
      %swap3A_479 = arith.constant 0 : index
      %swap3A_480 = vector.load %arg18[%swap3A_478, %swap3A_479] : memref<16x16xf32, #tpu.memory_space<vmem>>, vector<16x16xf32>
      tpu.vector_store %arg18[%swap3A_478, %swap3A_479], %add3A_477 {strides = array<i32>} : memref<16x16xf32, #tpu.memory_space<vmem>>, vector<16x16xf32>,
    } else {
    }
    return
  }
  func.func @transform_0(%arg0: i32, %arg1: i32) -> (i32, i32) {
    %mul3A = arith.constant 5 : i32
    %mul3A_0 = arith.muli %arg0, %mul3A : i32
    %add3A = arith.addi %mul3A_0, %arg1 : i32
    %c0_i32 = arith.constant 0 : i32
    %c0_i32_1 = arith.constant 0 : i32
    return %add3A, %c0_i32 : i32, i32
  }
  func.func @transform_1(%arg0: i32, %arg1: i32) -> (i32, i32) {
    %mul3A = arith.constant 2 : i32
    %mul3A_0 = arith.muli %arg0, %mul3A : i32
    %add3A = arith.constant 0 : i32
    %add3A_1 = arith.addi %mul3A_0, %add3A : i32
    %mul3A_2 = arith.constant 5 : i32
    %mul3A_3 = arith.muli %add3A_1, %mul3A_2 : i32
    %add3A_4 = arith.addi %mul3A_3, %arg1 : i32
    %c0_i32 = arith.constant 0 : i32
    %c0_i32_5 = arith.constant 0 : i32
    return %add3A_4, %c0_i32 : i32, i32
  }
  func.func @transform_2(%arg0: i32, %arg1: i32) -> (i32, i32) {
    %mul3A = arith.constant 2 : i32
    %mul3A_0 = arith.muli %arg0, %mul3A : i32
    %add3A = arith.constant 1 : i32
    %add3A_1 = arith.addi %mul3A_0, %add3A : i32
    %mul3A_2 = arith.constant 5 : i32
    %mul3A_3 = arith.muli %add3A_1, %mul3A_2 : i32
    %add3A_4 = arith.addi %mul3A_3, %arg1 : i32
    %c0_i32 = arith.constant 0 : i32
    %c0_i32_5 = arith.constant 0 : i32
    return %add3A_4, %c0_i32 : i32, i32
  }
  func.func @transform_3(%arg0: i32, %arg1: i32) -> (i32, i32) {
    %mul3A = arith.constant 5 : i32
    %mul3A_0 = arith.muli %arg0, %mul3A : i32
    %add3A = arith.addi %mul3A_0, %arg1 : i32
    %c0_i32 = arith.constant 0 : i32
    %c0_i32_1 = arith.constant 0 : i32
    return %add3A, %c0_i32 : i32, i32
  }
  func.func @transform_4(%arg0: i32, %arg1: i32) -> (i32, i32) {
    %c0_i32 = arith.constant 0 : i32
    %c0_i32_0 = arith.constant 0 : i32
    %c0_i32_1 = arith.constant 0 : i32
    return %c0_i32, %c0_i32_0 : i32, i32
  }
  func.func @transform_5(%arg0: i32, %arg1: i32) -> (i32, i32, i32) {
    %c0_i32 = arith.constant 0 : i32
    %c0_i32_0 = arith.constant 0 : i32
    %c0_i32_1 = arith.constant 0 : i32
    return %arg1, %c0_i32, %c0_i32_0 : i32, i32, i32
  }
  func.func @transform_6(%arg0: i32, %arg1: i32) -> (i32, i32) {
    %c0_i32 = arith.constant 0 : i32
    %c0_i32_0 = arith.constant 0 : i32
    %c0_i32_1 = arith.constant 0 : i32
    return %c0_i32, %c0_i32_0 : i32, i32
  }
  func.func @transform_7(%arg0: i32, %arg1: i32) -> (i32, i32) {
    %c0_i32 = arith.constant 0 : i32
    %c0_i32_0 = arith.constant 0 : i32
    %c0_i32_1 = arith.constant 0 : i32
    return %c0_i32, %c0_i32_0 : i32, i32
  }
  func.func @transform_8(%arg0: i32, %arg1: i32) -> (i32, i32) {
    %c0_i32 = arith.constant 0 : i32
    %c0_i32_0 = arith.constant 0 : i32
    %c0_i32_1 = arith.constant 0 : i32
    return %c0_i32, %c0_i32_0 : i32, i32
  }
  func.func @transform_9(%arg0: i32, %arg1: i32) -> (i32, i32) {
    %c0_i32 = arith.constant 0 : i32
    %c0_i32_0 = arith.constant 0 : i32
    %c0_i32_1 = arith.constant 0 : i32
    return %c0_i32, %c0_i32_0 : i32, i32
  }
  func.func @transform_10(%arg0: i32, %arg1: i32) -> (i32, i32) {
    %c0_i32 = arith.constant 0 : i32
    %c0_i32_0 = arith.constant 0 : i32
    %c0_i32_1 = arith.constant 0 : i32
    return %c0_i32, %c0_i32_0 : i32, i32
  }
  func.func @transform_11(%arg0: i32, %arg1: i32) -> (i32, i32) {
    %c0_i32 = arith.constant 0 : i32
    %c0_i32_0 = arith.constant 0 : i32
    %c0_i32_1 = arith.constant 0 : i32
    return %c0_i32, %c0_i32_0 : i32, i32
  }
  func.func @transform_12(%arg0: i32, %arg1: i32) -> (i32, i32) {
    %c0_i32 = arith.constant 0 : i32
    %c0_i32_0 = arith.constant 0 : i32
    %c0_i32_1 = arith.constant 0 : i32
    return %c0_i32, %c0_i32_0 : i32, i32
  }
  func.func @transform_13(%arg0: i32, %arg1: i32) -> (i32, i32) {
    %c0_i32 = arith.constant 0 : i32
    %c0_i32_0 = arith.constant 0 : i32
    %c0_i32_1 = arith.constant 0 : i32
    return %c0_i32, %c0_i32_0 : i32, i32
  }
  func.func @transform_14(%arg0: i32, %arg1: i32) -> (i32, i32) {
    %c0_i32 = arith.constant 0 : i32
    %c0_i32_0 = arith.constant 0 : i32
    %c0_i32_1 = arith.constant 0 : i32
    return %c0_i32, %c0_i32_0 : i32, i32
  }
  func.func @transform_15(%arg0: i32, %arg1: i32) -> (i32, i32) {
    %c0_i32 = arith.constant 0 : i32
    %c0_i32_0 = arith.constant 0 : i32
    %c0_i32_1 = arith.constant 0 : i32
    return %c0_i32, %c0_i32_0 : i32, i32
  }
  func.func @transform_16(%arg0: i32, %arg1: i32) -> (i32, i32) {
    %c0_i32 = arith.constant 0 : i32
    %c0_i32_0 = arith.constant 0 : i32
    %c0_i32_1 = arith.constant 0 : i32
    return %c0_i32, %c0_i32_0 : i32, i32
  }
}

</mosaic_0001>

<sc_bundles>
// kernel: kernel.11.cloned.1.call-start
scs
__scs_entry_jumppad:
0x0: {  	(pc) =	sbr.rel $0x88, $3  }
0x1: {  	(tag) =	ssettag $0x0;
	lr =	simm.s32 $0x1  }
0x2: {  	[smem:$0x3F90] =	sst lr;
	_ =	strace $0xD0000000  }
0x3: {  	_ = 	snop  }
0x4: {  	_ = 	snop  }
0x5: {  	_ = 	snop  }
0x6: {  	_ = 	snop  }
0x7: {  	_ = 	snop  }
__scs_overlays_trampoline_lowered:
0x8: {  	[smem:$0x3F9F] =	sst s0  }
0x9: {  	[smem:$0x3FA0] =	sst s1  }
0xa: {  	[smem:$0x3FA1] =	sst s2  }
0xb: {  	[smem:$0x3FA2] =	sst s3  }
0xc: {  	[smem:$0x3FA3] =	sst s4  }
0xd: {  	[smem:$0x3FA4] =	sst s5  }
0xe: {  	[smem:$0x3FA5] =	sst s6  }
0xf: {  	[smem:$0x3FA6] =	sst s7  }
0x10: {  	[smem:$0x3FA7] =	sst s8  }
0x11: {  	[smem:$0x3FA8] =	sst s9;
	s0 =	simm.s32 @!p0 $0x0  }
0x12: {  	s1 =	sld [smem:$0x3F8E];
	s0 =	simm.s32 @p0 $0x1  }
0x13: {  	[smem:$0x3FA9] =	sst s0;
	s0 =	simm.s32 @!p1 $0x0  }
0x14: {  	s2 =	sld [smem:$0x3F8D];
	s0 =	simm.s32 @p1 $0x1  }
0x15: {  	[smem:$0x3FAA] =	sst s0;
	s0 =	simm.s32 @!p2 $0x0  }
0x16: {  	s3 =	sld [smem:$0x3FDB];
	s0 =	simm.s32 @p2 $0x1  }
0x17: {  	s4 =	simm.s32 $0x1BF5;
	[smem:$0x3FAC] =	sst s0  }
0x18: {  	s0 =	sld [smem:$0x3F8F];
	_ =	swait.ge [sflag:s4], $0x0  }
0x19: {  	s7 =	sld [smem:$0x3F90]  }
0x1a: {  	s8 =	sadd.s32 $0xFFFFE003, lr  }
0x1b: {  	s9 =	sadd.s32 $0xFFFFFEF7, lr;
	s5 =	simm.s32 $0xFFFFFFFF;
	p2 =	slt.u32 s8, $0xFFFFF086  }
0x1c: {  	p1 =	slt.u32 s9, $0xF7A;
	s5 =	simm.s32 @!p2 $0x0  }
0x1d: {  	s5 =	simm.s32 @p1 $0x1;
	p0 =	seq.s32 s7, s2  }
0x1e: {  	s7 =	smul.u32 @!p0 $0xF7A, s2;
	p2 =	seq.s32 @!p0 s5, $0x0  }
0x1f: {  	s9 =	smul.u32 $0xF7A, s1;
	s8 =	simm.s32 @!p0 $0x1BF5;
	p2 =	por !p2, p0  }
0x20: {  	[sflag:s8] =	ssyncset.s32 @!p0 $0xFFFFF086;
	s6 =	sadd.s32 @!p0 s3, s7;
	s7 =	simm.s32 @!p0 $0x108  }
0x21: {  	s3 =	sadd.s32 s3, s9;
	s6 =	sadd.s32 @!p0 $0x88, s6;
	s7 =	simm.s32 @p2 $0x1082  }
0x22: {  	[simem:s7], [sflag:s8] =	dma.local @!p0 [hbm:s6], $0xF7A  }
0x23: {  	s9 =	sor.u32 $0xD0000000, s2;
	s6 =	simm.s32 $0x108;
	_ =	swait.ge @!p0 [sflag:s8], $0x0  }
0x24: {  	s3 =	sadd.s32 $0x88, s3;
	s6 =	simm.s32 @!p1 $0x1082;
	[sflag:s4] =	ssyncset.s32 $0xFFFFF086  }
0x25: {  	[simem:s6], [sflag:s4] =	dma.local [hbm:s3], $0xF7A  }
0x26: {  	[smem:$0x3F90] =	sst s1;
	(tag) =	ssettag s2;
	_ =	strace s9  }
0x27: {  	s1 =	sld [smem:$0x3FA0]  }
0x28: {  	s2 =	sld [smem:$0x3FA1]  }
0x29: {  	s4 =	sld [smem:$0x3FA3]  }
0x2a: {  	p0 =	seq.s32 s5, $0x0;
	s5 =	sld [smem:$0x3FA4]  }
0x2b: {  	s6 =	sld [smem:$0x3FA5]  }
0x2c: {  	s7 =	sld [smem:$0x3FA6]  }
0x2d: {  	s3 =	simm.s32 $0x108;
	s8 =	sld [smem:$0x3FA7]  }
0x2e: {  	s3 =	simm.s32 @!p0 $0x1082;
	s9 =	sld [smem:$0x3FA8]  }
0x2f: {  	lr =	sadd.s32 s0, s3;
	s0 =	sld [smem:$0x3F9F]  }
0x30: {  	s3 =	sld [smem:$0x3FA2]  }
0x31: {  	[smem:$0x3FAB] =	sst s10  }
0x32: {  	s10 =	sld [smem:$0x3FA9];
	_ =	sdelay $0x3  }
0x33: {  	p0 =	seq.s32 s10, $0x1;
	s10 =	sld [smem:$0x3FAB];
	_ =	sdelay $0x3  }
0x34: {  	[smem:$0x3FAB] =	sst s10  }
0x35: {  	s10 =	sld [smem:$0x3FAA];
	_ =	sdelay $0x3  }
0x36: {  	p1 =	seq.s32 s10, $0x1;
	s10 =	sld [smem:$0x3FAB];
	_ =	sdelay $0x3  }
0x37: {  	[smem:$0x3FAB] =	sst s10  }
0x38: {  	s10 =	sld [smem:$0x3FAC]  }
0x39: {  	_ = 	snop;
	(pc) =	sbr.ind lr, $3  }
0x3a: {  	_ = 	snop  }
0x3b: {  	_ = 	snop  }
0x3c: {  	p2 =	seq.s32 s10, $0x1;
	s10 =	sld [smem:$0x3FAB]  }
0x3d: {  	_ =	shalt  }
0x3e: {  	_ =	shalt  }
0x3f: {  	_ =	shalt  }
0x40: {  	_ =	shalt  }
0x41: {  	_ =	shalt  }
0x42: {  	_ =	shalt  }
0x43: {  	_ =	shalt  }
0x44: {  	_ =	shalt  }
0x45: {  	_ =	shalt  }
0x46: {  	_ =	shalt  }
0x47: {  	_ =	shalt  }
0x48: {  	_ =	shalt  }
0x49: {  	_ =	shalt  }
0x4a: {  	_ =	shalt  }
0x4b: {  	_ =	shalt  }
0x4c: {  	_ =	shalt  }
0x4d: {  	_ =	shalt  }
0x4e: {  	_ =	shalt  }
0x4f: {  	_ =	shalt  }
0x50: {  	_ =	shalt  }
0x51: {  	_ =	shalt  }
0x52: {  	_ =	shalt  }
0x53: {  	_ =	shalt  }
0x54: {  	_ =	shalt  }
0x55: {  	_ =	shalt  }
0x56: {  	_ =	shalt  }
0x57: {  	_ =	shalt  }
0x58: {  	_ =	shalt  }
0x59: {  	_ =	shalt  }
0x5a: {  	_ =	shalt  }
0x5b: {  	_ =	shalt  }
0x5c: {  	_ =	shalt  }
0x5d: {  	_ =	shalt  }
0x5e: {  	_ =	shalt  }
0x5f: {  	_ =	shalt  }
0x60: {  	_ =	shalt  }
0x61: {  	_ =	shalt  }
0x62: {  	_ =	shalt  }
0x63: {  	_ =	shalt  }
0x64: {  	_ =	shalt  }
0x65: {  	_ =	shalt  }
0x66: {  	_ =	shalt  }
0x67: {  	_ =	shalt  }
0x68: {  	_ =	shalt  }
0x69: {  	_ =	shalt  }
0x6a: {  	_ =	shalt  }
0x6b: {  	_ =	shalt  }
0x6c: {  	_ =	shalt  }
0x6d: {  	_ =	shalt  }
0x6e: {  	_ =	shalt  }
0x6f: {  	_ =	shalt  }
0x70: {  	_ =	shalt  }
0x71: {  	_ =	shalt  }
0x72: {  	_ =	shalt  }
0x73: {  	_ =	shalt  }
0x74: {  	_ =	shalt  }
0x75: {  	_ =	shalt  }
0x76: {  	_ =	shalt  }
0x77: {  	_ =	shalt  }
0x78: {  	_ =	shalt  }
0x79: {  	_ =	shalt  }
0x7a: {  	_ =	shalt  }
0x7b: {  	_ =	shalt  }
0x7c: {  	_ =	shalt  }
0x7d: {  	_ =	shalt  }
0x7e: {  	_ =	shalt  }
0x7f: {  	_ =	shalt  }
0x80: {  	_ =	shalt  }
0x81: {  	_ =	shalt  }
0x82: {  	_ =	shalt  }
0x83: {  	_ =	shalt  }
0x84: {  	_ =	shalt  }
0x85: {  	_ =	shalt  }
0x86: {  	_ =	shalt  }
0x87: {  	_ =	shalt  }
.Lfunc_end0:
.L_simem_size_0:
called_computation.1_lowered:
.L_overlay_start_0:
0x88: {  	s2 =	sld [smem:$0x3FD9]  }
0x89: {  	s3 =	sld [smem:$0x3FFE];
	_ =	sdelay $0x1  }
0x8a: {  	s1 =	srdreg.scid  }
0x8b: {  	s0 =	sand.u32 $0x1, s1  }
0x8c: {  	s16 =	sshll.u32 s0, $0xA;
	s2 =	sadd.s32 s3, s2  }
0x8d: {  	s2 =	sadd.s32 s2, s16  }
0x8e: {  	[smem:$0x3FB7] =	sst s2  }
0x8f: {  	_ = 	snop  }
0x90: {  	(tm) =	ssettm $0x1  }
0x91: {  	s17 =	sld [smem:$0x3FFB];
	_ =	sdelay $0x3  }
0x92: {  	_ =	strace s17  }
0x93: {  	s2 =	sld [smem:$0x3FFC];
	_ =	sdelay $0x3  }
0x94: {  	_ =	strace s2  }
0x95: {  	s2 =	sld [smem:$0x3FFD];
	_ =	sdelay $0x3  }
0x96: {  	_ =	strace s2  }
0x97: {  	_ =	strace $0x8FFFFFFF  }
0x98: {  	s18 =	sld [smem:$0x3FDB];
	_ =	sdelay $0x1  }
0x99: {  	s19 =	simm.s32 $_scs_section_size  }
0x9a: {  	s4 =	simm.s32 $_size__tile_overlayer_lowered;
	s5 =	simm.s32 $_tile_overlayer_lowered  }
0x9b: {  	s22 =	simm.s32 $0x1BFF;
	s21 =	sshll.u32 s5, $0x1;
	s2 =	sadd.s32 s19, s18  }
0x9c: {  	s6 =	simm.s32 $0x0;
	s20 =	sshll.u32 s4, $0x1;
	s4 =	sadd.s32 s21, s2  }
0x9d: {  	[timem:s6], [sflag:s22] =	dma.local [hbm:s4], s20  }
0x9e: {  	_ =	swait.ge [sflag:s22], s20  }
0x9f: {  	s3 =	ssub.s32 $0x0, s20;
	[sflag:s22] =	ssyncset.done $0x0  }
0xa0: {  	[sflag:s22] =	ssyncadd.s32 s3;
	_ =	sdelay $0x1  }
0xa1: {  	s23 =	simm.s32 $0x1B8B  }
0xa2: {  	_ =	swait.ge [sflag:s23], $0x1  }
0xa3: {  	[sflag:s23] =	ssyncset.done $0x0  }
0xa4: {  	s25 =	simm.s32 $0x1B8E;
	s24 =	sld [smem:$0x3FFE];
	[sflag:s23] =	ssyncadd.s32 $0xFFFFFFFF  }
0xa5: {  	s26 =	simm.s32 $execute0_lowered;
	[smem:$0x3FD2] =	sst s25  }
0xa6: {  	s4 =	sshll.u32 s26, $0x1;
	_ =	strace $0x80000049;
	[dreg:$0x1] =	wrdreg $0xFFFFFFFF  }
0xa7: {  	s28 =	simm.s32 $_size_execute0_lowered;
	s2 =	sadd.s32 s2, s4;
	[dreg:$0x0] =	wrdreg $0x0  }
0xa8: {  	s4 =	sshll.u32 s28, $0x1;
	[dreg:$0x2] =	wrdreg s2  }
0xa9: {  	[dreg:$0x3] =	wrdreg s4  }
0xaa: {  	[dreg:$0x4] =	wrdreg $0xC0  }
0xab: {  	_ =	task [dreg:s6], $0x5FFFF  }
0xac: {  	[dreg:$0x1] =	wrdreg $0xFFFFFFFF  }
0xad: {  	[dreg:$0x0] =	wrdreg $0x60  }
0xae: {  	[dreg:$0x2] =	wrdreg s24  }
0xaf: {  	[dreg:$0x3] =	wrdreg $0xA8000  }
0xb0: {  	[dreg:$0x4] =	wrdreg $0x9  }
0xb1: {  	_ =	task.clear_ibuf [dreg:s6], $0x5FFFF;
	_ =	strace $0x90000049  }
0xb2: {  	s29 =	simm.s32 $0x9;
	_ =	strace $0x8000004B  }
0xb3: {  	_ =	swait.ge [sflag:s29], $0x1  }
0xb4: {  	[sflag:s29] =	ssyncadd.s32 $0xFFFFFFFF  }
0xb5: {  	_ =	strace $0x9000004B  }
0xb6: {  	_ =	sfence  }
0xb7: {  	s30 =	sld [smem:$0x0];
	_ =	sdelay $0x2  }
0xb8: {  	s31 =	sshll.u32 s1, $0xD;
	s1 =	sshrl.u32 s1, $0x2  }
0xb9: {  	s3 =	sand.u32 $0x4000, s31;
	s1 =	sadd.s32 s1, s30  }
0xba: {  	s0 =	sor.u32 s3, s0;
	s1 =	sshll.u32 s1, $0x11  }
0xbb: {  	s0 =	sor.u32 s1, s0  }
0xbc: {  	s0 =	sadd.s32 $0x8F2B, s0  }
0xbd: {  	[sflag:s0] =	ssyncadd.remote.s32 $0x1  }
0xbe: {  	_ =	sfence.sel $0xFFFF  }
0xbf: {  	[dreg:$0x0] =	wrdreg $0xFFFFFFFF;
	(pc) =	sbr.abs _section_cstart, $3  }
0xc0: {  	[dreg:$0x1] =	wrdreg $0xFFFFFFFF  }
0xc1: {  	_ =	task.clear_ibuf [dreg:s6], $0x2FFFF;
	_ =	strace $0x9FFFFFFF  }
0xc2: {  	(tm) =	ssettm $0x7FFFFFFF  }
0xc3: {  	_ =	shalt  }
tec
execute0_lowered:
.L_overlay_start_1:
0x0: {  	(tag) =	ssettag $0x1  }
0x1: {  	s0 =	rddreg [dreg:$0x0]  }
0x2: {  	s1 =	rddreg [dreg:$0x1]  }
0x3: {  	s3 =	simm.s32 $0x0;
	s2 =	srdreg.scid;
	s13 =	stileid.u32  }
0x4: {  	[smem:$0x7FF] =	sst s3;
	s4 =	sadd.s32 $0x2CC00, s0;
	s5 =	smul.u32 $0x280, s13  }
0x5: {  	s2 =	sand.u32 $0x1, s2;
	s6 =	sadd.s32 $0xCF400, s0;
	s10 =	smul.u32 $0x50000, s13  }
0x6: {  	s9 =	sadd.s32 $0x4C00, s0;
	s7 =	smul.u32 $0x2800, s2;
	s8 =	sshll.u32 s2, $0x4  }
0x7: {  	s20 =	smul.u32 $0x14000, s13;
	_ =	strace $0x8000004A;
	s8 =	sor.u32 s13, s8  }
0x8: {  	s2 =	ssub.s32 $0x2, s2;
	s5 =	sadd.s32 s5, s7;
	s15 =	smul.u32 $0x2800, s8  }
0x9: {  	s11 =	sshrl.u32 s2, $0x1;
	s8 =	smul.u32 $0x500, s8;
	s5 =	sshll.u32 s5, $0x4  }
0xa: {  	s2 =	ssub.s32 s2, s11;
	s7 =	sshrl.u32 s10, $0x2;
	s0 =	sadd.s32 s5, s0  }
0xb: {  	s5 =	sshrl.u32 s15, $0x3;
	s16 =	sadd.s32 s6, s8;
	s18 =	sadd.s32 s9, s8  }
0xc: {  	s21 =	sadd.s32 $0xA000, s8;
	s24 =	sadd.s32 $0x14000, s8;
	[dreg:$0x3] =	wrdreg s16  }
0xd: {  	s8 =	sadd.s32 $0x1E000, s8;
	s17 =	sadd.s32 $0x280, s5;
	[dreg:$0x4] =	wrdreg s18  }
0xe: {  	s12 =	sadd.s32 $0xA280, s5;
	s14 =	sadd.s32 s6, s21;
	s11 =	sadd.s32 s9, s21  }
0xf: {  	s25 =	sadd.s32 $0x14280, s5;
	s26 =	sadd.s32 s6, s24;
	s5 =	sadd.s32 $0x1E280, s5  }
0x10: {  	s16 =	sadd.s32 s6, s8;
	s8 =	sadd.s32 s9, s8;
	[dreg:$0x7] =	wrdreg s14  }
0x11: {  	s18 =	sshrl.u32 s20, $0x3;
	s21 =	sadd.s32 s7, s1;
	[dreg:$0x8] =	wrdreg s11  }
0x12: {  	s20 =	smul.u32 $0x2800, s13;
	s28 =	sadd.s32 $0x147400, s0;
	[dreg:$0xb] =	wrdreg s26  }
0x13: {  	s30 =	sadd.s32 $0x197400, s0;
	s31 =	sadd.s32 $0x1E7400, s0;
	[dreg:$0xf] =	wrdreg s16  }
0x14: {  	s7 =	simm.s32 $0x2800;
	s19 =	sadd.s32 s6, s17;
	[dreg:$0x10] =	wrdreg s8  }
0x15: {  	s10 =	sadd.s32 s9, s17;
	s22 =	sadd.s32 s6, s12;
	[dreg:$0x5] =	wrdreg s19  }
0x16: {  	s23 =	sadd.s32 s9, s12;
	s11 =	sadd.s32 s9, s24;
	[dreg:$0x6] =	wrdreg s10  }
0x17: {  	s14 =	sadd.s32 s6, s25;
	s15 =	sadd.s32 s9, s25;
	[dreg:$0x9] =	wrdreg s22  }
0x18: {  	s6 =	sadd.s32 s6, s5;
	s5 =	sadd.s32 s9, s5;
	[dreg:$0xa] =	wrdreg s23  }
0x19: {  	s17 =	sshll.u32 s13, $0x6;
	s26 =	sadd.s32 $0xF7400, s0;
	[dreg:$0xc] =	wrdreg s11  }
0x1a: {  	s0 =	smax.u32 s2, $0x1;
	s2 =	simm.s32 $0x3;
	[dreg:$0xd] =	wrdreg s14  }
0x1b: {  	s8 =	simm.s32 $0x6800;
	s9 =	simm.s32 $0x1;
	[dreg:$0xe] =	wrdreg s15  }
0x1c: {  	s12 =	simm.s32 $0x2700;
	s13 =	simm.s32 $0x2780;
	[dreg:$0x11] =	wrdreg s6  }
0x1d: {  	[dreg:$0x12] =	wrdreg s5;
	s22 =	sor.u32 $0x1C03, s17;
	s19 =	sadd.s32 s4, s18  }
0x1e: {  	s29 =	sadd.s32 s4, s20;
	s5 =	simm.s32 $0x1400;
	s6 =	simm.s32 $0x80  }
0x1f: {  	s10 =	simm.s32 $0x2;
	s11 =	simm.s32 $0x1380;
	s14 =	simm.s32 $0x0  }
0x20: {  	s23 =	sadd.s32 $0x28000, s19;
	s24 =	sadd.s32 $0x50000, s19;
	s25 =	sadd.s32 $0x78000, s19  }
.LBB2_1:
0x21: {  	s15 =	sshrl.u32 s21, $0x3  }
0x22: {  	[spmem:s15], [sflag:s22] =	dma.local [hbm:s29], $0x2800  }
0x23: {  	_ =	swait.ge [sflag:s2], $0x2800  }
0x24: {  	[sflag:s2] =	ssyncset.done $0x0  }
0x25: {  	s16 =	rddreg [dreg:$0x3];
	[sflag:s2] =	ssyncadd.s32 $0xFFFFD800  }
0x26: {  	[tilespmem:s3], [sflag:$0x3] =	stream.linear.gather [hbm4b:s16+s3], $0x1400, $0x38;
	[tilespmem:$0x1E800] =	vst v63  }
0x27: {  	_ =	swait.ge [sflag:s2], $0x1400  }
0x28: {  	[sflag:s2] =	ssyncset.done $0x0  }
0x29: {  	s20 =	rddreg [dreg:$0x4];
	[sflag:s2] =	ssyncadd.s32 $0xFFFFEC00  }
0x2a: {  	[tilespmem:s5], [sflag:$0x3] =	stream.linear.gather [hbm4b:s20+s3], $0x1400, $0x38;
	[tilespmem:$0x1E800] =	vst v63  }
0x2b: {  	_ =	swait.ge [sflag:s2], $0x1400  }
0x2c: {  	[sflag:s2] =	ssyncset.done $0x0  }
0x2d: {  	[sflag:s2] =	ssyncadd.s32 $0xFFFFEC00  }
0x2e: {  	[bflag:$0x0] =	sbarrier.arrive $0xFFFF  }
0x2f: {  	[tilespmem:s7], [sflag:$0x1] =	stream.indirect.gather [hbm4b:s4+s6], $0x80, s3, s6, $0xb8;
	[tilespmem:$0x1E800] =	vst v63  }
0x30: {  	s17 =	simm.s32 $0x80  }
0x31: {  	[tilespmem:s8], [sflag:$0x2] =	stream.indirect.gather [hbm4b:s4+s6], $0x80, s17, s6, $0xb8;
	[tilespmem:$0x1E800] =	vst v63  }
0x32: {  	_ =	swait.ge [sflag:s9], $0x4000  }
0x33: {  	[sflag:s9] =	ssyncset.done $0x0  }
0x34: {  	s18 =	simm.s32 $0x1400;
	[sflag:s9] =	ssyncadd.s32 $0xFFFFC000  }
0x35: {  	[spmem:s1] =	stream.indirect.scatter.add.f32 [tilespmem:s7], [sflag:$0x3], $0x80, s18, s6, $0xb8;
	[tilespmem:$0x1E800] =	vst v63  }
0x36: {  	_ =	swait.ge [sflag:s2], $0x4000  }
0x37: {  	[sflag:s2] =	ssyncset.done $0x0  }
0x38: {  	s19 =	simm.s32 $0x100;
	[sflag:s2] =	ssyncadd.s32 $0xFFFFC000  }
0x39: {  	[tilespmem:s7], [sflag:$0x1] =	stream.indirect.gather [hbm4b:s4+s6], $0x80, s19, s6, $0xb8;
	[tilespmem:$0x1E800] =	vst v63  }
0x3a: {  	_ =	swait.ge [sflag:s10], $0x4000  }
0x3b: {  	[sflag:s10] =	ssyncset.done $0x0  }
0x3c: {  	s20 =	simm.s32 $0x1480;
	[sflag:s10] =	ssyncadd.s32 $0xFFFFC000  }
0x3d: {  	[spmem:s1] =	stream.indirect.scatter.add.f32 [tilespmem:s8], [sflag:$0x3], $0x80, s20, s6, $0xb8;
	[tilespmem:$0x1E800] =	vst v63  }
0x3e: {  	_ =	swait.ge [sflag:s2], $0x4000  }
0x3f: {  	s16 =	simm.s32 $0x100;
	s17 =	simm.s32 $0x800;
	[sflag:s2] =	ssyncset.done $0x0  }
.LBB2_2:
0x40: {  	s18 =	sadd.s32 $0x80, s16  }
0x41: {  	[sflag:s2] =	ssyncadd.s32 $0xFFFFC000;
	s19 =	smov.u32 s17;
	s20 =	sadd.s32 $0x400, s17  }
0x42: {  	[tilespmem:s8], [sflag:$0x2] =	stream.indirect.gather [hbm4b:s4+s6], $0x80, s18, s6, $0xb8;
	[tilespmem:$0x1E800] =	vst v63  }
0x43: {  	p0 =	sne.s32 s17, $0x4800;
	_ =	swait.ge [sflag:s9], $0x4000  }
0x44: {  	[sflag:s9] =	ssyncset.done $0x0  }
0x45: {  	s17 =	sadd.s32 $0x1400, s16;
	[sflag:s9] =	ssyncadd.s32 $0xFFFFC000  }
0x46: {  	[spmem:s1] =	stream.indirect.scatter.add.f32 [tilespmem:s7], [sflag:$0x3], $0x80, s17, s6, $0xb8;
	[tilespmem:$0x1E800] =	vst v63  }
0x47: {  	_ =	swait.ge [sflag:s2], $0x4000  }
0x48: {  	[sflag:s2] =	ssyncset.done $0x0  }
0x49: {  	s17 =	sadd.s32 $0x100, s16;
	[sflag:s2] =	ssyncadd.s32 $0xFFFFC000  }
0x4a: {  	[tilespmem:s7], [sflag:$0x1] =	stream.indirect.gather [hbm4b:s4+s6], $0x80, s17, s6, $0xb8;
	[tilespmem:$0x1E800] =	vst v63  }
0x4b: {  	_ =	swait.ge [sflag:s10], $0x4000  }
.Ltmp0:
0x4c: {  	[sflag:s10] =	ssyncset.done $0x0;
	(pc) =	sbr.rel @p0 .LBB2_2-.Ltmp0, $4  }
0x4d: {  	s16 =	sadd.s32 $0x1480, s16;
	[sflag:s10] =	ssyncadd.s32 $0xFFFFC000  }
0x4e: {  	[spmem:s1] =	stream.indirect.scatter.add.f32 [tilespmem:s8], [sflag:$0x3], $0x80, s16, s6, $0xb8;
	[tilespmem:$0x1E800] =	vst v63  }
0x4f: {  	_ =	swait.ge [sflag:s2], $0x4000  }
0x50: {  	s17 =	smov.u32 s20;
	s16 =	sshra.s32 s19, $0x2;
	[sflag:s2] =	ssyncset.done $0x0  }
0x51: {  	s17 =	sadd.s32 $0x80, s16;
	[sflag:s2] =	ssyncadd.s32 $0xFFFFC000  }
0x52: {  	[tilespmem:s8], [sflag:$0x2] =	stream.indirect.gather [hbm4b:s4+s6], $0x80, s17, s6, $0xb8;
	[tilespmem:$0x1E800] =	vst v63  }
0x53: {  	_ =	swait.ge [sflag:s9], $0x4000  }
0x54: {  	[sflag:s9] =	ssyncset.done $0x0  }
0x55: {  	s19 =	sadd.s32 $0x1400, s16;
	[sflag:s9] =	ssyncadd.s32 $0xFFFFC000  }
0x56: {  	[spmem:s1] =	stream.indirect.scatter.add.f32 [tilespmem:s7], [sflag:$0x3], $0x80, s19, s6, $0xb8;
	[tilespmem:$0x1E800] =	vst v63  }
0x57: {  	_ =	swait.ge [sflag:s2], $0x4000  }
0x58: {  	[sflag:s2] =	ssyncset.done $0x0  }
0x59: {  	s20 =	sadd.s32 $0x100, s16;
	[sflag:s2] =	ssyncadd.s32 $0xFFFFC000  }
0x5a: {  	[tilespmem:s7], [sflag:$0x1] =	stream.indirect.gather [hbm4b:s4+s6], $0x80, s20, s6, $0xb8;
	[tilespmem:$0x1E800] =	vst v63  }
0x5b: {  	_ =	swait.ge [sflag:s10], $0x4000  }
0x5c: {  	[sflag:s10] =	ssyncset.done $0x0  }
0x5d: {  	s17 =	sadd.s32 $0x1480, s16;
	[sflag:s10] =	ssyncadd.s32 $0xFFFFC000  }
0x5e: {  	[spmem:s1] =	stream.indirect.scatter.add.f32 [tilespmem:s8], [sflag:$0x3], $0x80, s17, s6, $0xb8;
	[tilespmem:$0x1E800] =	vst v63  }
0x5f: {  	_ =	swait.ge [sflag:s2], $0x4000  }
0x60: {  	[sflag:s2] =	ssyncset.done $0x0  }
0x61: {  	[sflag:s2] =	ssyncadd.s32 $0xFFFFC000  }
0x62: {  	[tilespmem:s8], [sflag:$0x2] =	stream.indirect.gather [hbm4b:s4+s6], $0x80, s11, s6, $0xb8;
	[tilespmem:$0x1E800] =	vst v63  }
0x63: {  	_ =	swait.ge [sflag:s9], $0x4000  }
0x64: {  	[sflag:s9] =	ssyncset.done $0x0  }
0x65: {  	[sflag:s9] =	ssyncadd.s32 $0xFFFFC000  }
0x66: {  	[spmem:s1] =	stream.indirect.scatter.add.f32 [tilespmem:s7], [sflag:$0x3], $0x80, s12, s6, $0xb8;
	[tilespmem:$0x1E800] =	vst v63  }
0x67: {  	_ =	swait.ge [sflag:s2], $0x4000  }
0x68: {  	[sflag:s2] =	ssyncset.done $0x0  }
0x69: {  	[sflag:s2] =	ssyncadd.s32 $0xFFFFC000  }
0x6a: {  	_ =	swait.ge [sflag:s10], $0x4000  }
0x6b: {  	[sflag:s10] =	ssyncset.done $0x0  }
0x6c: {  	[sflag:s10] =	ssyncadd.s32 $0xFFFFC000  }
0x6d: {  	[spmem:s1] =	stream.indirect.scatter.add.f32 [tilespmem:s8], [sflag:$0x3], $0x80, s13, s6, $0xb8;
	[tilespmem:$0x1E800] =	vst v63  }
0x6e: {  	_ =	swait.ge [sflag:s2], $0x4000  }
0x6f: {  	[sflag:s2] =	ssyncset.done $0x0  }
0x70: {  	s18 =	simm.s32 $0x0;
	s19 =	rddreg [dreg:$0x5];
	[sflag:s2] =	ssyncadd.s32 $0xFFFFC000  }
0x71: {  	[tilespmem:s18], [sflag:$0x3] =	stream.linear.gather [hbm4b:s19+s18], $0x1400, $0x38;
	[tilespmem:$0x1E800] =	vst v63  }
0x72: {  	_ =	swait.ge [sflag:s2], $0x1400  }
0x73: {  	[sflag:s2] =	ssyncset.done $0x0  }
0x74: {  	s20 =	rddreg [dreg:$0x6];
	[sflag:s2] =	ssyncadd.s32 $0xFFFFEC00  }
0x75: {  	[tilespmem:s5], [sflag:$0x3] =	stream.linear.gather [hbm4b:s20+s18], $0x1400, $0x38;
	[tilespmem:$0x1E800] =	vst v63  }
0x76: {  	_ =	swait.ge [sflag:s2], $0x1400  }
0x77: {  	[sflag:s2] =	ssyncset.done $0x0  }
0x78: {  	[sflag:s2] =	ssyncadd.s32 $0xFFFFEC00  }
0x79: {  	[tilespmem:s7], [sflag:$0x1] =	stream.indirect.gather [hbm4b:s4+s6], $0x80, s18, s6, $0xb8;
	[tilespmem:$0x1E800] =	vst v63  }
0x7a: {  	s17 =	simm.s32 $0x80  }
0x7b: {  	[tilespmem:s8], [sflag:$0x2] =	stream.indirect.gather [hbm4b:s4+s6], $0x80, s17, s6, $0xb8;
	[tilespmem:$0x1E800] =	vst v63  }
0x7c: {  	_ =	swait.ge [sflag:s9], $0x4000  }
0x7d: {  	[sflag:s9] =	ssyncset.done $0x0  }
0x7e: {  	s18 =	simm.s32 $0x1400;
	[sflag:s9] =	ssyncadd.s32 $0xFFFFC000  }
0x7f: {  	[spmem:s1] =	stream.indirect.scatter.add.f32 [tilespmem:s7], [sflag:$0x3], $0x80, s18, s6, $0xb8;
	[tilespmem:$0x1E800] =	vst v63  }
0x80: {  	_ =	swait.ge [sflag:s2], $0x4000  }
0x81: {  	[sflag:s2] =	ssyncset.done $0x0  }
0x82: {  	s19 =	simm.s32 $0x100;
	[sflag:s2] =	ssyncadd.s32 $0xFFFFC000  }
0x83: {  	[tilespmem:s7], [sflag:$0x1] =	stream.indirect.gather [hbm4b:s4+s6], $0x80, s19, s6, $0xb8;
	[tilespmem:$0x1E800] =	vst v63  }
0x84: {  	_ =	swait.ge [sflag:s10], $0x4000  }
0x85: {  	[sflag:s10] =	ssyncset.done $0x0  }
0x86: {  	s20 =	simm.s32 $0x1480;
	[sflag:s10] =	ssyncadd.s32 $0xFFFFC000  }
0x87: {  	[spmem:s1] =	stream.indirect.scatter.add.f32 [tilespmem:s8], [sflag:$0x3], $0x80, s20, s6, $0xb8;
	[tilespmem:$0x1E800] =	vst v63  }
0x88: {  	_ =	swait.ge [sflag:s2], $0x4000  }
0x89: {  	s16 =	simm.s32 $0x100;
	s17 =	simm.s32 $0x800;
	[sflag:s2] =	ssyncset.done $0x0  }
.LBB2_4:
0x8a: {  	s18 =	sadd.s32 $0x80, s16  }
0x8b: {  	[sflag:s2] =	ssyncadd.s32 $0xFFFFC000;
	s19 =	smov.u32 s17;
	s20 =	sadd.s32 $0x400, s17  }
0x8c: {  	[tilespmem:s8], [sflag:$0x2] =	stream.indirect.gather [hbm4b:s4+s6], $0x80, s18, s6, $0xb8;
	[tilespmem:$0x1E800] =	vst v63  }
0x8d: {  	p0 =	sne.s32 s17, $0x4800;
	_ =	swait.ge [sflag:s9], $0x4000  }
0x8e: {  	[sflag:s9] =	ssyncset.done $0x0  }
0x8f: {  	s17 =	sadd.s32 $0x1400, s16;
	[sflag:s9] =	ssyncadd.s32 $0xFFFFC000  }
0x90: {  	[spmem:s1] =	stream.indirect.scatter.add.f32 [tilespmem:s7], [sflag:$0x3], $0x80, s17, s6, $0xb8;
	[tilespmem:$0x1E800] =	vst v63  }
0x91: {  	_ =	swait.ge [sflag:s2], $0x4000  }
0x92: {  	[sflag:s2] =	ssyncset.done $0x0  }
0x93: {  	s17 =	sadd.s32 $0x100, s16;
	[sflag:s2] =	ssyncadd.s32 $0xFFFFC000  }
0x94: {  	[tilespmem:s7], [sflag:$0x1] =	stream.indirect.gather [hbm4b:s4+s6], $0x80, s17, s6, $0xb8;
	[tilespmem:$0x1E800] =	vst v63  }
0x95: {  	_ =	swait.ge [sflag:s10], $0x4000  }
.Ltmp1:
0x96: {  	[sflag:s10] =	ssyncset.done $0x0;
	(pc) =	sbr.rel @p0 .LBB2_4-.Ltmp1, $4  }
0x97: {  	s16 =	sadd.s32 $0x1480, s16;
	[sflag:s10] =	ssyncadd.s32 $0xFFFFC000  }
0x98: {  	[spmem:s1] =	stream.indirect.scatter.add.f32 [tilespmem:s8], [sflag:$0x3], $0x80, s16, s6, $0xb8;
	[tilespmem:$0x1E800] =	vst v63  }
0x99: {  	_ =	swait.ge [sflag:s2], $0x4000  }
0x9a: {  	s17 =	smov.u32 s20;
	s16 =	sshra.s32 s19, $0x2;
	[sflag:s2] =	ssyncset.done $0x0  }
0x9b: {  	s17 =	sadd.s32 $0x80, s16;
	[sflag:s2] =	ssyncadd.s32 $0xFFFFC000  }
0x9c: {  	[tilespmem:s8], [sflag:$0x2] =	stream.indirect.gather [hbm4b:s4+s6], $0x80, s17, s6, $0xb8;
	[tilespmem:$0x1E800] =	vst v63  }
0x9d: {  	_ =	swait.ge [sflag:s9], $0x4000  }
0x9e: {  	[sflag:s9] =	ssyncset.done $0x0  }
0x9f: {  	s19 =	sadd.s32 $0x1400, s16;
	[sflag:s9] =	ssyncadd.s32 $0xFFFFC000  }
0xa0: {  	[spmem:s1] =	stream.indirect.scatter.add.f32 [tilespmem:s7], [sflag:$0x3], $0x80, s19, s6, $0xb8;
	[tilespmem:$0x1E800] =	vst v63  }
0xa1: {  	_ =	swait.ge [sflag:s2], $0x4000  }
0xa2: {  	[sflag:s2] =	ssyncset.done $0x0  }
0xa3: {  	s20 =	sadd.s32 $0x100, s16;
	[sflag:s2] =	ssyncadd.s32 $0xFFFFC000  }
0xa4: {  	[tilespmem:s7], [sflag:$0x1] =	stream.indirect.gather [hbm4b:s4+s6], $0x80, s20, s6, $0xb8;
	[tilespmem:$0x1E800] =	vst v63  }
0xa5: {  	_ =	swait.ge [sflag:s10], $0x4000  }
0xa6: {  	[sflag:s10] =	ssyncset.done $0x0  }
0xa7: {  	s17 =	sadd.s32 $0x1480, s16;
	[sflag:s10] =	ssyncadd.s32 $0xFFFFC000  }
0xa8: {  	[spmem:s1] =	stream.indirect.scatter.add.f32 [tilespmem:s8], [sflag:$0x3], $0x80, s17, s6, $0xb8;
	[tilespmem:$0x1E800] =	vst v63  }
0xa9: {  	_ =	swait.ge [sflag:s2], $0x4000  }
0xaa: {  	[sflag:s2] =	ssyncset.done $0x0  }
0xab: {  	[sflag:s2] =	ssyncadd.s32 $0xFFFFC000  }
0xac: {  	[tilespmem:s8], [sflag:$0x2] =	stream.indirect.gather [hbm4b:s4+s6], $0x80, s11, s6, $0xb8;
	[tilespmem:$0x1E800] =	vst v63  }
0xad: {  	_ =	swait.ge [sflag:s9], $0x4000  }
0xae: {  	[sflag:s9] =	ssyncset.done $0x0  }
0xaf: {  	[sflag:s9] =	ssyncadd.s32 $0xFFFFC000  }
0xb0: {  	[spmem:s1] =	stream.indirect.scatter.add.f32 [tilespmem:s7], [sflag:$0x3], $0x80, s12, s6, $0xb8;
	[tilespmem:$0x1E800] =	vst v63  }
0xb1: {  	_ =	swait.ge [sflag:s2], $0x4000  }
0xb2: {  	[sflag:s2] =	ssyncset.done $0x0  }
0xb3: {  	[sflag:s2] =	ssyncadd.s32 $0xFFFFC000  }
0xb4: {  	_ =	swait.ge [sflag:s10], $0x4000  }
0xb5: {  	[sflag:s10] =	ssyncset.done $0x0  }
0xb6: {  	[sflag:s10] =	ssyncadd.s32 $0xFFFFC000  }
0xb7: {  	[spmem:s1] =	stream.indirect.scatter.add.f32 [tilespmem:s8], [sflag:$0x3], $0x80, s13, s6, $0xb8;
	[tilespmem:$0x1E800] =	vst v63  }
0xb8: {  	_ =	swait.ge [sflag:s2], $0x4000  }
0xb9: {  	[sflag:s2] =	ssyncset.done $0x0  }
0xba: {  	[sflag:s2] =	ssyncadd.s32 $0xFFFFC000  }
0xbb: {  	[bflag:$0x0] =	sbarrier.arrive $0xFFFF  }
0xbc: {  	[hbm:s26], [sflag:s22] =	dma.local [spmem:s15], $0x2800  }
0xbd: {  	_ =	swait.ge [sflag:s2], $0x2800  }
0xbe: {  	[sflag:s2] =	ssyncset.done $0x0  }
0xbf: {  	[sflag:s2] =	ssyncadd.s32 $0xFFFFD800  }
0xc0: {  	[bflag:$0x0] =	sbarrier.arrive $0xFFFF  }
0xc1: {  	[spmem:s15], [sflag:s22] =	dma.local [hbm:s23], $0x2800  }
0xc2: {  	_ =	swait.ge [sflag:s2], $0x2800  }
0xc3: {  	[sflag:s2] =	ssyncset.done $0x0  }
0xc4: {  	s18 =	simm.s32 $0x0;
	s19 =	rddreg [dreg:$0x7];
	[sflag:s2] =	ssyncadd.s32 $0xFFFFD800  }
0xc5: {  	[tilespmem:s18], [sflag:$0x3] =	stream.linear.gather [hbm4b:s19+s18], $0x1400, $0x38;
	[tilespmem:$0x1E800] =	vst v63  }
0xc6: {  	_ =	swait.ge [sflag:s2], $0x1400  }
0xc7: {  	[sflag:s2] =	ssyncset.done $0x0  }
0xc8: {  	s20 =	rddreg [dreg:$0x8];
	[sflag:s2] =	ssyncadd.s32 $0xFFFFEC00  }
0xc9: {  	[tilespmem:s5], [sflag:$0x3] =	stream.linear.gather [hbm4b:s20+s18], $0x1400, $0x38;
	[tilespmem:$0x1E800] =	vst v63  }
0xca: {  	_ =	swait.ge [sflag:s2], $0x1400  }
0xcb: {  	[sflag:s2] =	ssyncset.done $0x0  }
0xcc: {  	[sflag:s2] =	ssyncadd.s32 $0xFFFFEC00  }
0xcd: {  	[bflag:$0x0] =	sbarrier.arrive $0xFFFF  }
0xce: {  	[tilespmem:s7], [sflag:$0x1] =	stream.indirect.gather [hbm4b:s4+s6], $0x80, s18, s6, $0xb8;
	[tilespmem:$0x1E800] =	vst v63  }
0xcf: {  	s17 =	simm.s32 $0x80  }
0xd0: {  	[tilespmem:s8], [sflag:$0x2] =	stream.indirect.gather [hbm4b:s4+s6], $0x80, s17, s6, $0xb8;
	[tilespmem:$0x1E800] =	vst v63  }
0xd1: {  	_ =	swait.ge [sflag:s9], $0x4000  }
0xd2: {  	[sflag:s9] =	ssyncset.done $0x0  }
0xd3: {  	s18 =	simm.s32 $0x1400;
	[sflag:s9] =	ssyncadd.s32 $0xFFFFC000  }
0xd4: {  	[spmem:s1] =	stream.indirect.scatter.add.f32 [tilespmem:s7], [sflag:$0x3], $0x80, s18, s6, $0xb8;
	[tilespmem:$0x1E800] =	vst v63  }
0xd5: {  	_ =	swait.ge [sflag:s2], $0x4000  }
0xd6: {  	[sflag:s2] =	ssyncset.done $0x0  }
0xd7: {  	s19 =	simm.s32 $0x100;
	[sflag:s2] =	ssyncadd.s32 $0xFFFFC000  }
0xd8: {  	[tilespmem:s7], [sflag:$0x1] =	stream.indirect.gather [hbm4b:s4+s6], $0x80, s19, s6, $0xb8;
	[tilespmem:$0x1E800] =	vst v63  }
0xd9: {  	_ =	swait.ge [sflag:s10], $0x4000  }
0xda: {  	[sflag:s10] =	ssyncset.done $0x0  }
0xdb: {  	s20 =	simm.s32 $0x1480;
	[sflag:s10] =	ssyncadd.s32 $0xFFFFC000  }
0xdc: {  	[spmem:s1] =	stream.indirect.scatter.add.f32 [tilespmem:s8], [sflag:$0x3], $0x80, s20, s6, $0xb8;
	[tilespmem:$0x1E800] =	vst v63  }
0xdd: {  	_ =	swait.ge [sflag:s2], $0x4000  }
0xde: {  	s16 =	simm.s32 $0x100;
	s17 =	simm.s32 $0x800;
	[sflag:s2] =	ssyncset.done $0x0  }
.LBB2_6:
0xdf: {  	s18 =	sadd.s32 $0x80, s16  }
0xe0: {  	[sflag:s2] =	ssyncadd.s32 $0xFFFFC000;
	s19 =	smov.u32 s17;
	s20 =	sadd.s32 $0x400, s17  }
0xe1: {  	[tilespmem:s8], [sflag:$0x2] =	stream.indirect.gather [hbm4b:s4+s6], $0x80, s18, s6, $0xb8;
	[tilespmem:$0x1E800] =	vst v63  }
0xe2: {  	p0 =	sne.s32 s17, $0x4800;
	_ =	swait.ge [sflag:s9], $0x4000  }
0xe3: {  	[sflag:s9] =	ssyncset.done $0x0  }
0xe4: {  	s17 =	sadd.s32 $0x1400, s16;
	[sflag:s9] =	ssyncadd.s32 $0xFFFFC000  }
0xe5: {  	[spmem:s1] =	stream.indirect.scatter.add.f32 [tilespmem:s7], [sflag:$0x3], $0x80, s17, s6, $0xb8;
	[tilespmem:$0x1E800] =	vst v63  }
0xe6: {  	_ =	swait.ge [sflag:s2], $0x4000  }
0xe7: {  	[sflag:s2] =	ssyncset.done $0x0  }
0xe8: {  	s17 =	sadd.s32 $0x100, s16;
	[sflag:s2] =	ssyncadd.s32 $0xFFFFC000  }
0xe9: {  	[tilespmem:s7], [sflag:$0x1] =	stream.indirect.gather [hbm4b:s4+s6], $0x80, s17, s6, $0xb8;
	[tilespmem:$0x1E800] =	vst v63  }
0xea: {  	_ =	swait.ge [sflag:s10], $0x4000  }
.Ltmp2:
0xeb: {  	[sflag:s10] =	ssyncset.done $0x0;
	(pc) =	sbr.rel @p0 .LBB2_6-.Ltmp2, $4  }
0xec: {  	s16 =	sadd.s32 $0x1480, s16;
	[sflag:s10] =	ssyncadd.s32 $0xFFFFC000  }
0xed: {  	[spmem:s1] =	stream.indirect.scatter.add.f32 [tilespmem:s8], [sflag:$0x3], $0x80, s16, s6, $0xb8;
	[tilespmem:$0x1E800] =	vst v63  }
0xee: {  	_ =	swait.ge [sflag:s2], $0x4000  }
0xef: {  	s17 =	smov.u32 s20;
	s16 =	sshra.s32 s19, $0x2;
	[sflag:s2] =	ssyncset.done $0x0  }
0xf0: {  	s17 =	sadd.s32 $0x80, s16;
	[sflag:s2] =	ssyncadd.s32 $0xFFFFC000  }
0xf1: {  	[tilespmem:s8], [sflag:$0x2] =	stream.indirect.gather [hbm4b:s4+s6], $0x80, s17, s6, $0xb8;
	[tilespmem:$0x1E800] =	vst v63  }
0xf2: {  	_ =	swait.ge [sflag:s9], $0x4000  }
0xf3: {  	[sflag:s9] =	ssyncset.done $0x0  }
0xf4: {  	s19 =	sadd.s32 $0x1400, s16;
	[sflag:s9] =	ssyncadd.s32 $0xFFFFC000  }
0xf5: {  	[spmem:s1] =	stream.indirect.scatter.add.f32 [tilespmem:s7], [sflag:$0x3], $0x80, s19, s6, $0xb8;
	[tilespmem:$0x1E800] =	vst v63  }
0xf6: {  	_ =	swait.ge [sflag:s2], $0x4000  }
0xf7: {  	[sflag:s2] =	ssyncset.done $0x0  }
0xf8: {  	s20 =	sadd.s32 $0x100, s16;
	[sflag:s2] =	ssyncadd.s32 $0xFFFFC000  }
0xf9: {  	[tilespmem:s7], [sflag:$0x1] =	stream.indirect.gather [hbm4b:s4+s6], $0x80, s20, s6, $0xb8;
	[tilespmem:$0x1E800] =	vst v63  }
0xfa: {  	_ =	swait.ge [sflag:s10], $0x4000  }
0xfb: {  	[sflag:s10] =	ssyncset.done $0x0  }
0xfc: {  	s17 =	sadd.s32 $0x1480, s16;
	[sflag:s10] =	ssyncadd.s32 $0xFFFFC000  }
0xfd: {  	[spmem:s1] =	stream.indirect.scatter.add.f32 [tilespmem:s8], [sflag:$0x3], $0x80, s17, s6, $0xb8;
	[tilespmem:$0x1E800] =	vst v63  }
0xfe: {  	_ =	swait.ge [sflag:s2], $0x4000  }
0xff: {  	[sflag:s2] =	ssyncset.done $0x0  }
0x100: {  	[sflag:s2] =	ssyncadd.s32 $0xFFFFC000  }
0x101: {  	[tilespmem:s8], [sflag:$0x2] =	stream.indirect.gather [hbm4b:s4+s6], $0x80, s11, s6, $0xb8;
	[tilespmem:$0x1E800] =	vst v63  }
0x102: {  	_ =	swait.ge [sflag:s9], $0x4000  }
0x103: {  	[sflag:s9] =	ssyncset.done $0x0  }
0x104: {  	[sflag:s9] =	ssyncadd.s32 $0xFFFFC000  }
0x105: {  	[spmem:s1] =	stream.indirect.scatter.add.f32 [tilespmem:s7], [sflag:$0x3], $0x80, s12, s6, $0xb8;
	[tilespmem:$0x1E800] =	vst v63  }
0x106: {  	_ =	swait.ge [sflag:s2], $0x4000  }
0x107: {  	[sflag:s2] =	ssyncset.done $0x0  }
0x108: {  	[sflag:s2] =	ssyncadd.s32 $0xFFFFC000  }
0x109: {  	_ =	swait.ge [sflag:s10], $0x4000  }
0x10a: {  	[sflag:s10] =	ssyncset.done $0x0  }
0x10b: {  	[sflag:s10] =	ssyncadd.s32 $0xFFFFC000  }
0x10c: {  	[spmem:s1] =	stream.indirect.scatter.add.f32 [tilespmem:s8], [sflag:$0x3], $0x80, s13, s6, $0xb8;
	[tilespmem:$0x1E800] =	vst v63  }
0x10d: {  	_ =	swait.ge [sflag:s2], $0x4000  }
0x10e: {  	[sflag:s2] =	ssyncset.done $0x0  }
0x10f: {  	s18 =	simm.s32 $0x0;
	s19 =	rddreg [dreg:$0x9];
	[sflag:s2] =	ssyncadd.s32 $0xFFFFC000  }
0x110: {  	[tilespmem:s18], [sflag:$0x3] =	stream.linear.gather [hbm4b:s19+s18], $0x1400, $0x38;
	[tilespmem:$0x1E800] =	vst v63  }
0x111: {  	_ =	swait.ge [sflag:s2], $0x1400  }
0x112: {  	[sflag:s2] =	ssyncset.done $0x0  }
0x113: {  	s20 =	rddreg [dreg:$0xa];
	[sflag:s2] =	ssyncadd.s32 $0xFFFFEC00  }
0x114: {  	[tilespmem:s5], [sflag:$0x3] =	stream.linear.gather [hbm4b:s20+s18], $0x1400, $0x38;
	[tilespmem:$0x1E800] =	vst v63  }
0x115: {  	_ =	swait.ge [sflag:s2], $0x1400  }
0x116: {  	[sflag:s2] =	ssyncset.done $0x0  }
0x117: {  	[sflag:s2] =	ssyncadd.s32 $0xFFFFEC00  }
0x118: {  	[tilespmem:s7], [sflag:$0x1] =	stream.indirect.gather [hbm4b:s4+s6], $0x80, s18, s6, $0xb8;
	[tilespmem:$0x1E800] =	vst v63  }
0x119: {  	s17 =	simm.s32 $0x80  }
0x11a: {  	[tilespmem:s8], [sflag:$0x2] =	stream.indirect.gather [hbm4b:s4+s6], $0x80, s17, s6, $0xb8;
	[tilespmem:$0x1E800] =	vst v63  }
0x11b: {  	_ =	swait.ge [sflag:s9], $0x4000  }
0x11c: {  	[sflag:s9] =	ssyncset.done $0x0  }
0x11d: {  	s18 =	simm.s32 $0x1400;
	[sflag:s9] =	ssyncadd.s32 $0xFFFFC000  }
0x11e: {  	[spmem:s1] =	stream.indirect.scatter.add.f32 [tilespmem:s7], [sflag:$0x3], $0x80, s18, s6, $0xb8;
	[tilespmem:$0x1E800] =	vst v63  }
0x11f: {  	_ =	swait.ge [sflag:s2], $0x4000  }
0x120: {  	[sflag:s2] =	ssyncset.done $0x0  }
0x121: {  	s19 =	simm.s32 $0x100;
	[sflag:s2] =	ssyncadd.s32 $0xFFFFC000  }
0x122: {  	[tilespmem:s7], [sflag:$0x1] =	stream.indirect.gather [hbm4b:s4+s6], $0x80, s19, s6, $0xb8;
	[tilespmem:$0x1E800] =	vst v63  }
0x123: {  	_ =	swait.ge [sflag:s10], $0x4000  }
0x124: {  	[sflag:s10] =	ssyncset.done $0x0  }
0x125: {  	s20 =	simm.s32 $0x1480;
	[sflag:s10] =	ssyncadd.s32 $0xFFFFC000  }
0x126: {  	[spmem:s1] =	stream.indirect.scatter.add.f32 [tilespmem:s8], [sflag:$0x3], $0x80, s20, s6, $0xb8;
	[tilespmem:$0x1E800] =	vst v63  }
0x127: {  	_ =	swait.ge [sflag:s2], $0x4000  }
0x128: {  	s16 =	simm.s32 $0x100;
	s17 =	simm.s32 $0x800;
	[sflag:s2] =	ssyncset.done $0x0  }
.LBB2_8:
0x129: {  	s18 =	sadd.s32 $0x80, s16  }
0x12a: {  	[sflag:s2] =	ssyncadd.s32 $0xFFFFC000;
	s19 =	smov.u32 s17;
	s20 =	sadd.s32 $0x400, s17  }
0x12b: {  	[tilespmem:s8], [sflag:$0x2] =	stream.indirect.gather [hbm4b:s4+s6], $0x80, s18, s6, $0xb8;
	[tilespmem:$0x1E800] =	vst v63  }
0x12c: {  	p0 =	sne.s32 s17, $0x4800;
	_ =	swait.ge [sflag:s9], $0x4000  }
0x12d: {  	[sflag:s9] =	ssyncset.done $0x0  }
0x12e: {  	s17 =	sadd.s32 $0x1400, s16;
	[sflag:s9] =	ssyncadd.s32 $0xFFFFC000  }
0x12f: {  	[spmem:s1] =	stream.indirect.scatter.add.f32 [tilespmem:s7], [sflag:$0x3], $0x80, s17, s6, $0xb8;
	[tilespmem:$0x1E800] =	vst v63  }
0x130: {  	_ =	swait.ge [sflag:s2], $0x4000  }
0x131: {  	[sflag:s2] =	ssyncset.done $0x0  }
0x132: {  	s17 =	sadd.s32 $0x100, s16;
	[sflag:s2] =	ssyncadd.s32 $0xFFFFC000  }
0x133: {  	[tilespmem:s7], [sflag:$0x1] =	stream.indirect.gather [hbm4b:s4+s6], $0x80, s17, s6, $0xb8;
	[tilespmem:$0x1E800] =	vst v63  }
0x134: {  	_ =	swait.ge [sflag:s10], $0x4000  }
.Ltmp3:
0x135: {  	[sflag:s10] =	ssyncset.done $0x0;
	(pc) =	sbr.rel @p0 .LBB2_8-.Ltmp3, $4  }
0x136: {  	s16 =	sadd.s32 $0x1480, s16;
	[sflag:s10] =	ssyncadd.s32 $0xFFFFC000  }
0x137: {  	[spmem:s1] =	stream.indirect.scatter.add.f32 [tilespmem:s8], [sflag:$0x3], $0x80, s16, s6, $0xb8;
	[tilespmem:$0x1E800] =	vst v63  }
0x138: {  	_ =	swait.ge [sflag:s2], $0x4000  }
0x139: {  	s17 =	smov.u32 s20;
	s16 =	sshra.s32 s19, $0x2;
	[sflag:s2] =	ssyncset.done $0x0  }
0x13a: {  	s17 =	sadd.s32 $0x80, s16;
	[sflag:s2] =	ssyncadd.s32 $0xFFFFC000  }
0x13b: {  	[tilespmem:s8], [sflag:$0x2] =	stream.indirect.gather [hbm4b:s4+s6], $0x80, s17, s6, $0xb8;
	[tilespmem:$0x1E800] =	vst v63  }
0x13c: {  	_ =	swait.ge [sflag:s9], $0x4000  }
0x13d: {  	[sflag:s9] =	ssyncset.done $0x0  }
0x13e: {  	s19 =	sadd.s32 $0x1400, s16;
	[sflag:s9] =	ssyncadd.s32 $0xFFFFC000  }
0x13f: {  	[spmem:s1] =	stream.indirect.scatter.add.f32 [tilespmem:s7], [sflag:$0x3], $0x80, s19, s6, $0xb8;
	[tilespmem:$0x1E800] =	vst v63  }
0x140: {  	_ =	swait.ge [sflag:s2], $0x4000  }
0x141: {  	[sflag:s2] =	ssyncset.done $0x0  }
0x142: {  	s20 =	sadd.s32 $0x100, s16;
	[sflag:s2] =	ssyncadd.s32 $0xFFFFC000  }
0x143: {  	[tilespmem:s7], [sflag:$0x1] =	stream.indirect.gather [hbm4b:s4+s6], $0x80, s20, s6, $0xb8;
	[tilespmem:$0x1E800] =	vst v63  }
0x144: {  	_ =	swait.ge [sflag:s10], $0x4000  }
0x145: {  	[sflag:s10] =	ssyncset.done $0x0  }
0x146: {  	s17 =	sadd.s32 $0x1480, s16;
	[sflag:s10] =	ssyncadd.s32 $0xFFFFC000  }
0x147: {  	[spmem:s1] =	stream.indirect.scatter.add.f32 [tilespmem:s8], [sflag:$0x3], $0x80, s17, s6, $0xb8;
	[tilespmem:$0x1E800] =	vst v63  }
0x148: {  	_ =	swait.ge [sflag:s2], $0x4000  }
0x149: {  	[sflag:s2] =	ssyncset.done $0x0  }
0x14a: {  	[sflag:s2] =	ssyncadd.s32 $0xFFFFC000  }
0x14b: {  	[tilespmem:s8], [sflag:$0x2] =	stream.indirect.gather [hbm4b:s4+s6], $0x80, s11, s6, $0xb8;
	[tilespmem:$0x1E800] =	vst v63  }
0x14c: {  	_ =	swait.ge [sflag:s9], $0x4000  }
0x14d: {  	[sflag:s9] =	ssyncset.done $0x0  }
0x14e: {  	[sflag:s9] =	ssyncadd.s32 $0xFFFFC000  }
0x14f: {  	[spmem:s1] =	stream.indirect.scatter.add.f32 [tilespmem:s7], [sflag:$0x3], $0x80, s12, s6, $0xb8;
	[tilespmem:$0x1E800] =	vst v63  }
0x150: {  	_ =	swait.ge [sflag:s2], $0x4000  }
0x151: {  	[sflag:s2] =	ssyncset.done $0x0  }
0x152: {  	[sflag:s2] =	ssyncadd.s32 $0xFFFFC000  }
0x153: {  	_ =	swait.ge [sflag:s10], $0x4000  }
0x154: {  	[sflag:s10] =	ssyncset.done $0x0  }
0x155: {  	[sflag:s10] =	ssyncadd.s32 $0xFFFFC000  }
0x156: {  	[spmem:s1] =	stream.indirect.scatter.add.f32 [tilespmem:s8], [sflag:$0x3], $0x80, s13, s6, $0xb8;
	[tilespmem:$0x1E800] =	vst v63  }
0x157: {  	_ =	swait.ge [sflag:s2], $0x4000  }
0x158: {  	[sflag:s2] =	ssyncset.done $0x0  }
0x159: {  	[sflag:s2] =	ssyncadd.s32 $0xFFFFC000  }
0x15a: {  	[bflag:$0x0] =	sbarrier.arrive $0xFFFF  }
0x15b: {  	[hbm:s28], [sflag:s22] =	dma.local [spmem:s15], $0x2800  }
0x15c: {  	_ =	swait.ge [sflag:s2], $0x2800  }
0x15d: {  	[sflag:s2] =	ssyncset.done $0x0  }
0x15e: {  	[sflag:s2] =	ssyncadd.s32 $0xFFFFD800  }
0x15f: {  	[bflag:$0x0] =	sbarrier.arrive $0xFFFF  }
0x160: {  	[spmem:s15], [sflag:s22] =	dma.local [hbm:s24], $0x2800  }
0x161: {  	_ =	swait.ge [sflag:s2], $0x2800  }
0x162: {  	[sflag:s2] =	ssyncset.done $0x0  }
0x163: {  	s18 =	simm.s32 $0x0;
	s19 =	rddreg [dreg:$0xb];
	[sflag:s2] =	ssyncadd.s32 $0xFFFFD800  }
0x164: {  	[tilespmem:s18], [sflag:$0x3] =	stream.linear.gather [hbm4b:s19+s18], $0x1400, $0x38;
	[tilespmem:$0x1E800] =	vst v63  }
0x165: {  	_ =	swait.ge [sflag:s2], $0x1400  }
0x166: {  	[sflag:s2] =	ssyncset.done $0x0  }
0x167: {  	s20 =	rddreg [dreg:$0xc];
	[sflag:s2] =	ssyncadd.s32 $0xFFFFEC00  }
0x168: {  	[tilespmem:s5], [sflag:$0x3] =	stream.linear.gather [hbm4b:s20+s18], $0x1400, $0x38;
	[tilespmem:$0x1E800] =	vst v63  }
0x169: {  	_ =	swait.ge [sflag:s2], $0x1400  }
0x16a: {  	[sflag:s2] =	ssyncset.done $0x0  }
0x16b: {  	[sflag:s2] =	ssyncadd.s32 $0xFFFFEC00  }
0x16c: {  	[bflag:$0x0] =	sbarrier.arrive $0xFFFF  }
0x16d: {  	[tilespmem:s7], [sflag:$0x1] =	stream.indirect.gather [hbm4b:s4+s6], $0x80, s18, s6, $0xb8;
	[tilespmem:$0x1E800] =	vst v63  }
0x16e: {  	s17 =	simm.s32 $0x80  }
0x16f: {  	[tilespmem:s8], [sflag:$0x2] =	stream.indirect.gather [hbm4b:s4+s6], $0x80, s17, s6, $0xb8;
	[tilespmem:$0x1E800] =	vst v63  }
0x170: {  	_ =	swait.ge [sflag:s9], $0x4000  }
0x171: {  	[sflag:s9] =	ssyncset.done $0x0  }
0x172: {  	s18 =	simm.s32 $0x1400;
	[sflag:s9] =	ssyncadd.s32 $0xFFFFC000  }
0x173: {  	[spmem:s1] =	stream.indirect.scatter.add.f32 [tilespmem:s7], [sflag:$0x3], $0x80, s18, s6, $0xb8;
	[tilespmem:$0x1E800] =	vst v63  }
0x174: {  	_ =	swait.ge [sflag:s2], $0x4000  }
0x175: {  	[sflag:s2] =	ssyncset.done $0x0  }
0x176: {  	s19 =	simm.s32 $0x100;
	[sflag:s2] =	ssyncadd.s32 $0xFFFFC000  }
0x177: {  	[tilespmem:s7], [sflag:$0x1] =	stream.indirect.gather [hbm4b:s4+s6], $0x80, s19, s6, $0xb8;
	[tilespmem:$0x1E800] =	vst v63  }
0x178: {  	_ =	swait.ge [sflag:s10], $0x4000  }
0x179: {  	[sflag:s10] =	ssyncset.done $0x0  }
0x17a: {  	s20 =	simm.s32 $0x1480;
	[sflag:s10] =	ssyncadd.s32 $0xFFFFC000  }
0x17b: {  	[spmem:s1] =	stream.indirect.scatter.add.f32 [tilespmem:s8], [sflag:$0x3], $0x80, s20, s6, $0xb8;
	[tilespmem:$0x1E800] =	vst v63  }
0x17c: {  	_ =	swait.ge [sflag:s2], $0x4000  }
0x17d: {  	s16 =	simm.s32 $0x100;
	s17 =	simm.s32 $0x800;
	[sflag:s2] =	ssyncset.done $0x0  }
.LBB2_10:
0x17e: {  	s18 =	sadd.s32 $0x80, s16  }
0x17f: {  	[sflag:s2] =	ssyncadd.s32 $0xFFFFC000;
	s19 =	smov.u32 s17;
	s20 =	sadd.s32 $0x400, s17  }
0x180: {  	[tilespmem:s8], [sflag:$0x2] =	stream.indirect.gather [hbm4b:s4+s6], $0x80, s18, s6, $0xb8;
	[tilespmem:$0x1E800] =	vst v63  }
0x181: {  	p0 =	sne.s32 s17, $0x4800;
	_ =	swait.ge [sflag:s9], $0x4000  }
0x182: {  	[sflag:s9] =	ssyncset.done $0x0  }
0x183: {  	s17 =	sadd.s32 $0x1400, s16;
	[sflag:s9] =	ssyncadd.s32 $0xFFFFC000  }
0x184: {  	[spmem:s1] =	stream.indirect.scatter.add.f32 [tilespmem:s7], [sflag:$0x3], $0x80, s17, s6, $0xb8;
	[tilespmem:$0x1E800] =	vst v63  }
0x185: {  	_ =	swait.ge [sflag:s2], $0x4000  }
0x186: {  	[sflag:s2] =	ssyncset.done $0x0  }
0x187: {  	s17 =	sadd.s32 $0x100, s16;
	[sflag:s2] =	ssyncadd.s32 $0xFFFFC000  }
0x188: {  	[tilespmem:s7], [sflag:$0x1] =	stream.indirect.gather [hbm4b:s4+s6], $0x80, s17, s6, $0xb8;
	[tilespmem:$0x1E800] =	vst v63  }
0x189: {  	_ =	swait.ge [sflag:s10], $0x4000  }
.Ltmp4:
0x18a: {  	[sflag:s10] =	ssyncset.done $0x0;
	(pc) =	sbr.rel @p0 .LBB2_10-.Ltmp4, $4  }
0x18b: {  	s16 =	sadd.s32 $0x1480, s16;
	[sflag:s10] =	ssyncadd.s32 $0xFFFFC000  }
0x18c: {  	[spmem:s1] =	stream.indirect.scatter.add.f32 [tilespmem:s8], [sflag:$0x3], $0x80, s16, s6, $0xb8;
	[tilespmem:$0x1E800] =	vst v63  }
0x18d: {  	_ =	swait.ge [sflag:s2], $0x4000  }
0x18e: {  	s17 =	smov.u32 s20;
	s16 =	sshra.s32 s19, $0x2;
	[sflag:s2] =	ssyncset.done $0x0  }
0x18f: {  	s17 =	sadd.s32 $0x80, s16;
	[sflag:s2] =	ssyncadd.s32 $0xFFFFC000  }
0x190: {  	[tilespmem:s8], [sflag:$0x2] =	stream.indirect.gather [hbm4b:s4+s6], $0x80, s17, s6, $0xb8;
	[tilespmem:$0x1E800] =	vst v63  }
0x191: {  	_ =	swait.ge [sflag:s9], $0x4000  }
0x192: {  	[sflag:s9] =	ssyncset.done $0x0  }
0x193: {  	s19 =	sadd.s32 $0x1400, s16;
	[sflag:s9] =	ssyncadd.s32 $0xFFFFC000  }
0x194: {  	[spmem:s1] =	stream.indirect.scatter.add.f32 [tilespmem:s7], [sflag:$0x3], $0x80, s19, s6, $0xb8;
	[tilespmem:$0x1E800] =	vst v63  }
0x195: {  	_ =	swait.ge [sflag:s2], $0x4000  }
0x196: {  	[sflag:s2] =	ssyncset.done $0x0  }
0x197: {  	s20 =	sadd.s32 $0x100, s16;
	[sflag:s2] =	ssyncadd.s32 $0xFFFFC000  }
0x198: {  	[tilespmem:s7], [sflag:$0x1] =	stream.indirect.gather [hbm4b:s4+s6], $0x80, s20, s6, $0xb8;
	[tilespmem:$0x1E800] =	vst v63  }
0x199: {  	_ =	swait.ge [sflag:s10], $0x4000  }
0x19a: {  	[sflag:s10] =	ssyncset.done $0x0  }
0x19b: {  	s17 =	sadd.s32 $0x1480, s16;
	[sflag:s10] =	ssyncadd.s32 $0xFFFFC000  }
0x19c: {  	[spmem:s1] =	stream.indirect.scatter.add.f32 [tilespmem:s8], [sflag:$0x3], $0x80, s17, s6, $0xb8;
	[tilespmem:$0x1E800] =	vst v63  }
0x19d: {  	_ =	swait.ge [sflag:s2], $0x4000  }
0x19e: {  	[sflag:s2] =	ssyncset.done $0x0  }
0x19f: {  	[sflag:s2] =	ssyncadd.s32 $0xFFFFC000  }
0x1a0: {  	[tilespmem:s8], [sflag:$0x2] =	stream.indirect.gather [hbm4b:s4+s6], $0x80, s11, s6, $0xb8;
	[tilespmem:$0x1E800] =	vst v63  }
0x1a1: {  	_ =	swait.ge [sflag:s9], $0x4000  }
0x1a2: {  	[sflag:s9] =	ssyncset.done $0x0  }
0x1a3: {  	[sflag:s9] =	ssyncadd.s32 $0xFFFFC000  }
0x1a4: {  	[spmem:s1] =	stream.indirect.scatter.add.f32 [tilespmem:s7], [sflag:$0x3], $0x80, s12, s6, $0xb8;
	[tilespmem:$0x1E800] =	vst v63  }
0x1a5: {  	_ =	swait.ge [sflag:s2], $0x4000  }
0x1a6: {  	[sflag:s2] =	ssyncset.done $0x0  }
0x1a7: {  	[sflag:s2] =	ssyncadd.s32 $0xFFFFC000  }
0x1a8: {  	_ =	swait.ge [sflag:s10], $0x4000  }
0x1a9: {  	[sflag:s10] =	ssyncset.done $0x0  }
0x1aa: {  	[sflag:s10] =	ssyncadd.s32 $0xFFFFC000  }
0x1ab: {  	[spmem:s1] =	stream.indirect.scatter.add.f32 [tilespmem:s8], [sflag:$0x3], $0x80, s13, s6, $0xb8;
	[tilespmem:$0x1E800] =	vst v63  }
0x1ac: {  	_ =	swait.ge [sflag:s2], $0x4000  }
0x1ad: {  	[sflag:s2] =	ssyncset.done $0x0  }
0x1ae: {  	s18 =	simm.s32 $0x0;
	s19 =	rddreg [dreg:$0xd];
	[sflag:s2] =	ssyncadd.s32 $0xFFFFC000  }
0x1af: {  	[tilespmem:s18], [sflag:$0x3] =	stream.linear.gather [hbm4b:s19+s18], $0x1400, $0x38;
	[tilespmem:$0x1E800] =	vst v63  }
0x1b0: {  	_ =	swait.ge [sflag:s2], $0x1400  }
0x1b1: {  	[sflag:s2] =	ssyncset.done $0x0  }
0x1b2: {  	s20 =	rddreg [dreg:$0xe];
	[sflag:s2] =	ssyncadd.s32 $0xFFFFEC00  }
0x1b3: {  	[tilespmem:s5], [sflag:$0x3] =	stream.linear.gather [hbm4b:s20+s18], $0x1400, $0x38;
	[tilespmem:$0x1E800] =	vst v63  }
0x1b4: {  	_ =	swait.ge [sflag:s2], $0x1400  }
0x1b5: {  	[sflag:s2] =	ssyncset.done $0x0  }
0x1b6: {  	[sflag:s2] =	ssyncadd.s32 $0xFFFFEC00  }
0x1b7: {  	[tilespmem:s7], [sflag:$0x1] =	stream.indirect.gather [hbm4b:s4+s6], $0x80, s18, s6, $0xb8;
	[tilespmem:$0x1E800] =	vst v63  }
0x1b8: {  	s17 =	simm.s32 $0x80  }
0x1b9: {  	[tilespmem:s8], [sflag:$0x2] =	stream.indirect.gather [hbm4b:s4+s6], $0x80, s17, s6, $0xb8;
	[tilespmem:$0x1E800] =	vst v63  }
0x1ba: {  	_ =	swait.ge [sflag:s9], $0x4000  }
0x1bb: {  	[sflag:s9] =	ssyncset.done $0x0  }
0x1bc: {  	s18 =	simm.s32 $0x1400;
	[sflag:s9] =	ssyncadd.s32 $0xFFFFC000  }
0x1bd: {  	[spmem:s1] =	stream.indirect.scatter.add.f32 [tilespmem:s7], [sflag:$0x3], $0x80, s18, s6, $0xb8;
	[tilespmem:$0x1E800] =	vst v63  }
0x1be: {  	_ =	swait.ge [sflag:s2], $0x4000  }
0x1bf: {  	[sflag:s2] =	ssyncset.done $0x0  }
0x1c0: {  	s19 =	simm.s32 $0x100;
	[sflag:s2] =	ssyncadd.s32 $0xFFFFC000  }
0x1c1: {  	[tilespmem:s7], [sflag:$0x1] =	stream.indirect.gather [hbm4b:s4+s6], $0x80, s19, s6, $0xb8;
	[tilespmem:$0x1E800] =	vst v63  }
0x1c2: {  	_ =	swait.ge [sflag:s10], $0x4000  }
0x1c3: {  	[sflag:s10] =	ssyncset.done $0x0  }
0x1c4: {  	s20 =	simm.s32 $0x1480;
	[sflag:s10] =	ssyncadd.s32 $0xFFFFC000  }
0x1c5: {  	[spmem:s1] =	stream.indirect.scatter.add.f32 [tilespmem:s8], [sflag:$0x3], $0x80, s20, s6, $0xb8;
	[tilespmem:$0x1E800] =	vst v63  }
0x1c6: {  	_ =	swait.ge [sflag:s2], $0x4000  }
0x1c7: {  	s16 =	simm.s32 $0x100;
	s17 =	simm.s32 $0x800;
	[sflag:s2] =	ssyncset.done $0x0  }
.LBB2_12:
0x1c8: {  	s18 =	sadd.s32 $0x80, s16  }
0x1c9: {  	[sflag:s2] =	ssyncadd.s32 $0xFFFFC000;
	s19 =	smov.u32 s17;
	s20 =	sadd.s32 $0x400, s17  }
0x1ca: {  	[tilespmem:s8], [sflag:$0x2] =	stream.indirect.gather [hbm4b:s4+s6], $0x80, s18, s6, $0xb8;
	[tilespmem:$0x1E800] =	vst v63  }
0x1cb: {  	p0 =	sne.s32 s17, $0x4800;
	_ =	swait.ge [sflag:s9], $0x4000  }
0x1cc: {  	[sflag:s9] =	ssyncset.done $0x0  }
0x1cd: {  	s17 =	sadd.s32 $0x1400, s16;
	[sflag:s9] =	ssyncadd.s32 $0xFFFFC000  }
0x1ce: {  	[spmem:s1] =	stream.indirect.scatter.add.f32 [tilespmem:s7], [sflag:$0x3], $0x80, s17, s6, $0xb8;
	[tilespmem:$0x1E800] =	vst v63  }
0x1cf: {  	_ =	swait.ge [sflag:s2], $0x4000  }
0x1d0: {  	[sflag:s2] =	ssyncset.done $0x0  }
0x1d1: {  	s17 =	sadd.s32 $0x100, s16;
	[sflag:s2] =	ssyncadd.s32 $0xFFFFC000  }
0x1d2: {  	[tilespmem:s7], [sflag:$0x1] =	stream.indirect.gather [hbm4b:s4+s6], $0x80, s17, s6, $0xb8;
	[tilespmem:$0x1E800] =	vst v63  }
0x1d3: {  	_ =	swait.ge [sflag:s10], $0x4000  }
.Ltmp5:
0x1d4: {  	[sflag:s10] =	ssyncset.done $0x0;
	(pc) =	sbr.rel @p0 .LBB2_12-.Ltmp5, $4  }
0x1d5: {  	s16 =	sadd.s32 $0x1480, s16;
	[sflag:s10] =	ssyncadd.s32 $0xFFFFC000  }
0x1d6: {  	[spmem:s1] =	stream.indirect.scatter.add.f32 [tilespmem:s8], [sflag:$0x3], $0x80, s16, s6, $0xb8;
	[tilespmem:$0x1E800] =	vst v63  }
0x1d7: {  	_ =	swait.ge [sflag:s2], $0x4000  }
0x1d8: {  	s17 =	smov.u32 s20;
	s16 =	sshra.s32 s19, $0x2;
	[sflag:s2] =	ssyncset.done $0x0  }
0x1d9: {  	s17 =	sadd.s32 $0x80, s16;
	[sflag:s2] =	ssyncadd.s32 $0xFFFFC000  }
0x1da: {  	[tilespmem:s8], [sflag:$0x2] =	stream.indirect.gather [hbm4b:s4+s6], $0x80, s17, s6, $0xb8;
	[tilespmem:$0x1E800] =	vst v63  }
0x1db: {  	_ =	swait.ge [sflag:s9], $0x4000  }
0x1dc: {  	[sflag:s9] =	ssyncset.done $0x0  }
0x1dd: {  	s19 =	sadd.s32 $0x1400, s16;
	[sflag:s9] =	ssyncadd.s32 $0xFFFFC000  }
0x1de: {  	[spmem:s1] =	stream.indirect.scatter.add.f32 [tilespmem:s7], [sflag:$0x3], $0x80, s19, s6, $0xb8;
	[tilespmem:$0x1E800] =	vst v63  }
0x1df: {  	_ =	swait.ge [sflag:s2], $0x4000  }
0x1e0: {  	[sflag:s2] =	ssyncset.done $0x0  }
0x1e1: {  	s20 =	sadd.s32 $0x100, s16;
	[sflag:s2] =	ssyncadd.s32 $0xFFFFC000  }
0x1e2: {  	[tilespmem:s7], [sflag:$0x1] =	stream.indirect.gather [hbm4b:s4+s6], $0x80, s20, s6, $0xb8;
	[tilespmem:$0x1E800] =	vst v63  }
0x1e3: {  	_ =	swait.ge [sflag:s10], $0x4000  }
0x1e4: {  	[sflag:s10] =	ssyncset.done $0x0  }
0x1e5: {  	s17 =	sadd.s32 $0x1480, s16;
	[sflag:s10] =	ssyncadd.s32 $0xFFFFC000  }
0x1e6: {  	[spmem:s1] =	stream.indirect.scatter.add.f32 [tilespmem:s8], [sflag:$0x3], $0x80, s17, s6, $0xb8;
	[tilespmem:$0x1E800] =	vst v63  }
0x1e7: {  	_ =	swait.ge [sflag:s2], $0x4000  }
0x1e8: {  	[sflag:s2] =	ssyncset.done $0x0  }
0x1e9: {  	[sflag:s2] =	ssyncadd.s32 $0xFFFFC000  }
0x1ea: {  	[tilespmem:s8], [sflag:$0x2] =	stream.indirect.gather [hbm4b:s4+s6], $0x80, s11, s6, $0xb8;
	[tilespmem:$0x1E800] =	vst v63  }
0x1eb: {  	_ =	swait.ge [sflag:s9], $0x4000  }
0x1ec: {  	[sflag:s9] =	ssyncset.done $0x0  }
0x1ed: {  	[sflag:s9] =	ssyncadd.s32 $0xFFFFC000  }
0x1ee: {  	[spmem:s1] =	stream.indirect.scatter.add.f32 [tilespmem:s7], [sflag:$0x3], $0x80, s12, s6, $0xb8;
	[tilespmem:$0x1E800] =	vst v63  }
0x1ef: {  	_ =	swait.ge [sflag:s2], $0x4000  }
0x1f0: {  	[sflag:s2] =	ssyncset.done $0x0  }
0x1f1: {  	[sflag:s2] =	ssyncadd.s32 $0xFFFFC000  }
0x1f2: {  	_ =	swait.ge [sflag:s10], $0x4000  }
0x1f3: {  	[sflag:s10] =	ssyncset.done $0x0  }
0x1f4: {  	[sflag:s10] =	ssyncadd.s32 $0xFFFFC000  }
0x1f5: {  	[spmem:s1] =	stream.indirect.scatter.add.f32 [tilespmem:s8], [sflag:$0x3], $0x80, s13, s6, $0xb8;
	[tilespmem:$0x1E800] =	vst v63  }
0x1f6: {  	_ =	swait.ge [sflag:s2], $0x4000  }
0x1f7: {  	[sflag:s2] =	ssyncset.done $0x0  }
0x1f8: {  	[sflag:s2] =	ssyncadd.s32 $0xFFFFC000  }
0x1f9: {  	[bflag:$0x0] =	sbarrier.arrive $0xFFFF  }
0x1fa: {  	[hbm:s30], [sflag:s22] =	dma.local [spmem:s15], $0x2800  }
0x1fb: {  	_ =	swait.ge [sflag:s2], $0x2800  }
0x1fc: {  	[sflag:s2] =	ssyncset.done $0x0  }
0x1fd: {  	[sflag:s2] =	ssyncadd.s32 $0xFFFFD800  }
0x1fe: {  	[bflag:$0x0] =	sbarrier.arrive $0xFFFF  }
0x1ff: {  	[spmem:s15], [sflag:s22] =	dma.local [hbm:s25], $0x2800  }
0x200: {  	_ =	swait.ge [sflag:s2], $0x2800  }
0x201: {  	[sflag:s2] =	ssyncset.done $0x0  }
0x202: {  	s18 =	simm.s32 $0x0;
	s19 =	rddreg [dreg:$0xf];
	[sflag:s2] =	ssyncadd.s32 $0xFFFFD800  }
0x203: {  	[tilespmem:s18], [sflag:$0x3] =	stream.linear.gather [hbm4b:s19+s18], $0x1400, $0x38;
	[tilespmem:$0x1E800] =	vst v63  }
0x204: {  	_ =	swait.ge [sflag:s2], $0x1400  }
0x205: {  	[sflag:s2] =	ssyncset.done $0x0  }
0x206: {  	s20 =	rddreg [dreg:$0x10];
	[sflag:s2] =	ssyncadd.s32 $0xFFFFEC00  }
0x207: {  	[tilespmem:s5], [sflag:$0x3] =	stream.linear.gather [hbm4b:s20+s18], $0x1400, $0x38;
	[tilespmem:$0x1E800] =	vst v63  }
0x208: {  	_ =	swait.ge [sflag:s2], $0x1400  }
0x209: {  	[sflag:s2] =	ssyncset.done $0x0  }
0x20a: {  	[sflag:s2] =	ssyncadd.s32 $0xFFFFEC00  }
0x20b: {  	[bflag:$0x0] =	sbarrier.arrive $0xFFFF  }
0x20c: {  	[tilespmem:s7], [sflag:$0x1] =	stream.indirect.gather [hbm4b:s4+s6], $0x80, s18, s6, $0xb8;
	[tilespmem:$0x1E800] =	vst v63  }
0x20d: {  	s17 =	simm.s32 $0x80  }
0x20e: {  	[tilespmem:s8], [sflag:$0x2] =	stream.indirect.gather [hbm4b:s4+s6], $0x80, s17, s6, $0xb8;
	[tilespmem:$0x1E800] =	vst v63  }
0x20f: {  	_ =	swait.ge [sflag:s9], $0x4000  }
0x210: {  	[sflag:s9] =	ssyncset.done $0x0  }
0x211: {  	s18 =	simm.s32 $0x1400;
	[sflag:s9] =	ssyncadd.s32 $0xFFFFC000  }
0x212: {  	[spmem:s1] =	stream.indirect.scatter.add.f32 [tilespmem:s7], [sflag:$0x3], $0x80, s18, s6, $0xb8;
	[tilespmem:$0x1E800] =	vst v63  }
0x213: {  	_ =	swait.ge [sflag:s2], $0x4000  }
0x214: {  	[sflag:s2] =	ssyncset.done $0x0  }
0x215: {  	s19 =	simm.s32 $0x100;
	[sflag:s2] =	ssyncadd.s32 $0xFFFFC000  }
0x216: {  	[tilespmem:s7], [sflag:$0x1] =	stream.indirect.gather [hbm4b:s4+s6], $0x80, s19, s6, $0xb8;
	[tilespmem:$0x1E800] =	vst v63  }
0x217: {  	_ =	swait.ge [sflag:s10], $0x4000  }
0x218: {  	[sflag:s10] =	ssyncset.done $0x0  }
0x219: {  	s20 =	simm.s32 $0x1480;
	[sflag:s10] =	ssyncadd.s32 $0xFFFFC000  }
0x21a: {  	[spmem:s1] =	stream.indirect.scatter.add.f32 [tilespmem:s8], [sflag:$0x3], $0x80, s20, s6, $0xb8;
	[tilespmem:$0x1E800] =	vst v63  }
0x21b: {  	_ =	swait.ge [sflag:s2], $0x4000  }
0x21c: {  	s16 =	simm.s32 $0x100;
	s17 =	simm.s32 $0x800;
	[sflag:s2] =	ssyncset.done $0x0  }
.LBB2_14:
0x21d: {  	s18 =	sadd.s32 $0x80, s16  }
0x21e: {  	[sflag:s2] =	ssyncadd.s32 $0xFFFFC000;
	s19 =	smov.u32 s17;
	s20 =	sadd.s32 $0x400, s17  }
0x21f: {  	[tilespmem:s8], [sflag:$0x2] =	stream.indirect.gather [hbm4b:s4+s6], $0x80, s18, s6, $0xb8;
	[tilespmem:$0x1E800] =	vst v63  }
0x220: {  	p0 =	sne.s32 s17, $0x4800;
	_ =	swait.ge [sflag:s9], $0x4000  }
0x221: {  	[sflag:s9] =	ssyncset.done $0x0  }
0x222: {  	s17 =	sadd.s32 $0x1400, s16;
	[sflag:s9] =	ssyncadd.s32 $0xFFFFC000  }
0x223: {  	[spmem:s1] =	stream.indirect.scatter.add.f32 [tilespmem:s7], [sflag:$0x3], $0x80, s17, s6, $0xb8;
	[tilespmem:$0x1E800] =	vst v63  }
0x224: {  	_ =	swait.ge [sflag:s2], $0x4000  }
0x225: {  	[sflag:s2] =	ssyncset.done $0x0  }
0x226: {  	s17 =	sadd.s32 $0x100, s16;
	[sflag:s2] =	ssyncadd.s32 $0xFFFFC000  }
0x227: {  	[tilespmem:s7], [sflag:$0x1] =	stream.indirect.gather [hbm4b:s4+s6], $0x80, s17, s6, $0xb8;
	[tilespmem:$0x1E800] =	vst v63  }
0x228: {  	_ =	swait.ge [sflag:s10], $0x4000  }
.Ltmp6:
0x229: {  	[sflag:s10] =	ssyncset.done $0x0;
	(pc) =	sbr.rel @p0 .LBB2_14-.Ltmp6, $4  }
0x22a: {  	s16 =	sadd.s32 $0x1480, s16;
	[sflag:s10] =	ssyncadd.s32 $0xFFFFC000  }
0x22b: {  	[spmem:s1] =	stream.indirect.scatter.add.f32 [tilespmem:s8], [sflag:$0x3], $0x80, s16, s6, $0xb8;
	[tilespmem:$0x1E800] =	vst v63  }
0x22c: {  	_ =	swait.ge [sflag:s2], $0x4000  }
0x22d: {  	s17 =	smov.u32 s20;
	s16 =	sshra.s32 s19, $0x2;
	[sflag:s2] =	ssyncset.done $0x0  }
0x22e: {  	s17 =	sadd.s32 $0x80, s16;
	[sflag:s2] =	ssyncadd.s32 $0xFFFFC000  }
0x22f: {  	[tilespmem:s8], [sflag:$0x2] =	stream.indirect.gather [hbm4b:s4+s6], $0x80, s17, s6, $0xb8;
	[tilespmem:$0x1E800] =	vst v63  }
0x230: {  	_ =	swait.ge [sflag:s9], $0x4000  }
0x231: {  	[sflag:s9] =	ssyncset.done $0x0  }
0x232: {  	s19 =	sadd.s32 $0x1400, s16;
	[sflag:s9] =	ssyncadd.s32 $0xFFFFC000  }
0x233: {  	[spmem:s1] =	stream.indirect.scatter.add.f32 [tilespmem:s7], [sflag:$0x3], $0x80, s19, s6, $0xb8;
	[tilespmem:$0x1E800] =	vst v63  }
0x234: {  	_ =	swait.ge [sflag:s2], $0x4000  }
0x235: {  	[sflag:s2] =	ssyncset.done $0x0  }
0x236: {  	s20 =	sadd.s32 $0x100, s16;
	[sflag:s2] =	ssyncadd.s32 $0xFFFFC000  }
0x237: {  	[tilespmem:s7], [sflag:$0x1] =	stream.indirect.gather [hbm4b:s4+s6], $0x80, s20, s6, $0xb8;
	[tilespmem:$0x1E800] =	vst v63  }
0x238: {  	_ =	swait.ge [sflag:s10], $0x4000  }
0x239: {  	[sflag:s10] =	ssyncset.done $0x0  }
0x23a: {  	s17 =	sadd.s32 $0x1480, s16;
	[sflag:s10] =	ssyncadd.s32 $0xFFFFC000  }
0x23b: {  	[spmem:s1] =	stream.indirect.scatter.add.f32 [tilespmem:s8], [sflag:$0x3], $0x80, s17, s6, $0xb8;
	[tilespmem:$0x1E800] =	vst v63  }
0x23c: {  	_ =	swait.ge [sflag:s2], $0x4000  }
0x23d: {  	[sflag:s2] =	ssyncset.done $0x0  }
0x23e: {  	[sflag:s2] =	ssyncadd.s32 $0xFFFFC000  }
0x23f: {  	[tilespmem:s8], [sflag:$0x2] =	stream.indirect.gather [hbm4b:s4+s6], $0x80, s11, s6, $0xb8;
	[tilespmem:$0x1E800] =	vst v63  }
0x240: {  	_ =	swait.ge [sflag:s9], $0x4000  }
0x241: {  	[sflag:s9] =	ssyncset.done $0x0  }
0x242: {  	[sflag:s9] =	ssyncadd.s32 $0xFFFFC000  }
0x243: {  	[spmem:s1] =	stream.indirect.scatter.add.f32 [tilespmem:s7], [sflag:$0x3], $0x80, s12, s6, $0xb8;
	[tilespmem:$0x1E800] =	vst v63  }
0x244: {  	_ =	swait.ge [sflag:s2], $0x4000  }
0x245: {  	[sflag:s2] =	ssyncset.done $0x0  }
0x246: {  	[sflag:s2] =	ssyncadd.s32 $0xFFFFC000  }
0x247: {  	_ =	swait.ge [sflag:s10], $0x4000  }
0x248: {  	[sflag:s10] =	ssyncset.done $0x0  }
0x249: {  	[sflag:s10] =	ssyncadd.s32 $0xFFFFC000  }
0x24a: {  	[spmem:s1] =	stream.indirect.scatter.add.f32 [tilespmem:s8], [sflag:$0x3], $0x80, s13, s6, $0xb8;
	[tilespmem:$0x1E800] =	vst v63  }
0x24b: {  	_ =	swait.ge [sflag:s2], $0x4000  }
0x24c: {  	[sflag:s2] =	ssyncset.done $0x0  }
0x24d: {  	s18 =	simm.s32 $0x0;
	s19 =	rddreg [dreg:$0x11];
	[sflag:s2] =	ssyncadd.s32 $0xFFFFC000  }
0x24e: {  	[tilespmem:s18], [sflag:$0x3] =	stream.linear.gather [hbm4b:s19+s18], $0x1400, $0x38;
	[tilespmem:$0x1E800] =	vst v63  }
0x24f: {  	_ =	swait.ge [sflag:s2], $0x1400  }
0x250: {  	[sflag:s2] =	ssyncset.done $0x0  }
0x251: {  	s20 =	rddreg [dreg:$0x12];
	[sflag:s2] =	ssyncadd.s32 $0xFFFFEC00  }
0x252: {  	[tilespmem:s5], [sflag:$0x3] =	stream.linear.gather [hbm4b:s20+s18], $0x1400, $0x38;
	[tilespmem:$0x1E800] =	vst v63  }
0x253: {  	_ =	swait.ge [sflag:s2], $0x1400  }
0x254: {  	[sflag:s2] =	ssyncset.done $0x0  }
0x255: {  	[sflag:s2] =	ssyncadd.s32 $0xFFFFEC00  }
0x256: {  	[tilespmem:s7], [sflag:$0x1] =	stream.indirect.gather [hbm4b:s4+s6], $0x80, s18, s6, $0xb8;
	[tilespmem:$0x1E800] =	vst v63  }
0x257: {  	s17 =	simm.s32 $0x80  }
0x258: {  	[tilespmem:s8], [sflag:$0x2] =	stream.indirect.gather [hbm4b:s4+s6], $0x80, s17, s6, $0xb8;
	[tilespmem:$0x1E800] =	vst v63  }
0x259: {  	_ =	swait.ge [sflag:s9], $0x4000  }
0x25a: {  	[sflag:s9] =	ssyncset.done $0x0  }
0x25b: {  	s18 =	simm.s32 $0x1400;
	[sflag:s9] =	ssyncadd.s32 $0xFFFFC000  }
0x25c: {  	[spmem:s1] =	stream.indirect.scatter.add.f32 [tilespmem:s7], [sflag:$0x3], $0x80, s18, s6, $0xb8;
	[tilespmem:$0x1E800] =	vst v63  }
0x25d: {  	_ =	swait.ge [sflag:s2], $0x4000  }
0x25e: {  	[sflag:s2] =	ssyncset.done $0x0  }
0x25f: {  	s19 =	simm.s32 $0x100;
	[sflag:s2] =	ssyncadd.s32 $0xFFFFC000  }
0x260: {  	[tilespmem:s7], [sflag:$0x1] =	stream.indirect.gather [hbm4b:s4+s6], $0x80, s19, s6, $0xb8;
	[tilespmem:$0x1E800] =	vst v63  }
0x261: {  	_ =	swait.ge [sflag:s10], $0x4000  }
0x262: {  	[sflag:s10] =	ssyncset.done $0x0  }
0x263: {  	s20 =	simm.s32 $0x1480;
	[sflag:s10] =	ssyncadd.s32 $0xFFFFC000  }
0x264: {  	[spmem:s1] =	stream.indirect.scatter.add.f32 [tilespmem:s8], [sflag:$0x3], $0x80, s20, s6, $0xb8;
	[tilespmem:$0x1E800] =	vst v63  }
0x265: {  	_ =	swait.ge [sflag:s2], $0x4000  }
0x266: {  	s16 =	simm.s32 $0x100;
	s17 =	simm.s32 $0x800;
	[sflag:s2] =	ssyncset.done $0x0  }
.LBB2_16:
0x267: {  	s18 =	sadd.s32 $0x80, s16  }
0x268: {  	[sflag:s2] =	ssyncadd.s32 $0xFFFFC000;
	s19 =	smov.u32 s17;
	s20 =	sadd.s32 $0x400, s17  }
0x269: {  	[tilespmem:s8], [sflag:$0x2] =	stream.indirect.gather [hbm4b:s4+s6], $0x80, s18, s6, $0xb8;
	[tilespmem:$0x1E800] =	vst v63  }
0x26a: {  	p0 =	sne.s32 s17, $0x4800;
	_ =	swait.ge [sflag:s9], $0x4000  }
0x26b: {  	[sflag:s9] =	ssyncset.done $0x0  }
0x26c: {  	s17 =	sadd.s32 $0x1400, s16;
	[sflag:s9] =	ssyncadd.s32 $0xFFFFC000  }
0x26d: {  	[spmem:s1] =	stream.indirect.scatter.add.f32 [tilespmem:s7], [sflag:$0x3], $0x80, s17, s6, $0xb8;
	[tilespmem:$0x1E800] =	vst v63  }
0x26e: {  	_ =	swait.ge [sflag:s2], $0x4000  }
0x26f: {  	[sflag:s2] =	ssyncset.done $0x0  }
0x270: {  	s17 =	sadd.s32 $0x100, s16;
	[sflag:s2] =	ssyncadd.s32 $0xFFFFC000  }
0x271: {  	[tilespmem:s7], [sflag:$0x1] =	stream.indirect.gather [hbm4b:s4+s6], $0x80, s17, s6, $0xb8;
	[tilespmem:$0x1E800] =	vst v63  }
0x272: {  	_ =	swait.ge [sflag:s10], $0x4000  }
.Ltmp7:
0x273: {  	[sflag:s10] =	ssyncset.done $0x0;
	(pc) =	sbr.rel @p0 .LBB2_16-.Ltmp7, $4  }
0x274: {  	s16 =	sadd.s32 $0x1480, s16;
	[sflag:s10] =	ssyncadd.s32 $0xFFFFC000  }
0x275: {  	[spmem:s1] =	stream.indirect.scatter.add.f32 [tilespmem:s8], [sflag:$0x3], $0x80, s16, s6, $0xb8;
	[tilespmem:$0x1E800] =	vst v63  }
0x276: {  	_ =	swait.ge [sflag:s2], $0x4000  }
0x277: {  	s17 =	smov.u32 s20;
	s16 =	sshra.s32 s19, $0x2;
	[sflag:s2] =	ssyncset.done $0x0  }
0x278: {  	s17 =	sadd.s32 $0x80, s16;
	[sflag:s2] =	ssyncadd.s32 $0xFFFFC000  }
0x279: {  	[tilespmem:s8], [sflag:$0x2] =	stream.indirect.gather [hbm4b:s4+s6], $0x80, s17, s6, $0xb8;
	[tilespmem:$0x1E800] =	vst v63  }
0x27a: {  	_ =	swait.ge [sflag:s9], $0x4000  }
0x27b: {  	[sflag:s9] =	ssyncset.done $0x0  }
0x27c: {  	s18 =	sadd.s32 $0x1400, s16;
	[sflag:s9] =	ssyncadd.s32 $0xFFFFC000  }
0x27d: {  	[spmem:s1] =	stream.indirect.scatter.add.f32 [tilespmem:s7], [sflag:$0x3], $0x80, s18, s6, $0xb8;
	[tilespmem:$0x1E800] =	vst v63  }
0x27e: {  	_ =	swait.ge [sflag:s2], $0x4000  }
0x27f: {  	[sflag:s2] =	ssyncset.done $0x0  }
0x280: {  	s19 =	sadd.s32 $0x100, s16;
	[sflag:s2] =	ssyncadd.s32 $0xFFFFC000  }
0x281: {  	[tilespmem:s7], [sflag:$0x1] =	stream.indirect.gather [hbm4b:s4+s6], $0x80, s19, s6, $0xb8;
	[tilespmem:$0x1E800] =	vst v63  }
0x282: {  	_ =	swait.ge [sflag:s10], $0x4000  }
0x283: {  	[sflag:s10] =	ssyncset.done $0x0  }
0x284: {  	s20 =	sadd.s32 $0x1480, s16;
	[sflag:s10] =	ssyncadd.s32 $0xFFFFC000  }
0x285: {  	[spmem:s1] =	stream.indirect.scatter.add.f32 [tilespmem:s8], [sflag:$0x3], $0x80, s20, s6, $0xb8;
	[tilespmem:$0x1E800] =	vst v63  }
0x286: {  	_ =	swait.ge [sflag:s2], $0x4000  }
0x287: {  	[sflag:s2] =	ssyncset.done $0x0  }
0x288: {  	[sflag:s2] =	ssyncadd.s32 $0xFFFFC000  }
0x289: {  	[tilespmem:s8], [sflag:$0x2] =	stream.indirect.gather [hbm4b:s4+s6], $0x80, s11, s6, $0xb8;
	[tilespmem:$0x1E800] =	vst v63  }
0x28a: {  	_ =	swait.ge [sflag:s9], $0x4000  }
0x28b: {  	[sflag:s9] =	ssyncset.done $0x0  }
0x28c: {  	[sflag:s9] =	ssyncadd.s32 $0xFFFFC000  }
0x28d: {  	[spmem:s1] =	stream.indirect.scatter.add.f32 [tilespmem:s7], [sflag:$0x3], $0x80, s12, s6, $0xb8;
	[tilespmem:$0x1E800] =	vst v63  }
0x28e: {  	_ =	swait.ge [sflag:s2], $0x4000  }
0x28f: {  	[sflag:s2] =	ssyncset.done $0x0  }
0x290: {  	[sflag:s2] =	ssyncadd.s32 $0xFFFFC000  }
0x291: {  	_ =	swait.ge [sflag:s10], $0x4000  }
0x292: {  	[sflag:s10] =	ssyncset.done $0x0  }
0x293: {  	[sflag:s10] =	ssyncadd.s32 $0xFFFFC000  }
0x294: {  	[spmem:s1] =	stream.indirect.scatter.add.f32 [tilespmem:s8], [sflag:$0x3], $0x80, s13, s6, $0xb8;
	[tilespmem:$0x1E800] =	vst v63  }
0x295: {  	_ =	swait.ge [sflag:s2], $0x4000  }
0x296: {  	[sflag:s2] =	ssyncset.done $0x0  }
0x297: {  	s14 =	sadd.s32 $0x1, s14;
	[sflag:s2] =	ssyncadd.s32 $0xFFFFC000  }
0x298: {  	p0 =	sne.s32 s14, s0;
	[bflag:$0x0] =	sbarrier.arrive $0xFFFF  }
0x299: {  	[hbm:s31], [sflag:s22] =	dma.local [spmem:s15], $0x2800  }
.Ltmp8:
0x29a: {  	_ =	swait.ge [sflag:s2], $0x2800;
	(pc) =	sbr.rel @p0 .LBB2_1-.Ltmp8, $3  }
0x29b: {  	[sflag:s2] =	ssyncset.done $0x0  }
0x29c: {  	[sflag:s2] =	ssyncadd.s32 $0xFFFFD800  }
0x29d: {  	[bflag:$0x0] =	sbarrier.arrive $0xFFFF;
	_ =	sdelay $0x1  }
0x29e: {  	_ =	sfence.sel $0x180000  }
0x29f: {  	[bflag:$0x0] =	sbarrier.arrive $0xFFFF  }
0x2a0: {  	_ =	strace $0x9000004A  }
0x2a1: {  	s0 =	stileid.u32;
	[bflag:$0x2] =	sbarrier.arrive $0xFFFF  }
0x2a2: {  	p0 =	sne.s32 s0, $0x0;
	s0 =	rddreg [dreg:$0x2]  }
0x2a3: {  	s0 =	sadd.s32 @!p0 $0x100000, s0  }
0x2a4: {  	[sflag:s0] =	ssyncadd.tile.s32 @!p0 $0x1;
	_ =	shalt  }
.Lfunc_end2:
_tile_overlayer_lowered:
.L_overlay_start_2:
0x2a5: {  	(tag) =	ssettag $0x2  }
0x2a6: {  	s0 =	rddreg [dreg:$0x0];
	s2 =	stileid.u32  }
0x2a7: {  	s1 =	rddreg [dreg:$0x1];
	p0 =	sne.s32 s2, $0x0  }
0x2a8: {  	s3 =	rddreg [dreg:$0x2];
	[bflag:$0x3] =	sbarrier.arrive $0xFFFF;
	s2 =	simm.s32 @!p0 $0x1C03  }
0x2a9: {  	[timem:s3], [sflag:s2] =	dma.local @!p0 [hbm:s0], s1  }
0x2aa: {  	s0 =	simm.s32 @!p0 $0x3  }
0x2ab: {  	_ =	swait.ge @!p0 [sflag:s0], s1  }
0x2ac: {  	s1 =	ssub.s32 @!p0 $0x0, s1;
	[sflag:s0] =	ssyncset.done @!p0 $0x0  }
0x2ad: {  	[sflag:s0] =	ssyncadd.s32 @!p0 s1  }
0x2ae: {  	[bflag:$0x3] =	sbarrier.arrive $0xFFFF  }
0x2af: {  	_ =	shalt  }

// kernel: kernel.14.cloned.1.call-start
scs
__scs_entry_jumppad:
0x0: {  	(pc) =	sbr.rel $0x88, $3  }
0x1: {  	(tag) =	ssettag $0x0;
	lr =	simm.s32 $0x1  }
0x2: {  	[smem:$0x3F90] =	sst lr;
	_ =	strace $0xD0000000  }
0x3: {  	_ = 	snop  }
0x4: {  	_ = 	snop  }
0x5: {  	_ = 	snop  }
0x6: {  	_ = 	snop  }
0x7: {  	_ = 	snop  }
__scs_overlays_trampoline_lowered:
0x8: {  	[smem:$0x3F9F] =	sst s0  }
0x9: {  	[smem:$0x3FA0] =	sst s1  }
0xa: {  	[smem:$0x3FA1] =	sst s2  }
0xb: {  	[smem:$0x3FA2] =	sst s3  }
0xc: {  	[smem:$0x3FA3] =	sst s4  }
0xd: {  	[smem:$0x3FA4] =	sst s5  }
0xe: {  	[smem:$0x3FA5] =	sst s6  }
0xf: {  	[smem:$0x3FA6] =	sst s7  }
0x10: {  	[smem:$0x3FA7] =	sst s8  }
0x11: {  	[smem:$0x3FA8] =	sst s9;
	s0 =	simm.s32 @!p0 $0x0  }
0x12: {  	s1 =	sld [smem:$0x3F8E];
	s0 =	simm.s32 @p0 $0x1  }
0x13: {  	[smem:$0x3FA9] =	sst s0;
	s0 =	simm.s32 @!p1 $0x0  }
0x14: {  	s2 =	sld [smem:$0x3F8D];
	s0 =	simm.s32 @p1 $0x1  }
0x15: {  	[smem:$0x3FAA] =	sst s0;
	s0 =	simm.s32 @!p2 $0x0  }
0x16: {  	s3 =	sld [smem:$0x3FDB];
	s0 =	simm.s32 @p2 $0x1  }
0x17: {  	s4 =	simm.s32 $0x1BF5;
	[smem:$0x3FAC] =	sst s0  }
0x18: {  	s0 =	sld [smem:$0x3F8F];
	_ =	swait.ge [sflag:s4], $0x0  }
0x19: {  	s7 =	sld [smem:$0x3F90]  }
0x1a: {  	s8 =	sadd.s32 $0xFFFFE003, lr  }
0x1b: {  	s9 =	sadd.s32 $0xFFFFFEF7, lr;
	s5 =	simm.s32 $0xFFFFFFFF;
	p2 =	slt.u32 s8, $0xFFFFF086  }
0x1c: {  	p1 =	slt.u32 s9, $0xF7A;
	s5 =	simm.s32 @!p2 $0x0  }
0x1d: {  	s5 =	simm.s32 @p1 $0x1;
	p0 =	seq.s32 s7, s2  }
0x1e: {  	s7 =	smul.u32 @!p0 $0xF7A, s2;
	p2 =	seq.s32 @!p0 s5, $0x0  }
0x1f: {  	s9 =	smul.u32 $0xF7A, s1;
	s8 =	simm.s32 @!p0 $0x1BF5;
	p2 =	por !p2, p0  }
0x20: {  	[sflag:s8] =	ssyncset.s32 @!p0 $0xFFFFF086;
	s6 =	sadd.s32 @!p0 s3, s7;
	s7 =	simm.s32 @!p0 $0x108  }
0x21: {  	s3 =	sadd.s32 s3, s9;
	s6 =	sadd.s32 @!p0 $0x88, s6;
	s7 =	simm.s32 @p2 $0x1082  }
0x22: {  	[simem:s7], [sflag:s8] =	dma.local @!p0 [hbm:s6], $0xF7A  }
0x23: {  	s9 =	sor.u32 $0xD0000000, s2;
	s6 =	simm.s32 $0x108;
	_ =	swait.ge @!p0 [sflag:s8], $0x0  }
0x24: {  	s3 =	sadd.s32 $0x88, s3;
	s6 =	simm.s32 @!p1 $0x1082;
	[sflag:s4] =	ssyncset.s32 $0xFFFFF086  }
0x25: {  	[simem:s6], [sflag:s4] =	dma.local [hbm:s3], $0xF7A  }
0x26: {  	[smem:$0x3F90] =	sst s1;
	(tag) =	ssettag s2;
	_ =	strace s9  }
0x27: {  	s1 =	sld [smem:$0x3FA0]  }
0x28: {  	s2 =	sld [smem:$0x3FA1]  }
0x29: {  	s4 =	sld [smem:$0x3FA3]  }
0x2a: {  	p0 =	seq.s32 s5, $0x0;
	s5 =	sld [smem:$0x3FA4]  }
0x2b: {  	s6 =	sld [smem:$0x3FA5]  }
0x2c: {  	s7 =	sld [smem:$0x3FA6]  }
0x2d: {  	s3 =	simm.s32 $0x108;
	s8 =	sld [smem:$0x3FA7]  }
0x2e: {  	s3 =	simm.s32 @!p0 $0x1082;
	s9 =	sld [smem:$0x3FA8]  }
0x2f: {  	lr =	sadd.s32 s0, s3;
	s0 =	sld [smem:$0x3F9F]  }
0x30: {  	s3 =	sld [smem:$0x3FA2]  }
0x31: {  	[smem:$0x3FAB] =	sst s10  }
0x32: {  	s10 =	sld [smem:$0x3FA9];
	_ =	sdelay $0x3  }
0x33: {  	p0 =	seq.s32 s10, $0x1;
	s10 =	sld [smem:$0x3FAB];
	_ =	sdelay $0x3  }
0x34: {  	[smem:$0x3FAB] =	sst s10  }
0x35: {  	s10 =	sld [smem:$0x3FAA];
	_ =	sdelay $0x3  }
0x36: {  	p1 =	seq.s32 s10, $0x1;
	s10 =	sld [smem:$0x3FAB];
	_ =	sdelay $0x3  }
0x37: {  	[smem:$0x3FAB] =	sst s10  }
0x38: {  	s10 =	sld [smem:$0x3FAC]  }
0x39: {  	_ = 	snop;
	(pc) =	sbr.ind lr, $3  }
0x3a: {  	_ = 	snop  }
0x3b: {  	_ = 	snop  }
0x3c: {  	p2 =	seq.s32 s10, $0x1;
	s10 =	sld [smem:$0x3FAB]  }
0x3d: {  	_ =	shalt  }
0x3e: {  	_ =	shalt  }
0x3f: {  	_ =	shalt  }
0x40: {  	_ =	shalt  }
0x41: {  	_ =	shalt  }
0x42: {  	_ =	shalt  }
0x43: {  	_ =	shalt  }
0x44: {  	_ =	shalt  }
0x45: {  	_ =	shalt  }
0x46: {  	_ =	shalt  }
0x47: {  	_ =	shalt  }
0x48: {  	_ =	shalt  }
0x49: {  	_ =	shalt  }
0x4a: {  	_ =	shalt  }
0x4b: {  	_ =	shalt  }
0x4c: {  	_ =	shalt  }
0x4d: {  	_ =	shalt  }
0x4e: {  	_ =	shalt  }
0x4f: {  	_ =	shalt  }
0x50: {  	_ =	shalt  }
0x51: {  	_ =	shalt  }
0x52: {  	_ =	shalt  }
0x53: {  	_ =	shalt  }
0x54: {  	_ =	shalt  }
0x55: {  	_ =	shalt  }
0x56: {  	_ =	shalt  }
0x57: {  	_ =	shalt  }
0x58: {  	_ =	shalt  }
0x59: {  	_ =	shalt  }
0x5a: {  	_ =	shalt  }
0x5b: {  	_ =	shalt  }
0x5c: {  	_ =	shalt  }
0x5d: {  	_ =	shalt  }
0x5e: {  	_ =	shalt  }
0x5f: {  	_ =	shalt  }
0x60: {  	_ =	shalt  }
0x61: {  	_ =	shalt  }
0x62: {  	_ =	shalt  }
0x63: {  	_ =	shalt  }
0x64: {  	_ =	shalt  }
0x65: {  	_ =	shalt  }
0x66: {  	_ =	shalt  }
0x67: {  	_ =	shalt  }
0x68: {  	_ =	shalt  }
0x69: {  	_ =	shalt  }
0x6a: {  	_ =	shalt  }
0x6b: {  	_ =	shalt  }
0x6c: {  	_ =	shalt  }
0x6d: {  	_ =	shalt  }
0x6e: {  	_ =	shalt  }
0x6f: {  	_ =	shalt  }
0x70: {  	_ =	shalt  }
0x71: {  	_ =	shalt  }
0x72: {  	_ =	shalt  }
0x73: {  	_ =	shalt  }
0x74: {  	_ =	shalt  }
0x75: {  	_ =	shalt  }
0x76: {  	_ =	shalt  }
0x77: {  	_ =	shalt  }
0x78: {  	_ =	shalt  }
0x79: {  	_ =	shalt  }
0x7a: {  	_ =	shalt  }
0x7b: {  	_ =	shalt  }
0x7c: {  	_ =	shalt  }
0x7d: {  	_ =	shalt  }
0x7e: {  	_ =	shalt  }
0x7f: {  	_ =	shalt  }
0x80: {  	_ =	shalt  }
0x81: {  	_ =	shalt  }
0x82: {  	_ =	shalt  }
0x83: {  	_ =	shalt  }
0x84: {  	_ =	shalt  }
0x85: {  	_ =	shalt  }
0x86: {  	_ =	shalt  }
0x87: {  	_ =	shalt  }
.Lfunc_end0:
.L_simem_size_0:
called_computation.2_lowered:
.L_overlay_start_0:
0x88: {  	s2 =	sld [smem:$0x3FD9]  }
0x89: {  	s3 =	sld [smem:$0x3FFE];
	_ =	sdelay $0x1  }
0x8a: {  	s1 =	srdreg.scid  }
0x8b: {  	s0 =	sand.u32 $0x1, s1  }
0x8c: {  	s16 =	sshll.u32 s0, $0xA;
	s2 =	sadd.s32 s3, s2  }
0x8d: {  	s2 =	sadd.s32 s2, s16  }
0x8e: {  	[smem:$0x3FB7] =	sst s2  }
0x8f: {  	_ = 	snop  }
0x90: {  	(tm) =	ssettm $0x1  }
0x91: {  	s17 =	sld [smem:$0x3FFB];
	_ =	sdelay $0x3  }
0x92: {  	_ =	strace s17  }
0x93: {  	s2 =	sld [smem:$0x3FFC];
	_ =	sdelay $0x3  }
0x94: {  	_ =	strace s2  }
0x95: {  	s2 =	sld [smem:$0x3FFD];
	_ =	sdelay $0x3  }
0x96: {  	_ =	strace s2  }
0x97: {  	_ =	strace $0x8FFFFFFF  }
0x98: {  	s18 =	sld [smem:$0x3FDB];
	_ =	sdelay $0x1  }
0x99: {  	s19 =	simm.s32 $_scs_section_size  }
0x9a: {  	s4 =	simm.s32 $_size__tile_overlayer_lowered;
	s5 =	simm.s32 $_tile_overlayer_lowered  }
0x9b: {  	s22 =	simm.s32 $0x1BFF;
	s21 =	sshll.u32 s5, $0x1;
	s2 =	sadd.s32 s19, s18  }
0x9c: {  	s6 =	simm.s32 $0x0;
	s20 =	sshll.u32 s4, $0x1;
	s4 =	sadd.s32 s21, s2  }
0x9d: {  	[timem:s6], [sflag:s22] =	dma.local [hbm:s4], s20  }
0x9e: {  	_ =	swait.ge [sflag:s22], s20  }
0x9f: {  	s3 =	ssub.s32 $0x0, s20;
	[sflag:s22] =	ssyncset.done $0x0  }
0xa0: {  	[sflag:s22] =	ssyncadd.s32 s3;
	_ =	sdelay $0x1  }
0xa1: {  	s23 =	simm.s32 $0x1B8B  }
0xa2: {  	_ =	swait.ge [sflag:s23], $0x1  }
0xa3: {  	[sflag:s23] =	ssyncset.done $0x0  }
0xa4: {  	s25 =	simm.s32 $0x1B8E;
	s24 =	sld [smem:$0x3FFE];
	[sflag:s23] =	ssyncadd.s32 $0xFFFFFFFF  }
0xa5: {  	s26 =	simm.s32 $execute0_lowered;
	[smem:$0x3FD2] =	sst s25  }
0xa6: {  	s4 =	sshll.u32 s26, $0x1;
	_ =	strace $0x8000004C;
	[dreg:$0x1] =	wrdreg $0xFFFFFFFF  }
0xa7: {  	s28 =	simm.s32 $_size_execute0_lowered;
	s2 =	sadd.s32 s2, s4;
	[dreg:$0x0] =	wrdreg $0x0  }
0xa8: {  	s4 =	sshll.u32 s28, $0x1;
	[dreg:$0x2] =	wrdreg s2  }
0xa9: {  	[dreg:$0x3] =	wrdreg s4  }
0xaa: {  	[dreg:$0x4] =	wrdreg $0xC0  }
0xab: {  	_ =	task [dreg:s6], $0x5FFFF  }
0xac: {  	[dreg:$0x1] =	wrdreg $0xFFFFFFFF  }
0xad: {  	[dreg:$0x0] =	wrdreg $0x60  }
0xae: {  	[dreg:$0x2] =	wrdreg s24  }
0xaf: {  	[dreg:$0x3] =	wrdreg $0xA8000  }
0xb0: {  	[dreg:$0x4] =	wrdreg $0x9  }
0xb1: {  	_ =	task.clear_ibuf [dreg:s6], $0x5FFFF;
	_ =	strace $0x9000004C  }
0xb2: {  	s29 =	simm.s32 $0x9;
	_ =	strace $0x8000004E  }
0xb3: {  	_ =	swait.ge [sflag:s29], $0x1  }
0xb4: {  	[sflag:s29] =	ssyncadd.s32 $0xFFFFFFFF  }
0xb5: {  	_ =	strace $0x9000004E  }
0xb6: {  	_ =	sfence  }
0xb7: {  	s30 =	sld [smem:$0x0];
	_ =	sdelay $0x2  }
0xb8: {  	s31 =	sshll.u32 s1, $0xD;
	s1 =	sshrl.u32 s1, $0x2  }
0xb9: {  	s3 =	sand.u32 $0x4000, s31;
	s1 =	sadd.s32 s1, s30  }
0xba: {  	s0 =	sor.u32 s3, s0;
	s1 =	sshll.u32 s1, $0x11  }
0xbb: {  	s0 =	sor.u32 s1, s0  }
0xbc: {  	s0 =	sadd.s32 $0x8F2B, s0  }
0xbd: {  	[sflag:s0] =	ssyncadd.remote.s32 $0x1  }
0xbe: {  	_ =	sfence.sel $0xFFFF  }
0xbf: {  	[dreg:$0x0] =	wrdreg $0xFFFFFFFF;
	(pc) =	sbr.abs _section_cstart, $3  }
0xc0: {  	[dreg:$0x1] =	wrdreg $0xFFFFFFFF  }
0xc1: {  	_ =	task.clear_ibuf [dreg:s6], $0x2FFFF;
	_ =	strace $0x9FFFFFFF  }
0xc2: {  	(tm) =	ssettm $0x7FFFFFFF  }
0xc3: {  	_ =	shalt  }
tec
execute0_lowered:
.L_overlay_start_1:
0x0: {  	(tag) =	ssettag $0x1  }
0x1: {  	s0 =	rddreg [dreg:$0x0]  }
0x2: {  	s1 =	rddreg [dreg:$0x1]  }
0x3: {  	s3 =	simm.s32 $0x0;
	s2 =	srdreg.scid;
	s13 =	stileid.u32  }
0x4: {  	[smem:$0x7FF] =	sst s3;
	s4 =	sadd.s32 $0x2CC00, s0;
	s5 =	smul.u32 $0x280, s13  }
0x5: {  	s2 =	sand.u32 $0x1, s2;
	s6 =	sadd.s32 $0xCF400, s0;
	s10 =	smul.u32 $0x50000, s13  }
0x6: {  	s9 =	sadd.s32 $0x4C00, s0;
	s7 =	smul.u32 $0x2800, s2;
	s8 =	sshll.u32 s2, $0x4  }
0x7: {  	s20 =	smul.u32 $0x14000, s13;
	_ =	strace $0x8000004D;
	s8 =	sor.u32 s13, s8  }
0x8: {  	s2 =	ssub.s32 $0x2, s2;
	s5 =	sadd.s32 s5, s7;
	s15 =	smul.u32 $0x2800, s8  }
0x9: {  	s11 =	sshrl.u32 s2, $0x1;
	s8 =	smul.u32 $0x500, s8;
	s5 =	sshll.u32 s5, $0x4  }
0xa: {  	s2 =	ssub.s32 s2, s11;
	s7 =	sshrl.u32 s10, $0x2;
	s0 =	sadd.s32 s5, s0  }
0xb: {  	s5 =	sshrl.u32 s15, $0x3;
	s16 =	sadd.s32 s6, s8;
	s18 =	sadd.s32 s9, s8  }
0xc: {  	s21 =	sadd.s32 $0xA000, s8;
	s24 =	sadd.s32 $0x14000, s8;
	[dreg:$0x3] =	wrdreg s16  }
0xd: {  	s8 =	sadd.s32 $0x1E000, s8;
	s17 =	sadd.s32 $0x280, s5;
	[dreg:$0x4] =	wrdreg s18  }
0xe: {  	s12 =	sadd.s32 $0xA280, s5;
	s14 =	sadd.s32 s6, s21;
	s11 =	sadd.s32 s9, s21  }
0xf: {  	s25 =	sadd.s32 $0x14280, s5;
	s26 =	sadd.s32 s6, s24;
	s5 =	sadd.s32 $0x1E280, s5  }
0x10: {  	s16 =	sadd.s32 s6, s8;
	s8 =	sadd.s32 s9, s8;
	[dreg:$0x7] =	wrdreg s14  }
0x11: {  	s18 =	sshrl.u32 s20, $0x3;
	s21 =	sadd.s32 s7, s1;
	[dreg:$0x8] =	wrdreg s11  }
0x12: {  	s20 =	smul.u32 $0x2800, s13;
	s28 =	sadd.s32 $0x147400, s0;
	[dreg:$0xb] =	wrdreg s26  }
0x13: {  	s30 =	sadd.s32 $0x197400, s0;
	s31 =	sadd.s32 $0x1E7400, s0;
	[dreg:$0xf] =	wrdreg s16  }
0x14: {  	s7 =	simm.s32 $0x2800;
	s19 =	sadd.s32 s6, s17;
	[dreg:$0x10] =	wrdreg s8  }
0x15: {  	s10 =	sadd.s32 s9, s17;
	s22 =	sadd.s32 s6, s12;
	[dreg:$0x5] =	wrdreg s19  }
0x16: {  	s23 =	sadd.s32 s9, s12;
	s11 =	sadd.s32 s9, s24;
	[dreg:$0x6] =	wrdreg s10  }
0x17: {  	s14 =	sadd.s32 s6, s25;
	s15 =	sadd.s32 s9, s25;
	[dreg:$0x9] =	wrdreg s22  }
0x18: {  	s6 =	sadd.s32 s6, s5;
	s5 =	sadd.s32 s9, s5;
	[dreg:$0xa] =	wrdreg s23  }
0x19: {  	s17 =	sshll.u32 s13, $0x6;
	s26 =	sadd.s32 $0xF7400, s0;
	[dreg:$0xc] =	wrdreg s11  }
0x1a: {  	s0 =	smax.u32 s2, $0x1;
	s2 =	simm.s32 $0x3;
	[dreg:$0xd] =	wrdreg s14  }
0x1b: {  	s8 =	simm.s32 $0x6800;
	s9 =	simm.s32 $0x1;
	[dreg:$0xe] =	wrdreg s15  }
0x1c: {  	s12 =	simm.s32 $0x2700;
	s13 =	simm.s32 $0x2780;
	[dreg:$0x11] =	wrdreg s6  }
0x1d: {  	[dreg:$0x12] =	wrdreg s5;
	s22 =	sor.u32 $0x1C03, s17;
	s19 =	sadd.s32 s4, s18  }
0x1e: {  	s29 =	sadd.s32 s4, s20;
	s5 =	simm.s32 $0x1400;
	s6 =	simm.s32 $0x80  }
0x1f: {  	s10 =	simm.s32 $0x2;
	s11 =	simm.s32 $0x1380;
	s14 =	simm.s32 $0x0  }
0x20: {  	s23 =	sadd.s32 $0x28000, s19;
	s24 =	sadd.s32 $0x50000, s19;
	s25 =	sadd.s32 $0x78000, s19  }
.LBB2_1:
0x21: {  	s15 =	sshrl.u32 s21, $0x3  }
0x22: {  	[spmem:s15], [sflag:s22] =	dma.local [hbm:s29], $0x2800  }
0x23: {  	_ =	swait.ge [sflag:s2], $0x2800  }
0x24: {  	[sflag:s2] =	ssyncset.done $0x0  }
0x25: {  	s16 =	rddreg [dreg:$0x3];
	[sflag:s2] =	ssyncadd.s32 $0xFFFFD800  }
0x26: {  	[tilespmem:s3], [sflag:$0x3] =	stream.linear.gather [hbm4b:s16+s3], $0x1400, $0x38;
	[tilespmem:$0x1E800] =	vst v63  }
0x27: {  	_ =	swait.ge [sflag:s2], $0x1400  }
0x28: {  	[sflag:s2] =	ssyncset.done $0x0  }
0x29: {  	s20 =	rddreg [dreg:$0x4];
	[sflag:s2] =	ssyncadd.s32 $0xFFFFEC00  }
0x2a: {  	[tilespmem:s5], [sflag:$0x3] =	stream.linear.gather [hbm4b:s20+s3], $0x1400, $0x38;
	[tilespmem:$0x1E800] =	vst v63  }
0x2b: {  	_ =	swait.ge [sflag:s2], $0x1400  }
0x2c: {  	[sflag:s2] =	ssyncset.done $0x0  }
0x2d: {  	[sflag:s2] =	ssyncadd.s32 $0xFFFFEC00  }
0x2e: {  	[bflag:$0x0] =	sbarrier.arrive $0xFFFF  }
0x2f: {  	[tilespmem:s7], [sflag:$0x1] =	stream.indirect.gather [hbm4b:s4+s6], $0x80, s3, s6, $0xb8;
	[tilespmem:$0x1E800] =	vst v63  }
0x30: {  	s17 =	simm.s32 $0x80  }
0x31: {  	[tilespmem:s8], [sflag:$0x2] =	stream.indirect.gather [hbm4b:s4+s6], $0x80, s17, s6, $0xb8;
	[tilespmem:$0x1E800] =	vst v63  }
0x32: {  	_ =	swait.ge [sflag:s9], $0x4000  }
0x33: {  	[sflag:s9] =	ssyncset.done $0x0  }
0x34: {  	s18 =	simm.s32 $0x1400;
	[sflag:s9] =	ssyncadd.s32 $0xFFFFC000  }
0x35: {  	[spmem:s1] =	stream.indirect.scatter.add.f32 [tilespmem:s7], [sflag:$0x3], $0x80, s18, s6, $0xb8;
	[tilespmem:$0x1E800] =	vst v63  }
0x36: {  	_ =	swait.ge [sflag:s2], $0x4000  }
0x37: {  	[sflag:s2] =	ssyncset.done $0x0  }
0x38: {  	s19 =	simm.s32 $0x100;
	[sflag:s2] =	ssyncadd.s32 $0xFFFFC000  }
0x39: {  	[tilespmem:s7], [sflag:$0x1] =	stream.indirect.gather [hbm4b:s4+s6], $0x80, s19, s6, $0xb8;
	[tilespmem:$0x1E800] =	vst v63  }
0x3a: {  	_ =	swait.ge [sflag:s10], $0x4000  }
0x3b: {  	[sflag:s10] =	ssyncset.done $0x0  }
0x3c: {  	s20 =	simm.s32 $0x1480;
	[sflag:s10] =	ssyncadd.s32 $0xFFFFC000  }
0x3d: {  	[spmem:s1] =	stream.indirect.scatter.add.f32 [tilespmem:s8], [sflag:$0x3], $0x80, s20, s6, $0xb8;
	[tilespmem:$0x1E800] =	vst v63  }
0x3e: {  	_ =	swait.ge [sflag:s2], $0x4000  }
0x3f: {  	s16 =	simm.s32 $0x100;
	s17 =	simm.s32 $0x800;
	[sflag:s2] =	ssyncset.done $0x0  }
.LBB2_2:
0x40: {  	s18 =	sadd.s32 $0x80, s16  }
0x41: {  	[sflag:s2] =	ssyncadd.s32 $0xFFFFC000;
	s19 =	smov.u32 s17;
	s20 =	sadd.s32 $0x400, s17  }
0x42: {  	[tilespmem:s8], [sflag:$0x2] =	stream.indirect.gather [hbm4b:s4+s6], $0x80, s18, s6, $0xb8;
	[tilespmem:$0x1E800] =	vst v63  }
0x43: {  	p0 =	sne.s32 s17, $0x4800;
	_ =	swait.ge [sflag:s9], $0x4000  }
0x44: {  	[sflag:s9] =	ssyncset.done $0x0  }
0x45: {  	s17 =	sadd.s32 $0x1400, s16;
	[sflag:s9] =	ssyncadd.s32 $0xFFFFC000  }
0x46: {  	[spmem:s1] =	stream.indirect.scatter.add.f32 [tilespmem:s7], [sflag:$0x3], $0x80, s17, s6, $0xb8;
	[tilespmem:$0x1E800] =	vst v63  }
0x47: {  	_ =	swait.ge [sflag:s2], $0x4000  }
0x48: {  	[sflag:s2] =	ssyncset.done $0x0  }
0x49: {  	s17 =	sadd.s32 $0x100, s16;
	[sflag:s2] =	ssyncadd.s32 $0xFFFFC000  }
0x4a: {  	[tilespmem:s7], [sflag:$0x1] =	stream.indirect.gather [hbm4b:s4+s6], $0x80, s17, s6, $0xb8;
	[tilespmem:$0x1E800] =	vst v63  }
0x4b: {  	_ =	swait.ge [sflag:s10], $0x4000  }
.Ltmp0:
0x4c: {  	[sflag:s10] =	ssyncset.done $0x0;
	(pc) =	sbr.rel @p0 .LBB2_2-.Ltmp0, $4  }
0x4d: {  	s16 =	sadd.s32 $0x1480, s16;
	[sflag:s10] =	ssyncadd.s32 $0xFFFFC000  }
0x4e: {  	[spmem:s1] =	stream.indirect.scatter.add.f32 [tilespmem:s8], [sflag:$0x3], $0x80, s16, s6, $0xb8;
	[tilespmem:$0x1E800] =	vst v63  }
0x4f: {  	_ =	swait.ge [sflag:s2], $0x4000  }
0x50: {  	s17 =	smov.u32 s20;
	s16 =	sshra.s32 s19, $0x2;
	[sflag:s2] =	ssyncset.done $0x0  }
0x51: {  	s17 =	sadd.s32 $0x80, s16;
	[sflag:s2] =	ssyncadd.s32 $0xFFFFC000  }
0x52: {  	[tilespmem:s8], [sflag:$0x2] =	stream.indirect.gather [hbm4b:s4+s6], $0x80, s17, s6, $0xb8;
	[tilespmem:$0x1E800] =	vst v63  }
0x53: {  	_ =	swait.ge [sflag:s9], $0x4000  }
0x54: {  	[sflag:s9] =	ssyncset.done $0x0  }
0x55: {  	s19 =	sadd.s32 $0x1400, s16;
	[sflag:s9] =	ssyncadd.s32 $0xFFFFC000  }
0x56: {  	[spmem:s1] =	stream.indirect.scatter.add.f32 [tilespmem:s7], [sflag:$0x3], $0x80, s19, s6, $0xb8;
	[tilespmem:$0x1E800] =	vst v63  }
0x57: {  	_ =	swait.ge [sflag:s2], $0x4000  }
0x58: {  	[sflag:s2] =	ssyncset.done $0x0  }
0x59: {  	s20 =	sadd.s32 $0x100, s16;
	[sflag:s2] =	ssyncadd.s32 $0xFFFFC000  }
0x5a: {  	[tilespmem:s7], [sflag:$0x1] =	stream.indirect.gather [hbm4b:s4+s6], $0x80, s20, s6, $0xb8;
	[tilespmem:$0x1E800] =	vst v63  }
0x5b: {  	_ =	swait.ge [sflag:s10], $0x4000  }
0x5c: {  	[sflag:s10] =	ssyncset.done $0x0  }
0x5d: {  	s17 =	sadd.s32 $0x1480, s16;
	[sflag:s10] =	ssyncadd.s32 $0xFFFFC000  }
0x5e: {  	[spmem:s1] =	stream.indirect.scatter.add.f32 [tilespmem:s8], [sflag:$0x3], $0x80, s17, s6, $0xb8;
	[tilespmem:$0x1E800] =	vst v63  }
0x5f: {  	_ =	swait.ge [sflag:s2], $0x4000  }
0x60: {  	[sflag:s2] =	ssyncset.done $0x0  }
0x61: {  	[sflag:s2] =	ssyncadd.s32 $0xFFFFC000  }
0x62: {  	[tilespmem:s8], [sflag:$0x2] =	stream.indirect.gather [hbm4b:s4+s6], $0x80, s11, s6, $0xb8;
	[tilespmem:$0x1E800] =	vst v63  }
0x63: {  	_ =	swait.ge [sflag:s9], $0x4000  }
0x64: {  	[sflag:s9] =	ssyncset.done $0x0  }
0x65: {  	[sflag:s9] =	ssyncadd.s32 $0xFFFFC000  }
0x66: {  	[spmem:s1] =	stream.indirect.scatter.add.f32 [tilespmem:s7], [sflag:$0x3], $0x80, s12, s6, $0xb8;
	[tilespmem:$0x1E800] =	vst v63  }
0x67: {  	_ =	swait.ge [sflag:s2], $0x4000  }
0x68: {  	[sflag:s2] =	ssyncset.done $0x0  }
0x69: {  	[sflag:s2] =	ssyncadd.s32 $0xFFFFC000  }
0x6a: {  	_ =	swait.ge [sflag:s10], $0x4000  }
0x6b: {  	[sflag:s10] =	ssyncset.done $0x0  }
0x6c: {  	[sflag:s10] =	ssyncadd.s32 $0xFFFFC000  }
0x6d: {  	[spmem:s1] =	stream.indirect.scatter.add.f32 [tilespmem:s8], [sflag:$0x3], $0x80, s13, s6, $0xb8;
	[tilespmem:$0x1E800] =	vst v63  }
0x6e: {  	_ =	swait.ge [sflag:s2], $0x4000  }
0x6f: {  	[sflag:s2] =	ssyncset.done $0x0  }
0x70: {  	s18 =	simm.s32 $0x0;
	s19 =	rddreg [dreg:$0x5];
	[sflag:s2] =	ssyncadd.s32 $0xFFFFC000  }
0x71: {  	[tilespmem:s18], [sflag:$0x3] =	stream.linear.gather [hbm4b:s19+s18], $0x1400, $0x38;
	[tilespmem:$0x1E800] =	vst v63  }
0x72: {  	_ =	swait.ge [sflag:s2], $0x1400  }
0x73: {  	[sflag:s2] =	ssyncset.done $0x0  }
0x74: {  	s20 =	rddreg [dreg:$0x6];
	[sflag:s2] =	ssyncadd.s32 $0xFFFFEC00  }
0x75: {  	[tilespmem:s5], [sflag:$0x3] =	stream.linear.gather [hbm4b:s20+s18], $0x1400, $0x38;
	[tilespmem:$0x1E800] =	vst v63  }
0x76: {  	_ =	swait.ge [sflag:s2], $0x1400  }
0x77: {  	[sflag:s2] =	ssyncset.done $0x0  }
0x78: {  	[sflag:s2] =	ssyncadd.s32 $0xFFFFEC00  }
0x79: {  	[tilespmem:s7], [sflag:$0x1] =	stream.indirect.gather [hbm4b:s4+s6], $0x80, s18, s6, $0xb8;
	[tilespmem:$0x1E800] =	vst v63  }
0x7a: {  	s17 =	simm.s32 $0x80  }
0x7b: {  	[tilespmem:s8], [sflag:$0x2] =	stream.indirect.gather [hbm4b:s4+s6], $0x80, s17, s6, $0xb8;
	[tilespmem:$0x1E800] =	vst v63  }
0x7c: {  	_ =	swait.ge [sflag:s9], $0x4000  }
0x7d: {  	[sflag:s9] =	ssyncset.done $0x0  }
0x7e: {  	s18 =	simm.s32 $0x1400;
	[sflag:s9] =	ssyncadd.s32 $0xFFFFC000  }
0x7f: {  	[spmem:s1] =	stream.indirect.scatter.add.f32 [tilespmem:s7], [sflag:$0x3], $0x80, s18, s6, $0xb8;
	[tilespmem:$0x1E800] =	vst v63  }
0x80: {  	_ =	swait.ge [sflag:s2], $0x4000  }
0x81: {  	[sflag:s2] =	ssyncset.done $0x0  }
0x82: {  	s19 =	simm.s32 $0x100;
	[sflag:s2] =	ssyncadd.s32 $0xFFFFC000  }
0x83: {  	[tilespmem:s7], [sflag:$0x1] =	stream.indirect.gather [hbm4b:s4+s6], $0x80, s19, s6, $0xb8;
	[tilespmem:$0x1E800] =	vst v63  }
0x84: {  	_ =	swait.ge [sflag:s10], $0x4000  }
0x85: {  	[sflag:s10] =	ssyncset.done $0x0  }
0x86: {  	s20 =	simm.s32 $0x1480;
	[sflag:s10] =	ssyncadd.s32 $0xFFFFC000  }
0x87: {  	[spmem:s1] =	stream.indirect.scatter.add.f32 [tilespmem:s8], [sflag:$0x3], $0x80, s20, s6, $0xb8;
	[tilespmem:$0x1E800] =	vst v63  }
0x88: {  	_ =	swait.ge [sflag:s2], $0x4000  }
0x89: {  	s16 =	simm.s32 $0x100;
	s17 =	simm.s32 $0x800;
	[sflag:s2] =	ssyncset.done $0x0  }
.LBB2_4:
0x8a: {  	s18 =	sadd.s32 $0x80, s16  }
0x8b: {  	[sflag:s2] =	ssyncadd.s32 $0xFFFFC000;
	s19 =	smov.u32 s17;
	s20 =	sadd.s32 $0x400, s17  }
0x8c: {  	[tilespmem:s8], [sflag:$0x2] =	stream.indirect.gather [hbm4b:s4+s6], $0x80, s18, s6, $0xb8;
	[tilespmem:$0x1E800] =	vst v63  }
0x8d: {  	p0 =	sne.s32 s17, $0x4800;
	_ =	swait.ge [sflag:s9], $0x4000  }
0x8e: {  	[sflag:s9] =	ssyncset.done $0x0  }
0x8f: {  	s17 =	sadd.s32 $0x1400, s16;
	[sflag:s9] =	ssyncadd.s32 $0xFFFFC000  }
0x90: {  	[spmem:s1] =	stream.indirect.scatter.add.f32 [tilespmem:s7], [sflag:$0x3], $0x80, s17, s6, $0xb8;
	[tilespmem:$0x1E800] =	vst v63  }
0x91: {  	_ =	swait.ge [sflag:s2], $0x4000  }
0x92: {  	[sflag:s2] =	ssyncset.done $0x0  }
0x93: {  	s17 =	sadd.s32 $0x100, s16;
	[sflag:s2] =	ssyncadd.s32 $0xFFFFC000  }
0x94: {  	[tilespmem:s7], [sflag:$0x1] =	stream.indirect.gather [hbm4b:s4+s6], $0x80, s17, s6, $0xb8;
	[tilespmem:$0x1E800] =	vst v63  }
0x95: {  	_ =	swait.ge [sflag:s10], $0x4000  }
.Ltmp1:
0x96: {  	[sflag:s10] =	ssyncset.done $0x0;
	(pc) =	sbr.rel @p0 .LBB2_4-.Ltmp1, $4  }
0x97: {  	s16 =	sadd.s32 $0x1480, s16;
	[sflag:s10] =	ssyncadd.s32 $0xFFFFC000  }
0x98: {  	[spmem:s1] =	stream.indirect.scatter.add.f32 [tilespmem:s8], [sflag:$0x3], $0x80, s16, s6, $0xb8;
	[tilespmem:$0x1E800] =	vst v63  }
0x99: {  	_ =	swait.ge [sflag:s2], $0x4000  }
0x9a: {  	s17 =	smov.u32 s20;
	s16 =	sshra.s32 s19, $0x2;
	[sflag:s2] =	ssyncset.done $0x0  }
0x9b: {  	s17 =	sadd.s32 $0x80, s16;
	[sflag:s2] =	ssyncadd.s32 $0xFFFFC000  }
0x9c: {  	[tilespmem:s8], [sflag:$0x2] =	stream.indirect.gather [hbm4b:s4+s6], $0x80, s17, s6, $0xb8;
	[tilespmem:$0x1E800] =	vst v63  }
0x9d: {  	_ =	swait.ge [sflag:s9], $0x4000  }
0x9e: {  	[sflag:s9] =	ssyncset.done $0x0  }
0x9f: {  	s19 =	sadd.s32 $0x1400, s16;
	[sflag:s9] =	ssyncadd.s32 $0xFFFFC000  }
0xa0: {  	[spmem:s1] =	stream.indirect.scatter.add.f32 [tilespmem:s7], [sflag:$0x3], $0x80, s19, s6, $0xb8;
	[tilespmem:$0x1E800] =	vst v63  }
0xa1: {  	_ =	swait.ge [sflag:s2], $0x4000  }
0xa2: {  	[sflag:s2] =	ssyncset.done $0x0  }
0xa3: {  	s20 =	sadd.s32 $0x100, s16;
	[sflag:s2] =	ssyncadd.s32 $0xFFFFC000  }
0xa4: {  	[tilespmem:s7], [sflag:$0x1] =	stream.indirect.gather [hbm4b:s4+s6], $0x80, s20, s6, $0xb8;
	[tilespmem:$0x1E800] =	vst v63  }
0xa5: {  	_ =	swait.ge [sflag:s10], $0x4000  }
0xa6: {  	[sflag:s10] =	ssyncset.done $0x0  }
0xa7: {  	s17 =	sadd.s32 $0x1480, s16;
	[sflag:s10] =	ssyncadd.s32 $0xFFFFC000  }
0xa8: {  	[spmem:s1] =	stream.indirect.scatter.add.f32 [tilespmem:s8], [sflag:$0x3], $0x80, s17, s6, $0xb8;
	[tilespmem:$0x1E800] =	vst v63  }
0xa9: {  	_ =	swait.ge [sflag:s2], $0x4000  }
0xaa: {  	[sflag:s2] =	ssyncset.done $0x0  }
0xab: {  	[sflag:s2] =	ssyncadd.s32 $0xFFFFC000  }
0xac: {  	[tilespmem:s8], [sflag:$0x2] =	stream.indirect.gather [hbm4b:s4+s6], $0x80, s11, s6, $0xb8;
	[tilespmem:$0x1E800] =	vst v63  }
0xad: {  	_ =	swait.ge [sflag:s9], $0x4000  }
0xae: {  	[sflag:s9] =	ssyncset.done $0x0  }
0xaf: {  	[sflag:s9] =	ssyncadd.s32 $0xFFFFC000  }
0xb0: {  	[spmem:s1] =	stream.indirect.scatter.add.f32 [tilespmem:s7], [sflag:$0x3], $0x80, s12, s6, $0xb8;
	[tilespmem:$0x1E800] =	vst v63  }
0xb1: {  	_ =	swait.ge [sflag:s2], $0x4000  }
0xb2: {  	[sflag:s2] =	ssyncset.done $0x0  }
0xb3: {  	[sflag:s2] =	ssyncadd.s32 $0xFFFFC000  }
0xb4: {  	_ =	swait.ge [sflag:s10], $0x4000  }
0xb5: {  	[sflag:s10] =	ssyncset.done $0x0  }
0xb6: {  	[sflag:s10] =	ssyncadd.s32 $0xFFFFC000  }
0xb7: {  	[spmem:s1] =	stream.indirect.scatter.add.f32 [tilespmem:s8], [sflag:$0x3], $0x80, s13, s6, $0xb8;
	[tilespmem:$0x1E800] =	vst v63  }
0xb8: {  	_ =	swait.ge [sflag:s2], $0x4000  }
0xb9: {  	[sflag:s2] =	ssyncset.done $0x0  }
0xba: {  	[sflag:s2] =	ssyncadd.s32 $0xFFFFC000  }
0xbb: {  	[bflag:$0x0] =	sbarrier.arrive $0xFFFF  }
0xbc: {  	[hbm:s26], [sflag:s22] =	dma.local [spmem:s15], $0x2800  }
0xbd: {  	_ =	swait.ge [sflag:s2], $0x2800  }
0xbe: {  	[sflag:s2] =	ssyncset.done $0x0  }
0xbf: {  	[sflag:s2] =	ssyncadd.s32 $0xFFFFD800  }
0xc0: {  	[bflag:$0x0] =	sbarrier.arrive $0xFFFF  }
0xc1: {  	[spmem:s15], [sflag:s22] =	dma.local [hbm:s23], $0x2800  }
0xc2: {  	_ =	swait.ge [sflag:s2], $0x2800  }
0xc3: {  	[sflag:s2] =	ssyncset.done $0x0  }
0xc4: {  	s18 =	simm.s32 $0x0;
	s19 =	rddreg [dreg:$0x7];
	[sflag:s2] =	ssyncadd.s32 $0xFFFFD800  }
0xc5: {  	[tilespmem:s18], [sflag:$0x3] =	stream.linear.gather [hbm4b:s19+s18], $0x1400, $0x38;
	[tilespmem:$0x1E800] =	vst v63  }
0xc6: {  	_ =	swait.ge [sflag:s2], $0x1400  }
0xc7: {  	[sflag:s2] =	ssyncset.done $0x0  }
0xc8: {  	s20 =	rddreg [dreg:$0x8];
	[sflag:s2] =	ssyncadd.s32 $0xFFFFEC00  }
0xc9: {  	[tilespmem:s5], [sflag:$0x3] =	stream.linear.gather [hbm4b:s20+s18], $0x1400, $0x38;
	[tilespmem:$0x1E800] =	vst v63  }
0xca: {  	_ =	swait.ge [sflag:s2], $0x1400  }
0xcb: {  	[sflag:s2] =	ssyncset.done $0x0  }
0xcc: {  	[sflag:s2] =	ssyncadd.s32 $0xFFFFEC00  }
0xcd: {  	[bflag:$0x0] =	sbarrier.arrive $0xFFFF  }
0xce: {  	[tilespmem:s7], [sflag:$0x1] =	stream.indirect.gather [hbm4b:s4+s6], $0x80, s18, s6, $0xb8;
	[tilespmem:$0x1E800] =	vst v63  }
0xcf: {  	s17 =	simm.s32 $0x80  }
0xd0: {  	[tilespmem:s8], [sflag:$0x2] =	stream.indirect.gather [hbm4b:s4+s6], $0x80, s17, s6, $0xb8;
	[tilespmem:$0x1E800] =	vst v63  }
0xd1: {  	_ =	swait.ge [sflag:s9], $0x4000  }
0xd2: {  	[sflag:s9] =	ssyncset.done $0x0  }
0xd3: {  	s18 =	simm.s32 $0x1400;
	[sflag:s9] =	ssyncadd.s32 $0xFFFFC000  }
0xd4: {  	[spmem:s1] =	stream.indirect.scatter.add.f32 [tilespmem:s7], [sflag:$0x3], $0x80, s18, s6, $0xb8;
	[tilespmem:$0x1E800] =	vst v63  }
0xd5: {  	_ =	swait.ge [sflag:s2], $0x4000  }
0xd6: {  	[sflag:s2] =	ssyncset.done $0x0  }
0xd7: {  	s19 =	simm.s32 $0x100;
	[sflag:s2] =	ssyncadd.s32 $0xFFFFC000  }
0xd8: {  	[tilespmem:s7], [sflag:$0x1] =	stream.indirect.gather [hbm4b:s4+s6], $0x80, s19, s6, $0xb8;
	[tilespmem:$0x1E800] =	vst v63  }
0xd9: {  	_ =	swait.ge [sflag:s10], $0x4000  }
0xda: {  	[sflag:s10] =	ssyncset.done $0x0  }
0xdb: {  	s20 =	simm.s32 $0x1480;
	[sflag:s10] =	ssyncadd.s32 $0xFFFFC000  }
0xdc: {  	[spmem:s1] =	stream.indirect.scatter.add.f32 [tilespmem:s8], [sflag:$0x3], $0x80, s20, s6, $0xb8;
	[tilespmem:$0x1E800] =	vst v63  }
0xdd: {  	_ =	swait.ge [sflag:s2], $0x4000  }
0xde: {  	s16 =	simm.s32 $0x100;
	s17 =	simm.s32 $0x800;
	[sflag:s2] =	ssyncset.done $0x0  }
.LBB2_6:
0xdf: {  	s18 =	sadd.s32 $0x80, s16  }
0xe0: {  	[sflag:s2] =	ssyncadd.s32 $0xFFFFC000;
	s19 =	smov.u32 s17;
	s20 =	sadd.s32 $0x400, s17  }
0xe1: {  	[tilespmem:s8], [sflag:$0x2] =	stream.indirect.gather [hbm4b:s4+s6], $0x80, s18, s6, $0xb8;
	[tilespmem:$0x1E800] =	vst v63  }
0xe2: {  	p0 =	sne.s32 s17, $0x4800;
	_ =	swait.ge [sflag:s9], $0x4000  }
0xe3: {  	[sflag:s9] =	ssyncset.done $0x0  }
0xe4: {  	s17 =	sadd.s32 $0x1400, s16;
	[sflag:s9] =	ssyncadd.s32 $0xFFFFC000  }
0xe5: {  	[spmem:s1] =	stream.indirect.scatter.add.f32 [tilespmem:s7], [sflag:$0x3], $0x80, s17, s6, $0xb8;
	[tilespmem:$0x1E800] =	vst v63  }
0xe6: {  	_ =	swait.ge [sflag:s2], $0x4000  }
0xe7: {  	[sflag:s2] =	ssyncset.done $0x0  }
0xe8: {  	s17 =	sadd.s32 $0x100, s16;
	[sflag:s2] =	ssyncadd.s32 $0xFFFFC000  }
0xe9: {  	[tilespmem:s7], [sflag:$0x1] =	stream.indirect.gather [hbm4b:s4+s6], $0x80, s17, s6, $0xb8;
	[tilespmem:$0x1E800] =	vst v63  }
0xea: {  	_ =	swait.ge [sflag:s10], $0x4000  }
.Ltmp2:
0xeb: {  	[sflag:s10] =	ssyncset.done $0x0;
	(pc) =	sbr.rel @p0 .LBB2_6-.Ltmp2, $4  }
0xec: {  	s16 =	sadd.s32 $0x1480, s16;
	[sflag:s10] =	ssyncadd.s32 $0xFFFFC000  }
0xed: {  	[spmem:s1] =	stream.indirect.scatter.add.f32 [tilespmem:s8], [sflag:$0x3], $0x80, s16, s6, $0xb8;
	[tilespmem:$0x1E800] =	vst v63  }
0xee: {  	_ =	swait.ge [sflag:s2], $0x4000  }
0xef: {  	s17 =	smov.u32 s20;
	s16 =	sshra.s32 s19, $0x2;
	[sflag:s2] =	ssyncset.done $0x0  }
0xf0: {  	s17 =	sadd.s32 $0x80, s16;
	[sflag:s2] =	ssyncadd.s32 $0xFFFFC000  }
0xf1: {  	[tilespmem:s8], [sflag:$0x2] =	stream.indirect.gather [hbm4b:s4+s6], $0x80, s17, s6, $0xb8;
	[tilespmem:$0x1E800] =	vst v63  }
0xf2: {  	_ =	swait.ge [sflag:s9], $0x4000  }
0xf3: {  	[sflag:s9] =	ssyncset.done $0x0  }
0xf4: {  	s19 =	sadd.s32 $0x1400, s16;
	[sflag:s9] =	ssyncadd.s32 $0xFFFFC000  }
0xf5: {  	[spmem:s1] =	stream.indirect.scatter.add.f32 [tilespmem:s7], [sflag:$0x3], $0x80, s19, s6, $0xb8;
	[tilespmem:$0x1E800] =	vst v63  }
0xf6: {  	_ =	swait.ge [sflag:s2], $0x4000  }
0xf7: {  	[sflag:s2] =	ssyncset.done $0x0  }
0xf8: {  	s20 =	sadd.s32 $0x100, s16;
	[sflag:s2] =	ssyncadd.s32 $0xFFFFC000  }
0xf9: {  	[tilespmem:s7], [sflag:$0x1] =	stream.indirect.gather [hbm4b:s4+s6], $0x80, s20, s6, $0xb8;
	[tilespmem:$0x1E800] =	vst v63  }
0xfa: {  	_ =	swait.ge [sflag:s10], $0x4000  }
0xfb: {  	[sflag:s10] =	ssyncset.done $0x0  }
0xfc: {  	s17 =	sadd.s32 $0x1480, s16;
	[sflag:s10] =	ssyncadd.s32 $0xFFFFC000  }
0xfd: {  	[spmem:s1] =	stream.indirect.scatter.add.f32 [tilespmem:s8], [sflag:$0x3], $0x80, s17, s6, $0xb8;
	[tilespmem:$0x1E800] =	vst v63  }
0xfe: {  	_ =	swait.ge [sflag:s2], $0x4000  }
0xff: {  	[sflag:s2] =	ssyncset.done $0x0  }
0x100: {  	[sflag:s2] =	ssyncadd.s32 $0xFFFFC000  }
0x101: {  	[tilespmem:s8], [sflag:$0x2] =	stream.indirect.gather [hbm4b:s4+s6], $0x80, s11, s6, $0xb8;
	[tilespmem:$0x1E800] =	vst v63  }
0x102: {  	_ =	swait.ge [sflag:s9], $0x4000  }
0x103: {  	[sflag:s9] =	ssyncset.done $0x0  }
0x104: {  	[sflag:s9] =	ssyncadd.s32 $0xFFFFC000  }
0x105: {  	[spmem:s1] =	stream.indirect.scatter.add.f32 [tilespmem:s7], [sflag:$0x3], $0x80, s12, s6, $0xb8;
	[tilespmem:$0x1E800] =	vst v63  }
0x106: {  	_ =	swait.ge [sflag:s2], $0x4000  }
0x107: {  	[sflag:s2] =	ssyncset.done $0x0  }
0x108: {  	[sflag:s2] =	ssyncadd.s32 $0xFFFFC000  }
0x109: {  	_ =	swait.ge [sflag:s10], $0x4000  }
0x10a: {  	[sflag:s10] =	ssyncset.done $0x0  }
0x10b: {  	[sflag:s10] =	ssyncadd.s32 $0xFFFFC000  }
0x10c: {  	[spmem:s1] =	stream.indirect.scatter.add.f32 [tilespmem:s8], [sflag:$0x3], $0x80, s13, s6, $0xb8;
	[tilespmem:$0x1E800] =	vst v63  }
0x10d: {  	_ =	swait.ge [sflag:s2], $0x4000  }
0x10e: {  	[sflag:s2] =	ssyncset.done $0x0  }
0x10f: {  	s18 =	simm.s32 $0x0;
	s19 =	rddreg [dreg:$0x9];
	[sflag:s2] =	ssyncadd.s32 $0xFFFFC000  }
0x110: {  	[tilespmem:s18], [sflag:$0x3] =	stream.linear.gather [hbm4b:s19+s18], $0x1400, $0x38;
	[tilespmem:$0x1E800] =	vst v63  }
0x111: {  	_ =	swait.ge [sflag:s2], $0x1400  }
0x112: {  	[sflag:s2] =	ssyncset.done $0x0  }
0x113: {  	s20 =	rddreg [dreg:$0xa];
	[sflag:s2] =	ssyncadd.s32 $0xFFFFEC00  }
0x114: {  	[tilespmem:s5], [sflag:$0x3] =	stream.linear.gather [hbm4b:s20+s18], $0x1400, $0x38;
	[tilespmem:$0x1E800] =	vst v63  }
0x115: {  	_ =	swait.ge [sflag:s2], $0x1400  }
0x116: {  	[sflag:s2] =	ssyncset.done $0x0  }
0x117: {  	[sflag:s2] =	ssyncadd.s32 $0xFFFFEC00  }
0x118: {  	[tilespmem:s7], [sflag:$0x1] =	stream.indirect.gather [hbm4b:s4+s6], $0x80, s18, s6, $0xb8;
	[tilespmem:$0x1E800] =	vst v63  }
0x119: {  	s17 =	simm.s32 $0x80  }
0x11a: {  	[tilespmem:s8], [sflag:$0x2] =	stream.indirect.gather [hbm4b:s4+s6], $0x80, s17, s6, $0xb8;
	[tilespmem:$0x1E800] =	vst v63  }
0x11b: {  	_ =	swait.ge [sflag:s9], $0x4000  }
0x11c: {  	[sflag:s9] =	ssyncset.done $0x0  }
0x11d: {  	s18 =	simm.s32 $0x1400;
	[sflag:s9] =	ssyncadd.s32 $0xFFFFC000  }
0x11e: {  	[spmem:s1] =	stream.indirect.scatter.add.f32 [tilespmem:s7], [sflag:$0x3], $0x80, s18, s6, $0xb8;
	[tilespmem:$0x1E800] =	vst v63  }
0x11f: {  	_ =	swait.ge [sflag:s2], $0x4000  }
0x120: {  	[sflag:s2] =	ssyncset.done $0x0  }
0x121: {  	s19 =	simm.s32 $0x100;
	[sflag:s2] =	ssyncadd.s32 $0xFFFFC000  }
0x122: {  	[tilespmem:s7], [sflag:$0x1] =	stream.indirect.gather [hbm4b:s4+s6], $0x80, s19, s6, $0xb8;
	[tilespmem:$0x1E800] =	vst v63  }
0x123: {  	_ =	swait.ge [sflag:s10], $0x4000  }
0x124: {  	[sflag:s10] =	ssyncset.done $0x0  }
0x125: {  	s20 =	simm.s32 $0x1480;
	[sflag:s10] =	ssyncadd.s32 $0xFFFFC000  }
0x126: {  	[spmem:s1] =	stream.indirect.scatter.add.f32 [tilespmem:s8], [sflag:$0x3], $0x80, s20, s6, $0xb8;
	[tilespmem:$0x1E800] =	vst v63  }
0x127: {  	_ =	swait.ge [sflag:s2], $0x4000  }
0x128: {  	s16 =	simm.s32 $0x100;
	s17 =	simm.s32 $0x800;
	[sflag:s2] =	ssyncset.done $0x0  }
.LBB2_8:
0x129: {  	s18 =	sadd.s32 $0x80, s16  }
0x12a: {  	[sflag:s2] =	ssyncadd.s32 $0xFFFFC000;
	s19 =	smov.u32 s17;
	s20 =	sadd.s32 $0x400, s17  }
0x12b: {  	[tilespmem:s8], [sflag:$0x2] =	stream.indirect.gather [hbm4b:s4+s6], $0x80, s18, s6, $0xb8;
	[tilespmem:$0x1E800] =	vst v63  }
0x12c: {  	p0 =	sne.s32 s17, $0x4800;
	_ =	swait.ge [sflag:s9], $0x4000  }
0x12d: {  	[sflag:s9] =	ssyncset.done $0x0  }
0x12e: {  	s17 =	sadd.s32 $0x1400, s16;
	[sflag:s9] =	ssyncadd.s32 $0xFFFFC000  }
0x12f: {  	[spmem:s1] =	stream.indirect.scatter.add.f32 [tilespmem:s7], [sflag:$0x3], $0x80, s17, s6, $0xb8;
	[tilespmem:$0x1E800] =	vst v63  }
0x130: {  	_ =	swait.ge [sflag:s2], $0x4000  }
0x131: {  	[sflag:s2] =	ssyncset.done $0x0  }
0x132: {  	s17 =	sadd.s32 $0x100, s16;
	[sflag:s2] =	ssyncadd.s32 $0xFFFFC000  }
0x133: {  	[tilespmem:s7], [sflag:$0x1] =	stream.indirect.gather [hbm4b:s4+s6], $0x80, s17, s6, $0xb8;
	[tilespmem:$0x1E800] =	vst v63  }
0x134: {  	_ =	swait.ge [sflag:s10], $0x4000  }
.Ltmp3:
0x135: {  	[sflag:s10] =	ssyncset.done $0x0;
	(pc) =	sbr.rel @p0 .LBB2_8-.Ltmp3, $4  }
0x136: {  	s16 =	sadd.s32 $0x1480, s16;
	[sflag:s10] =	ssyncadd.s32 $0xFFFFC000  }
0x137: {  	[spmem:s1] =	stream.indirect.scatter.add.f32 [tilespmem:s8], [sflag:$0x3], $0x80, s16, s6, $0xb8;
	[tilespmem:$0x1E800] =	vst v63  }
0x138: {  	_ =	swait.ge [sflag:s2], $0x4000  }
0x139: {  	s17 =	smov.u32 s20;
	s16 =	sshra.s32 s19, $0x2;
	[sflag:s2] =	ssyncset.done $0x0  }
0x13a: {  	s17 =	sadd.s32 $0x80, s16;
	[sflag:s2] =	ssyncadd.s32 $0xFFFFC000  }
0x13b: {  	[tilespmem:s8], [sflag:$0x2] =	stream.indirect.gather [hbm4b:s4+s6], $0x80, s17, s6, $0xb8;
	[tilespmem:$0x1E800] =	vst v63  }
0x13c: {  	_ =	swait.ge [sflag:s9], $0x4000  }
0x13d: {  	[sflag:s9] =	ssyncset.done $0x0  }
0x13e: {  	s19 =	sadd.s32 $0x1400, s16;
	[sflag:s9] =	ssyncadd.s32 $0xFFFFC000  }
0x13f: {  	[spmem:s1] =	stream.indirect.scatter.add.f32 [tilespmem:s7], [sflag:$0x3], $0x80, s19, s6, $0xb8;
	[tilespmem:$0x1E800] =	vst v63  }
0x140: {  	_ =	swait.ge [sflag:s2], $0x4000  }
0x141: {  	[sflag:s2] =	ssyncset.done $0x0  }
0x142: {  	s20 =	sadd.s32 $0x100, s16;
	[sflag:s2] =	ssyncadd.s32 $0xFFFFC000  }
0x143: {  	[tilespmem:s7], [sflag:$0x1] =	stream.indirect.gather [hbm4b:s4+s6], $0x80, s20, s6, $0xb8;
	[tilespmem:$0x1E800] =	vst v63  }
0x144: {  	_ =	swait.ge [sflag:s10], $0x4000  }
0x145: {  	[sflag:s10] =	ssyncset.done $0x0  }
0x146: {  	s17 =	sadd.s32 $0x1480, s16;
	[sflag:s10] =	ssyncadd.s32 $0xFFFFC000  }
0x147: {  	[spmem:s1] =	stream.indirect.scatter.add.f32 [tilespmem:s8], [sflag:$0x3], $0x80, s17, s6, $0xb8;
	[tilespmem:$0x1E800] =	vst v63  }
0x148: {  	_ =	swait.ge [sflag:s2], $0x4000  }
0x149: {  	[sflag:s2] =	ssyncset.done $0x0  }
0x14a: {  	[sflag:s2] =	ssyncadd.s32 $0xFFFFC000  }
0x14b: {  	[tilespmem:s8], [sflag:$0x2] =	stream.indirect.gather [hbm4b:s4+s6], $0x80, s11, s6, $0xb8;
	[tilespmem:$0x1E800] =	vst v63  }
0x14c: {  	_ =	swait.ge [sflag:s9], $0x4000  }
0x14d: {  	[sflag:s9] =	ssyncset.done $0x0  }
0x14e: {  	[sflag:s9] =	ssyncadd.s32 $0xFFFFC000  }
0x14f: {  	[spmem:s1] =	stream.indirect.scatter.add.f32 [tilespmem:s7], [sflag:$0x3], $0x80, s12, s6, $0xb8;
	[tilespmem:$0x1E800] =	vst v63  }
0x150: {  	_ =	swait.ge [sflag:s2], $0x4000  }
0x151: {  	[sflag:s2] =	ssyncset.done $0x0  }
0x152: {  	[sflag:s2] =	ssyncadd.s32 $0xFFFFC000  }
0x153: {  	_ =	swait.ge [sflag:s10], $0x4000  }
0x154: {  	[sflag:s10] =	ssyncset.done $0x0  }
0x155: {  	[sflag:s10] =	ssyncadd.s32 $0xFFFFC000  }
0x156: {  	[spmem:s1] =	stream.indirect.scatter.add.f32 [tilespmem:s8], [sflag:$0x3], $0x80, s13, s6, $0xb8;
	[tilespmem:$0x1E800] =	vst v63  }
0x157: {  	_ =	swait.ge [sflag:s2], $0x4000  }
0x158: {  	[sflag:s2] =	ssyncset.done $0x0  }
0x159: {  	[sflag:s2] =	ssyncadd.s32 $0xFFFFC000  }
0x15a: {  	[bflag:$0x0] =	sbarrier.arrive $0xFFFF  }
0x15b: {  	[hbm:s28], [sflag:s22] =	dma.local [spmem:s15], $0x2800  }
0x15c: {  	_ =	swait.ge [sflag:s2], $0x2800  }
0x15d: {  	[sflag:s2] =	ssyncset.done $0x0  }
0x15e: {  	[sflag:s2] =	ssyncadd.s32 $0xFFFFD800  }
0x15f: {  	[bflag:$0x0] =	sbarrier.arrive $0xFFFF  }
0x160: {  	[spmem:s15], [sflag:s22] =	dma.local [hbm:s24], $0x2800  }
0x161: {  	_ =	swait.ge [sflag:s2], $0x2800  }
0x162: {  	[sflag:s2] =	ssyncset.done $0x0  }
0x163: {  	s18 =	simm.s32 $0x0;
	s19 =	rddreg [dreg:$0xb];
	[sflag:s2] =	ssyncadd.s32 $0xFFFFD800  }
0x164: {  	[tilespmem:s18], [sflag:$0x3] =	stream.linear.gather [hbm4b:s19+s18], $0x1400, $0x38;
	[tilespmem:$0x1E800] =	vst v63  }
0x165: {  	_ =	swait.ge [sflag:s2], $0x1400  }
0x166: {  	[sflag:s2] =	ssyncset.done $0x0  }
0x167: {  	s20 =	rddreg [dreg:$0xc];
	[sflag:s2] =	ssyncadd.s32 $0xFFFFEC00  }
0x168: {  	[tilespmem:s5], [sflag:$0x3] =	stream.linear.gather [hbm4b:s20+s18], $0x1400, $0x38;
	[tilespmem:$0x1E800] =	vst v63  }
0x169: {  	_ =	swait.ge [sflag:s2], $0x1400  }
0x16a: {  	[sflag:s2] =	ssyncset.done $0x0  }
0x16b: {  	[sflag:s2] =	ssyncadd.s32 $0xFFFFEC00  }
0x16c: {  	[bflag:$0x0] =	sbarrier.arrive $0xFFFF  }
0x16d: {  	[tilespmem:s7], [sflag:$0x1] =	stream.indirect.gather [hbm4b:s4+s6], $0x80, s18, s6, $0xb8;
	[tilespmem:$0x1E800] =	vst v63  }
0x16e: {  	s17 =	simm.s32 $0x80  }
0x16f: {  	[tilespmem:s8], [sflag:$0x2] =	stream.indirect.gather [hbm4b:s4+s6], $0x80, s17, s6, $0xb8;
	[tilespmem:$0x1E800] =	vst v63  }
0x170: {  	_ =	swait.ge [sflag:s9], $0x4000  }
0x171: {  	[sflag:s9] =	ssyncset.done $0x0  }
0x172: {  	s18 =	simm.s32 $0x1400;
	[sflag:s9] =	ssyncadd.s32 $0xFFFFC000  }
0x173: {  	[spmem:s1] =	stream.indirect.scatter.add.f32 [tilespmem:s7], [sflag:$0x3], $0x80, s18, s6, $0xb8;
	[tilespmem:$0x1E800] =	vst v63  }
0x174: {  	_ =	swait.ge [sflag:s2], $0x4000  }
0x175: {  	[sflag:s2] =	ssyncset.done $0x0  }
0x176: {  	s19 =	simm.s32 $0x100;
	[sflag:s2] =	ssyncadd.s32 $0xFFFFC000  }
0x177: {  	[tilespmem:s7], [sflag:$0x1] =	stream.indirect.gather [hbm4b:s4+s6], $0x80, s19, s6, $0xb8;
	[tilespmem:$0x1E800] =	vst v63  }
0x178: {  	_ =	swait.ge [sflag:s10], $0x4000  }
0x179: {  	[sflag:s10] =	ssyncset.done $0x0  }
0x17a: {  	s20 =	simm.s32 $0x1480;
	[sflag:s10] =	ssyncadd.s32 $0xFFFFC000  }
0x17b: {  	[spmem:s1] =	stream.indirect.scatter.add.f32 [tilespmem:s8], [sflag:$0x3], $0x80, s20, s6, $0xb8;
	[tilespmem:$0x1E800] =	vst v63  }
0x17c: {  	_ =	swait.ge [sflag:s2], $0x4000  }
0x17d: {  	s16 =	simm.s32 $0x100;
	s17 =	simm.s32 $0x800;
	[sflag:s2] =	ssyncset.done $0x0  }
.LBB2_10:
0x17e: {  	s18 =	sadd.s32 $0x80, s16  }
0x17f: {  	[sflag:s2] =	ssyncadd.s32 $0xFFFFC000;
	s19 =	smov.u32 s17;
	s20 =	sadd.s32 $0x400, s17  }
0x180: {  	[tilespmem:s8], [sflag:$0x2] =	stream.indirect.gather [hbm4b:s4+s6], $0x80, s18, s6, $0xb8;
	[tilespmem:$0x1E800] =	vst v63  }
0x181: {  	p0 =	sne.s32 s17, $0x4800;
	_ =	swait.ge [sflag:s9], $0x4000  }
0x182: {  	[sflag:s9] =	ssyncset.done $0x0  }
0x183: {  	s17 =	sadd.s32 $0x1400, s16;
	[sflag:s9] =	ssyncadd.s32 $0xFFFFC000  }
0x184: {  	[spmem:s1] =	stream.indirect.scatter.add.f32 [tilespmem:s7], [sflag:$0x3], $0x80, s17, s6, $0xb8;
	[tilespmem:$0x1E800] =	vst v63  }
0x185: {  	_ =	swait.ge [sflag:s2], $0x4000  }
0x186: {  	[sflag:s2] =	ssyncset.done $0x0  }
0x187: {  	s17 =	sadd.s32 $0x100, s16;
	[sflag:s2] =	ssyncadd.s32 $0xFFFFC000  }
0x188: {  	[tilespmem:s7], [sflag:$0x1] =	stream.indirect.gather [hbm4b:s4+s6], $0x80, s17, s6, $0xb8;
	[tilespmem:$0x1E800] =	vst v63  }
0x189: {  	_ =	swait.ge [sflag:s10], $0x4000  }
.Ltmp4:
0x18a: {  	[sflag:s10] =	ssyncset.done $0x0;
	(pc) =	sbr.rel @p0 .LBB2_10-.Ltmp4, $4  }
0x18b: {  	s16 =	sadd.s32 $0x1480, s16;
	[sflag:s10] =	ssyncadd.s32 $0xFFFFC000  }
0x18c: {  	[spmem:s1] =	stream.indirect.scatter.add.f32 [tilespmem:s8], [sflag:$0x3], $0x80, s16, s6, $0xb8;
	[tilespmem:$0x1E800] =	vst v63  }
0x18d: {  	_ =	swait.ge [sflag:s2], $0x4000  }
0x18e: {  	s17 =	smov.u32 s20;
	s16 =	sshra.s32 s19, $0x2;
	[sflag:s2] =	ssyncset.done $0x0  }
0x18f: {  	s17 =	sadd.s32 $0x80, s16;
	[sflag:s2] =	ssyncadd.s32 $0xFFFFC000  }
0x190: {  	[tilespmem:s8], [sflag:$0x2] =	stream.indirect.gather [hbm4b:s4+s6], $0x80, s17, s6, $0xb8;
	[tilespmem:$0x1E800] =	vst v63  }
0x191: {  	_ =	swait.ge [sflag:s9], $0x4000  }
0x192: {  	[sflag:s9] =	ssyncset.done $0x0  }
0x193: {  	s19 =	sadd.s32 $0x1400, s16;
	[sflag:s9] =	ssyncadd.s32 $0xFFFFC000  }
0x194: {  	[spmem:s1] =	stream.indirect.scatter.add.f32 [tilespmem:s7], [sflag:$0x3], $0x80, s19, s6, $0xb8;
	[tilespmem:$0x1E800] =	vst v63  }
0x195: {  	_ =	swait.ge [sflag:s2], $0x4000  }
0x196: {  	[sflag:s2] =	ssyncset.done $0x0  }
0x197: {  	s20 =	sadd.s32 $0x100, s16;
	[sflag:s2] =	ssyncadd.s32 $0xFFFFC000  }
0x198: {  	[tilespmem:s7], [sflag:$0x1] =	stream.indirect.gather [hbm4b:s4+s6], $0x80, s20, s6, $0xb8;
	[tilespmem:$0x1E800] =	vst v63  }
0x199: {  	_ =	swait.ge [sflag:s10], $0x4000  }
0x19a: {  	[sflag:s10] =	ssyncset.done $0x0  }
0x19b: {  	s17 =	sadd.s32 $0x1480, s16;
	[sflag:s10] =	ssyncadd.s32 $0xFFFFC000  }
0x19c: {  	[spmem:s1] =	stream.indirect.scatter.add.f32 [tilespmem:s8], [sflag:$0x3], $0x80, s17, s6, $0xb8;
	[tilespmem:$0x1E800] =	vst v63  }
0x19d: {  	_ =	swait.ge [sflag:s2], $0x4000  }
0x19e: {  	[sflag:s2] =	ssyncset.done $0x0  }
0x19f: {  	[sflag:s2] =	ssyncadd.s32 $0xFFFFC000  }
0x1a0: {  	[tilespmem:s8], [sflag:$0x2] =	stream.indirect.gather [hbm4b:s4+s6], $0x80, s11, s6, $0xb8;
	[tilespmem:$0x1E800] =	vst v63  }
0x1a1: {  	_ =	swait.ge [sflag:s9], $0x4000  }
0x1a2: {  	[sflag:s9] =	ssyncset.done $0x0  }
0x1a3: {  	[sflag:s9] =	ssyncadd.s32 $0xFFFFC000  }
0x1a4: {  	[spmem:s1] =	stream.indirect.scatter.add.f32 [tilespmem:s7], [sflag:$0x3], $0x80, s12, s6, $0xb8;
	[tilespmem:$0x1E800] =	vst v63  }
0x1a5: {  	_ =	swait.ge [sflag:s2], $0x4000  }
0x1a6: {  	[sflag:s2] =	ssyncset.done $0x0  }
0x1a7: {  	[sflag:s2] =	ssyncadd.s32 $0xFFFFC000  }
0x1a8: {  	_ =	swait.ge [sflag:s10], $0x4000  }
0x1a9: {  	[sflag:s10] =	ssyncset.done $0x0  }
0x1aa: {  	[sflag:s10] =	ssyncadd.s32 $0xFFFFC000  }
0x1ab: {  	[spmem:s1] =	stream.indirect.scatter.add.f32 [tilespmem:s8], [sflag:$0x3], $0x80, s13, s6, $0xb8;
	[tilespmem:$0x1E800] =	vst v63  }
0x1ac: {  	_ =	swait.ge [sflag:s2], $0x4000  }
0x1ad: {  	[sflag:s2] =	ssyncset.done $0x0  }
0x1ae: {  	s18 =	simm.s32 $0x0;
	s19 =	rddreg [dreg:$0xd];
	[sflag:s2] =	ssyncadd.s32 $0xFFFFC000  }
0x1af: {  	[tilespmem:s18], [sflag:$0x3] =	stream.linear.gather [hbm4b:s19+s18], $0x1400, $0x38;
	[tilespmem:$0x1E800] =	vst v63  }
0x1b0: {  	_ =	swait.ge [sflag:s2], $0x1400  }
0x1b1: {  	[sflag:s2] =	ssyncset.done $0x0  }
0x1b2: {  	s20 =	rddreg [dreg:$0xe];
	[sflag:s2] =	ssyncadd.s32 $0xFFFFEC00  }
0x1b3: {  	[tilespmem:s5], [sflag:$0x3] =	stream.linear.gather [hbm4b:s20+s18], $0x1400, $0x38;
	[tilespmem:$0x1E800] =	vst v63  }
0x1b4: {  	_ =	swait.ge [sflag:s2], $0x1400  }
0x1b5: {  	[sflag:s2] =	ssyncset.done $0x0  }
0x1b6: {  	[sflag:s2] =	ssyncadd.s32 $0xFFFFEC00  }
0x1b7: {  	[tilespmem:s7], [sflag:$0x1] =	stream.indirect.gather [hbm4b:s4+s6], $0x80, s18, s6, $0xb8;
	[tilespmem:$0x1E800] =	vst v63  }
0x1b8: {  	s17 =	simm.s32 $0x80  }
0x1b9: {  	[tilespmem:s8], [sflag:$0x2] =	stream.indirect.gather [hbm4b:s4+s6], $0x80, s17, s6, $0xb8;
	[tilespmem:$0x1E800] =	vst v63  }
0x1ba: {  	_ =	swait.ge [sflag:s9], $0x4000  }
0x1bb: {  	[sflag:s9] =	ssyncset.done $0x0  }
0x1bc: {  	s18 =	simm.s32 $0x1400;
	[sflag:s9] =	ssyncadd.s32 $0xFFFFC000  }
0x1bd: {  	[spmem:s1] =	stream.indirect.scatter.add.f32 [tilespmem:s7], [sflag:$0x3], $0x80, s18, s6, $0xb8;
	[tilespmem:$0x1E800] =	vst v63  }
0x1be: {  	_ =	swait.ge [sflag:s2], $0x4000  }
0x1bf: {  	[sflag:s2] =	ssyncset.done $0x0  }
0x1c0: {  	s19 =	simm.s32 $0x100;
	[sflag:s2] =	ssyncadd.s32 $0xFFFFC000  }
0x1c1: {  	[tilespmem:s7], [sflag:$0x1] =	stream.indirect.gather [hbm4b:s4+s6], $0x80, s19, s6, $0xb8;
	[tilespmem:$0x1E800] =	vst v63  }
0x1c2: {  	_ =	swait.ge [sflag:s10], $0x4000  }
0x1c3: {  	[sflag:s10] =	ssyncset.done $0x0  }
0x1c4: {  	s20 =	simm.s32 $0x1480;
	[sflag:s10] =	ssyncadd.s32 $0xFFFFC000  }
0x1c5: {  	[spmem:s1] =	stream.indirect.scatter.add.f32 [tilespmem:s8], [sflag:$0x3], $0x80, s20, s6, $0xb8;
	[tilespmem:$0x1E800] =	vst v63  }
0x1c6: {  	_ =	swait.ge [sflag:s2], $0x4000  }
0x1c7: {  	s16 =	simm.s32 $0x100;
	s17 =	simm.s32 $0x800;
	[sflag:s2] =	ssyncset.done $0x0  }
.LBB2_12:
0x1c8: {  	s18 =	sadd.s32 $0x80, s16  }
0x1c9: {  	[sflag:s2] =	ssyncadd.s32 $0xFFFFC000;
	s19 =	smov.u32 s17;
	s20 =	sadd.s32 $0x400, s17  }
0x1ca: {  	[tilespmem:s8], [sflag:$0x2] =	stream.indirect.gather [hbm4b:s4+s6], $0x80, s18, s6, $0xb8;
	[tilespmem:$0x1E800] =	vst v63  }
0x1cb: {  	p0 =	sne.s32 s17, $0x4800;
	_ =	swait.ge [sflag:s9], $0x4000  }
0x1cc: {  	[sflag:s9] =	ssyncset.done $0x0  }
0x1cd: {  	s17 =	sadd.s32 $0x1400, s16;
	[sflag:s9] =	ssyncadd.s32 $0xFFFFC000  }
0x1ce: {  	[spmem:s1] =	stream.indirect.scatter.add.f32 [tilespmem:s7], [sflag:$0x3], $0x80, s17, s6, $0xb8;
	[tilespmem:$0x1E800] =	vst v63  }
0x1cf: {  	_ =	swait.ge [sflag:s2], $0x4000  }
0x1d0: {  	[sflag:s2] =	ssyncset.done $0x0  }
0x1d1: {  	s17 =	sadd.s32 $0x100, s16;
	[sflag:s2] =	ssyncadd.s32 $0xFFFFC000  }
0x1d2: {  	[tilespmem:s7], [sflag:$0x1] =	stream.indirect.gather [hbm4b:s4+s6], $0x80, s17, s6, $0xb8;
	[tilespmem:$0x1E800] =	vst v63  }
0x1d3: {  	_ =	swait.ge [sflag:s10], $0x4000  }
.Ltmp5:
0x1d4: {  	[sflag:s10] =	ssyncset.done $0x0;
	(pc) =	sbr.rel @p0 .LBB2_12-.Ltmp5, $4  }
0x1d5: {  	s16 =	sadd.s32 $0x1480, s16;
	[sflag:s10] =	ssyncadd.s32 $0xFFFFC000  }
0x1d6: {  	[spmem:s1] =	stream.indirect.scatter.add.f32 [tilespmem:s8], [sflag:$0x3], $0x80, s16, s6, $0xb8;
	[tilespmem:$0x1E800] =	vst v63  }
0x1d7: {  	_ =	swait.ge [sflag:s2], $0x4000  }
0x1d8: {  	s17 =	smov.u32 s20;
	s16 =	sshra.s32 s19, $0x2;
	[sflag:s2] =	ssyncset.done $0x0  }
0x1d9: {  	s17 =	sadd.s32 $0x80, s16;
	[sflag:s2] =	ssyncadd.s32 $0xFFFFC000  }
0x1da: {  	[tilespmem:s8], [sflag:$0x2] =	stream.indirect.gather [hbm4b:s4+s6], $0x80, s17, s6, $0xb8;
	[tilespmem:$0x1E800] =	vst v63  }
0x1db: {  	_ =	swait.ge [sflag:s9], $0x4000  }
0x1dc: {  	[sflag:s9] =	ssyncset.done $0x0  }
0x1dd: {  	s19 =	sadd.s32 $0x1400, s16;
	[sflag:s9] =	ssyncadd.s32 $0xFFFFC000  }
0x1de: {  	[spmem:s1] =	stream.indirect.scatter.add.f32 [tilespmem:s7], [sflag:$0x3], $0x80, s19, s6, $0xb8;
	[tilespmem:$0x1E800] =	vst v63  }
0x1df: {  	_ =	swait.ge [sflag:s2], $0x4000  }
0x1e0: {  	[sflag:s2] =	ssyncset.done $0x0  }
0x1e1: {  	s20 =	sadd.s32 $0x100, s16;
	[sflag:s2] =	ssyncadd.s32 $0xFFFFC000  }
0x1e2: {  	[tilespmem:s7], [sflag:$0x1] =	stream.indirect.gather [hbm4b:s4+s6], $0x80, s20, s6, $0xb8;
	[tilespmem:$0x1E800] =	vst v63  }
0x1e3: {  	_ =	swait.ge [sflag:s10], $0x4000  }
0x1e4: {  	[sflag:s10] =	ssyncset.done $0x0  }
0x1e5: {  	s17 =	sadd.s32 $0x1480, s16;
	[sflag:s10] =	ssyncadd.s32 $0xFFFFC000  }
0x1e6: {  	[spmem:s1] =	stream.indirect.scatter.add.f32 [tilespmem:s8], [sflag:$0x3], $0x80, s17, s6, $0xb8;
	[tilespmem:$0x1E800] =	vst v63  }
0x1e7: {  	_ =	swait.ge [sflag:s2], $0x4000  }
0x1e8: {  	[sflag:s2] =	ssyncset.done $0x0  }
0x1e9: {  	[sflag:s2] =	ssyncadd.s32 $0xFFFFC000  }
0x1ea: {  	[tilespmem:s8], [sflag:$0x2] =	stream.indirect.gather [hbm4b:s4+s6], $0x80, s11, s6, $0xb8;
	[tilespmem:$0x1E800] =	vst v63  }
0x1eb: {  	_ =	swait.ge [sflag:s9], $0x4000  }
0x1ec: {  	[sflag:s9] =	ssyncset.done $0x0  }
0x1ed: {  	[sflag:s9] =	ssyncadd.s32 $0xFFFFC000  }
0x1ee: {  	[spmem:s1] =	stream.indirect.scatter.add.f32 [tilespmem:s7], [sflag:$0x3], $0x80, s12, s6, $0xb8;
	[tilespmem:$0x1E800] =	vst v63  }
0x1ef: {  	_ =	swait.ge [sflag:s2], $0x4000  }
0x1f0: {  	[sflag:s2] =	ssyncset.done $0x0  }
0x1f1: {  	[sflag:s2] =	ssyncadd.s32 $0xFFFFC000  }
0x1f2: {  	_ =	swait.ge [sflag:s10], $0x4000  }
0x1f3: {  	[sflag:s10] =	ssyncset.done $0x0  }
0x1f4: {  	[sflag:s10] =	ssyncadd.s32 $0xFFFFC000  }
0x1f5: {  	[spmem:s1] =	stream.indirect.scatter.add.f32 [tilespmem:s8], [sflag:$0x3], $0x80, s13, s6, $0xb8;
	[tilespmem:$0x1E800] =	vst v63  }
0x1f6: {  	_ =	swait.ge [sflag:s2], $0x4000  }
0x1f7: {  	[sflag:s2] =	ssyncset.done $0x0  }
0x1f8: {  	[sflag:s2] =	ssyncadd.s32 $0xFFFFC000  }
0x1f9: {  	[bflag:$0x0] =	sbarrier.arrive $0xFFFF  }
0x1fa: {  	[hbm:s30], [sflag:s22] =	dma.local [spmem:s15], $0x2800  }
0x1fb: {  	_ =	swait.ge [sflag:s2], $0x2800  }
0x1fc: {  	[sflag:s2] =	ssyncset.done $0x0  }
0x1fd: {  	[sflag:s2] =	ssyncadd.s32 $0xFFFFD800  }
0x1fe: {  	[bflag:$0x0] =	sbarrier.arrive $0xFFFF  }
0x1ff: {  	[spmem:s15], [sflag:s22] =	dma.local [hbm:s25], $0x2800  }
0x200: {  	_ =	swait.ge [sflag:s2], $0x2800  }
0x201: {  	[sflag:s2] =	ssyncset.done $0x0  }
0x202: {  	s18 =	simm.s32 $0x0;
	s19 =	rddreg [dreg:$0xf];
	[sflag:s2] =	ssyncadd.s32 $0xFFFFD800  }
0x203: {  	[tilespmem:s18], [sflag:$0x3] =	stream.linear.gather [hbm4b:s19+s18], $0x1400, $0x38;
	[tilespmem:$0x1E800] =	vst v63  }
0x204: {  	_ =	swait.ge [sflag:s2], $0x1400  }
0x205: {  	[sflag:s2] =	ssyncset.done $0x0  }
0x206: {  	s20 =	rddreg [dreg:$0x10];
	[sflag:s2] =	ssyncadd.s32 $0xFFFFEC00  }
0x207: {  	[tilespmem:s5], [sflag:$0x3] =	stream.linear.gather [hbm4b:s20+s18], $0x1400, $0x38;
	[tilespmem:$0x1E800] =	vst v63  }
0x208: {  	_ =	swait.ge [sflag:s2], $0x1400  }
0x209: {  	[sflag:s2] =	ssyncset.done $0x0  }
0x20a: {  	[sflag:s2] =	ssyncadd.s32 $0xFFFFEC00  }
0x20b: {  	[bflag:$0x0] =	sbarrier.arrive $0xFFFF  }
0x20c: {  	[tilespmem:s7], [sflag:$0x1] =	stream.indirect.gather [hbm4b:s4+s6], $0x80, s18, s6, $0xb8;
	[tilespmem:$0x1E800] =	vst v63  }
0x20d: {  	s17 =	simm.s32 $0x80  }
0x20e: {  	[tilespmem:s8], [sflag:$0x2] =	stream.indirect.gather [hbm4b:s4+s6], $0x80, s17, s6, $0xb8;
	[tilespmem:$0x1E800] =	vst v63  }
0x20f: {  	_ =	swait.ge [sflag:s9], $0x4000  }
0x210: {  	[sflag:s9] =	ssyncset.done $0x0  }
0x211: {  	s18 =	simm.s32 $0x1400;
	[sflag:s9] =	ssyncadd.s32 $0xFFFFC000  }
0x212: {  	[spmem:s1] =	stream.indirect.scatter.add.f32 [tilespmem:s7], [sflag:$0x3], $0x80, s18, s6, $0xb8;
	[tilespmem:$0x1E800] =	vst v63  }
0x213: {  	_ =	swait.ge [sflag:s2], $0x4000  }
0x214: {  	[sflag:s2] =	ssyncset.done $0x0  }
0x215: {  	s19 =	simm.s32 $0x100;
	[sflag:s2] =	ssyncadd.s32 $0xFFFFC000  }
0x216: {  	[tilespmem:s7], [sflag:$0x1] =	stream.indirect.gather [hbm4b:s4+s6], $0x80, s19, s6, $0xb8;
	[tilespmem:$0x1E800] =	vst v63  }
0x217: {  	_ =	swait.ge [sflag:s10], $0x4000  }
0x218: {  	[sflag:s10] =	ssyncset.done $0x0  }
0x219: {  	s20 =	simm.s32 $0x1480;
	[sflag:s10] =	ssyncadd.s32 $0xFFFFC000  }
0x21a: {  	[spmem:s1] =	stream.indirect.scatter.add.f32 [tilespmem:s8], [sflag:$0x3], $0x80, s20, s6, $0xb8;
	[tilespmem:$0x1E800] =	vst v63  }
0x21b: {  	_ =	swait.ge [sflag:s2], $0x4000  }
0x21c: {  	s16 =	simm.s32 $0x100;
	s17 =	simm.s32 $0x800;
	[sflag:s2] =	ssyncset.done $0x0  }
.LBB2_14:
0x21d: {  	s18 =	sadd.s32 $0x80, s16  }
0x21e: {  	[sflag:s2] =	ssyncadd.s32 $0xFFFFC000;
	s19 =	smov.u32 s17;
	s20 =	sadd.s32 $0x400, s17  }
0x21f: {  	[tilespmem:s8], [sflag:$0x2] =	stream.indirect.gather [hbm4b:s4+s6], $0x80, s18, s6, $0xb8;
	[tilespmem:$0x1E800] =	vst v63  }
0x220: {  	p0 =	sne.s32 s17, $0x4800;
	_ =	swait.ge [sflag:s9], $0x4000  }
0x221: {  	[sflag:s9] =	ssyncset.done $0x0  }
0x222: {  	s17 =	sadd.s32 $0x1400, s16;
	[sflag:s9] =	ssyncadd.s32 $0xFFFFC000  }
0x223: {  	[spmem:s1] =	stream.indirect.scatter.add.f32 [tilespmem:s7], [sflag:$0x3], $0x80, s17, s6, $0xb8;
	[tilespmem:$0x1E800] =	vst v63  }
0x224: {  	_ =	swait.ge [sflag:s2], $0x4000  }
0x225: {  	[sflag:s2] =	ssyncset.done $0x0  }
0x226: {  	s17 =	sadd.s32 $0x100, s16;
	[sflag:s2] =	ssyncadd.s32 $0xFFFFC000  }
0x227: {  	[tilespmem:s7], [sflag:$0x1] =	stream.indirect.gather [hbm4b:s4+s6], $0x80, s17, s6, $0xb8;
	[tilespmem:$0x1E800] =	vst v63  }
0x228: {  	_ =	swait.ge [sflag:s10], $0x4000  }
.Ltmp6:
0x229: {  	[sflag:s10] =	ssyncset.done $0x0;
	(pc) =	sbr.rel @p0 .LBB2_14-.Ltmp6, $4  }
0x22a: {  	s16 =	sadd.s32 $0x1480, s16;
	[sflag:s10] =	ssyncadd.s32 $0xFFFFC000  }
0x22b: {  	[spmem:s1] =	stream.indirect.scatter.add.f32 [tilespmem:s8], [sflag:$0x3], $0x80, s16, s6, $0xb8;
	[tilespmem:$0x1E800] =	vst v63  }
0x22c: {  	_ =	swait.ge [sflag:s2], $0x4000  }
0x22d: {  	s17 =	smov.u32 s20;
	s16 =	sshra.s32 s19, $0x2;
	[sflag:s2] =	ssyncset.done $0x0  }
0x22e: {  	s17 =	sadd.s32 $0x80, s16;
	[sflag:s2] =	ssyncadd.s32 $0xFFFFC000  }
0x22f: {  	[tilespmem:s8], [sflag:$0x2] =	stream.indirect.gather [hbm4b:s4+s6], $0x80, s17, s6, $0xb8;
	[tilespmem:$0x1E800] =	vst v63  }
0x230: {  	_ =	swait.ge [sflag:s9], $0x4000  }
0x231: {  	[sflag:s9] =	ssyncset.done $0x0  }
0x232: {  	s19 =	sadd.s32 $0x1400, s16;
	[sflag:s9] =	ssyncadd.s32 $0xFFFFC000  }
0x233: {  	[spmem:s1] =	stream.indirect.scatter.add.f32 [tilespmem:s7], [sflag:$0x3], $0x80, s19, s6, $0xb8;
	[tilespmem:$0x1E800] =	vst v63  }
0x234: {  	_ =	swait.ge [sflag:s2], $0x4000  }
0x235: {  	[sflag:s2] =	ssyncset.done $0x0  }
0x236: {  	s20 =	sadd.s32 $0x100, s16;
	[sflag:s2] =	ssyncadd.s32 $0xFFFFC000  }
0x237: {  	[tilespmem:s7], [sflag:$0x1] =	stream.indirect.gather [hbm4b:s4+s6], $0x80, s20, s6, $0xb8;
	[tilespmem:$0x1E800] =	vst v63  }
0x238: {  	_ =	swait.ge [sflag:s10], $0x4000  }
0x239: {  	[sflag:s10] =	ssyncset.done $0x0  }
0x23a: {  	s17 =	sadd.s32 $0x1480, s16;
	[sflag:s10] =	ssyncadd.s32 $0xFFFFC000  }
0x23b: {  	[spmem:s1] =	stream.indirect.scatter.add.f32 [tilespmem:s8], [sflag:$0x3], $0x80, s17, s6, $0xb8;
	[tilespmem:$0x1E800] =	vst v63  }
0x23c: {  	_ =	swait.ge [sflag:s2], $0x4000  }
0x23d: {  	[sflag:s2] =	ssyncset.done $0x0  }
0x23e: {  	[sflag:s2] =	ssyncadd.s32 $0xFFFFC000  }
0x23f: {  	[tilespmem:s8], [sflag:$0x2] =	stream.indirect.gather [hbm4b:s4+s6], $0x80, s11, s6, $0xb8;
	[tilespmem:$0x1E800] =	vst v63  }
0x240: {  	_ =	swait.ge [sflag:s9], $0x4000  }
0x241: {  	[sflag:s9] =	ssyncset.done $0x0  }
0x242: {  	[sflag:s9] =	ssyncadd.s32 $0xFFFFC000  }
0x243: {  	[spmem:s1] =	stream.indirect.scatter.add.f32 [tilespmem:s7], [sflag:$0x3], $0x80, s12, s6, $0xb8;
	[tilespmem:$0x1E800] =	vst v63  }
0x244: {  	_ =	swait.ge [sflag:s2], $0x4000  }
0x245: {  	[sflag:s2] =	ssyncset.done $0x0  }
0x246: {  	[sflag:s2] =	ssyncadd.s32 $0xFFFFC000  }
0x247: {  	_ =	swait.ge [sflag:s10], $0x4000  }
0x248: {  	[sflag:s10] =	ssyncset.done $0x0  }
0x249: {  	[sflag:s10] =	ssyncadd.s32 $0xFFFFC000  }
0x24a: {  	[spmem:s1] =	stream.indirect.scatter.add.f32 [tilespmem:s8], [sflag:$0x3], $0x80, s13, s6, $0xb8;
	[tilespmem:$0x1E800] =	vst v63  }
0x24b: {  	_ =	swait.ge [sflag:s2], $0x4000  }
0x24c: {  	[sflag:s2] =	ssyncset.done $0x0  }
0x24d: {  	s18 =	simm.s32 $0x0;
	s19 =	rddreg [dreg:$0x11];
	[sflag:s2] =	ssyncadd.s32 $0xFFFFC000  }
0x24e: {  	[tilespmem:s18], [sflag:$0x3] =	stream.linear.gather [hbm4b:s19+s18], $0x1400, $0x38;
	[tilespmem:$0x1E800] =	vst v63  }
0x24f: {  	_ =	swait.ge [sflag:s2], $0x1400  }
0x250: {  	[sflag:s2] =	ssyncset.done $0x0  }
0x251: {  	s20 =	rddreg [dreg:$0x12];
	[sflag:s2] =	ssyncadd.s32 $0xFFFFEC00  }
0x252: {  	[tilespmem:s5], [sflag:$0x3] =	stream.linear.gather [hbm4b:s20+s18], $0x1400, $0x38;
	[tilespmem:$0x1E800] =	vst v63  }
0x253: {  	_ =	swait.ge [sflag:s2], $0x1400  }
0x254: {  	[sflag:s2] =	ssyncset.done $0x0  }
0x255: {  	[sflag:s2] =	ssyncadd.s32 $0xFFFFEC00  }
0x256: {  	[tilespmem:s7], [sflag:$0x1] =	stream.indirect.gather [hbm4b:s4+s6], $0x80, s18, s6, $0xb8;
	[tilespmem:$0x1E800] =	vst v63  }
0x257: {  	s17 =	simm.s32 $0x80  }
0x258: {  	[tilespmem:s8], [sflag:$0x2] =	stream.indirect.gather [hbm4b:s4+s6], $0x80, s17, s6, $0xb8;
	[tilespmem:$0x1E800] =	vst v63  }
0x259: {  	_ =	swait.ge [sflag:s9], $0x4000  }
0x25a: {  	[sflag:s9] =	ssyncset.done $0x0  }
0x25b: {  	s18 =	simm.s32 $0x1400;
	[sflag:s9] =	ssyncadd.s32 $0xFFFFC000  }
0x25c: {  	[spmem:s1] =	stream.indirect.scatter.add.f32 [tilespmem:s7], [sflag:$0x3], $0x80, s18, s6, $0xb8;
	[tilespmem:$0x1E800] =	vst v63  }
0x25d: {  	_ =	swait.ge [sflag:s2], $0x4000  }
0x25e: {  	[sflag:s2] =	ssyncset.done $0x0  }
0x25f: {  	s19 =	simm.s32 $0x100;
	[sflag:s2] =	ssyncadd.s32 $0xFFFFC000  }
0x260: {  	[tilespmem:s7], [sflag:$0x1] =	stream.indirect.gather [hbm4b:s4+s6], $0x80, s19, s6, $0xb8;
	[tilespmem:$0x1E800] =	vst v63  }
0x261: {  	_ =	swait.ge [sflag:s10], $0x4000  }
0x262: {  	[sflag:s10] =	ssyncset.done $0x0  }
0x263: {  	s20 =	simm.s32 $0x1480;
	[sflag:s10] =	ssyncadd.s32 $0xFFFFC000  }
0x264: {  	[spmem:s1] =	stream.indirect.scatter.add.f32 [tilespmem:s8], [sflag:$0x3], $0x80, s20, s6, $0xb8;
	[tilespmem:$0x1E800] =	vst v63  }
0x265: {  	_ =	swait.ge [sflag:s2], $0x4000  }
0x266: {  	s16 =	simm.s32 $0x100;
	s17 =	simm.s32 $0x800;
	[sflag:s2] =	ssyncset.done $0x0  }
.LBB2_16:
0x267: {  	s18 =	sadd.s32 $0x80, s16  }
0x268: {  	[sflag:s2] =	ssyncadd.s32 $0xFFFFC000;
	s19 =	smov.u32 s17;
	s20 =	sadd.s32 $0x400, s17  }
0x269: {  	[tilespmem:s8], [sflag:$0x2] =	stream.indirect.gather [hbm4b:s4+s6], $0x80, s18, s6, $0xb8;
	[tilespmem:$0x1E800] =	vst v63  }
0x26a: {  	p0 =	sne.s32 s17, $0x4800;
	_ =	swait.ge [sflag:s9], $0x4000  }
0x26b: {  	[sflag:s9] =	ssyncset.done $0x0  }
0x26c: {  	s17 =	sadd.s32 $0x1400, s16;
	[sflag:s9] =	ssyncadd.s32 $0xFFFFC000  }
0x26d: {  	[spmem:s1] =	stream.indirect.scatter.add.f32 [tilespmem:s7], [sflag:$0x3], $0x80, s17, s6, $0xb8;
	[tilespmem:$0x1E800] =	vst v63  }
0x26e: {  	_ =	swait.ge [sflag:s2], $0x4000  }
0x26f: {  	[sflag:s2] =	ssyncset.done $0x0  }
0x270: {  	s17 =	sadd.s32 $0x100, s16;
	[sflag:s2] =	ssyncadd.s32 $0xFFFFC000  }
0x271: {  	[tilespmem:s7], [sflag:$0x1] =	stream.indirect.gather [hbm4b:s4+s6], $0x80, s17, s6, $0xb8;
	[tilespmem:$0x1E800] =	vst v63  }
0x272: {  	_ =	swait.ge [sflag:s10], $0x4000  }
.Ltmp7:
0x273: {  	[sflag:s10] =	ssyncset.done $0x0;
	(pc) =	sbr.rel @p0 .LBB2_16-.Ltmp7, $4  }
0x274: {  	s16 =	sadd.s32 $0x1480, s16;
	[sflag:s10] =	ssyncadd.s32 $0xFFFFC000  }
0x275: {  	[spmem:s1] =	stream.indirect.scatter.add.f32 [tilespmem:s8], [sflag:$0x3], $0x80, s16, s6, $0xb8;
	[tilespmem:$0x1E800] =	vst v63  }
0x276: {  	_ =	swait.ge [sflag:s2], $0x4000  }
0x277: {  	s17 =	smov.u32 s20;
	s16 =	sshra.s32 s19, $0x2;
	[sflag:s2] =	ssyncset.done $0x0  }
0x278: {  	s17 =	sadd.s32 $0x80, s16;
	[sflag:s2] =	ssyncadd.s32 $0xFFFFC000  }
0x279: {  	[tilespmem:s8], [sflag:$0x2] =	stream.indirect.gather [hbm4b:s4+s6], $0x80, s17, s6, $0xb8;
	[tilespmem:$0x1E800] =	vst v63  }
0x27a: {  	_ =	swait.ge [sflag:s9], $0x4000  }
0x27b: {  	[sflag:s9] =	ssyncset.done $0x0  }
0x27c: {  	s18 =	sadd.s32 $0x1400, s16;
	[sflag:s9] =	ssyncadd.s32 $0xFFFFC000  }
0x27d: {  	[spmem:s1] =	stream.indirect.scatter.add.f32 [tilespmem:s7], [sflag:$0x3], $0x80, s18, s6, $0xb8;
	[tilespmem:$0x1E800] =	vst v63  }
0x27e: {  	_ =	swait.ge [sflag:s2], $0x4000  }
0x27f: {  	[sflag:s2] =	ssyncset.done $0x0  }
0x280: {  	s19 =	sadd.s32 $0x100, s16;
	[sflag:s2] =	ssyncadd.s32 $0xFFFFC000  }
0x281: {  	[tilespmem:s7], [sflag:$0x1] =	stream.indirect.gather [hbm4b:s4+s6], $0x80, s19, s6, $0xb8;
	[tilespmem:$0x1E800] =	vst v63  }
0x282: {  	_ =	swait.ge [sflag:s10], $0x4000  }
0x283: {  	[sflag:s10] =	ssyncset.done $0x0  }
0x284: {  	s20 =	sadd.s32 $0x1480, s16;
	[sflag:s10] =	ssyncadd.s32 $0xFFFFC000  }
0x285: {  	[spmem:s1] =	stream.indirect.scatter.add.f32 [tilespmem:s8], [sflag:$0x3], $0x80, s20, s6, $0xb8;
	[tilespmem:$0x1E800] =	vst v63  }
0x286: {  	_ =	swait.ge [sflag:s2], $0x4000  }
0x287: {  	[sflag:s2] =	ssyncset.done $0x0  }
0x288: {  	[sflag:s2] =	ssyncadd.s32 $0xFFFFC000  }
0x289: {  	[tilespmem:s8], [sflag:$0x2] =	stream.indirect.gather [hbm4b:s4+s6], $0x80, s11, s6, $0xb8;
	[tilespmem:$0x1E800] =	vst v63  }
0x28a: {  	_ =	swait.ge [sflag:s9], $0x4000  }
0x28b: {  	[sflag:s9] =	ssyncset.done $0x0  }
0x28c: {  	[sflag:s9] =	ssyncadd.s32 $0xFFFFC000  }
0x28d: {  	[spmem:s1] =	stream.indirect.scatter.add.f32 [tilespmem:s7], [sflag:$0x3], $0x80, s12, s6, $0xb8;
	[tilespmem:$0x1E800] =	vst v63  }
0x28e: {  	_ =	swait.ge [sflag:s2], $0x4000  }
0x28f: {  	[sflag:s2] =	ssyncset.done $0x0  }
0x290: {  	[sflag:s2] =	ssyncadd.s32 $0xFFFFC000  }
0x291: {  	_ =	swait.ge [sflag:s10], $0x4000  }
0x292: {  	[sflag:s10] =	ssyncset.done $0x0  }
0x293: {  	[sflag:s10] =	ssyncadd.s32 $0xFFFFC000  }
0x294: {  	[spmem:s1] =	stream.indirect.scatter.add.f32 [tilespmem:s8], [sflag:$0x3], $0x80, s13, s6, $0xb8;
	[tilespmem:$0x1E800] =	vst v63  }
0x295: {  	_ =	swait.ge [sflag:s2], $0x4000  }
0x296: {  	[sflag:s2] =	ssyncset.done $0x0  }
0x297: {  	s14 =	sadd.s32 $0x1, s14;
	[sflag:s2] =	ssyncadd.s32 $0xFFFFC000  }
0x298: {  	p0 =	sne.s32 s14, s0;
	[bflag:$0x0] =	sbarrier.arrive $0xFFFF  }
0x299: {  	[hbm:s31], [sflag:s22] =	dma.local [spmem:s15], $0x2800  }
.Ltmp8:
0x29a: {  	_ =	swait.ge [sflag:s2], $0x2800;
	(pc) =	sbr.rel @p0 .LBB2_1-.Ltmp8, $3  }
0x29b: {  	[sflag:s2] =	ssyncset.done $0x0  }
0x29c: {  	[sflag:s2] =	ssyncadd.s32 $0xFFFFD800  }
0x29d: {  	[bflag:$0x0] =	sbarrier.arrive $0xFFFF;
	_ =	sdelay $0x1  }
0x29e: {  	_ =	sfence.sel $0x180000  }
0x29f: {  	[bflag:$0x0] =	sbarrier.arrive $0xFFFF  }
0x2a0: {  	_ =	strace $0x9000004D  }
0x2a1: {  	s0 =	stileid.u32;
	[bflag:$0x2] =	sbarrier.arrive $0xFFFF  }
0x2a2: {  	p0 =	sne.s32 s0, $0x0;
	s0 =	rddreg [dreg:$0x2]  }
0x2a3: {  	s0 =	sadd.s32 @!p0 $0x100000, s0  }
0x2a4: {  	[sflag:s0] =	ssyncadd.tile.s32 @!p0 $0x1;
	_ =	shalt  }
.Lfunc_end2:
_tile_overlayer_lowered:
.L_overlay_start_2:
0x2a5: {  	(tag) =	ssettag $0x2  }
0x2a6: {  	s0 =	rddreg [dreg:$0x0];
	s2 =	stileid.u32  }
0x2a7: {  	s1 =	rddreg [dreg:$0x1];
	p0 =	sne.s32 s2, $0x0  }
0x2a8: {  	s3 =	rddreg [dreg:$0x2];
	[bflag:$0x3] =	sbarrier.arrive $0xFFFF;
	s2 =	simm.s32 @!p0 $0x1C03  }
0x2a9: {  	[timem:s3], [sflag:s2] =	dma.local @!p0 [hbm:s0], s1  }
0x2aa: {  	s0 =	simm.s32 @!p0 $0x3  }
0x2ab: {  	_ =	swait.ge @!p0 [sflag:s0], s1  }
0x2ac: {  	s1 =	ssub.s32 @!p0 $0x0, s1;
	[sflag:s0] =	ssyncset.done @!p0 $0x0  }
0x2ad: {  	[sflag:s0] =	ssyncadd.s32 @!p0 s1  }
0x2ae: {  	[bflag:$0x3] =	sbarrier.arrive $0xFFFF  }
0x2af: {  	_ =	shalt  }

// kernel: kernel.8.cloned.1.call-start
scs
__scs_entry_jumppad:
0x0: {  	(pc) =	sbr.rel $0x88, $3  }
0x1: {  	(tag) =	ssettag $0x0;
	lr =	simm.s32 $0x1  }
0x2: {  	[smem:$0x3F90] =	sst lr;
	_ =	strace $0xD0000000  }
0x3: {  	_ = 	snop  }
0x4: {  	_ = 	snop  }
0x5: {  	_ = 	snop  }
0x6: {  	_ = 	snop  }
0x7: {  	_ = 	snop  }
__scs_overlays_trampoline_lowered:
0x8: {  	[smem:$0x3F9F] =	sst s0  }
0x9: {  	[smem:$0x3FA0] =	sst s1  }
0xa: {  	[smem:$0x3FA1] =	sst s2  }
0xb: {  	[smem:$0x3FA2] =	sst s3  }
0xc: {  	[smem:$0x3FA3] =	sst s4  }
0xd: {  	[smem:$0x3FA4] =	sst s5  }
0xe: {  	[smem:$0x3FA5] =	sst s6  }
0xf: {  	[smem:$0x3FA6] =	sst s7  }
0x10: {  	[smem:$0x3FA7] =	sst s8  }
0x11: {  	[smem:$0x3FA8] =	sst s9;
	s0 =	simm.s32 @!p0 $0x0  }
0x12: {  	s1 =	sld [smem:$0x3F8E];
	s0 =	simm.s32 @p0 $0x1  }
0x13: {  	[smem:$0x3FA9] =	sst s0;
	s0 =	simm.s32 @!p1 $0x0  }
0x14: {  	s2 =	sld [smem:$0x3F8D];
	s0 =	simm.s32 @p1 $0x1  }
0x15: {  	[smem:$0x3FAA] =	sst s0;
	s0 =	simm.s32 @!p2 $0x0  }
0x16: {  	s3 =	sld [smem:$0x3FDB];
	s0 =	simm.s32 @p2 $0x1  }
0x17: {  	s4 =	simm.s32 $0x1BF5;
	[smem:$0x3FAC] =	sst s0  }
0x18: {  	s0 =	sld [smem:$0x3F8F];
	_ =	swait.ge [sflag:s4], $0x0  }
0x19: {  	s7 =	sld [smem:$0x3F90]  }
0x1a: {  	s8 =	sadd.s32 $0xFFFFE003, lr  }
0x1b: {  	s9 =	sadd.s32 $0xFFFFFEF7, lr;
	s5 =	simm.s32 $0xFFFFFFFF;
	p2 =	slt.u32 s8, $0xFFFFF086  }
0x1c: {  	p1 =	slt.u32 s9, $0xF7A;
	s5 =	simm.s32 @!p2 $0x0  }
0x1d: {  	s5 =	simm.s32 @p1 $0x1;
	p0 =	seq.s32 s7, s2  }
0x1e: {  	s7 =	smul.u32 @!p0 $0xF7A, s2;
	p2 =	seq.s32 @!p0 s5, $0x0  }
0x1f: {  	s9 =	smul.u32 $0xF7A, s1;
	s8 =	simm.s32 @!p0 $0x1BF5;
	p2 =	por !p2, p0  }
0x20: {  	[sflag:s8] =	ssyncset.s32 @!p0 $0xFFFFF086;
	s6 =	sadd.s32 @!p0 s3, s7;
	s7 =	simm.s32 @!p0 $0x108  }
0x21: {  	s3 =	sadd.s32 s3, s9;
	s6 =	sadd.s32 @!p0 $0x88, s6;
	s7 =	simm.s32 @p2 $0x1082  }
0x22: {  	[simem:s7], [sflag:s8] =	dma.local @!p0 [hbm:s6], $0xF7A  }
0x23: {  	s9 =	sor.u32 $0xD0000000, s2;
	s6 =	simm.s32 $0x108;
	_ =	swait.ge @!p0 [sflag:s8], $0x0  }
0x24: {  	s3 =	sadd.s32 $0x88, s3;
	s6 =	simm.s32 @!p1 $0x1082;
	[sflag:s4] =	ssyncset.s32 $0xFFFFF086  }
0x25: {  	[simem:s6], [sflag:s4] =	dma.local [hbm:s3], $0xF7A  }
0x26: {  	[smem:$0x3F90] =	sst s1;
	(tag) =	ssettag s2;
	_ =	strace s9  }
0x27: {  	s1 =	sld [smem:$0x3FA0]  }
0x28: {  	s2 =	sld [smem:$0x3FA1]  }
0x29: {  	s4 =	sld [smem:$0x3FA3]  }
0x2a: {  	p0 =	seq.s32 s5, $0x0;
	s5 =	sld [smem:$0x3FA4]  }
0x2b: {  	s6 =	sld [smem:$0x3FA5]  }
0x2c: {  	s7 =	sld [smem:$0x3FA6]  }
0x2d: {  	s3 =	simm.s32 $0x108;
	s8 =	sld [smem:$0x3FA7]  }
0x2e: {  	s3 =	simm.s32 @!p0 $0x1082;
	s9 =	sld [smem:$0x3FA8]  }
0x2f: {  	lr =	sadd.s32 s0, s3;
	s0 =	sld [smem:$0x3F9F]  }
0x30: {  	s3 =	sld [smem:$0x3FA2]  }
0x31: {  	[smem:$0x3FAB] =	sst s10  }
0x32: {  	s10 =	sld [smem:$0x3FA9];
	_ =	sdelay $0x3  }
0x33: {  	p0 =	seq.s32 s10, $0x1;
	s10 =	sld [smem:$0x3FAB];
	_ =	sdelay $0x3  }
0x34: {  	[smem:$0x3FAB] =	sst s10  }
0x35: {  	s10 =	sld [smem:$0x3FAA];
	_ =	sdelay $0x3  }
0x36: {  	p1 =	seq.s32 s10, $0x1;
	s10 =	sld [smem:$0x3FAB];
	_ =	sdelay $0x3  }
0x37: {  	[smem:$0x3FAB] =	sst s10  }
0x38: {  	s10 =	sld [smem:$0x3FAC]  }
0x39: {  	_ = 	snop;
	(pc) =	sbr.ind lr, $3  }
0x3a: {  	_ = 	snop  }
0x3b: {  	_ = 	snop  }
0x3c: {  	p2 =	seq.s32 s10, $0x1;
	s10 =	sld [smem:$0x3FAB]  }
0x3d: {  	_ =	shalt  }
0x3e: {  	_ =	shalt  }
0x3f: {  	_ =	shalt  }
0x40: {  	_ =	shalt  }
0x41: {  	_ =	shalt  }
0x42: {  	_ =	shalt  }
0x43: {  	_ =	shalt  }
0x44: {  	_ =	shalt  }
0x45: {  	_ =	shalt  }
0x46: {  	_ =	shalt  }
0x47: {  	_ =	shalt  }
0x48: {  	_ =	shalt  }
0x49: {  	_ =	shalt  }
0x4a: {  	_ =	shalt  }
0x4b: {  	_ =	shalt  }
0x4c: {  	_ =	shalt  }
0x4d: {  	_ =	shalt  }
0x4e: {  	_ =	shalt  }
0x4f: {  	_ =	shalt  }
0x50: {  	_ =	shalt  }
0x51: {  	_ =	shalt  }
0x52: {  	_ =	shalt  }
0x53: {  	_ =	shalt  }
0x54: {  	_ =	shalt  }
0x55: {  	_ =	shalt  }
0x56: {  	_ =	shalt  }
0x57: {  	_ =	shalt  }
0x58: {  	_ =	shalt  }
0x59: {  	_ =	shalt  }
0x5a: {  	_ =	shalt  }
0x5b: {  	_ =	shalt  }
0x5c: {  	_ =	shalt  }
0x5d: {  	_ =	shalt  }
0x5e: {  	_ =	shalt  }
0x5f: {  	_ =	shalt  }
0x60: {  	_ =	shalt  }
0x61: {  	_ =	shalt  }
0x62: {  	_ =	shalt  }
0x63: {  	_ =	shalt  }
0x64: {  	_ =	shalt  }
0x65: {  	_ =	shalt  }
0x66: {  	_ =	shalt  }
0x67: {  	_ =	shalt  }
0x68: {  	_ =	shalt  }
0x69: {  	_ =	shalt  }
0x6a: {  	_ =	shalt  }
0x6b: {  	_ =	shalt  }
0x6c: {  	_ =	shalt  }
0x6d: {  	_ =	shalt  }
0x6e: {  	_ =	shalt  }
0x6f: {  	_ =	shalt  }
0x70: {  	_ =	shalt  }
0x71: {  	_ =	shalt  }
0x72: {  	_ =	shalt  }
0x73: {  	_ =	shalt  }
0x74: {  	_ =	shalt  }
0x75: {  	_ =	shalt  }
0x76: {  	_ =	shalt  }
0x77: {  	_ =	shalt  }
0x78: {  	_ =	shalt  }
0x79: {  	_ =	shalt  }
0x7a: {  	_ =	shalt  }
0x7b: {  	_ =	shalt  }
0x7c: {  	_ =	shalt  }
0x7d: {  	_ =	shalt  }
0x7e: {  	_ =	shalt  }
0x7f: {  	_ =	shalt  }
0x80: {  	_ =	shalt  }
0x81: {  	_ =	shalt  }
0x82: {  	_ =	shalt  }
0x83: {  	_ =	shalt  }
0x84: {  	_ =	shalt  }
0x85: {  	_ =	shalt  }
0x86: {  	_ =	shalt  }
0x87: {  	_ =	shalt  }
.Lfunc_end0:
.L_simem_size_0:
called_computation_lowered:
.L_overlay_start_0:
0x88: {  	s2 =	sld [smem:$0x3FD9]  }
0x89: {  	s3 =	sld [smem:$0x3FFE];
	_ =	sdelay $0x1  }
0x8a: {  	s1 =	srdreg.scid  }
0x8b: {  	s0 =	sand.u32 $0x1, s1  }
0x8c: {  	s16 =	sshll.u32 s0, $0xA;
	s2 =	sadd.s32 s3, s2  }
0x8d: {  	s2 =	sadd.s32 s2, s16  }
0x8e: {  	[smem:$0x3FB7] =	sst s2  }
0x8f: {  	_ = 	snop  }
0x90: {  	(tm) =	ssettm $0x1  }
0x91: {  	s17 =	sld [smem:$0x3FFB];
	_ =	sdelay $0x3  }
0x92: {  	_ =	strace s17  }
0x93: {  	s2 =	sld [smem:$0x3FFC];
	_ =	sdelay $0x3  }
0x94: {  	_ =	strace s2  }
0x95: {  	s2 =	sld [smem:$0x3FFD];
	_ =	sdelay $0x3  }
0x96: {  	_ =	strace s2  }
0x97: {  	_ =	strace $0x8FFFFFFF  }
0x98: {  	s18 =	sld [smem:$0x3FDB];
	_ =	sdelay $0x1  }
0x99: {  	s19 =	simm.s32 $_scs_section_size  }
0x9a: {  	s4 =	simm.s32 $_size__tile_overlayer_lowered;
	s5 =	simm.s32 $_tile_overlayer_lowered  }
0x9b: {  	s22 =	simm.s32 $0x1BFF;
	s21 =	sshll.u32 s5, $0x1;
	s2 =	sadd.s32 s19, s18  }
0x9c: {  	s6 =	simm.s32 $0x0;
	s20 =	sshll.u32 s4, $0x1;
	s4 =	sadd.s32 s21, s2  }
0x9d: {  	[timem:s6], [sflag:s22] =	dma.local [hbm:s4], s20  }
0x9e: {  	_ =	swait.ge [sflag:s22], s20  }
0x9f: {  	s3 =	ssub.s32 $0x0, s20;
	[sflag:s22] =	ssyncset.done $0x0  }
0xa0: {  	[sflag:s22] =	ssyncadd.s32 s3;
	_ =	sdelay $0x1  }
0xa1: {  	s23 =	simm.s32 $0x1B8B  }
0xa2: {  	_ =	swait.ge [sflag:s23], $0x1  }
0xa3: {  	[sflag:s23] =	ssyncset.done $0x0  }
0xa4: {  	s25 =	simm.s32 $0x1B8E;
	s24 =	sld [smem:$0x3FFE];
	[sflag:s23] =	ssyncadd.s32 $0xFFFFFFFF  }
0xa5: {  	s26 =	simm.s32 $execute0_lowered;
	[smem:$0x3FD2] =	sst s25  }
0xa6: {  	s4 =	sshll.u32 s26, $0x1;
	_ =	strace $0x80000046;
	[dreg:$0x1] =	wrdreg $0xFFFFFFFF  }
0xa7: {  	s28 =	simm.s32 $_size_execute0_lowered;
	s2 =	sadd.s32 s2, s4;
	[dreg:$0x0] =	wrdreg $0x0  }
0xa8: {  	s4 =	sshll.u32 s28, $0x1;
	[dreg:$0x2] =	wrdreg s2  }
0xa9: {  	[dreg:$0x3] =	wrdreg s4  }
0xaa: {  	[dreg:$0x4] =	wrdreg $0xC0  }
0xab: {  	_ =	task [dreg:s6], $0x5FFFF  }
0xac: {  	[dreg:$0x1] =	wrdreg $0xFFFFFFFF  }
0xad: {  	[dreg:$0x0] =	wrdreg $0x60  }
0xae: {  	[dreg:$0x2] =	wrdreg s24  }
0xaf: {  	[dreg:$0x3] =	wrdreg $0x2B000  }
0xb0: {  	[dreg:$0x4] =	wrdreg $0x9  }
0xb1: {  	_ =	task.clear_ibuf [dreg:s6], $0x5FFFF;
	_ =	strace $0x90000046  }
0xb2: {  	s29 =	simm.s32 $0x9;
	_ =	strace $0x80000048  }
0xb3: {  	_ =	swait.ge [sflag:s29], $0x1  }
0xb4: {  	[sflag:s29] =	ssyncadd.s32 $0xFFFFFFFF  }
0xb5: {  	_ =	strace $0x90000048  }
0xb6: {  	_ =	sfence  }
0xb7: {  	s30 =	sld [smem:$0x0];
	_ =	sdelay $0x2  }
0xb8: {  	s31 =	sshll.u32 s1, $0xD;
	s1 =	sshrl.u32 s1, $0x2  }
0xb9: {  	s3 =	sand.u32 $0x4000, s31;
	s1 =	sadd.s32 s1, s30  }
0xba: {  	s0 =	sor.u32 s3, s0;
	s1 =	sshll.u32 s1, $0x11  }
0xbb: {  	s0 =	sor.u32 s1, s0  }
0xbc: {  	s0 =	sadd.s32 $0x8F2B, s0  }
0xbd: {  	[sflag:s0] =	ssyncadd.remote.s32 $0x1  }
0xbe: {  	_ =	sfence.sel $0xFFFF  }
0xbf: {  	[dreg:$0x0] =	wrdreg $0xFFFFFFFF;
	(pc) =	sbr.abs _section_cstart, $3  }
0xc0: {  	[dreg:$0x1] =	wrdreg $0xFFFFFFFF  }
0xc1: {  	_ =	task.clear_ibuf [dreg:s6], $0x2FFFF;
	_ =	strace $0x9FFFFFFF  }
0xc2: {  	(tm) =	ssettm $0x7FFFFFFF  }
0xc3: {  	_ =	shalt  }
tec
execute0_lowered:
.L_overlay_start_1:
0x0: {  	(tag) =	ssettag $0x1  }
0x1: {  	s4 =	rddreg [dreg:$0x0]  }
0x2: {  	s2 =	rddreg [dreg:$0x1]  }
0x3: {  	s0 =	rddreg [dreg:$0x2]  }
0x4: {  	s5 =	srdreg.scid;
	s1 =	stileid.u32;
	s3 =	simm.s32 $0x0  }
0x5: {  	s14 =	simm.s32 $0x2800;
	s15 =	simm.s32 $0x1;
	s16 =	simm.s32 $0x80  }
0x6: {  	s17 =	simm.s32 $0x2A80;
	s20 =	simm.s32 $0x0;
	s5 =	sand.u32 $0x1, s5  }
0x7: {  	s6 =	smul.u32 $0x280, s1;
	[smem:$0x7FF] =	sst s3;
	s9 =	sadd.s32 $0x4C00, s4  }
0x8: {  	s18 =	sshll.u32 s1, $0x6;
	s7 =	smul.u32 $0x2800, s5;
	s8 =	sshll.u32 s5, $0x4  }
0x9: {  	_ =	strace $0x80000047;
	s5 =	ssub.s32 $0x2, s5;
	s8 =	sor.u32 s1, s8  }
0xa: {  	s29 =	sshrl.u32 s5, $0x1;
	s7 =	sadd.s32 s6, s7;
	s10 =	smul.u32 $0x2800, s8  }
0xb: {  	s30 =	smul.u32 $0x500, s8;
	s13 =	ssub.s32 s5, s29;
	s7 =	sshrl.u32 s7, $0x3  }
0xc: {  	s18 =	sor.u32 $0x1C01, s18;
	s13 =	smax.u32 s13, $0x1;
	s12 =	sadd.s32 s7, s4  }
0xd: {  	s4 =	sadd.s32 s6, s2;
	s31 =	sshrl.u32 s10, $0x3;
	s5 =	sadd.s32 s9, s30  }
0xe: {  	s6 =	sadd.s32 $0x2CC00, s12;
	s11 =	sadd.s32 s9, s31;
	s8 =	sadd.s32 $0x2D600, s12  }
0xf: {  	s10 =	sadd.s32 $0x2E000, s12;
	s12 =	sadd.s32 $0x2EA00, s12;
	s19 =	sshrl.u32 s4, $0x3  }
0x10: {  	v0 =	vimm.f32 $0.0e+00;
	v1 =	vimm.f32 $1.000000000e+00;
	s7 =	sadd.s32 $0xA000, s11;
	s9 =	sadd.s32 $0x14000, s11;
	s11 =	sadd.s32 $0x1E000, s11  }
.LBB2_1:
0x11: {  	[tilespmem:$0x2800] =	vst v0  }
0x12: {  	[tilespmem:$0x2810] =	vst v0  }
0x13: {  	[tilespmem:$0x2820] =	vst v0  }
0x14: {  	[tilespmem:$0x2830] =	vst v0  }
0x15: {  	[tilespmem:$0x2840] =	vst v0  }
0x16: {  	[tilespmem:$0x2850] =	vst v0  }
0x17: {  	[tilespmem:$0x2860] =	vst v0  }
0x18: {  	[tilespmem:$0x2870] =	vst v0  }
0x19: {  	[tilespmem:$0x2880] =	vst v0  }
0x1a: {  	[tilespmem:$0x2890] =	vst v0  }
0x1b: {  	[tilespmem:$0x28A0] =	vst v0  }
0x1c: {  	[tilespmem:$0x28B0] =	vst v0  }
0x1d: {  	[tilespmem:$0x28C0] =	vst v0  }
0x1e: {  	[tilespmem:$0x28D0] =	vst v0  }
0x1f: {  	[tilespmem:$0x28E0] =	vst v0  }
0x20: {  	[tilespmem:$0x28F0] =	vst v0  }
0x21: {  	[tilespmem:$0x2900] =	vst v0  }
0x22: {  	[tilespmem:$0x2910] =	vst v0  }
0x23: {  	[tilespmem:$0x2920] =	vst v0  }
0x24: {  	[tilespmem:$0x2930] =	vst v0  }
0x25: {  	[tilespmem:$0x2940] =	vst v0  }
0x26: {  	[tilespmem:$0x2950] =	vst v0  }
0x27: {  	[tilespmem:$0x2960] =	vst v0  }
0x28: {  	[tilespmem:$0x2970] =	vst v0  }
0x29: {  	[tilespmem:$0x2980] =	vst v0  }
0x2a: {  	[tilespmem:$0x2990] =	vst v0  }
0x2b: {  	[tilespmem:$0x29A0] =	vst v0  }
0x2c: {  	[tilespmem:$0x29B0] =	vst v0  }
0x2d: {  	[tilespmem:$0x29C0] =	vst v0  }
0x2e: {  	[tilespmem:$0x29D0] =	vst v0  }
0x2f: {  	[tilespmem:$0x29E0] =	vst v0  }
0x30: {  	[tilespmem:$0x29F0] =	vst v0  }
0x31: {  	[tilespmem:$0x2A00] =	vst v0  }
0x32: {  	[tilespmem:$0x2A10] =	vst v0  }
0x33: {  	[tilespmem:$0x2A20] =	vst v0  }
0x34: {  	[tilespmem:$0x2A30] =	vst v0  }
0x35: {  	[tilespmem:$0x2A40] =	vst v0  }
0x36: {  	[tilespmem:$0x2A50] =	vst v0  }
0x37: {  	[tilespmem:$0x2A60] =	vst v0  }
0x38: {  	[tilespmem:$0x2A70] =	vst v0  }
0x39: {  	[tilespmem:$0x2A80] =	vst v1  }
0x3a: {  	[tilespmem:$0x2A90] =	vst v1  }
0x3b: {  	[tilespmem:$0x2AA0] =	vst v1  }
0x3c: {  	[tilespmem:$0x2AB0] =	vst v1  }
0x3d: {  	[tilespmem:$0x2AC0] =	vst v1  }
0x3e: {  	[tilespmem:$0x2AD0] =	vst v1  }
0x3f: {  	[tilespmem:$0x2AE0] =	vst v1  }
0x40: {  	[tilespmem:$0x2AF0] =	vst v1  }
0x41: {  	[spmem:s4] =	stream.linear.scatter [tilespmem:s14], [sflag:$0x1], $0x280, $0x38;
	[tilespmem:$0x2D80] =	vst v63  }
0x42: {  	_ =	swait.ge [sflag:s15], $0x280  }
0x43: {  	[sflag:s15] =	ssyncset.done $0x0  }
0x44: {  	[sflag:s15] =	ssyncadd.s32 $0xFFFFFD80  }
0x45: {  	[tilespmem:s3], [sflag:$0x1] =	stream.linear.gather [hbm4b:s5+s3], $0x2800, $0x38;
	[tilespmem:$0x2D80] =	vst v63  }
0x46: {  	_ =	swait.ge [sflag:s15], $0x2800  }
0x47: {  	[sflag:s15] =	ssyncset.done $0x0  }
0x48: {  	[sflag:s15] =	ssyncadd.s32 $0xFFFFD800  }
0x49: {  	s21 =	simm.s32 $0x0;
	[bflag:$0x0] =	sbarrier.arrive $0xFFFF  }
0x4a: {  	[spmem:s2] =	stream.indirect.scatter.add.f32 [tilespmem:s17], [sflag:$0x1], $0x1, s21, s16, $0xb8;
	[tilespmem:$0x2D80] =	vst v63  }
0x4b: {  	_ =	swait.ge [sflag:s15], $0x80  }
0x4c: {  	s21 =	simm.s32 $0x200;
	[sflag:s15] =	ssyncset.done $0x0  }
.LBB2_2:
0x4d: {  	s22 =	sshra.s32 s21, $0x2;
	[sflag:s15] =	ssyncadd.s32 $0xFFFFFF80;
	p0 =	sne.s32 s21, $0x9E00  }
0x4e: {  	[spmem:s2] =	stream.indirect.scatter.add.f32 [tilespmem:s17], [sflag:$0x1], $0x1, s22, s16, $0xb8;
	[tilespmem:$0x2D80] =	vst v63  }
.Ltmp0:
0x4f: {  	_ = 	snop;
	(pc) =	sbr.rel @p0 .LBB2_2-.Ltmp0, $4  }
0x50: {  	_ = 	snop  }
0x51: {  	s21 =	sadd.s32 $0x200, s21  }
0x52: {  	_ =	swait.ge [sflag:s15], $0x80  }
0x53: {  	[sflag:s15] =	ssyncset.done $0x0  }
0x54: {  	[sflag:s15] =	ssyncadd.s32 $0xFFFFFF80  }
0x55: {  	[bflag:$0x0] =	sbarrier.arrive $0xFFFF  }
0x56: {  	[hbm:s6], [sflag:s18] =	dma.local [spmem:s19], $0x50  }
0x57: {  	_ =	swait.ge [sflag:s15], $0x50  }
0x58: {  	[sflag:s15] =	ssyncset.done $0x0  }
0x59: {  	[sflag:s15] =	ssyncadd.s32 $0xFFFFFFB0  }
0x5a: {  	[bflag:$0x0] =	sbarrier.arrive $0xFFFF  }
0x5b: {  	[spmem:s4] =	stream.linear.scatter [tilespmem:s14], [sflag:$0x1], $0x280, $0x38;
	[tilespmem:$0x2D80] =	vst v63  }
0x5c: {  	_ =	swait.ge [sflag:s15], $0x280  }
0x5d: {  	[sflag:s15] =	ssyncset.done $0x0  }
0x5e: {  	s21 =	simm.s32 $0x0;
	[sflag:s15] =	ssyncadd.s32 $0xFFFFFD80  }
0x5f: {  	[tilespmem:s21], [sflag:$0x1] =	stream.linear.gather [hbm4b:s7+s21], $0x2800, $0x38;
	[tilespmem:$0x2D80] =	vst v63  }
0x60: {  	_ =	swait.ge [sflag:s15], $0x2800  }
0x61: {  	[sflag:s15] =	ssyncset.done $0x0  }
0x62: {  	[sflag:s15] =	ssyncadd.s32 $0xFFFFD800  }
0x63: {  	s31 =	simm.s32 $0x0;
	[bflag:$0x0] =	sbarrier.arrive $0xFFFF  }
0x64: {  	[spmem:s2] =	stream.indirect.scatter.add.f32 [tilespmem:s17], [sflag:$0x1], $0x1, s31, s16, $0xb8;
	[tilespmem:$0x2D80] =	vst v63  }
0x65: {  	_ =	swait.ge [sflag:s15], $0x80  }
0x66: {  	s21 =	simm.s32 $0x200;
	[sflag:s15] =	ssyncset.done $0x0  }
.LBB2_4:
0x67: {  	s22 =	sshra.s32 s21, $0x2;
	[sflag:s15] =	ssyncadd.s32 $0xFFFFFF80;
	p0 =	sne.s32 s21, $0x9E00  }
0x68: {  	[spmem:s2] =	stream.indirect.scatter.add.f32 [tilespmem:s17], [sflag:$0x1], $0x1, s22, s16, $0xb8;
	[tilespmem:$0x2D80] =	vst v63  }
.Ltmp1:
0x69: {  	_ = 	snop;
	(pc) =	sbr.rel @p0 .LBB2_4-.Ltmp1, $4  }
0x6a: {  	_ = 	snop  }
0x6b: {  	s21 =	sadd.s32 $0x200, s21  }
0x6c: {  	_ =	swait.ge [sflag:s15], $0x80  }
0x6d: {  	[sflag:s15] =	ssyncset.done $0x0  }
0x6e: {  	[sflag:s15] =	ssyncadd.s32 $0xFFFFFF80  }
0x6f: {  	[bflag:$0x0] =	sbarrier.arrive $0xFFFF  }
0x70: {  	[hbm:s8], [sflag:s18] =	dma.local [spmem:s19], $0x50  }
0x71: {  	_ =	swait.ge [sflag:s15], $0x50  }
0x72: {  	[sflag:s15] =	ssyncset.done $0x0  }
0x73: {  	[sflag:s15] =	ssyncadd.s32 $0xFFFFFFB0  }
0x74: {  	[bflag:$0x0] =	sbarrier.arrive $0xFFFF  }
0x75: {  	[spmem:s4] =	stream.linear.scatter [tilespmem:s14], [sflag:$0x1], $0x280, $0x38;
	[tilespmem:$0x2D80] =	vst v63  }
0x76: {  	_ =	swait.ge [sflag:s15], $0x280  }
0x77: {  	[sflag:s15] =	ssyncset.done $0x0  }
0x78: {  	s21 =	simm.s32 $0x0;
	[sflag:s15] =	ssyncadd.s32 $0xFFFFFD80  }
0x79: {  	[tilespmem:s21], [sflag:$0x1] =	stream.linear.gather [hbm4b:s9+s21], $0x2800, $0x38;
	[tilespmem:$0x2D80] =	vst v63  }
0x7a: {  	_ =	swait.ge [sflag:s15], $0x2800  }
0x7b: {  	[sflag:s15] =	ssyncset.done $0x0  }
0x7c: {  	[sflag:s15] =	ssyncadd.s32 $0xFFFFD800  }
0x7d: {  	s31 =	simm.s32 $0x0;
	[bflag:$0x0] =	sbarrier.arrive $0xFFFF  }
0x7e: {  	[spmem:s2] =	stream.indirect.scatter.add.f32 [tilespmem:s17], [sflag:$0x1], $0x1, s31, s16, $0xb8;
	[tilespmem:$0x2D80] =	vst v63  }
0x7f: {  	_ =	swait.ge [sflag:s15], $0x80  }
0x80: {  	s21 =	simm.s32 $0x200;
	[sflag:s15] =	ssyncset.done $0x0  }
.LBB2_6:
0x81: {  	s22 =	sshra.s32 s21, $0x2;
	[sflag:s15] =	ssyncadd.s32 $0xFFFFFF80;
	p0 =	sne.s32 s21, $0x9E00  }
0x82: {  	[spmem:s2] =	stream.indirect.scatter.add.f32 [tilespmem:s17], [sflag:$0x1], $0x1, s22, s16, $0xb8;
	[tilespmem:$0x2D80] =	vst v63  }
.Ltmp2:
0x83: {  	_ = 	snop;
	(pc) =	sbr.rel @p0 .LBB2_6-.Ltmp2, $4  }
0x84: {  	_ = 	snop  }
0x85: {  	s21 =	sadd.s32 $0x200, s21  }
0x86: {  	_ =	swait.ge [sflag:s15], $0x80  }
0x87: {  	[sflag:s15] =	ssyncset.done $0x0  }
0x88: {  	[sflag:s15] =	ssyncadd.s32 $0xFFFFFF80  }
0x89: {  	[bflag:$0x0] =	sbarrier.arrive $0xFFFF  }
0x8a: {  	[hbm:s10], [sflag:s18] =	dma.local [spmem:s19], $0x50  }
0x8b: {  	_ =	swait.ge [sflag:s15], $0x50  }
0x8c: {  	[sflag:s15] =	ssyncset.done $0x0  }
0x8d: {  	[sflag:s15] =	ssyncadd.s32 $0xFFFFFFB0  }
0x8e: {  	[bflag:$0x0] =	sbarrier.arrive $0xFFFF  }
0x8f: {  	[spmem:s4] =	stream.linear.scatter [tilespmem:s14], [sflag:$0x1], $0x280, $0x38;
	[tilespmem:$0x2D80] =	vst v63  }
0x90: {  	_ =	swait.ge [sflag:s15], $0x280  }
0x91: {  	[sflag:s15] =	ssyncset.done $0x0  }
0x92: {  	s21 =	simm.s32 $0x0;
	[sflag:s15] =	ssyncadd.s32 $0xFFFFFD80  }
0x93: {  	[tilespmem:s21], [sflag:$0x1] =	stream.linear.gather [hbm4b:s11+s21], $0x2800, $0x38;
	[tilespmem:$0x2D80] =	vst v63  }
0x94: {  	_ =	swait.ge [sflag:s15], $0x2800  }
0x95: {  	[sflag:s15] =	ssyncset.done $0x0  }
0x96: {  	[sflag:s15] =	ssyncadd.s32 $0xFFFFD800  }
0x97: {  	s31 =	simm.s32 $0x0;
	[bflag:$0x0] =	sbarrier.arrive $0xFFFF  }
0x98: {  	[spmem:s2] =	stream.indirect.scatter.add.f32 [tilespmem:s17], [sflag:$0x1], $0x1, s31, s16, $0xb8;
	[tilespmem:$0x2D80] =	vst v63  }
0x99: {  	_ =	swait.ge [sflag:s15], $0x80  }
0x9a: {  	s21 =	simm.s32 $0x200;
	[sflag:s15] =	ssyncset.done $0x0  }
.LBB2_8:
0x9b: {  	s22 =	sshra.s32 s21, $0x2;
	[sflag:s15] =	ssyncadd.s32 $0xFFFFFF80;
	p0 =	sne.s32 s21, $0x9E00  }
0x9c: {  	[spmem:s2] =	stream.indirect.scatter.add.f32 [tilespmem:s17], [sflag:$0x1], $0x1, s22, s16, $0xb8;
	[tilespmem:$0x2D80] =	vst v63  }
.Ltmp3:
0x9d: {  	_ = 	snop;
	(pc) =	sbr.rel @p0 .LBB2_8-.Ltmp3, $4  }
0x9e: {  	_ = 	snop  }
0x9f: {  	s21 =	sadd.s32 $0x200, s21  }
0xa0: {  	_ =	swait.ge [sflag:s15], $0x80  }
0xa1: {  	[sflag:s15] =	ssyncset.done $0x0  }
0xa2: {  	[sflag:s15] =	ssyncadd.s32 $0xFFFFFF80;
	s20 =	sadd.s32 $0x1, s20  }
0xa3: {  	[bflag:$0x0] =	sbarrier.arrive $0xFFFF;
	p0 =	sne.s32 s20, s13  }
0xa4: {  	[hbm:s12], [sflag:s18] =	dma.local [spmem:s19], $0x50  }
.Ltmp4:
0xa5: {  	_ =	swait.ge [sflag:s15], $0x50;
	(pc) =	sbr.rel @p0 .LBB2_1-.Ltmp4, $3  }
0xa6: {  	[sflag:s15] =	ssyncset.done $0x0  }
0xa7: {  	[sflag:s15] =	ssyncadd.s32 $0xFFFFFFB0  }
0xa8: {  	[bflag:$0x0] =	sbarrier.arrive $0xFFFF;
	_ =	sdelay $0x1  }
0xa9: {  	_ =	sfence.sel $0x180000  }
0xaa: {  	[bflag:$0x0] =	sbarrier.arrive $0xFFFF  }
0xab: {  	p0 =	sne.s32 s1, $0x0;
	_ =	strace $0x90000047  }
0xac: {  	s0 =	sadd.s32 @!p0 $0x100000, s0;
	[bflag:$0x2] =	sbarrier.arrive $0xFFFF  }
0xad: {  	[sflag:s0] =	ssyncadd.tile.s32 @!p0 $0x1;
	_ =	shalt  }
.Lfunc_end2:
_tile_overlayer_lowered:
.L_overlay_start_2:
0xae: {  	(tag) =	ssettag $0x2  }
0xaf: {  	s0 =	rddreg [dreg:$0x0];
	s2 =	stileid.u32  }
0xb0: {  	s1 =	rddreg [dreg:$0x1];
	p0 =	sne.s32 s2, $0x0  }
0xb1: {  	s3 =	rddreg [dreg:$0x2];
	[bflag:$0x3] =	sbarrier.arrive $0xFFFF;
	s2 =	simm.s32 @!p0 $0x1C01  }
0xb2: {  	[timem:s3], [sflag:s2] =	dma.local @!p0 [hbm:s0], s1  }
0xb3: {  	s0 =	simm.s32 @!p0 $0x1  }
0xb4: {  	_ =	swait.ge @!p0 [sflag:s0], s1  }
0xb5: {  	s1 =	ssub.s32 @!p0 $0x0, s1;
	[sflag:s0] =	ssyncset.done @!p0 $0x0  }
0xb6: {  	[sflag:s0] =	ssyncadd.s32 @!p0 s1  }
0xb7: {  	[bflag:$0x3] =	sbarrier.arrive $0xFFFF  }
0xb8: {  	_ =	shalt  }

</sc_bundles>
